<compile_context>
chip_gen: v7x
topology: tpu7x:2x2x1
jax: 0.10.2.dev20260603
libtpu: 0.0.44.dev20260713+nightly
codegen_flags: <defaults>
</compile_context>

<pallas_src>
import functools

import jax
import jax.numpy as jnp
from jax import lax
from jax.experimental import pallas as pl
from jax.experimental.pallas import tpu as pltpu
from jax.experimental.pallas import tpu_sc as plsc

N = 50000
E = 800000
H = 64
NB = 1000
EB = 3200

_f32 = jnp.float32


def _iota_f32(n):
    return lax.broadcasted_iota(jnp.int32, (1, n), 1).astype(_f32)


def _tc_node_mlp(nf_ref, aux_ref, etid_ref, eemb_ref,
                 eprm_ref, w1_ref, b1_ref, w2_ref, b2_ref, out_ref):
    nf = nf_ref[...]
    au = jnp.transpose(aux_ref[0])
    bidx = au[:, 0:1]
    tgt = au[:, 1:2]
    sc = au[:, 2:3]
    w1 = w1_ref[...]
    oh2 = (etid_ref[...] == _iota_f32(2)).astype(_f32)
    ge = oh2 @ eemb_ref[...]
    tw = ge @ w1[7:23] + eprm_ref[...] @ w1[23:27]
    oh8 = (bidx == _iota_f32(8)).astype(_f32)
    c1 = (nf @ w1[0:7] + oh8 @ tw + tgt * w1[27:28] + sc * w1[28:29]
          + b1_ref[...])
    h1 = jnp.maximum(c1, 0.0)
    out_ref[...] = jnp.maximum(h1 @ w2_ref[...] + b2_ref[...], 0.0)


def _tcontract(lhs_t, rhs):
    return lax.dot_general(lhs_t, rhs, (((0,), (0,)), ((), ())),
                           preferred_element_type=_f32)


def _tc_edge_mlp(ef_ref, hp_ref, aux_ref, etid_ref,
                 eemb_ref, eprm_ref, w1_ref, b1_ref, w2_ref, b2_ref, mw_ref,
                 mb_ref, out_ref):
    hp = hp_ref[...]
    au = aux_ref[...]
    w1 = w1_ref[...]
    oh2 = (etid_ref[...] == _iota_f32(2)).astype(_f32)
    ge = oh2 @ eemb_ref[...]
    tw = ge @ w1[132:148] + eprm_ref[...] @ w1[148:152]
    oh8_t = (lax.broadcasted_iota(jnp.int32, (8, 1), 0).astype(_f32)
             == au[0:1]).astype(_f32)
    x_t = jnp.concatenate([ef_ref[...], oh8_t, au[1:3]], axis=0)
    w14 = jnp.concatenate([w1[0:4], tw, w1[152:154]], axis=0)
    c1 = hp @ w1[4:132] + _tcontract(x_t, w14) + b1_ref[...]
    e1 = jnp.maximum(c1, 0.0)
    ehv = jnp.maximum(e1 @ w2_ref[...] + b2_ref[...], 0.0)
    sc = _tcontract(au[2:3], jnp.ones((1, 1), _f32))
    msg = (ehv @ mw_ref[...] + mb_ref[...]) * sc
    out_ref[...] = jnp.concatenate([ehv, msg], axis=1)


def _tc_node_update(nh_ref, ag_ref, nf_ref, aux_ref, nuw_ref, nub_ref,
                    ndw_ref, ndb_ref, nhu_ref, ndp_ref, nfp_ref):
    nh = nh_ref[...]
    ag = ag_ref[...]
    nuw = nuw_ref[...]
    nhu = jnp.maximum(nh @ nuw[0:64] + ag @ nuw[64:128] + nub_ref[...], 0.0)
    raw = nhu @ ndw_ref[...] + ndb_ref[...]
    au = jnp.transpose(aux_ref[0])
    sc = au[:, 2:3]
    nf = nf_ref[...]
    ndp = raw * sc
    nhu_ref[...] = nhu
    ndp_ref[...] = ndp
    nfp_ref[...] = jnp.where(sc > 0.5, nf + ndp, nf)


def _tc_edge_delta(em_ref, up_ref, ef_ref, aux_ref, w1_ref, b1_ref,
                   w2_ref, b2_ref, w1a_ref, out_ref):
    w1 = w1_ref[...]
    t = jnp.maximum(em_ref[...] @ w1a_ref[...] + up_ref[...] @ w1[64:192]
                    + b1_ref[...], 0.0)
    raw = t @ w2_ref[...] + b2_ref[...]
    au = aux_ref[...]
    sc = _tcontract(au[2:3], jnp.ones((1, 1), _f32))
    ef = _tcontract(ef_ref[...], jnp.eye(4, dtype=_f32))
    edp = raw * sc
    efp = jnp.where(sc > 0.5, ef + edp, ef)
    out_ref[...] = jnp.concatenate(
        [jnp.transpose(edp), jnp.transpose(efp)], axis=0)


_SC_NW = 32
_GPW = E // _SC_NW
_GC = 1000
_GI = _GPW // _GC


def _sc_gather_body(table_hbm, idx_hbm, out_hbm, idx0, idx1, rows0, rows1,
                    sg, sw0, sw1):
    wid = lax.axis_index("s") * 2 + lax.axis_index("c")
    base = wid * _GPW
    idxv = (idx0, idx1)
    rows = (rows0, rows1)
    sw = (sw0, sw1)

    def step(j, carry):
        off = base + j * _GC
        for b, (col_lo, idx_lo) in enumerate(((0, 0), (H, E))):
            pltpu.sync_copy(idx_hbm.at[pl.ds(idx_lo + off, _GC)], idxv[b])

            @pl.when(j > 0)
            def _():
                pltpu.make_async_copy(
                    rows[b],
                    out_hbm.at[pl.ds(base, _GC), pl.ds(col_lo, H)],
                    sw[b]).wait()

            pltpu.async_copy(table_hbm.at[idxv[b]], rows[b], sg).wait()
            pltpu.async_copy(
                rows[b], out_hbm.at[pl.ds(off, _GC), pl.ds(col_lo, H)],
                sw[b])
        return carry

    lax.fori_loop(0, _GI, step, 0)
    for b, col_lo in ((0, 0), (1, H)):
        pltpu.make_async_copy(
            rows[b], out_hbm.at[pl.ds(base, _GC), pl.ds(col_lo, H)],
            sw[b]).wait()


_HH = H // 2
_EPT = E // 16
_SCC = 400
_SCI = _EPT // _SCC
_NPT = N // 16


def _sc_scatter_body(msg_hbm, idx_hbm, out_hbm, acc, mb0, mb1, slb, dlb,
                     semm, semi, sems):
    c = lax.axis_index("c")
    s = lax.axis_index("s")
    col0 = H + c * _HH
    mbufs = (mb0, mb1)

    zero16 = jnp.zeros((16,), _f32)

    def zstep(r, carry):
        for k in range(_HH // 16):
            mb0[r, pl.ds(k * 16, 16)] = zero16
        return carry

    lax.fori_loop(0, _SCC, zstep, 0)
    for q in range(7):
        pltpu.sync_copy(mb0, acc.at[pl.ds(s * _NPT + q * 400, 400)])
    pltpu.sync_copy(mb0.at[pl.ds(0, 325)],
                    acc.at[pl.ds(s * _NPT + 2800, 325)])
    plsc.subcore_barrier()

    def one_chunk(ii, b):
            ebase = s * _EPT + ii * _SCC
            mb = mbufs[b]
            cm = pltpu.async_copy(
                msg_hbm.at[pl.ds(ebase, _SCC), pl.ds(col0, _HH)], mb, semm)
            for q in range(5):
                pltpu.async_copy(idx_hbm.at[pl.ds(ebase + q * 80, 80)],
                                 slb.at[b].at[q], semi)
                pltpu.async_copy(idx_hbm.at[pl.ds(E + ebase + q * 80, 80)],
                                 dlb.at[b].at[q], semi)
            for q in range(5):
                pltpu.make_async_copy(idx_hbm.at[pl.ds(ebase + q * 80, 80)],
                                      slb.at[b].at[q], semi).wait()
                pltpu.make_async_copy(idx_hbm.at[pl.ds(ebase + q * 80, 80)],
                                      dlb.at[b].at[q], semi).wait()
            cm.wait()
            for q in range(5):
                pltpu.async_copy(mb.at[pl.ds(q * 80, 80)],
                                 acc.at[slb.at[b].at[q]], sems, add=True)
                pltpu.async_copy(mb.at[pl.ds(q * 80, 80)],
                                 acc.at[dlb.at[b].at[q]], sems, add=True)
            for q in range(5):
                pltpu.make_async_copy(mb.at[pl.ds(q * 80, 80)],
                                      acc.at[slb.at[b].at[q]], sems).wait()
                pltpu.make_async_copy(mb.at[pl.ds(q * 80, 80)],
                                      acc.at[dlb.at[b].at[q]], sems).wait()

    def step(i, carry):
        for b in range(2):
            one_chunk(2 * i + b, b)
        return carry

    lax.fori_loop(0, _SCI // 2, step, 0)
    if _SCI % 2:
        one_chunk(_SCI - 1, 0)
    plsc.subcore_barrier()

    for q in range(7):
        roff = s * _NPT + q * 400
        pltpu.sync_copy(acc.at[pl.ds(roff, 400)], mb0)
        pltpu.sync_copy(mb0, out_hbm.at[pl.ds(roff, 400), pl.ds(c * _HH, _HH)])
    roff = s * _NPT + 2800
    pltpu.sync_copy(acc.at[pl.ds(roff, 325)], mb0.at[pl.ds(0, 325)])
    pltpu.sync_copy(mb0.at[pl.ds(0, 325)],
                    out_hbm.at[pl.ds(roff, 325), pl.ds(c * _HH, _HH)])


@functools.cache
def _sc_kernels():
    mesh = plsc.VectorSubcoreMesh(core_axis_name="c", subcore_axis_name="s")
    sc_params = pltpu.CompilerParams(use_tc_tiling_on_sc=False)
    gather = functools.partial(
        pl.kernel,
        out_type=jax.ShapeDtypeStruct((E, 2 * H), _f32),
        mesh=mesh,
        compiler_params=sc_params,
        scratch_types=[
            pltpu.VMEM((_GC,), jnp.int32),
            pltpu.VMEM((_GC,), jnp.int32),
            pltpu.VMEM((_GC, H), _f32),
            pltpu.VMEM((_GC, H), _f32),
            pltpu.SemaphoreType.DMA,
            pltpu.SemaphoreType.DMA,
            pltpu.SemaphoreType.DMA,
        ],
    )(_sc_gather_body)
    scatter = functools.partial(
        pl.kernel,
        out_type=jax.ShapeDtypeStruct((N, H), _f32),
        mesh=mesh,
        compiler_params=sc_params,
        scratch_types=[
            pltpu.VMEM_SHARED((N, _HH), _f32),
            pltpu.VMEM((_SCC, _HH), _f32),
            pltpu.VMEM((_SCC, _HH), _f32),
            pltpu.VMEM((2, 5, 80), jnp.int32),
            pltpu.VMEM((2, 5, 80), jnp.int32),
            pltpu.SemaphoreType.DMA,
            pltpu.SemaphoreType.DMA,
            pltpu.SemaphoreType.DMA,
        ],
    )(_sc_scatter_body)
    return gather, scatter


def kernel(node_features_t, edge_index, edge_features_t, event_type_id,
           event_params, event_node_mask, event_edge_mask,
           event_scope_node_mask, event_scope_edge_mask, node_batch_index,
           edge_batch_index, num_nodes_per_graph, num_edges_per_graph,
           event_emb, ne_w1, ne_b1, ne_w2, ne_b2, ee_w1, ee_b1, ee_w2, ee_b2,
           msg_w, msg_b, nu_w, nu_b, nd_w, nd_b, ed_w1, ed_b1, ed_w2, ed_b2):
    naux = jnp.stack([node_batch_index.astype(_f32),
                      event_node_mask.astype(_f32),
                      event_scope_node_mask.astype(_f32)])
    naux = naux.reshape(3, N // NB, NB).swapaxes(0, 1)
    eaux = jnp.stack([edge_batch_index.astype(_f32),
                      event_edge_mask.astype(_f32),
                      event_scope_edge_mask.astype(_f32)])
    ef_t = jnp.transpose(edge_features_t)
    etid = event_type_id.astype(_f32)[:, None]
    b2d = lambda b: b[None, :]

    full = lambda shape: pl.BlockSpec(shape, lambda i: (0, 0))
    nrow = lambda w: pl.BlockSpec((NB, w), lambda i: (i, 0))
    erow = lambda w: pl.BlockSpec((EB, w), lambda i: (i, 0))
    naux_spec = pl.BlockSpec((1, 3, NB), lambda i: (i, 0, 0))
    eaux_spec = pl.BlockSpec((3, EB), lambda i: (0, i))
    ef_spec = pl.BlockSpec((4, EB), lambda i: (0, i))
    tc_params = pltpu.CompilerParams(dimension_semantics=("parallel",))

    node_h = pl.pallas_call(
        _tc_node_mlp,
        grid=(N // NB,),
        in_specs=[nrow(7), naux_spec, full((8, 1)),
                  full((2, 16)), full((8, 4)), full((29, H)), full((1, H)),
                  full((H, H)), full((1, H))],
        out_specs=nrow(H),
        out_shape=jax.ShapeDtypeStruct((N, H), _f32),
        compiler_params=tc_params,
    )(node_features_t, naux, etid, event_emb, event_params,
      ne_w1, b2d(ne_b1), ne_w2, b2d(ne_b2))

    sc_gather, sc_scatter = _sc_kernels()
    flat_idx = edge_index.reshape(2 * E)
    hpair = sc_gather(node_h, flat_idx)

    ehmsg = pl.pallas_call(
        _tc_edge_mlp,
        grid=(E // EB,),
        in_specs=[ef_spec, erow(2 * H), eaux_spec,
                  full((8, 1)), full((2, 16)), full((8, 4)), full((154, H)),
                  full((1, H)), full((H, H)), full((1, H)), full((H, H)),
                  full((1, H))],
        out_specs=erow(2 * H),
        out_shape=jax.ShapeDtypeStruct((E, 2 * H), _f32),
        compiler_params=tc_params,
    )(ef_t, hpair, eaux, etid, event_emb,
      event_params, ee_w1, b2d(ee_b1), ee_w2, b2d(ee_b2), msg_w, b2d(msg_b))

    agg = sc_scatter(ehmsg, flat_idx)

    nhu, node_delta_pred, node_features_pred = pl.pallas_call(
        _tc_node_update,
        grid=(N // NB,),
        in_specs=[nrow(H), nrow(H), nrow(7), naux_spec, full((2 * H, H)),
                  full((1, H)), full((H, 7)), full((1, 7))],
        out_specs=[nrow(H), nrow(7), nrow(7)],
        out_shape=[jax.ShapeDtypeStruct((N, H), _f32),
                   jax.ShapeDtypeStruct((N, 7), _f32),
                   jax.ShapeDtypeStruct((N, 7), _f32)],
        compiler_params=tc_params,
    )(node_h, agg, node_features_t, naux, nu_w, b2d(nu_b), nd_w, b2d(nd_b))

    upair = sc_gather(nhu, flat_idx)

    edpair_t = pl.pallas_call(
        _tc_edge_delta,
        grid=(E // EB,),
        in_specs=[erow(2 * H), erow(2 * H), ef_spec, eaux_spec,
                  full((3 * H, H)), full((1, H)), full((H, 4)), full((1, 4)),
                  full((2 * H, H))],
        out_specs=pl.BlockSpec((8, EB), lambda i: (0, i)),
        out_shape=jax.ShapeDtypeStruct((8, E), _f32),
        compiler_params=tc_params,
    )(ehmsg, upair, ef_t, eaux, ed_w1, b2d(ed_b1), ed_w2,
      b2d(ed_b2), jnp.concatenate([ed_w1[0:H], jnp.zeros((H, H), _f32)]))

    edge_delta_pred = jnp.transpose(edpair_t[0:4])
    edge_features_pred = jnp.transpose(edpair_t[4:8])
    return (node_delta_pred, edge_delta_pred, node_features_pred,
            edge_features_pred)

# --- scband reference (transcript-rebuilt; emitter-appended) ---
"""Pipeline reference for scband-sandbox-local-event-operator-33346126086687 (READ-ONLY COPY).

The authoritative reference and input builder live on the scoring server;
editing this copy changes nothing except your own understanding.
"""

import jax, jax.numpy as jnp
import numpy as np

N = 50000
E = 800000
B = 8
F_NODE = 7
F_EDGE = 4
F_EVENT = 4
N_TYPES = 2
H = 64
EMB = 16


def _lin(key, fan_in, fan_out):
    kw, kb = jax.random.split(key)
    w = jax.random.normal(kw, (fan_in, fan_out), jnp.float32) / np.sqrt(fan_in)
    b = jax.random.normal(kb, (fan_out,), jnp.float32) * 0.01
    return w, b


def setup_inputs(seed: int = 0):
    key = jax.random.key(seed)
    ks = jax.random.split(key, 24)
    inp = {}
    inp['node_features_t'] = jax.random.normal(ks[0], (N, F_NODE), jnp.float32)
    inp['edge_index'] = jax.random.randint(ks[1], (2, E), 0, N)
    inp['edge_features_t'] = jax.random.normal(ks[2], (E, F_EDGE), jnp.float32)
    inp['event_type_id'] = jax.random.randint(ks[3], (B,), 0, N_TYPES)
    inp['event_params'] = jax.random.normal(ks[4], (B, F_EVENT), jnp.float32)
    inp['event_node_mask'] = jax.random.randint(ks[5], (N,), 0, 2).astype(bool)
    inp['event_edge_mask'] = jax.random.randint(ks[6], (E,), 0, 2).astype(bool)
    inp['event_scope_node_mask'] = jax.random.randint(ks[7], (N,), 0, 2).astype(bool)
    inp['event_scope_edge_mask'] = jax.random.randint(ks[8], (E,), 0, 2).astype(bool)
    inp['node_batch_index'] = jnp.sort(jax.random.randint(ks[9], (N,), 0, B))
    inp['edge_batch_index'] = jnp.sort(jax.random.randint(ks[10], (E,), 0, B))
    inp['num_nodes_per_graph'] = jnp.ones((N,), jnp.int32)
    inp['num_edges_per_graph'] = jnp.ones((E,), jnp.int32)
    inp['event_emb'] = jax.random.normal(ks[11], (N_TYPES, EMB), jnp.float32)
    node_in = F_NODE + EMB + F_EVENT + 2
    inp['ne_w1'], inp['ne_b1'] = _lin(ks[12], node_in, H)
    inp['ne_w2'], inp['ne_b2'] = _lin(ks[13], H, H)
    edge_in = F_EDGE + 2 * H + EMB + F_EVENT + 2
    inp['ee_w1'], inp['ee_b1'] = _lin(ks[14], edge_in, H)
    inp['ee_w2'], inp['ee_b2'] = _lin(ks[15], H, H)
    inp['msg_w'], inp['msg_b'] = _lin(ks[16], H, H)
    inp['nu_w'], inp['nu_b'] = _lin(ks[17], 2 * H, H)
    inp['nd_w'], inp['nd_b'] = _lin(ks[18], H, F_NODE)
    inp['ed_w1'], inp['ed_b1'] = _lin(ks[19], 3 * H, H)
    inp['ed_w2'], inp['ed_b2'] = _lin(ks[20], H, F_EDGE)
    return inp


def reference(node_features_t, edge_index, edge_features_t, event_type_id, event_params,
              event_node_mask, event_edge_mask, event_scope_node_mask, event_scope_edge_mask,
              node_batch_index, edge_batch_index, num_nodes_per_graph, num_edges_per_graph,
              event_emb, ne_w1, ne_b1, ne_w2, ne_b2, ee_w1, ee_b1, ee_w2, ee_b2,
              msg_w, msg_b, nu_w, nu_b, nd_w, nd_b, ed_w1, ed_b1, ed_w2, ed_b2):
    node_scope = event_scope_node_mask.astype(jnp.float32)[:, None]
    edge_scope = event_scope_edge_mask.astype(jnp.float32)[:, None]
    node_event_target = event_node_mask.astype(jnp.float32)[:, None]
    edge_event_target = event_edge_mask.astype(jnp.float32)[:, None]
    graph_event = event_emb[event_type_id]
    node_event = graph_event[node_batch_index]
    edge_event = graph_event[edge_batch_index]
    node_params = event_params[node_batch_index]
    edge_params = event_params[edge_batch_index]
    node_context = jnp.concatenate([node_features_t, node_event, node_params, node_event_target, node_scope], axis=-1)
    node_h = jax.nn.relu(jax.nn.relu(node_context @ ne_w1 + ne_b1) @ ne_w2 + ne_b2)
    src = edge_index[0]
    dst = edge_index[1]
    edge_context = jnp.concatenate([edge_features_t, node_h[src], node_h[dst], edge_event, edge_params, edge_event_target, edge_scope], axis=-1)
    edge_h = jax.nn.relu(jax.nn.relu(edge_context @ ee_w1 + ee_b1) @ ee_w2 + ee_b2)
    messages = (edge_h @ msg_w + msg_b) * edge_scope
    aggregated = jnp.zeros_like(node_h).at[src].add(messages).at[dst].add(messages)
    node_h_updated = jax.nn.relu(jnp.concatenate([node_h, aggregated], axis=-1) @ nu_w + nu_b)
    raw_node_delta = node_h_updated @ nd_w + nd_b
    edge_delta_in = jnp.concatenate([edge_h, node_h_updated[src], node_h_updated[dst]], axis=-1)
    raw_edge_delta = jax.nn.relu(edge_delta_in @ ed_w1 + ed_b1) @ ed_w2 + ed_b2
    node_delta_pred = raw_node_delta * node_scope
    edge_delta_pred = raw_edge_delta * edge_scope
    node_features_pred = jnp.where(node_scope > 0.5, node_features_t + node_delta_pred, node_features_t)
    edge_features_pred = jnp.where(edge_scope > 0.5, edge_features_t + edge_delta_pred, edge_features_t)
    return (node_delta_pred, edge_delta_pred, node_features_pred, edge_features_pred)

if __name__ == "__main__":
    import jax
    _d = setup_inputs()
    print(jax.jit(kernel)(*tuple(_d.values())))

</pallas_src>

<mosaic_0001>
#map = affine_map<(d0, d1) -> (0, 0)>
#map1 = affine_map<(d0, d1) -> (0)>
module attributes {stable_mosaic.version = 14 : i64} {
  func.func @_sc_scatter_body(%arg0: i32, %arg1: i32, %arg2: memref<800000x128xf32, #tpu.memory_space<hbm>>, %arg3: memref<1600000xi32, #tpu.memory_space<hbm>>, %arg4: memref<50000x64xf32, #tpu.memory_space<hbm>>, %arg5: memref<50000x32xf32, #tpu.memory_space<vmem_shared>>, %arg6: memref<400x32xf32, #tpu.memory_space<vmem>>, %arg7: memref<400x32xf32, #tpu.memory_space<vmem>>, %arg8: memref<2x5x80xi32, #tpu.memory_space<vmem>>, %arg9: memref<2x5x80xi32, #tpu.memory_space<vmem>>, %arg10: memref<!tpu.dma_semaphore, #tpu.memory_space<semaphore_mem>>, %arg11: memref<!tpu.dma_semaphore, #tpu.memory_space<semaphore_mem>>, %arg12: memref<!tpu.dma_semaphore, #tpu.memory_space<semaphore_mem>>) attributes {dimension_semantics = [#tpu.dimension_semantics<core_parallel>, #tpu.dimension_semantics<subcore_parallel>], iteration_bounds = array<i64: 2, 16>, scalar_prefetch = 0 : i64, scratch_operands = 8 : i64, tpu.core_type = #tpu.core_type<sc_vector_subcore>, window_params = [{transform_indices = #map}, {transform_indices = #map1}, {transform_indices = #map}]} {
    %mul3A = arith.constant 32 : i32
    %mul3A_0 = arith.muli %arg0, %mul3A : i32
    %add3A = arith.constant 64 : i32
    %add3A_1 = arith.addi %add3A, %mul3A_0 : i32
    %broadcast_in_dim3A = arith.constant 0.000000e+00 : f32
    %broadcast_in_dim3A_2 = vector.broadcast %broadcast_in_dim3A : f32 to vector<16xf32>
    %scan3A = arith.constant 0 : i32
    %scan3A_3 = arith.constant 0 : i32
    %scan3A_4 = arith.constant 400 : i32
    %scan3A_5 = arith.addi %scan3A_3, %scan3A_4 : i32
    %scan3A_6 = arith.constant 1 : i32
    scf.for %scan3A_811 = %scan3A_3 to %scan3A_5 step %scan3A_6  : i32 {
      %swap3A = arith.index_cast %scan3A_811 : i32 to index
      %swap3A_812 = arith.constant 0 : index
      %swap3A_813 = tpu.vector_load %arg6[%swap3A, %swap3A_812] {strides = array<i32>} : memref<400x32xf32, #tpu.memory_space<vmem>>, vector<1x16xf32>,
      %swap3A_814 = vector.shape_cast %swap3A_813 : vector<1x16xf32> to vector<16xf32>
      %swap3A_815 = vector.shape_cast %broadcast_in_dim3A_2 : vector<16xf32> to vector<1x16xf32>
      tpu.vector_store %arg6[%swap3A, %swap3A_812], %swap3A_815 {strides = array<i32>} : memref<400x32xf32, #tpu.memory_space<vmem>>, vector<1x16xf32>,
      %swap3A_816 = arith.index_cast %scan3A_811 : i32 to index
      %swap3A_817 = arith.constant 16 : index
      %swap3A_818 = tpu.vector_load %arg6[%swap3A_816, %swap3A_817] {strides = array<i32>} : memref<400x32xf32, #tpu.memory_space<vmem>>, vector<1x16xf32>,
      %swap3A_819 = vector.shape_cast %swap3A_818 : vector<1x16xf32> to vector<16xf32>
      %swap3A_820 = vector.shape_cast %broadcast_in_dim3A_2 : vector<16xf32> to vector<1x16xf32>
      tpu.vector_store %arg6[%swap3A_816, %swap3A_817], %swap3A_820 {strides = array<i32>} : memref<400x32xf32, #tpu.memory_space<vmem>>, vector<1x16xf32>,
    }
    %scan3A_7 = arith.constant 400 : i32
    %mul3A_8 = arith.constant 3125 : i32
    %mul3A_9 = arith.muli %arg1, %mul3A_8 : i32
    %add3A_10 = arith.constant 0 : i32
    %add3A_11 = arith.addi %mul3A_9, %add3A_10 : i32
    "tpu.region"() ({
      %run_scoped3A = tpu.sem_alloc : memref<!tpu.dma_semaphore, #tpu.memory_space<semaphore_mem>>
      %dma_start3A_811 = arith.constant 0 : i32
      %dma_start3A_812 = tpu.memref_slice %arg5[%add3A_11, %dma_start3A_811] : memref<50000x32xf32, #tpu.memory_space<vmem_shared>> -> memref<400x32xf32, #tpu.memory_space<vmem_shared>>
      %dma_start3A_813 = arith.constant 0 : i32
      %dma_start3A_814 = tpu.memref_slice %arg5[%add3A_11, %dma_start3A_813] : memref<50000x32xf32, #tpu.memory_space<vmem_shared>> -> memref<400x32xf32, #tpu.memory_space<vmem_shared>>
      tpu.enqueue_dma source(%arg6 : memref<400x32xf32, #tpu.memory_space<vmem>>) target(%dma_start3A_814 : memref<400x32xf32, #tpu.memory_space<vmem_shared>>) target_semaphore(%run_scoped3A : memref<!tpu.dma_semaphore, #tpu.memory_space<semaphore_mem>>)
      %dma_wait3A_815 = arith.constant 0 : i32
      %dma_wait3A_816 = tpu.memref_slice %arg5[%add3A_11, %dma_wait3A_815] : memref<50000x32xf32, #tpu.memory_space<vmem_shared>> -> memref<400x32xf32, #tpu.memory_space<vmem_shared>>
      %dma_wait3A_817 = arith.constant 0 : i32
      %dma_wait3A_818 = tpu.memref_slice %arg5[%add3A_11, %dma_wait3A_817] : memref<50000x32xf32, #tpu.memory_space<vmem_shared>> -> memref<400x32xf32, #tpu.memory_space<vmem_shared>>
      tpu.wait_dma2 semaphore(%run_scoped3A : memref<!tpu.dma_semaphore, #tpu.memory_space<semaphore_mem>>) src(%arg6 : memref<400x32xf32, #tpu.memory_space<vmem>>) dst(%dma_wait3A_818 : memref<400x32xf32, #tpu.memory_space<vmem_shared>>)
      tpu.yield
    }) : () -> ()
    %mul3A_12 = arith.constant 3125 : i32
    %mul3A_13 = arith.muli %arg1, %mul3A_12 : i32
    %add3A_14 = arith.constant 400 : i32
    %add3A_15 = arith.addi %mul3A_13, %add3A_14 : i32
    "tpu.region"() ({
      %run_scoped3A = tpu.sem_alloc : memref<!tpu.dma_semaphore, #tpu.memory_space<semaphore_mem>>
      %dma_start3A_811 = arith.constant 0 : i32
      %dma_start3A_812 = tpu.memref_slice %arg5[%add3A_15, %dma_start3A_811] : memref<50000x32xf32, #tpu.memory_space<vmem_shared>> -> memref<400x32xf32, #tpu.memory_space<vmem_shared>>
      %dma_start3A_813 = arith.constant 0 : i32
      %dma_start3A_814 = tpu.memref_slice %arg5[%add3A_15, %dma_start3A_813] : memref<50000x32xf32, #tpu.memory_space<vmem_shared>> -> memref<400x32xf32, #tpu.memory_space<vmem_shared>>
      tpu.enqueue_dma source(%arg6 : memref<400x32xf32, #tpu.memory_space<vmem>>) target(%dma_start3A_814 : memref<400x32xf32, #tpu.memory_space<vmem_shared>>) target_semaphore(%run_scoped3A : memref<!tpu.dma_semaphore, #tpu.memory_space<semaphore_mem>>)
      %dma_wait3A_815 = arith.constant 0 : i32
      %dma_wait3A_816 = tpu.memref_slice %arg5[%add3A_15, %dma_wait3A_815] : memref<50000x32xf32, #tpu.memory_space<vmem_shared>> -> memref<400x32xf32, #tpu.memory_space<vmem_shared>>
      %dma_wait3A_817 = arith.constant 0 : i32
      %dma_wait3A_818 = tpu.memref_slice %arg5[%add3A_15, %dma_wait3A_817] : memref<50000x32xf32, #tpu.memory_space<vmem_shared>> -> memref<400x32xf32, #tpu.memory_space<vmem_shared>>
      tpu.wait_dma2 semaphore(%run_scoped3A : memref<!tpu.dma_semaphore, #tpu.memory_space<semaphore_mem>>) src(%arg6 : memref<400x32xf32, #tpu.memory_space<vmem>>) dst(%dma_wait3A_818 : memref<400x32xf32, #tpu.memory_space<vmem_shared>>)
      tpu.yield
    }) : () -> ()
    %mul3A_16 = arith.constant 3125 : i32
    %mul3A_17 = arith.muli %arg1, %mul3A_16 : i32
    %add3A_18 = arith.constant 800 : i32
    %add3A_19 = arith.addi %mul3A_17, %add3A_18 : i32
    "tpu.region"() ({
      %run_scoped3A = tpu.sem_alloc : memref<!tpu.dma_semaphore, #tpu.memory_space<semaphore_mem>>
      %dma_start3A_811 = arith.constant 0 : i32
      %dma_start3A_812 = tpu.memref_slice %arg5[%add3A_19, %dma_start3A_811] : memref<50000x32xf32, #tpu.memory_space<vmem_shared>> -> memref<400x32xf32, #tpu.memory_space<vmem_shared>>
      %dma_start3A_813 = arith.constant 0 : i32
      %dma_start3A_814 = tpu.memref_slice %arg5[%add3A_19, %dma_start3A_813] : memref<50000x32xf32, #tpu.memory_space<vmem_shared>> -> memref<400x32xf32, #tpu.memory_space<vmem_shared>>
      tpu.enqueue_dma source(%arg6 : memref<400x32xf32, #tpu.memory_space<vmem>>) target(%dma_start3A_814 : memref<400x32xf32, #tpu.memory_space<vmem_shared>>) target_semaphore(%run_scoped3A : memref<!tpu.dma_semaphore, #tpu.memory_space<semaphore_mem>>)
      %dma_wait3A_815 = arith.constant 0 : i32
      %dma_wait3A_816 = tpu.memref_slice %arg5[%add3A_19, %dma_wait3A_815] : memref<50000x32xf32, #tpu.memory_space<vmem_shared>> -> memref<400x32xf32, #tpu.memory_space<vmem_shared>>
      %dma_wait3A_817 = arith.constant 0 : i32
      %dma_wait3A_818 = tpu.memref_slice %arg5[%add3A_19, %dma_wait3A_817] : memref<50000x32xf32, #tpu.memory_space<vmem_shared>> -> memref<400x32xf32, #tpu.memory_space<vmem_shared>>
      tpu.wait_dma2 semaphore(%run_scoped3A : memref<!tpu.dma_semaphore, #tpu.memory_space<semaphore_mem>>) src(%arg6 : memref<400x32xf32, #tpu.memory_space<vmem>>) dst(%dma_wait3A_818 : memref<400x32xf32, #tpu.memory_space<vmem_shared>>)
      tpu.yield
    }) : () -> ()
    %mul3A_20 = arith.constant 3125 : i32
    %mul3A_21 = arith.muli %arg1, %mul3A_20 : i32
    %add3A_22 = arith.constant 1200 : i32
    %add3A_23 = arith.addi %mul3A_21, %add3A_22 : i32
    "tpu.region"() ({
      %run_scoped3A = tpu.sem_alloc : memref<!tpu.dma_semaphore, #tpu.memory_space<semaphore_mem>>
      %dma_start3A_811 = arith.constant 0 : i32
      %dma_start3A_812 = tpu.memref_slice %arg5[%add3A_23, %dma_start3A_811] : memref<50000x32xf32, #tpu.memory_space<vmem_shared>> -> memref<400x32xf32, #tpu.memory_space<vmem_shared>>
      %dma_start3A_813 = arith.constant 0 : i32
      %dma_start3A_814 = tpu.memref_slice %arg5[%add3A_23, %dma_start3A_813] : memref<50000x32xf32, #tpu.memory_space<vmem_shared>> -> memref<400x32xf32, #tpu.memory_space<vmem_shared>>
      tpu.enqueue_dma source(%arg6 : memref<400x32xf32, #tpu.memory_space<vmem>>) target(%dma_start3A_814 : memref<400x32xf32, #tpu.memory_space<vmem_shared>>) target_semaphore(%run_scoped3A : memref<!tpu.dma_semaphore, #tpu.memory_space<semaphore_mem>>)
      %dma_wait3A_815 = arith.constant 0 : i32
      %dma_wait3A_816 = tpu.memref_slice %arg5[%add3A_23, %dma_wait3A_815] : memref<50000x32xf32, #tpu.memory_space<vmem_shared>> -> memref<400x32xf32, #tpu.memory_space<vmem_shared>>
      %dma_wait3A_817 = arith.constant 0 : i32
      %dma_wait3A_818 = tpu.memref_slice %arg5[%add3A_23, %dma_wait3A_817] : memref<50000x32xf32, #tpu.memory_space<vmem_shared>> -> memref<400x32xf32, #tpu.memory_space<vmem_shared>>
      tpu.wait_dma2 semaphore(%run_scoped3A : memref<!tpu.dma_semaphore, #tpu.memory_space<semaphore_mem>>) src(%arg6 : memref<400x32xf32, #tpu.memory_space<vmem>>) dst(%dma_wait3A_818 : memref<400x32xf32, #tpu.memory_space<vmem_shared>>)
      tpu.yield
    }) : () -> ()
    %mul3A_24 = arith.constant 3125 : i32
    %mul3A_25 = arith.muli %arg1, %mul3A_24 : i32
    %add3A_26 = arith.constant 1600 : i32
    %add3A_27 = arith.addi %mul3A_25, %add3A_26 : i32
    "tpu.region"() ({
      %run_scoped3A = tpu.sem_alloc : memref<!tpu.dma_semaphore, #tpu.memory_space<semaphore_mem>>
      %dma_start3A_811 = arith.constant 0 : i32
      %dma_start3A_812 = tpu.memref_slice %arg5[%add3A_27, %dma_start3A_811] : memref<50000x32xf32, #tpu.memory_space<vmem_shared>> -> memref<400x32xf32, #tpu.memory_space<vmem_shared>>
      %dma_start3A_813 = arith.constant 0 : i32
      %dma_start3A_814 = tpu.memref_slice %arg5[%add3A_27, %dma_start3A_813] : memref<50000x32xf32, #tpu.memory_space<vmem_shared>> -> memref<400x32xf32, #tpu.memory_space<vmem_shared>>
      tpu.enqueue_dma source(%arg6 : memref<400x32xf32, #tpu.memory_space<vmem>>) target(%dma_start3A_814 : memref<400x32xf32, #tpu.memory_space<vmem_shared>>) target_semaphore(%run_scoped3A : memref<!tpu.dma_semaphore, #tpu.memory_space<semaphore_mem>>)
      %dma_wait3A_815 = arith.constant 0 : i32
      %dma_wait3A_816 = tpu.memref_slice %arg5[%add3A_27, %dma_wait3A_815] : memref<50000x32xf32, #tpu.memory_space<vmem_shared>> -> memref<400x32xf32, #tpu.memory_space<vmem_shared>>
      %dma_wait3A_817 = arith.constant 0 : i32
      %dma_wait3A_818 = tpu.memref_slice %arg5[%add3A_27, %dma_wait3A_817] : memref<50000x32xf32, #tpu.memory_space<vmem_shared>> -> memref<400x32xf32, #tpu.memory_space<vmem_shared>>
      tpu.wait_dma2 semaphore(%run_scoped3A : memref<!tpu.dma_semaphore, #tpu.memory_space<semaphore_mem>>) src(%arg6 : memref<400x32xf32, #tpu.memory_space<vmem>>) dst(%dma_wait3A_818 : memref<400x32xf32, #tpu.memory_space<vmem_shared>>)
      tpu.yield
    }) : () -> ()
    %mul3A_28 = arith.constant 3125 : i32
    %mul3A_29 = arith.muli %arg1, %mul3A_28 : i32
    %add3A_30 = arith.constant 2000 : i32
    %add3A_31 = arith.addi %mul3A_29, %add3A_30 : i32
    "tpu.region"() ({
      %run_scoped3A = tpu.sem_alloc : memref<!tpu.dma_semaphore, #tpu.memory_space<semaphore_mem>>
      %dma_start3A_811 = arith.constant 0 : i32
      %dma_start3A_812 = tpu.memref_slice %arg5[%add3A_31, %dma_start3A_811] : memref<50000x32xf32, #tpu.memory_space<vmem_shared>> -> memref<400x32xf32, #tpu.memory_space<vmem_shared>>
      %dma_start3A_813 = arith.constant 0 : i32
      %dma_start3A_814 = tpu.memref_slice %arg5[%add3A_31, %dma_start3A_813] : memref<50000x32xf32, #tpu.memory_space<vmem_shared>> -> memref<400x32xf32, #tpu.memory_space<vmem_shared>>
      tpu.enqueue_dma source(%arg6 : memref<400x32xf32, #tpu.memory_space<vmem>>) target(%dma_start3A_814 : memref<400x32xf32, #tpu.memory_space<vmem_shared>>) target_semaphore(%run_scoped3A : memref<!tpu.dma_semaphore, #tpu.memory_space<semaphore_mem>>)
      %dma_wait3A_815 = arith.constant 0 : i32
      %dma_wait3A_816 = tpu.memref_slice %arg5[%add3A_31, %dma_wait3A_815] : memref<50000x32xf32, #tpu.memory_space<vmem_shared>> -> memref<400x32xf32, #tpu.memory_space<vmem_shared>>
      %dma_wait3A_817 = arith.constant 0 : i32
      %dma_wait3A_818 = tpu.memref_slice %arg5[%add3A_31, %dma_wait3A_817] : memref<50000x32xf32, #tpu.memory_space<vmem_shared>> -> memref<400x32xf32, #tpu.memory_space<vmem_shared>>
      tpu.wait_dma2 semaphore(%run_scoped3A : memref<!tpu.dma_semaphore, #tpu.memory_space<semaphore_mem>>) src(%arg6 : memref<400x32xf32, #tpu.memory_space<vmem>>) dst(%dma_wait3A_818 : memref<400x32xf32, #tpu.memory_space<vmem_shared>>)
      tpu.yield
    }) : () -> ()
    %mul3A_32 = arith.constant 3125 : i32
    %mul3A_33 = arith.muli %arg1, %mul3A_32 : i32
    %add3A_34 = arith.constant 2400 : i32
    %add3A_35 = arith.addi %mul3A_33, %add3A_34 : i32
    "tpu.region"() ({
      %run_scoped3A = tpu.sem_alloc : memref<!tpu.dma_semaphore, #tpu.memory_space<semaphore_mem>>
      %dma_start3A_811 = arith.constant 0 : i32
      %dma_start3A_812 = tpu.memref_slice %arg5[%add3A_35, %dma_start3A_811] : memref<50000x32xf32, #tpu.memory_space<vmem_shared>> -> memref<400x32xf32, #tpu.memory_space<vmem_shared>>
      %dma_start3A_813 = arith.constant 0 : i32
      %dma_start3A_814 = tpu.memref_slice %arg5[%add3A_35, %dma_start3A_813] : memref<50000x32xf32, #tpu.memory_space<vmem_shared>> -> memref<400x32xf32, #tpu.memory_space<vmem_shared>>
      tpu.enqueue_dma source(%arg6 : memref<400x32xf32, #tpu.memory_space<vmem>>) target(%dma_start3A_814 : memref<400x32xf32, #tpu.memory_space<vmem_shared>>) target_semaphore(%run_scoped3A : memref<!tpu.dma_semaphore, #tpu.memory_space<semaphore_mem>>)
      %dma_wait3A_815 = arith.constant 0 : i32
      %dma_wait3A_816 = tpu.memref_slice %arg5[%add3A_35, %dma_wait3A_815] : memref<50000x32xf32, #tpu.memory_space<vmem_shared>> -> memref<400x32xf32, #tpu.memory_space<vmem_shared>>
      %dma_wait3A_817 = arith.constant 0 : i32
      %dma_wait3A_818 = tpu.memref_slice %arg5[%add3A_35, %dma_wait3A_817] : memref<50000x32xf32, #tpu.memory_space<vmem_shared>> -> memref<400x32xf32, #tpu.memory_space<vmem_shared>>
      tpu.wait_dma2 semaphore(%run_scoped3A : memref<!tpu.dma_semaphore, #tpu.memory_space<semaphore_mem>>) src(%arg6 : memref<400x32xf32, #tpu.memory_space<vmem>>) dst(%dma_wait3A_818 : memref<400x32xf32, #tpu.memory_space<vmem_shared>>)
      tpu.yield
    }) : () -> ()
    %mul3A_36 = arith.constant 3125 : i32
    %mul3A_37 = arith.muli %arg1, %mul3A_36 : i32
    %add3A_38 = arith.constant 2800 : i32
    %add3A_39 = arith.addi %mul3A_37, %add3A_38 : i32
    "tpu.region"() ({
      %run_scoped3A = tpu.sem_alloc : memref<!tpu.dma_semaphore, #tpu.memory_space<semaphore_mem>>
      %dma_start3A_811 = arith.constant 0 : i32
      %dma_start3A_812 = arith.constant 0 : i32
      %dma_start3A_813 = tpu.memref_slice %arg6[%dma_start3A_811, %dma_start3A_812] : memref<400x32xf32, #tpu.memory_space<vmem>> -> memref<325x32xf32, #tpu.memory_space<vmem>>
      %dma_start3A_814 = arith.constant 0 : i32
      %dma_start3A_815 = tpu.memref_slice %arg5[%add3A_39, %dma_start3A_814] : memref<50000x32xf32, #tpu.memory_space<vmem_shared>> -> memref<325x32xf32, #tpu.memory_space<vmem_shared>>
      %dma_start3A_816 = arith.constant 0 : i32
      %dma_start3A_817 = tpu.memref_slice %arg5[%add3A_39, %dma_start3A_816] : memref<50000x32xf32, #tpu.memory_space<vmem_shared>> -> memref<325x32xf32, #tpu.memory_space<vmem_shared>>
      %dma_start3A_818 = arith.constant 0 : i32
      %dma_start3A_819 = arith.constant 0 : i32
      %dma_start3A_820 = tpu.memref_slice %arg6[%dma_start3A_818, %dma_start3A_819] : memref<400x32xf32, #tpu.memory_space<vmem>> -> memref<325x32xf32, #tpu.memory_space<vmem>>
      tpu.enqueue_dma source(%dma_start3A_820 : memref<325x32xf32, #tpu.memory_space<vmem>>) target(%dma_start3A_817 : memref<325x32xf32, #tpu.memory_space<vmem_shared>>) target_semaphore(%run_scoped3A : memref<!tpu.dma_semaphore, #tpu.memory_space<semaphore_mem>>)
      %dma_wait3A_821 = arith.constant 0 : i32
      %dma_wait3A_822 = arith.constant 0 : i32
      %dma_wait3A_823 = tpu.memref_slice %arg6[%dma_wait3A_821, %dma_wait3A_822] : memref<400x32xf32, #tpu.memory_space<vmem>> -> memref<325x32xf32, #tpu.memory_space<vmem>>
      %dma_wait3A_824 = arith.constant 0 : i32
      %dma_wait3A_825 = tpu.memref_slice %arg5[%add3A_39, %dma_wait3A_824] : memref<50000x32xf32, #tpu.memory_space<vmem_shared>> -> memref<325x32xf32, #tpu.memory_space<vmem_shared>>
      %dma_wait3A_826 = arith.constant 0 : i32
      %dma_wait3A_827 = tpu.memref_slice %arg5[%add3A_39, %dma_wait3A_826] : memref<50000x32xf32, #tpu.memory_space<vmem_shared>> -> memref<325x32xf32, #tpu.memory_space<vmem_shared>>
      %dma_wait3A_828 = arith.constant 0 : i32
      %dma_wait3A_829 = arith.constant 0 : i32
      %dma_wait3A_830 = tpu.memref_slice %arg6[%dma_wait3A_828, %dma_wait3A_829] : memref<400x32xf32, #tpu.memory_space<vmem>> -> memref<325x32xf32, #tpu.memory_space<vmem>>
      tpu.wait_dma2 semaphore(%run_scoped3A : memref<!tpu.dma_semaphore, #tpu.memory_space<semaphore_mem>>) src(%dma_wait3A_830 : memref<325x32xf32, #tpu.memory_space<vmem>>) dst(%dma_wait3A_827 : memref<325x32xf32, #tpu.memory_space<vmem_shared>>)
      tpu.yield
    }) : () -> ()
    %barrier3A = arith.constant 0 : index
    tpu.barrier barrier_id(%barrier3A)
    %scan3A_40 = arith.constant 0 : i32
    %scan3A_41 = arith.constant 0 : i32
    %scan3A_42 = arith.constant 62 : i32
    %scan3A_43 = arith.addi %scan3A_41, %scan3A_42 : i32
    %scan3A_44 = arith.constant 1 : i32
    scf.for %scan3A_811 = %scan3A_41 to %scan3A_43 step %scan3A_44  : i32 {
      %mul3A_812 = arith.constant 2 : i32
      %mul3A_813 = arith.muli %mul3A_812, %scan3A_811 : i32
      %add3A_814 = arith.constant 0 : i32
      %add3A_815 = arith.addi %mul3A_813, %add3A_814 : i32
      %mul3A_816 = arith.constant 50000 : i32
      %mul3A_817 = arith.muli %arg1, %mul3A_816 : i32
      %mul3A_818 = arith.constant 400 : i32
      %mul3A_819 = arith.muli %add3A_815, %mul3A_818 : i32
      %add3A_820 = arith.addi %mul3A_817, %mul3A_819 : i32
      %dma_start3A_821 = tpu.memref_slice %arg2[%add3A_820, %add3A_1] : memref<800000x128xf32, #tpu.memory_space<hbm>> -> memref<400x32xf32, #tpu.memory_space<hbm>>
      %dma_start3A_822 = tpu.memref_slice %arg2[%add3A_820, %add3A_1] : memref<800000x128xf32, #tpu.memory_space<hbm>> -> memref<400x32xf32, #tpu.memory_space<hbm>>
      tpu.enqueue_dma source(%dma_start3A_822 : memref<400x32xf32, #tpu.memory_space<hbm>>) target(%arg6 : memref<400x32xf32, #tpu.memory_space<vmem>>) target_semaphore(%arg10 : memref<!tpu.dma_semaphore, #tpu.memory_space<semaphore_mem>>)
      %add3A_823 = arith.constant 0 : i32
      %add3A_824 = arith.addi %add3A_820, %add3A_823 : i32
      %dma_start3A_825 = arith.constant 0 : i32
      %dma_start3A_826 = arith.constant 0 : i32
      %dma_start3A_827 = arith.constant 0 : i32
      %dma_start3A_828 = arith.constant 0 : i32
      %dma_start3A_829 = tpu.memref_slice %arg8[%dma_start3A_825, %dma_start3A_827, %dma_start3A_828] : memref<2x5x80xi32, #tpu.memory_space<vmem>> -> memref<1x5x80xi32, #tpu.memory_space<vmem>>
      %dma_start3A_830 = tpu.memref_squeeze %dma_start3A_829 : memref<1x5x80xi32, #tpu.memory_space<vmem>> -> memref<5x80xi32, #tpu.memory_space<vmem>>
      %dma_start3A_831 = arith.constant 0 : i32
      %dma_start3A_832 = tpu.memref_slice %dma_start3A_830[%dma_start3A_826, %dma_start3A_831] : memref<5x80xi32, #tpu.memory_space<vmem>> -> memref<1x80xi32, #tpu.memory_space<vmem>>
      %dma_start3A_833 = tpu.memref_squeeze %dma_start3A_832 : memref<1x80xi32, #tpu.memory_space<vmem>> -> memref<80xi32, #tpu.memory_space<vmem>>
      %dma_start3A_834 = tpu.memref_slice %arg3[%add3A_824] : memref<1600000xi32, #tpu.memory_space<hbm>> -> memref<80xi32, #tpu.memory_space<hbm>>
      %dma_start3A_835 = arith.constant 0 : i32
      %dma_start3A_836 = arith.constant 0 : i32
      %dma_start3A_837 = tpu.memref_slice %arg8[%dma_start3A_825, %dma_start3A_835, %dma_start3A_836] : memref<2x5x80xi32, #tpu.memory_space<vmem>> -> memref<1x5x80xi32, #tpu.memory_space<vmem>>
      %dma_start3A_838 = tpu.memref_squeeze %dma_start3A_837 : memref<1x5x80xi32, #tpu.memory_space<vmem>> -> memref<5x80xi32, #tpu.memory_space<vmem>>
      %dma_start3A_839 = arith.constant 0 : i32
      %dma_start3A_840 = tpu.memref_slice %dma_start3A_838[%dma_start3A_826, %dma_start3A_839] : memref<5x80xi32, #tpu.memory_space<vmem>> -> memref<1x80xi32, #tpu.memory_space<vmem>>
      %dma_start3A_841 = tpu.memref_squeeze %dma_start3A_840 : memref<1x80xi32, #tpu.memory_space<vmem>> -> memref<80xi32, #tpu.memory_space<vmem>>
      %dma_start3A_842 = tpu.memref_slice %arg3[%add3A_824] : memref<1600000xi32, #tpu.memory_space<hbm>> -> memref<80xi32, #tpu.memory_space<hbm>>
      tpu.enqueue_dma source(%dma_start3A_842 : memref<80xi32, #tpu.memory_space<hbm>>) target(%dma_start3A_841 : memref<80xi32, #tpu.memory_space<vmem>>) target_semaphore(%arg11 : memref<!tpu.dma_semaphore, #tpu.memory_space<semaphore_mem>>)
      %add3A_843 = arith.constant 800000 : i32
      %add3A_844 = arith.addi %add3A_843, %add3A_820 : i32
      %add3A_845 = arith.constant 0 : i32
      %add3A_846 = arith.addi %add3A_844, %add3A_845 : i32
      %dma_start3A_847 = arith.constant 0 : i32
      %dma_start3A_848 = arith.constant 0 : i32
      %dma_start3A_849 = arith.constant 0 : i32
      %dma_start3A_850 = arith.constant 0 : i32
      %dma_start3A_851 = tpu.memref_slice %arg9[%dma_start3A_847, %dma_start3A_849, %dma_start3A_850] : memref<2x5x80xi32, #tpu.memory_space<vmem>> -> memref<1x5x80xi32, #tpu.memory_space<vmem>>
      %dma_start3A_852 = tpu.memref_squeeze %dma_start3A_851 : memref<1x5x80xi32, #tpu.memory_space<vmem>> -> memref<5x80xi32, #tpu.memory_space<vmem>>
      %dma_start3A_853 = arith.constant 0 : i32
      %dma_start3A_854 = tpu.memref_slice %dma_start3A_852[%dma_start3A_848, %dma_start3A_853] : memref<5x80xi32, #tpu.memory_space<vmem>> -> memref<1x80xi32, #tpu.memory_space<vmem>>
      %dma_start3A_855 = tpu.memref_squeeze %dma_start3A_854 : memref<1x80xi32, #tpu.memory_space<vmem>> -> memref<80xi32, #tpu.memory_space<vmem>>
      %dma_start3A_856 = tpu.memref_slice %arg3[%add3A_846] : memref<1600000xi32, #tpu.memory_space<hbm>> -> memref<80xi32, #tpu.memory_space<hbm>>
      %dma_start3A_857 = arith.constant 0 : i32
      %dma_start3A_858 = arith.constant 0 : i32
      %dma_start3A_859 = tpu.memref_slice %arg9[%dma_start3A_847, %dma_start3A_857, %dma_start3A_858] : memref<2x5x80xi32, #tpu.memory_space<vmem>> -> memref<1x5x80xi32, #tpu.memory_space<vmem>>
      %dma_start3A_860 = tpu.memref_squeeze %dma_start3A_859 : memref<1x5x80xi32, #tpu.memory_space<vmem>> -> memref<5x80xi32, #tpu.memory_space<vmem>>
      %dma_start3A_861 = arith.constant 0 : i32
      %dma_start3A_862 = tpu.memref_slice %dma_start3A_860[%dma_start3A_848, %dma_start3A_861] : memref<5x80xi32, #tpu.memory_space<vmem>> -> memref<1x80xi32, #tpu.memory_space<vmem>>
      %dma_start3A_863 = tpu.memref_squeeze %dma_start3A_862 : memref<1x80xi32, #tpu.memory_space<vmem>> -> memref<80xi32, #tpu.memory_space<vmem>>
      %dma_start3A_864 = tpu.memref_slice %arg3[%add3A_846] : memref<1600000xi32, #tpu.memory_space<hbm>> -> memref<80xi32, #tpu.memory_space<hbm>>
      tpu.enqueue_dma source(%dma_start3A_864 : memref<80xi32, #tpu.memory_space<hbm>>) target(%dma_start3A_863 : memref<80xi32, #tpu.memory_space<vmem>>) target_semaphore(%arg11 : memref<!tpu.dma_semaphore, #tpu.memory_space<semaphore_mem>>)
      %add3A_865 = arith.constant 80 : i32
      %add3A_866 = arith.addi %add3A_820, %add3A_865 : i32
      %dma_start3A_867 = arith.constant 0 : i32
      %dma_start3A_868 = arith.constant 1 : i32
      %dma_start3A_869 = arith.constant 0 : i32
      %dma_start3A_870 = arith.constant 0 : i32
      %dma_start3A_871 = tpu.memref_slice %arg8[%dma_start3A_867, %dma_start3A_869, %dma_start3A_870] : memref<2x5x80xi32, #tpu.memory_space<vmem>> -> memref<1x5x80xi32, #tpu.memory_space<vmem>>
      %dma_start3A_872 = tpu.memref_squeeze %dma_start3A_871 : memref<1x5x80xi32, #tpu.memory_space<vmem>> -> memref<5x80xi32, #tpu.memory_space<vmem>>
      %dma_start3A_873 = arith.constant 0 : i32
      %dma_start3A_874 = tpu.memref_slice %dma_start3A_872[%dma_start3A_868, %dma_start3A_873] : memref<5x80xi32, #tpu.memory_space<vmem>> -> memref<1x80xi32, #tpu.memory_space<vmem>>
      %dma_start3A_875 = tpu.memref_squeeze %dma_start3A_874 : memref<1x80xi32, #tpu.memory_space<vmem>> -> memref<80xi32, #tpu.memory_space<vmem>>
      %dma_start3A_876 = tpu.memref_slice %arg3[%add3A_866] : memref<1600000xi32, #tpu.memory_space<hbm>> -> memref<80xi32, #tpu.memory_space<hbm>>
      %dma_start3A_877 = arith.constant 0 : i32
      %dma_start3A_878 = arith.constant 0 : i32
      %dma_start3A_879 = tpu.memref_slice %arg8[%dma_start3A_867, %dma_start3A_877, %dma_start3A_878] : memref<2x5x80xi32, #tpu.memory_space<vmem>> -> memref<1x5x80xi32, #tpu.memory_space<vmem>>
      %dma_start3A_880 = tpu.memref_squeeze %dma_start3A_879 : memref<1x5x80xi32, #tpu.memory_space<vmem>> -> memref<5x80xi32, #tpu.memory_space<vmem>>
      %dma_start3A_881 = arith.constant 0 : i32
      %dma_start3A_882 = tpu.memref_slice %dma_start3A_880[%dma_start3A_868, %dma_start3A_881] : memref<5x80xi32, #tpu.memory_space<vmem>> -> memref<1x80xi32, #tpu.memory_space<vmem>>
      %dma_start3A_883 = tpu.memref_squeeze %dma_start3A_882 : memref<1x80xi32, #tpu.memory_space<vmem>> -> memref<80xi32, #tpu.memory_space<vmem>>
      %dma_start3A_884 = tpu.memref_slice %arg3[%add3A_866] : memref<1600000xi32, #tpu.memory_space<hbm>> -> memref<80xi32, #tpu.memory_space<hbm>>
      tpu.enqueue_dma source(%dma_start3A_884 : memref<80xi32, #tpu.memory_space<hbm>>) target(%dma_start3A_883 : memref<80xi32, #tpu.memory_space<vmem>>) target_semaphore(%arg11 : memref<!tpu.dma_semaphore, #tpu.memory_space<semaphore_mem>>)
      %add3A_885 = arith.constant 800000 : i32
      %add3A_886 = arith.addi %add3A_885, %add3A_820 : i32
      %add3A_887 = arith.constant 80 : i32
      %add3A_888 = arith.addi %add3A_886, %add3A_887 : i32
      %dma_start3A_889 = arith.constant 0 : i32
      %dma_start3A_890 = arith.constant 1 : i32
      %dma_start3A_891 = arith.constant 0 : i32
      %dma_start3A_892 = arith.constant 0 : i32
      %dma_start3A_893 = tpu.memref_slice %arg9[%dma_start3A_889, %dma_start3A_891, %dma_start3A_892] : memref<2x5x80xi32, #tpu.memory_space<vmem>> -> memref<1x5x80xi32, #tpu.memory_space<vmem>>
      %dma_start3A_894 = tpu.memref_squeeze %dma_start3A_893 : memref<1x5x80xi32, #tpu.memory_space<vmem>> -> memref<5x80xi32, #tpu.memory_space<vmem>>
      %dma_start3A_895 = arith.constant 0 : i32
      %dma_start3A_896 = tpu.memref_slice %dma_start3A_894[%dma_start3A_890, %dma_start3A_895] : memref<5x80xi32, #tpu.memory_space<vmem>> -> memref<1x80xi32, #tpu.memory_space<vmem>>
      %dma_start3A_897 = tpu.memref_squeeze %dma_start3A_896 : memref<1x80xi32, #tpu.memory_space<vmem>> -> memref<80xi32, #tpu.memory_space<vmem>>
      %dma_start3A_898 = tpu.memref_slice %arg3[%add3A_888] : memref<1600000xi32, #tpu.memory_space<hbm>> -> memref<80xi32, #tpu.memory_space<hbm>>
      %dma_start3A_899 = arith.constant 0 : i32
      %dma_start3A_900 = arith.constant 0 : i32
      %dma_start3A_901 = tpu.memref_slice %arg9[%dma_start3A_889, %dma_start3A_899, %dma_start3A_900] : memref<2x5x80xi32, #tpu.memory_space<vmem>> -> memref<1x5x80xi32, #tpu.memory_space<vmem>>
      %dma_start3A_902 = tpu.memref_squeeze %dma_start3A_901 : memref<1x5x80xi32, #tpu.memory_space<vmem>> -> memref<5x80xi32, #tpu.memory_space<vmem>>
      %dma_start3A_903 = arith.constant 0 : i32
      %dma_start3A_904 = tpu.memref_slice %dma_start3A_902[%dma_start3A_890, %dma_start3A_903] : memref<5x80xi32, #tpu.memory_space<vmem>> -> memref<1x80xi32, #tpu.memory_space<vmem>>
      %dma_start3A_905 = tpu.memref_squeeze %dma_start3A_904 : memref<1x80xi32, #tpu.memory_space<vmem>> -> memref<80xi32, #tpu.memory_space<vmem>>
      %dma_start3A_906 = tpu.memref_slice %arg3[%add3A_888] : memref<1600000xi32, #tpu.memory_space<hbm>> -> memref<80xi32, #tpu.memory_space<hbm>>
      tpu.enqueue_dma source(%dma_start3A_906 : memref<80xi32, #tpu.memory_space<hbm>>) target(%dma_start3A_905 : memref<80xi32, #tpu.memory_space<vmem>>) target_semaphore(%arg11 : memref<!tpu.dma_semaphore, #tpu.memory_space<semaphore_mem>>)
      %add3A_907 = arith.constant 160 : i32
      %add3A_908 = arith.addi %add3A_820, %add3A_907 : i32
      %dma_start3A_909 = arith.constant 0 : i32
      %dma_start3A_910 = arith.constant 2 : i32
      %dma_start3A_911 = arith.constant 0 : i32
      %dma_start3A_912 = arith.constant 0 : i32
      %dma_start3A_913 = tpu.memref_slice %arg8[%dma_start3A_909, %dma_start3A_911, %dma_start3A_912] : memref<2x5x80xi32, #tpu.memory_space<vmem>> -> memref<1x5x80xi32, #tpu.memory_space<vmem>>
      %dma_start3A_914 = tpu.memref_squeeze %dma_start3A_913 : memref<1x5x80xi32, #tpu.memory_space<vmem>> -> memref<5x80xi32, #tpu.memory_space<vmem>>
      %dma_start3A_915 = arith.constant 0 : i32
      %dma_start3A_916 = tpu.memref_slice %dma_start3A_914[%dma_start3A_910, %dma_start3A_915] : memref<5x80xi32, #tpu.memory_space<vmem>> -> memref<1x80xi32, #tpu.memory_space<vmem>>
      %dma_start3A_917 = tpu.memref_squeeze %dma_start3A_916 : memref<1x80xi32, #tpu.memory_space<vmem>> -> memref<80xi32, #tpu.memory_space<vmem>>
      %dma_start3A_918 = tpu.memref_slice %arg3[%add3A_908] : memref<1600000xi32, #tpu.memory_space<hbm>> -> memref<80xi32, #tpu.memory_space<hbm>>
      %dma_start3A_919 = arith.constant 0 : i32
      %dma_start3A_920 = arith.constant 0 : i32
      %dma_start3A_921 = tpu.memref_slice %arg8[%dma_start3A_909, %dma_start3A_919, %dma_start3A_920] : memref<2x5x80xi32, #tpu.memory_space<vmem>> -> memref<1x5x80xi32, #tpu.memory_space<vmem>>
      %dma_start3A_922 = tpu.memref_squeeze %dma_start3A_921 : memref<1x5x80xi32, #tpu.memory_space<vmem>> -> memref<5x80xi32, #tpu.memory_space<vmem>>
      %dma_start3A_923 = arith.constant 0 : i32
      %dma_start3A_924 = tpu.memref_slice %dma_start3A_922[%dma_start3A_910, %dma_start3A_923] : memref<5x80xi32, #tpu.memory_space<vmem>> -> memref<1x80xi32, #tpu.memory_space<vmem>>
      %dma_start3A_925 = tpu.memref_squeeze %dma_start3A_924 : memref<1x80xi32, #tpu.memory_space<vmem>> -> memref<80xi32, #tpu.memory_space<vmem>>
      %dma_start3A_926 = tpu.memref_slice %arg3[%add3A_908] : memref<1600000xi32, #tpu.memory_space<hbm>> -> memref<80xi32, #tpu.memory_space<hbm>>
      tpu.enqueue_dma source(%dma_start3A_926 : memref<80xi32, #tpu.memory_space<hbm>>) target(%dma_start3A_925 : memref<80xi32, #tpu.memory_space<vmem>>) target_semaphore(%arg11 : memref<!tpu.dma_semaphore, #tpu.memory_space<semaphore_mem>>)
      %add3A_927 = arith.constant 800000 : i32
      %add3A_928 = arith.addi %add3A_927, %add3A_820 : i32
      %add3A_929 = arith.constant 160 : i32
      %add3A_930 = arith.addi %add3A_928, %add3A_929 : i32
      %dma_start3A_931 = arith.constant 0 : i32
      %dma_start3A_932 = arith.constant 2 : i32
      %dma_start3A_933 = arith.constant 0 : i32
      %dma_start3A_934 = arith.constant 0 : i32
      %dma_start3A_935 = tpu.memref_slice %arg9[%dma_start3A_931, %dma_start3A_933, %dma_start3A_934] : memref<2x5x80xi32, #tpu.memory_space<vmem>> -> memref<1x5x80xi32, #tpu.memory_space<vmem>>
      %dma_start3A_936 = tpu.memref_squeeze %dma_start3A_935 : memref<1x5x80xi32, #tpu.memory_space<vmem>> -> memref<5x80xi32, #tpu.memory_space<vmem>>
      %dma_start3A_937 = arith.constant 0 : i32
      %dma_start3A_938 = tpu.memref_slice %dma_start3A_936[%dma_start3A_932, %dma_start3A_937] : memref<5x80xi32, #tpu.memory_space<vmem>> -> memref<1x80xi32, #tpu.memory_space<vmem>>
      %dma_start3A_939 = tpu.memref_squeeze %dma_start3A_938 : memref<1x80xi32, #tpu.memory_space<vmem>> -> memref<80xi32, #tpu.memory_space<vmem>>
      %dma_start3A_940 = tpu.memref_slice %arg3[%add3A_930] : memref<1600000xi32, #tpu.memory_space<hbm>> -> memref<80xi32, #tpu.memory_space<hbm>>
      %dma_start3A_941 = arith.constant 0 : i32
      %dma_start3A_942 = arith.constant 0 : i32
      %dma_start3A_943 = tpu.memref_slice %arg9[%dma_start3A_931, %dma_start3A_941, %dma_start3A_942] : memref<2x5x80xi32, #tpu.memory_space<vmem>> -> memref<1x5x80xi32, #tpu.memory_space<vmem>>
      %dma_start3A_944 = tpu.memref_squeeze %dma_start3A_943 : memref<1x5x80xi32, #tpu.memory_space<vmem>> -> memref<5x80xi32, #tpu.memory_space<vmem>>
      %dma_start3A_945 = arith.constant 0 : i32
      %dma_start3A_946 = tpu.memref_slice %dma_start3A_944[%dma_start3A_932, %dma_start3A_945] : memref<5x80xi32, #tpu.memory_space<vmem>> -> memref<1x80xi32, #tpu.memory_space<vmem>>
      %dma_start3A_947 = tpu.memref_squeeze %dma_start3A_946 : memref<1x80xi32, #tpu.memory_space<vmem>> -> memref<80xi32, #tpu.memory_space<vmem>>
      %dma_start3A_948 = tpu.memref_slice %arg3[%add3A_930] : memref<1600000xi32, #tpu.memory_space<hbm>> -> memref<80xi32, #tpu.memory_space<hbm>>
      tpu.enqueue_dma source(%dma_start3A_948 : memref<80xi32, #tpu.memory_space<hbm>>) target(%dma_start3A_947 : memref<80xi32, #tpu.memory_space<vmem>>) target_semaphore(%arg11 : memref<!tpu.dma_semaphore, #tpu.memory_space<semaphore_mem>>)
      %add3A_949 = arith.constant 240 : i32
      %add3A_950 = arith.addi %add3A_820, %add3A_949 : i32
      %dma_start3A_951 = arith.constant 0 : i32
      %dma_start3A_952 = arith.constant 3 : i32
      %dma_start3A_953 = arith.constant 0 : i32
      %dma_start3A_954 = arith.constant 0 : i32
      %dma_start3A_955 = tpu.memref_slice %arg8[%dma_start3A_951, %dma_start3A_953, %dma_start3A_954] : memref<2x5x80xi32, #tpu.memory_space<vmem>> -> memref<1x5x80xi32, #tpu.memory_space<vmem>>
      %dma_start3A_956 = tpu.memref_squeeze %dma_start3A_955 : memref<1x5x80xi32, #tpu.memory_space<vmem>> -> memref<5x80xi32, #tpu.memory_space<vmem>>
      %dma_start3A_957 = arith.constant 0 : i32
      %dma_start3A_958 = tpu.memref_slice %dma_start3A_956[%dma_start3A_952, %dma_start3A_957] : memref<5x80xi32, #tpu.memory_space<vmem>> -> memref<1x80xi32, #tpu.memory_space<vmem>>
      %dma_start3A_959 = tpu.memref_squeeze %dma_start3A_958 : memref<1x80xi32, #tpu.memory_space<vmem>> -> memref<80xi32, #tpu.memory_space<vmem>>
      %dma_start3A_960 = tpu.memref_slice %arg3[%add3A_950] : memref<1600000xi32, #tpu.memory_space<hbm>> -> memref<80xi32, #tpu.memory_space<hbm>>
      %dma_start3A_961 = arith.constant 0 : i32
      %dma_start3A_962 = arith.constant 0 : i32
      %dma_start3A_963 = tpu.memref_slice %arg8[%dma_start3A_951, %dma_start3A_961, %dma_start3A_962] : memref<2x5x80xi32, #tpu.memory_space<vmem>> -> memref<1x5x80xi32, #tpu.memory_space<vmem>>
      %dma_start3A_964 = tpu.memref_squeeze %dma_start3A_963 : memref<1x5x80xi32, #tpu.memory_space<vmem>> -> memref<5x80xi32, #tpu.memory_space<vmem>>
      %dma_start3A_965 = arith.constant 0 : i32
      %dma_start3A_966 = tpu.memref_slice %dma_start3A_964[%dma_start3A_952, %dma_start3A_965] : memref<5x80xi32, #tpu.memory_space<vmem>> -> memref<1x80xi32, #tpu.memory_space<vmem>>
      %dma_start3A_967 = tpu.memref_squeeze %dma_start3A_966 : memref<1x80xi32, #tpu.memory_space<vmem>> -> memref<80xi32, #tpu.memory_space<vmem>>
      %dma_start3A_968 = tpu.memref_slice %arg3[%add3A_950] : memref<1600000xi32, #tpu.memory_space<hbm>> -> memref<80xi32, #tpu.memory_space<hbm>>
      tpu.enqueue_dma source(%dma_start3A_968 : memref<80xi32, #tpu.memory_space<hbm>>) target(%dma_start3A_967 : memref<80xi32, #tpu.memory_space<vmem>>) target_semaphore(%arg11 : memref<!tpu.dma_semaphore, #tpu.memory_space<semaphore_mem>>)
      %add3A_969 = arith.constant 800000 : i32
      %add3A_970 = arith.addi %add3A_969, %add3A_820 : i32
      %add3A_971 = arith.constant 240 : i32
      %add3A_972 = arith.addi %add3A_970, %add3A_971 : i32
      %dma_start3A_973 = arith.constant 0 : i32
      %dma_start3A_974 = arith.constant 3 : i32
      %dma_start3A_975 = arith.constant 0 : i32
      %dma_start3A_976 = arith.constant 0 : i32
      %dma_start3A_977 = tpu.memref_slice %arg9[%dma_start3A_973, %dma_start3A_975, %dma_start3A_976] : memref<2x5x80xi32, #tpu.memory_space<vmem>> -> memref<1x5x80xi32, #tpu.memory_space<vmem>>
      %dma_start3A_978 = tpu.memref_squeeze %dma_start3A_977 : memref<1x5x80xi32, #tpu.memory_space<vmem>> -> memref<5x80xi32, #tpu.memory_space<vmem>>
      %dma_start3A_979 = arith.constant 0 : i32
      %dma_start3A_980 = tpu.memref_slice %dma_start3A_978[%dma_start3A_974, %dma_start3A_979] : memref<5x80xi32, #tpu.memory_space<vmem>> -> memref<1x80xi32, #tpu.memory_space<vmem>>
      %dma_start3A_981 = tpu.memref_squeeze %dma_start3A_980 : memref<1x80xi32, #tpu.memory_space<vmem>> -> memref<80xi32, #tpu.memory_space<vmem>>
      %dma_start3A_982 = tpu.memref_slice %arg3[%add3A_972] : memref<1600000xi32, #tpu.memory_space<hbm>> -> memref<80xi32, #tpu.memory_space<hbm>>
      %dma_start3A_983 = arith.constant 0 : i32
      %dma_start3A_984 = arith.constant 0 : i32
      %dma_start3A_985 = tpu.memref_slice %arg9[%dma_start3A_973, %dma_start3A_983, %dma_start3A_984] : memref<2x5x80xi32, #tpu.memory_space<vmem>> -> memref<1x5x80xi32, #tpu.memory_space<vmem>>
      %dma_start3A_986 = tpu.memref_squeeze %dma_start3A_985 : memref<1x5x80xi32, #tpu.memory_space<vmem>> -> memref<5x80xi32, #tpu.memory_space<vmem>>
      %dma_start3A_987 = arith.constant 0 : i32
      %dma_start3A_988 = tpu.memref_slice %dma_start3A_986[%dma_start3A_974, %dma_start3A_987] : memref<5x80xi32, #tpu.memory_space<vmem>> -> memref<1x80xi32, #tpu.memory_space<vmem>>
      %dma_start3A_989 = tpu.memref_squeeze %dma_start3A_988 : memref<1x80xi32, #tpu.memory_space<vmem>> -> memref<80xi32, #tpu.memory_space<vmem>>
      %dma_start3A_990 = tpu.memref_slice %arg3[%add3A_972] : memref<1600000xi32, #tpu.memory_space<hbm>> -> memref<80xi32, #tpu.memory_space<hbm>>
      tpu.enqueue_dma source(%dma_start3A_990 : memref<80xi32, #tpu.memory_space<hbm>>) target(%dma_start3A_989 : memref<80xi32, #tpu.memory_space<vmem>>) target_semaphore(%arg11 : memref<!tpu.dma_semaphore, #tpu.memory_space<semaphore_mem>>)
      %add3A_991 = arith.constant 320 : i32
      %add3A_992 = arith.addi %add3A_820, %add3A_991 : i32
      %dma_start3A_993 = arith.constant 0 : i32
      %dma_start3A_994 = arith.constant 4 : i32
      %dma_start3A_995 = arith.constant 0 : i32
      %dma_start3A_996 = arith.constant 0 : i32
      %dma_start3A_997 = tpu.memref_slice %arg8[%dma_start3A_993, %dma_start3A_995, %dma_start3A_996] : memref<2x5x80xi32, #tpu.memory_space<vmem>> -> memref<1x5x80xi32, #tpu.memory_space<vmem>>
      %dma_start3A_998 = tpu.memref_squeeze %dma_start3A_997 : memref<1x5x80xi32, #tpu.memory_space<vmem>> -> memref<5x80xi32, #tpu.memory_space<vmem>>
      %dma_start3A_999 = arith.constant 0 : i32
      %dma_start3A_1000 = tpu.memref_slice %dma_start3A_998[%dma_start3A_994, %dma_start3A_999] : memref<5x80xi32, #tpu.memory_space<vmem>> -> memref<1x80xi32, #tpu.memory_space<vmem>>
      %dma_start3A_1001 = tpu.memref_squeeze %dma_start3A_1000 : memref<1x80xi32, #tpu.memory_space<vmem>> -> memref<80xi32, #tpu.memory_space<vmem>>
      %dma_start3A_1002 = tpu.memref_slice %arg3[%add3A_992] : memref<1600000xi32, #tpu.memory_space<hbm>> -> memref<80xi32, #tpu.memory_space<hbm>>
      %dma_start3A_1003 = arith.constant 0 : i32
      %dma_start3A_1004 = arith.constant 0 : i32
      %dma_start3A_1005 = tpu.memref_slice %arg8[%dma_start3A_993, %dma_start3A_1003, %dma_start3A_1004] : memref<2x5x80xi32, #tpu.memory_space<vmem>> -> memref<1x5x80xi32, #tpu.memory_space<vmem>>
      %dma_start3A_1006 = tpu.memref_squeeze %dma_start3A_1005 : memref<1x5x80xi32, #tpu.memory_space<vmem>> -> memref<5x80xi32, #tpu.memory_space<vmem>>
      %dma_start3A_1007 = arith.constant 0 : i32
      %dma_start3A_1008 = tpu.memref_slice %dma_start3A_1006[%dma_start3A_994, %dma_start3A_1007] : memref<5x80xi32, #tpu.memory_space<vmem>> -> memref<1x80xi32, #tpu.memory_space<vmem>>
      %dma_start3A_1009 = tpu.memref_squeeze %dma_start3A_1008 : memref<1x80xi32, #tpu.memory_space<vmem>> -> memref<80xi32, #tpu.memory_space<vmem>>
      %dma_start3A_1010 = tpu.memref_slice %arg3[%add3A_992] : memref<1600000xi32, #tpu.memory_space<hbm>> -> memref<80xi32, #tpu.memory_space<hbm>>
      tpu.enqueue_dma source(%dma_start3A_1010 : memref<80xi32, #tpu.memory_space<hbm>>) target(%dma_start3A_1009 : memref<80xi32, #tpu.memory_space<vmem>>) target_semaphore(%arg11 : memref<!tpu.dma_semaphore, #tpu.memory_space<semaphore_mem>>)
      %add3A_1011 = arith.constant 800000 : i32
      %add3A_1012 = arith.addi %add3A_1011, %add3A_820 : i32
      %add3A_1013 = arith.constant 320 : i32
      %add3A_1014 = arith.addi %add3A_1012, %add3A_1013 : i32
      %dma_start3A_1015 = arith.constant 0 : i32
      %dma_start3A_1016 = arith.constant 4 : i32
      %dma_start3A_1017 = arith.constant 0 : i32
      %dma_start3A_1018 = arith.constant 0 : i32
      %dma_start3A_1019 = tpu.memref_slice %arg9[%dma_start3A_1015, %dma_start3A_1017, %dma_start3A_1018] : memref<2x5x80xi32, #tpu.memory_space<vmem>> -> memref<1x5x80xi32, #tpu.memory_space<vmem>>
      %dma_start3A_1020 = tpu.memref_squeeze %dma_start3A_1019 : memref<1x5x80xi32, #tpu.memory_space<vmem>> -> memref<5x80xi32, #tpu.memory_space<vmem>>
      %dma_start3A_1021 = arith.constant 0 : i32
      %dma_start3A_1022 = tpu.memref_slice %dma_start3A_1020[%dma_start3A_1016, %dma_start3A_1021] : memref<5x80xi32, #tpu.memory_space<vmem>> -> memref<1x80xi32, #tpu.memory_space<vmem>>
      %dma_start3A_1023 = tpu.memref_squeeze %dma_start3A_1022 : memref<1x80xi32, #tpu.memory_space<vmem>> -> memref<80xi32, #tpu.memory_space<vmem>>
      %dma_start3A_1024 = tpu.memref_slice %arg3[%add3A_1014] : memref<1600000xi32, #tpu.memory_space<hbm>> -> memref<80xi32, #tpu.memory_space<hbm>>
      %dma_start3A_1025 = arith.constant 0 : i32
      %dma_start3A_1026 = arith.constant 0 : i32
      %dma_start3A_1027 = tpu.memref_slice %arg9[%dma_start3A_1015, %dma_start3A_1025, %dma_start3A_1026] : memref<2x5x80xi32, #tpu.memory_space<vmem>> -> memref<1x5x80xi32, #tpu.memory_space<vmem>>
      %dma_start3A_1028 = tpu.memref_squeeze %dma_start3A_1027 : memref<1x5x80xi32, #tpu.memory_space<vmem>> -> memref<5x80xi32, #tpu.memory_space<vmem>>
      %dma_start3A_1029 = arith.constant 0 : i32
      %dma_start3A_1030 = tpu.memref_slice %dma_start3A_1028[%dma_start3A_1016, %dma_start3A_1029] : memref<5x80xi32, #tpu.memory_space<vmem>> -> memref<1x80xi32, #tpu.memory_space<vmem>>
      %dma_start3A_1031 = tpu.memref_squeeze %dma_start3A_1030 : memref<1x80xi32, #tpu.memory_space<vmem>> -> memref<80xi32, #tpu.memory_space<vmem>>
      %dma_start3A_1032 = tpu.memref_slice %arg3[%add3A_1014] : memref<1600000xi32, #tpu.memory_space<hbm>> -> memref<80xi32, #tpu.memory_space<hbm>>
      tpu.enqueue_dma source(%dma_start3A_1032 : memref<80xi32, #tpu.memory_space<hbm>>) target(%dma_start3A_1031 : memref<80xi32, #tpu.memory_space<vmem>>) target_semaphore(%arg11 : memref<!tpu.dma_semaphore, #tpu.memory_space<semaphore_mem>>)
      %add3A_1033 = arith.constant 0 : i32
      %add3A_1034 = arith.addi %add3A_820, %add3A_1033 : i32
      %dma_wait3A_1035 = arith.constant 0 : i32
      %dma_wait3A_1036 = arith.constant 0 : i32
      %dma_wait3A_1037 = arith.constant 0 : i32
      %dma_wait3A_1038 = arith.constant 0 : i32
      %dma_wait3A_1039 = tpu.memref_slice %arg8[%dma_wait3A_1035, %dma_wait3A_1037, %dma_wait3A_1038] : memref<2x5x80xi32, #tpu.memory_space<vmem>> -> memref<1x5x80xi32, #tpu.memory_space<vmem>>
      %dma_wait3A_1040 = tpu.memref_squeeze %dma_wait3A_1039 : memref<1x5x80xi32, #tpu.memory_space<vmem>> -> memref<5x80xi32, #tpu.memory_space<vmem>>
      %dma_wait3A_1041 = arith.constant 0 : i32
      %dma_wait3A_1042 = tpu.memref_slice %dma_wait3A_1040[%dma_wait3A_1036, %dma_wait3A_1041] : memref<5x80xi32, #tpu.memory_space<vmem>> -> memref<1x80xi32, #tpu.memory_space<vmem>>
      %dma_wait3A_1043 = tpu.memref_squeeze %dma_wait3A_1042 : memref<1x80xi32, #tpu.memory_space<vmem>> -> memref<80xi32, #tpu.memory_space<vmem>>
      %dma_wait3A_1044 = tpu.memref_slice %arg3[%add3A_1034] : memref<1600000xi32, #tpu.memory_space<hbm>> -> memref<80xi32, #tpu.memory_space<hbm>>
      %dma_wait3A_1045 = arith.constant 0 : i32
      %dma_wait3A_1046 = arith.constant 0 : i32
      %dma_wait3A_1047 = tpu.memref_slice %arg8[%dma_wait3A_1035, %dma_wait3A_1045, %dma_wait3A_1046] : memref<2x5x80xi32, #tpu.memory_space<vmem>> -> memref<1x5x80xi32, #tpu.memory_space<vmem>>
      %dma_wait3A_1048 = tpu.memref_squeeze %dma_wait3A_1047 : memref<1x5x80xi32, #tpu.memory_space<vmem>> -> memref<5x80xi32, #tpu.memory_space<vmem>>
      %dma_wait3A_1049 = arith.constant 0 : i32
      %dma_wait3A_1050 = tpu.memref_slice %dma_wait3A_1048[%dma_wait3A_1036, %dma_wait3A_1049] : memref<5x80xi32, #tpu.memory_space<vmem>> -> memref<1x80xi32, #tpu.memory_space<vmem>>
      %dma_wait3A_1051 = tpu.memref_squeeze %dma_wait3A_1050 : memref<1x80xi32, #tpu.memory_space<vmem>> -> memref<80xi32, #tpu.memory_space<vmem>>
      %dma_wait3A_1052 = tpu.memref_slice %arg3[%add3A_1034] : memref<1600000xi32, #tpu.memory_space<hbm>> -> memref<80xi32, #tpu.memory_space<hbm>>
      tpu.wait_dma2 semaphore(%arg11 : memref<!tpu.dma_semaphore, #tpu.memory_space<semaphore_mem>>) src(%dma_wait3A_1052 : memref<80xi32, #tpu.memory_space<hbm>>) dst(%dma_wait3A_1051 : memref<80xi32, #tpu.memory_space<vmem>>)
      %add3A_1053 = arith.constant 0 : i32
      %add3A_1054 = arith.addi %add3A_820, %add3A_1053 : i32
      %dma_wait3A_1055 = arith.constant 0 : i32
      %dma_wait3A_1056 = arith.constant 0 : i32
      %dma_wait3A_1057 = arith.constant 0 : i32
      %dma_wait3A_1058 = arith.constant 0 : i32
      %dma_wait3A_1059 = tpu.memref_slice %arg9[%dma_wait3A_1055, %dma_wait3A_1057, %dma_wait3A_1058] : memref<2x5x80xi32, #tpu.memory_space<vmem>> -> memref<1x5x80xi32, #tpu.memory_space<vmem>>
      %dma_wait3A_1060 = tpu.memref_squeeze %dma_wait3A_1059 : memref<1x5x80xi32, #tpu.memory_space<vmem>> -> memref<5x80xi32, #tpu.memory_space<vmem>>
      %dma_wait3A_1061 = arith.constant 0 : i32
      %dma_wait3A_1062 = tpu.memref_slice %dma_wait3A_1060[%dma_wait3A_1056, %dma_wait3A_1061] : memref<5x80xi32, #tpu.memory_space<vmem>> -> memref<1x80xi32, #tpu.memory_space<vmem>>
      %dma_wait3A_1063 = tpu.memref_squeeze %dma_wait3A_1062 : memref<1x80xi32, #tpu.memory_space<vmem>> -> memref<80xi32, #tpu.memory_space<vmem>>
      %dma_wait3A_1064 = tpu.memref_slice %arg3[%add3A_1054] : memref<1600000xi32, #tpu.memory_space<hbm>> -> memref<80xi32, #tpu.memory_space<hbm>>
      %dma_wait3A_1065 = arith.constant 0 : i32
      %dma_wait3A_1066 = arith.constant 0 : i32
      %dma_wait3A_1067 = tpu.memref_slice %arg9[%dma_wait3A_1055, %dma_wait3A_1065, %dma_wait3A_1066] : memref<2x5x80xi32, #tpu.memory_space<vmem>> -> memref<1x5x80xi32, #tpu.memory_space<vmem>>
      %dma_wait3A_1068 = tpu.memref_squeeze %dma_wait3A_1067 : memref<1x5x80xi32, #tpu.memory_space<vmem>> -> memref<5x80xi32, #tpu.memory_space<vmem>>
      %dma_wait3A_1069 = arith.constant 0 : i32
      %dma_wait3A_1070 = tpu.memref_slice %dma_wait3A_1068[%dma_wait3A_1056, %dma_wait3A_1069] : memref<5x80xi32, #tpu.memory_space<vmem>> -> memref<1x80xi32, #tpu.memory_space<vmem>>
      %dma_wait3A_1071 = tpu.memref_squeeze %dma_wait3A_1070 : memref<1x80xi32, #tpu.memory_space<vmem>> -> memref<80xi32, #tpu.memory_space<vmem>>
      %dma_wait3A_1072 = tpu.memref_slice %arg3[%add3A_1054] : memref<1600000xi32, #tpu.memory_space<hbm>> -> memref<80xi32, #tpu.memory_space<hbm>>
      tpu.wait_dma2 semaphore(%arg11 : memref<!tpu.dma_semaphore, #tpu.memory_space<semaphore_mem>>) src(%dma_wait3A_1072 : memref<80xi32, #tpu.memory_space<hbm>>) dst(%dma_wait3A_1071 : memref<80xi32, #tpu.memory_space<vmem>>)
      %add3A_1073 = arith.constant 80 : i32
      %add3A_1074 = arith.addi %add3A_820, %add3A_1073 : i32
      %dma_wait3A_1075 = arith.constant 0 : i32
      %dma_wait3A_1076 = arith.constant 1 : i32
      %dma_wait3A_1077 = arith.constant 0 : i32
      %dma_wait3A_1078 = arith.constant 0 : i32
      %dma_wait3A_1079 = tpu.memref_slice %arg8[%dma_wait3A_1075, %dma_wait3A_1077, %dma_wait3A_1078] : memref<2x5x80xi32, #tpu.memory_space<vmem>> -> memref<1x5x80xi32, #tpu.memory_space<vmem>>
      %dma_wait3A_1080 = tpu.memref_squeeze %dma_wait3A_1079 : memref<1x5x80xi32, #tpu.memory_space<vmem>> -> memref<5x80xi32, #tpu.memory_space<vmem>>
      %dma_wait3A_1081 = arith.constant 0 : i32
      %dma_wait3A_1082 = tpu.memref_slice %dma_wait3A_1080[%dma_wait3A_1076, %dma_wait3A_1081] : memref<5x80xi32, #tpu.memory_space<vmem>> -> memref<1x80xi32, #tpu.memory_space<vmem>>
      %dma_wait3A_1083 = tpu.memref_squeeze %dma_wait3A_1082 : memref<1x80xi32, #tpu.memory_space<vmem>> -> memref<80xi32, #tpu.memory_space<vmem>>
      %dma_wait3A_1084 = tpu.memref_slice %arg3[%add3A_1074] : memref<1600000xi32, #tpu.memory_space<hbm>> -> memref<80xi32, #tpu.memory_space<hbm>>
      %dma_wait3A_1085 = arith.constant 0 : i32
      %dma_wait3A_1086 = arith.constant 0 : i32
      %dma_wait3A_1087 = tpu.memref_slice %arg8[%dma_wait3A_1075, %dma_wait3A_1085, %dma_wait3A_1086] : memref<2x5x80xi32, #tpu.memory_space<vmem>> -> memref<1x5x80xi32, #tpu.memory_space<vmem>>
      %dma_wait3A_1088 = tpu.memref_squeeze %dma_wait3A_1087 : memref<1x5x80xi32, #tpu.memory_space<vmem>> -> memref<5x80xi32, #tpu.memory_space<vmem>>
      %dma_wait3A_1089 = arith.constant 0 : i32
      %dma_wait3A_1090 = tpu.memref_slice %dma_wait3A_1088[%dma_wait3A_1076, %dma_wait3A_1089] : memref<5x80xi32, #tpu.memory_space<vmem>> -> memref<1x80xi32, #tpu.memory_space<vmem>>
      %dma_wait3A_1091 = tpu.memref_squeeze %dma_wait3A_1090 : memref<1x80xi32, #tpu.memory_space<vmem>> -> memref<80xi32, #tpu.memory_space<vmem>>
      %dma_wait3A_1092 = tpu.memref_slice %arg3[%add3A_1074] : memref<1600000xi32, #tpu.memory_space<hbm>> -> memref<80xi32, #tpu.memory_space<hbm>>
      tpu.wait_dma2 semaphore(%arg11 : memref<!tpu.dma_semaphore, #tpu.memory_space<semaphore_mem>>) src(%dma_wait3A_1092 : memref<80xi32, #tpu.memory_space<hbm>>) dst(%dma_wait3A_1091 : memref<80xi32, #tpu.memory_space<vmem>>)
      %add3A_1093 = arith.constant 80 : i32
      %add3A_1094 = arith.addi %add3A_820, %add3A_1093 : i32
      %dma_wait3A_1095 = arith.constant 0 : i32
      %dma_wait3A_1096 = arith.constant 1 : i32
      %dma_wait3A_1097 = arith.constant 0 : i32
      %dma_wait3A_1098 = arith.constant 0 : i32
      %dma_wait3A_1099 = tpu.memref_slice %arg9[%dma_wait3A_1095, %dma_wait3A_1097, %dma_wait3A_1098] : memref<2x5x80xi32, #tpu.memory_space<vmem>> -> memref<1x5x80xi32, #tpu.memory_space<vmem>>
      %dma_wait3A_1100 = tpu.memref_squeeze %dma_wait3A_1099 : memref<1x5x80xi32, #tpu.memory_space<vmem>> -> memref<5x80xi32, #tpu.memory_space<vmem>>
      %dma_wait3A_1101 = arith.constant 0 : i32
      %dma_wait3A_1102 = tpu.memref_slice %dma_wait3A_1100[%dma_wait3A_1096, %dma_wait3A_1101] : memref<5x80xi32, #tpu.memory_space<vmem>> -> memref<1x80xi32, #tpu.memory_space<vmem>>
      %dma_wait3A_1103 = tpu.memref_squeeze %dma_wait3A_1102 : memref<1x80xi32, #tpu.memory_space<vmem>> -> memref<80xi32, #tpu.memory_space<vmem>>
      %dma_wait3A_1104 = tpu.memref_slice %arg3[%add3A_1094] : memref<1600000xi32, #tpu.memory_space<hbm>> -> memref<80xi32, #tpu.memory_space<hbm>>
      %dma_wait3A_1105 = arith.constant 0 : i32
      %dma_wait3A_1106 = arith.constant 0 : i32
      %dma_wait3A_1107 = tpu.memref_slice %arg9[%dma_wait3A_1095, %dma_wait3A_1105, %dma_wait3A_1106] : memref<2x5x80xi32, #tpu.memory_space<vmem>> -> memref<1x5x80xi32, #tpu.memory_space<vmem>>
      %dma_wait3A_1108 = tpu.memref_squeeze %dma_wait3A_1107 : memref<1x5x80xi32, #tpu.memory_space<vmem>> -> memref<5x80xi32, #tpu.memory_space<vmem>>
      %dma_wait3A_1109 = arith.constant 0 : i32
      %dma_wait3A_1110 = tpu.memref_slice %dma_wait3A_1108[%dma_wait3A_1096, %dma_wait3A_1109] : memref<5x80xi32, #tpu.memory_space<vmem>> -> memref<1x80xi32, #tpu.memory_space<vmem>>
      %dma_wait3A_1111 = tpu.memref_squeeze %dma_wait3A_1110 : memref<1x80xi32, #tpu.memory_space<vmem>> -> memref<80xi32, #tpu.memory_space<vmem>>
      %dma_wait3A_1112 = tpu.memref_slice %arg3[%add3A_1094] : memref<1600000xi32, #tpu.memory_space<hbm>> -> memref<80xi32, #tpu.memory_space<hbm>>
      tpu.wait_dma2 semaphore(%arg11 : memref<!tpu.dma_semaphore, #tpu.memory_space<semaphore_mem>>) src(%dma_wait3A_1112 : memref<80xi32, #tpu.memory_space<hbm>>) dst(%dma_wait3A_1111 : memref<80xi32, #tpu.memory_space<vmem>>)
      %add3A_1113 = arith.constant 160 : i32
      %add3A_1114 = arith.addi %add3A_820, %add3A_1113 : i32
      %dma_wait3A_1115 = arith.constant 0 : i32
      %dma_wait3A_1116 = arith.constant 2 : i32
      %dma_wait3A_1117 = arith.constant 0 : i32
      %dma_wait3A_1118 = arith.constant 0 : i32
      %dma_wait3A_1119 = tpu.memref_slice %arg8[%dma_wait3A_1115, %dma_wait3A_1117, %dma_wait3A_1118] : memref<2x5x80xi32, #tpu.memory_space<vmem>> -> memref<1x5x80xi32, #tpu.memory_space<vmem>>
      %dma_wait3A_1120 = tpu.memref_squeeze %dma_wait3A_1119 : memref<1x5x80xi32, #tpu.memory_space<vmem>> -> memref<5x80xi32, #tpu.memory_space<vmem>>
      %dma_wait3A_1121 = arith.constant 0 : i32
      %dma_wait3A_1122 = tpu.memref_slice %dma_wait3A_1120[%dma_wait3A_1116, %dma_wait3A_1121] : memref<5x80xi32, #tpu.memory_space<vmem>> -> memref<1x80xi32, #tpu.memory_space<vmem>>
      %dma_wait3A_1123 = tpu.memref_squeeze %dma_wait3A_1122 : memref<1x80xi32, #tpu.memory_space<vmem>> -> memref<80xi32, #tpu.memory_space<vmem>>
      %dma_wait3A_1124 = tpu.memref_slice %arg3[%add3A_1114] : memref<1600000xi32, #tpu.memory_space<hbm>> -> memref<80xi32, #tpu.memory_space<hbm>>
      %dma_wait3A_1125 = arith.constant 0 : i32
      %dma_wait3A_1126 = arith.constant 0 : i32
      %dma_wait3A_1127 = tpu.memref_slice %arg8[%dma_wait3A_1115, %dma_wait3A_1125, %dma_wait3A_1126] : memref<2x5x80xi32, #tpu.memory_space<vmem>> -> memref<1x5x80xi32, #tpu.memory_space<vmem>>
      %dma_wait3A_1128 = tpu.memref_squeeze %dma_wait3A_1127 : memref<1x5x80xi32, #tpu.memory_space<vmem>> -> memref<5x80xi32, #tpu.memory_space<vmem>>
      %dma_wait3A_1129 = arith.constant 0 : i32
      %dma_wait3A_1130 = tpu.memref_slice %dma_wait3A_1128[%dma_wait3A_1116, %dma_wait3A_1129] : memref<5x80xi32, #tpu.memory_space<vmem>> -> memref<1x80xi32, #tpu.memory_space<vmem>>
      %dma_wait3A_1131 = tpu.memref_squeeze %dma_wait3A_1130 : memref<1x80xi32, #tpu.memory_space<vmem>> -> memref<80xi32, #tpu.memory_space<vmem>>
      %dma_wait3A_1132 = tpu.memref_slice %arg3[%add3A_1114] : memref<1600000xi32, #tpu.memory_space<hbm>> -> memref<80xi32, #tpu.memory_space<hbm>>
      tpu.wait_dma2 semaphore(%arg11 : memref<!tpu.dma_semaphore, #tpu.memory_space<semaphore_mem>>) src(%dma_wait3A_1132 : memref<80xi32, #tpu.memory_space<hbm>>) dst(%dma_wait3A_1131 : memref<80xi32, #tpu.memory_space<vmem>>)
      %add3A_1133 = arith.constant 160 : i32
      %add3A_1134 = arith.addi %add3A_820, %add3A_1133 : i32
      %dma_wait3A_1135 = arith.constant 0 : i32
      %dma_wait3A_1136 = arith.constant 2 : i32
      %dma_wait3A_1137 = arith.constant 0 : i32
      %dma_wait3A_1138 = arith.constant 0 : i32
      %dma_wait3A_1139 = tpu.memref_slice %arg9[%dma_wait3A_1135, %dma_wait3A_1137, %dma_wait3A_1138] : memref<2x5x80xi32, #tpu.memory_space<vmem>> -> memref<1x5x80xi32, #tpu.memory_space<vmem>>
      %dma_wait3A_1140 = tpu.memref_squeeze %dma_wait3A_1139 : memref<1x5x80xi32, #tpu.memory_space<vmem>> -> memref<5x80xi32, #tpu.memory_space<vmem>>
      %dma_wait3A_1141 = arith.constant 0 : i32
      %dma_wait3A_1142 = tpu.memref_slice %dma_wait3A_1140[%dma_wait3A_1136, %dma_wait3A_1141] : memref<5x80xi32, #tpu.memory_space<vmem>> -> memref<1x80xi32, #tpu.memory_space<vmem>>
      %dma_wait3A_1143 = tpu.memref_squeeze %dma_wait3A_1142 : memref<1x80xi32, #tpu.memory_space<vmem>> -> memref<80xi32, #tpu.memory_space<vmem>>
      %dma_wait3A_1144 = tpu.memref_slice %arg3[%add3A_1134] : memref<1600000xi32, #tpu.memory_space<hbm>> -> memref<80xi32, #tpu.memory_space<hbm>>
      %dma_wait3A_1145 = arith.constant 0 : i32
      %dma_wait3A_1146 = arith.constant 0 : i32
      %dma_wait3A_1147 = tpu.memref_slice %arg9[%dma_wait3A_1135, %dma_wait3A_1145, %dma_wait3A_1146] : memref<2x5x80xi32, #tpu.memory_space<vmem>> -> memref<1x5x80xi32, #tpu.memory_space<vmem>>
      %dma_wait3A_1148 = tpu.memref_squeeze %dma_wait3A_1147 : memref<1x5x80xi32, #tpu.memory_space<vmem>> -> memref<5x80xi32, #tpu.memory_space<vmem>>
      %dma_wait3A_1149 = arith.constant 0 : i32
      %dma_wait3A_1150 = tpu.memref_slice %dma_wait3A_1148[%dma_wait3A_1136, %dma_wait3A_1149] : memref<5x80xi32, #tpu.memory_space<vmem>> -> memref<1x80xi32, #tpu.memory_space<vmem>>
      %dma_wait3A_1151 = tpu.memref_squeeze %dma_wait3A_1150 : memref<1x80xi32, #tpu.memory_space<vmem>> -> memref<80xi32, #tpu.memory_space<vmem>>
      %dma_wait3A_1152 = tpu.memref_slice %arg3[%add3A_1134] : memref<1600000xi32, #tpu.memory_space<hbm>> -> memref<80xi32, #tpu.memory_space<hbm>>
      tpu.wait_dma2 semaphore(%arg11 : memref<!tpu.dma_semaphore, #tpu.memory_space<semaphore_mem>>) src(%dma_wait3A_1152 : memref<80xi32, #tpu.memory_space<hbm>>) dst(%dma_wait3A_1151 : memref<80xi32, #tpu.memory_space<vmem>>)
      %add3A_1153 = arith.constant 240 : i32
      %add3A_1154 = arith.addi %add3A_820, %add3A_1153 : i32
      %dma_wait3A_1155 = arith.constant 0 : i32
      %dma_wait3A_1156 = arith.constant 3 : i32
      %dma_wait3A_1157 = arith.constant 0 : i32
      %dma_wait3A_1158 = arith.constant 0 : i32
      %dma_wait3A_1159 = tpu.memref_slice %arg8[%dma_wait3A_1155, %dma_wait3A_1157, %dma_wait3A_1158] : memref<2x5x80xi32, #tpu.memory_space<vmem>> -> memref<1x5x80xi32, #tpu.memory_space<vmem>>
      %dma_wait3A_1160 = tpu.memref_squeeze %dma_wait3A_1159 : memref<1x5x80xi32, #tpu.memory_space<vmem>> -> memref<5x80xi32, #tpu.memory_space<vmem>>
      %dma_wait3A_1161 = arith.constant 0 : i32
      %dma_wait3A_1162 = tpu.memref_slice %dma_wait3A_1160[%dma_wait3A_1156, %dma_wait3A_1161] : memref<5x80xi32, #tpu.memory_space<vmem>> -> memref<1x80xi32, #tpu.memory_space<vmem>>
      %dma_wait3A_1163 = tpu.memref_squeeze %dma_wait3A_1162 : memref<1x80xi32, #tpu.memory_space<vmem>> -> memref<80xi32, #tpu.memory_space<vmem>>
      %dma_wait3A_1164 = tpu.memref_slice %arg3[%add3A_1154] : memref<1600000xi32, #tpu.memory_space<hbm>> -> memref<80xi32, #tpu.memory_space<hbm>>
      %dma_wait3A_1165 = arith.constant 0 : i32
      %dma_wait3A_1166 = arith.constant 0 : i32
      %dma_wait3A_1167 = tpu.memref_slice %arg8[%dma_wait3A_1155, %dma_wait3A_1165, %dma_wait3A_1166] : memref<2x5x80xi32, #tpu.memory_space<vmem>> -> memref<1x5x80xi32, #tpu.memory_space<vmem>>
      %dma_wait3A_1168 = tpu.memref_squeeze %dma_wait3A_1167 : memref<1x5x80xi32, #tpu.memory_space<vmem>> -> memref<5x80xi32, #tpu.memory_space<vmem>>
      %dma_wait3A_1169 = arith.constant 0 : i32
      %dma_wait3A_1170 = tpu.memref_slice %dma_wait3A_1168[%dma_wait3A_1156, %dma_wait3A_1169] : memref<5x80xi32, #tpu.memory_space<vmem>> -> memref<1x80xi32, #tpu.memory_space<vmem>>
      %dma_wait3A_1171 = tpu.memref_squeeze %dma_wait3A_1170 : memref<1x80xi32, #tpu.memory_space<vmem>> -> memref<80xi32, #tpu.memory_space<vmem>>
      %dma_wait3A_1172 = tpu.memref_slice %arg3[%add3A_1154] : memref<1600000xi32, #tpu.memory_space<hbm>> -> memref<80xi32, #tpu.memory_space<hbm>>
      tpu.wait_dma2 semaphore(%arg11 : memref<!tpu.dma_semaphore, #tpu.memory_space<semaphore_mem>>) src(%dma_wait3A_1172 : memref<80xi32, #tpu.memory_space<hbm>>) dst(%dma_wait3A_1171 : memref<80xi32, #tpu.memory_space<vmem>>)
      %add3A_1173 = arith.constant 240 : i32
      %add3A_1174 = arith.addi %add3A_820, %add3A_1173 : i32
      %dma_wait3A_1175 = arith.constant 0 : i32
      %dma_wait3A_1176 = arith.constant 3 : i32
      %dma_wait3A_1177 = arith.constant 0 : i32
      %dma_wait3A_1178 = arith.constant 0 : i32
      %dma_wait3A_1179 = tpu.memref_slice %arg9[%dma_wait3A_1175, %dma_wait3A_1177, %dma_wait3A_1178] : memref<2x5x80xi32, #tpu.memory_space<vmem>> -> memref<1x5x80xi32, #tpu.memory_space<vmem>>
      %dma_wait3A_1180 = tpu.memref_squeeze %dma_wait3A_1179 : memref<1x5x80xi32, #tpu.memory_space<vmem>> -> memref<5x80xi32, #tpu.memory_space<vmem>>
      %dma_wait3A_1181 = arith.constant 0 : i32
      %dma_wait3A_1182 = tpu.memref_slice %dma_wait3A_1180[%dma_wait3A_1176, %dma_wait3A_1181] : memref<5x80xi32, #tpu.memory_space<vmem>> -> memref<1x80xi32, #tpu.memory_space<vmem>>
      %dma_wait3A_1183 = tpu.memref_squeeze %dma_wait3A_1182 : memref<1x80xi32, #tpu.memory_space<vmem>> -> memref<80xi32, #tpu.memory_space<vmem>>
      %dma_wait3A_1184 = tpu.memref_slice %arg3[%add3A_1174] : memref<1600000xi32, #tpu.memory_space<hbm>> -> memref<80xi32, #tpu.memory_space<hbm>>
      %dma_wait3A_1185 = arith.constant 0 : i32
      %dma_wait3A_1186 = arith.constant 0 : i32
      %dma_wait3A_1187 = tpu.memref_slice %arg9[%dma_wait3A_1175, %dma_wait3A_1185, %dma_wait3A_1186] : memref<2x5x80xi32, #tpu.memory_space<vmem>> -> memref<1x5x80xi32, #tpu.memory_space<vmem>>
      %dma_wait3A_1188 = tpu.memref_squeeze %dma_wait3A_1187 : memref<1x5x80xi32, #tpu.memory_space<vmem>> -> memref<5x80xi32, #tpu.memory_space<vmem>>
      %dma_wait3A_1189 = arith.constant 0 : i32
      %dma_wait3A_1190 = tpu.memref_slice %dma_wait3A_1188[%dma_wait3A_1176, %dma_wait3A_1189] : memref<5x80xi32, #tpu.memory_space<vmem>> -> memref<1x80xi32, #tpu.memory_space<vmem>>
      %dma_wait3A_1191 = tpu.memref_squeeze %dma_wait3A_1190 : memref<1x80xi32, #tpu.memory_space<vmem>> -> memref<80xi32, #tpu.memory_space<vmem>>
      %dma_wait3A_1192 = tpu.memref_slice %arg3[%add3A_1174] : memref<1600000xi32, #tpu.memory_space<hbm>> -> memref<80xi32, #tpu.memory_space<hbm>>
      tpu.wait_dma2 semaphore(%arg11 : memref<!tpu.dma_semaphore, #tpu.memory_space<semaphore_mem>>) src(%dma_wait3A_1192 : memref<80xi32, #tpu.memory_space<hbm>>) dst(%dma_wait3A_1191 : memref<80xi32, #tpu.memory_space<vmem>>)
      %add3A_1193 = arith.constant 320 : i32
      %add3A_1194 = arith.addi %add3A_820, %add3A_1193 : i32
      %dma_wait3A_1195 = arith.constant 0 : i32
      %dma_wait3A_1196 = arith.constant 4 : i32
      %dma_wait3A_1197 = arith.constant 0 : i32
      %dma_wait3A_1198 = arith.constant 0 : i32
      %dma_wait3A_1199 = tpu.memref_slice %arg8[%dma_wait3A_1195, %dma_wait3A_1197, %dma_wait3A_1198] : memref<2x5x80xi32, #tpu.memory_space<vmem>> -> memref<1x5x80xi32, #tpu.memory_space<vmem>>
      %dma_wait3A_1200 = tpu.memref_squeeze %dma_wait3A_1199 : memref<1x5x80xi32, #tpu.memory_space<vmem>> -> memref<5x80xi32, #tpu.memory_space<vmem>>
      %dma_wait3A_1201 = arith.constant 0 : i32
      %dma_wait3A_1202 = tpu.memref_slice %dma_wait3A_1200[%dma_wait3A_1196, %dma_wait3A_1201] : memref<5x80xi32, #tpu.memory_space<vmem>> -> memref<1x80xi32, #tpu.memory_space<vmem>>
      %dma_wait3A_1203 = tpu.memref_squeeze %dma_wait3A_1202 : memref<1x80xi32, #tpu.memory_space<vmem>> -> memref<80xi32, #tpu.memory_space<vmem>>
      %dma_wait3A_1204 = tpu.memref_slice %arg3[%add3A_1194] : memref<1600000xi32, #tpu.memory_space<hbm>> -> memref<80xi32, #tpu.memory_space<hbm>>
      %dma_wait3A_1205 = arith.constant 0 : i32
      %dma_wait3A_1206 = arith.constant 0 : i32
      %dma_wait3A_1207 = tpu.memref_slice %arg8[%dma_wait3A_1195, %dma_wait3A_1205, %dma_wait3A_1206] : memref<2x5x80xi32, #tpu.memory_space<vmem>> -> memref<1x5x80xi32, #tpu.memory_space<vmem>>
      %dma_wait3A_1208 = tpu.memref_squeeze %dma_wait3A_1207 : memref<1x5x80xi32, #tpu.memory_space<vmem>> -> memref<5x80xi32, #tpu.memory_space<vmem>>
      %dma_wait3A_1209 = arith.constant 0 : i32
      %dma_wait3A_1210 = tpu.memref_slice %dma_wait3A_1208[%dma_wait3A_1196, %dma_wait3A_1209] : memref<5x80xi32, #tpu.memory_space<vmem>> -> memref<1x80xi32, #tpu.memory_space<vmem>>
      %dma_wait3A_1211 = tpu.memref_squeeze %dma_wait3A_1210 : memref<1x80xi32, #tpu.memory_space<vmem>> -> memref<80xi32, #tpu.memory_space<vmem>>
      %dma_wait3A_1212 = tpu.memref_slice %arg3[%add3A_1194] : memref<1600000xi32, #tpu.memory_space<hbm>> -> memref<80xi32, #tpu.memory_space<hbm>>
      tpu.wait_dma2 semaphore(%arg11 : memref<!tpu.dma_semaphore, #tpu.memory_space<semaphore_mem>>) src(%dma_wait3A_1212 : memref<80xi32, #tpu.memory_space<hbm>>) dst(%dma_wait3A_1211 : memref<80xi32, #tpu.memory_space<vmem>>)
      %add3A_1213 = arith.constant 320 : i32
      %add3A_1214 = arith.addi %add3A_820, %add3A_1213 : i32
      %dma_wait3A_1215 = arith.constant 0 : i32
      %dma_wait3A_1216 = arith.constant 4 : i32
      %dma_wait3A_1217 = arith.constant 0 : i32
      %dma_wait3A_1218 = arith.constant 0 : i32
      %dma_wait3A_1219 = tpu.memref_slice %arg9[%dma_wait3A_1215, %dma_wait3A_1217, %dma_wait3A_1218] : memref<2x5x80xi32, #tpu.memory_space<vmem>> -> memref<1x5x80xi32, #tpu.memory_space<vmem>>
      %dma_wait3A_1220 = tpu.memref_squeeze %dma_wait3A_1219 : memref<1x5x80xi32, #tpu.memory_space<vmem>> -> memref<5x80xi32, #tpu.memory_space<vmem>>
      %dma_wait3A_1221 = arith.constant 0 : i32
      %dma_wait3A_1222 = tpu.memref_slice %dma_wait3A_1220[%dma_wait3A_1216, %dma_wait3A_1221] : memref<5x80xi32, #tpu.memory_space<vmem>> -> memref<1x80xi32, #tpu.memory_space<vmem>>
      %dma_wait3A_1223 = tpu.memref_squeeze %dma_wait3A_1222 : memref<1x80xi32, #tpu.memory_space<vmem>> -> memref<80xi32, #tpu.memory_space<vmem>>
      %dma_wait3A_1224 = tpu.memref_slice %arg3[%add3A_1214] : memref<1600000xi32, #tpu.memory_space<hbm>> -> memref<80xi32, #tpu.memory_space<hbm>>
      %dma_wait3A_1225 = arith.constant 0 : i32
      %dma_wait3A_1226 = arith.constant 0 : i32
      %dma_wait3A_1227 = tpu.memref_slice %arg9[%dma_wait3A_1215, %dma_wait3A_1225, %dma_wait3A_1226] : memref<2x5x80xi32, #tpu.memory_space<vmem>> -> memref<1x5x80xi32, #tpu.memory_space<vmem>>
      %dma_wait3A_1228 = tpu.memref_squeeze %dma_wait3A_1227 : memref<1x5x80xi32, #tpu.memory_space<vmem>> -> memref<5x80xi32, #tpu.memory_space<vmem>>
      %dma_wait3A_1229 = arith.constant 0 : i32
      %dma_wait3A_1230 = tpu.memref_slice %dma_wait3A_1228[%dma_wait3A_1216, %dma_wait3A_1229] : memref<5x80xi32, #tpu.memory_space<vmem>> -> memref<1x80xi32, #tpu.memory_space<vmem>>
      %dma_wait3A_1231 = tpu.memref_squeeze %dma_wait3A_1230 : memref<1x80xi32, #tpu.memory_space<vmem>> -> memref<80xi32, #tpu.memory_space<vmem>>
      %dma_wait3A_1232 = tpu.memref_slice %arg3[%add3A_1214] : memref<1600000xi32, #tpu.memory_space<hbm>> -> memref<80xi32, #tpu.memory_space<hbm>>
      tpu.wait_dma2 semaphore(%arg11 : memref<!tpu.dma_semaphore, #tpu.memory_space<semaphore_mem>>) src(%dma_wait3A_1232 : memref<80xi32, #tpu.memory_space<hbm>>) dst(%dma_wait3A_1231 : memref<80xi32, #tpu.memory_space<vmem>>)
      %dma_wait3A_1233 = tpu.memref_slice %arg2[%add3A_820, %add3A_1] : memref<800000x128xf32, #tpu.memory_space<hbm>> -> memref<400x32xf32, #tpu.memory_space<hbm>>
      %dma_wait3A_1234 = tpu.memref_slice %arg2[%add3A_820, %add3A_1] : memref<800000x128xf32, #tpu.memory_space<hbm>> -> memref<400x32xf32, #tpu.memory_space<hbm>>
      tpu.wait_dma2 semaphore(%arg10 : memref<!tpu.dma_semaphore, #tpu.memory_space<semaphore_mem>>) src(%dma_wait3A_1234 : memref<400x32xf32, #tpu.memory_space<hbm>>) dst(%arg6 : memref<400x32xf32, #tpu.memory_space<vmem>>)
      %dma_start3A_1235 = arith.constant 0 : i32
      %dma_start3A_1236 = arith.constant 0 : i32
      %dma_start3A_1237 = arith.constant 0 : i32
      %dma_start3A_1238 = arith.constant 0 : i32
      %dma_start3A_1239 = tpu.memref_slice %arg6[%dma_start3A_1237, %dma_start3A_1238] : memref<400x32xf32, #tpu.memory_space<vmem>> -> memref<80x32xf32, #tpu.memory_space<vmem>>
      %dma_start3A_1240 = arith.constant 0 : i32
      %dma_start3A_1241 = arith.constant 0 : i32
      %dma_start3A_1242 = tpu.memref_slice %arg8[%dma_start3A_1235, %dma_start3A_1240, %dma_start3A_1241] : memref<2x5x80xi32, #tpu.memory_space<vmem>> -> memref<1x5x80xi32, #tpu.memory_space<vmem>>
      %dma_start3A_1243 = tpu.memref_squeeze %dma_start3A_1242 : memref<1x5x80xi32, #tpu.memory_space<vmem>> -> memref<5x80xi32, #tpu.memory_space<vmem>>
      %dma_start3A_1244 = arith.constant 0 : i32
      %dma_start3A_1245 = tpu.memref_slice %dma_start3A_1243[%dma_start3A_1236, %dma_start3A_1244] : memref<5x80xi32, #tpu.memory_space<vmem>> -> memref<1x80xi32, #tpu.memory_space<vmem>>
      %dma_start3A_1246 = tpu.memref_squeeze %dma_start3A_1245 : memref<1x80xi32, #tpu.memory_space<vmem>> -> memref<80xi32, #tpu.memory_space<vmem>>
      %dma_start3A_1247 = arith.constant 0 : i32
      %dma_start3A_1248 = arith.constant 0 : i32
      %dma_start3A_1249 = tpu.memref_slice %arg5[%dma_start3A_1247, %dma_start3A_1248] : memref<50000x32xf32, #tpu.memory_space<vmem_shared>> -> memref<50000x32xf32, #tpu.memory_space<vmem_shared>>
      tpu.enqueue_indirect_dma source(%dma_start3A_1239 : memref<80x32xf32, #tpu.memory_space<vmem>>) target(%dma_start3A_1249 : memref<50000x32xf32, #tpu.memory_space<vmem_shared>>) offsets(%dma_start3A_1246 : memref<80xi32, #tpu.memory_space<vmem>>) semaphore(%arg12 : memref<!tpu.dma_semaphore, #tpu.memory_space<semaphore_mem>>) {add = true}
      %dma_start3A_1250 = arith.constant 0 : i32
      %dma_start3A_1251 = arith.constant 0 : i32
      %dma_start3A_1252 = arith.constant 0 : i32
      %dma_start3A_1253 = arith.constant 0 : i32
      %dma_start3A_1254 = tpu.memref_slice %arg6[%dma_start3A_1252, %dma_start3A_1253] : memref<400x32xf32, #tpu.memory_space<vmem>> -> memref<80x32xf32, #tpu.memory_space<vmem>>
      %dma_start3A_1255 = arith.constant 0 : i32
      %dma_start3A_1256 = arith.constant 0 : i32
      %dma_start3A_1257 = tpu.memref_slice %arg9[%dma_start3A_1250, %dma_start3A_1255, %dma_start3A_1256] : memref<2x5x80xi32, #tpu.memory_space<vmem>> -> memref<1x5x80xi32, #tpu.memory_space<vmem>>
      %dma_start3A_1258 = tpu.memref_squeeze %dma_start3A_1257 : memref<1x5x80xi32, #tpu.memory_space<vmem>> -> memref<5x80xi32, #tpu.memory_space<vmem>>
      %dma_start3A_1259 = arith.constant 0 : i32
      %dma_start3A_1260 = tpu.memref_slice %dma_start3A_1258[%dma_start3A_1251, %dma_start3A_1259] : memref<5x80xi32, #tpu.memory_space<vmem>> -> memref<1x80xi32, #tpu.memory_space<vmem>>
      %dma_start3A_1261 = tpu.memref_squeeze %dma_start3A_1260 : memref<1x80xi32, #tpu.memory_space<vmem>> -> memref<80xi32, #tpu.memory_space<vmem>>
      %dma_start3A_1262 = arith.constant 0 : i32
      %dma_start3A_1263 = arith.constant 0 : i32
      %dma_start3A_1264 = tpu.memref_slice %arg5[%dma_start3A_1262, %dma_start3A_1263] : memref<50000x32xf32, #tpu.memory_space<vmem_shared>> -> memref<50000x32xf32, #tpu.memory_space<vmem_shared>>
      tpu.enqueue_indirect_dma source(%dma_start3A_1254 : memref<80x32xf32, #tpu.memory_space<vmem>>) target(%dma_start3A_1264 : memref<50000x32xf32, #tpu.memory_space<vmem_shared>>) offsets(%dma_start3A_1261 : memref<80xi32, #tpu.memory_space<vmem>>) semaphore(%arg12 : memref<!tpu.dma_semaphore, #tpu.memory_space<semaphore_mem>>) {add = true}
      %dma_start3A_1265 = arith.constant 0 : i32
      %dma_start3A_1266 = arith.constant 1 : i32
      %dma_start3A_1267 = arith.constant 80 : i32
      %dma_start3A_1268 = arith.constant 0 : i32
      %dma_start3A_1269 = tpu.memref_slice %arg6[%dma_start3A_1267, %dma_start3A_1268] : memref<400x32xf32, #tpu.memory_space<vmem>> -> memref<80x32xf32, #tpu.memory_space<vmem>>
      %dma_start3A_1270 = arith.constant 0 : i32
      %dma_start3A_1271 = arith.constant 0 : i32
      %dma_start3A_1272 = tpu.memref_slice %arg8[%dma_start3A_1265, %dma_start3A_1270, %dma_start3A_1271] : memref<2x5x80xi32, #tpu.memory_space<vmem>> -> memref<1x5x80xi32, #tpu.memory_space<vmem>>
      %dma_start3A_1273 = tpu.memref_squeeze %dma_start3A_1272 : memref<1x5x80xi32, #tpu.memory_space<vmem>> -> memref<5x80xi32, #tpu.memory_space<vmem>>
      %dma_start3A_1274 = arith.constant 0 : i32
      %dma_start3A_1275 = tpu.memref_slice %dma_start3A_1273[%dma_start3A_1266, %dma_start3A_1274] : memref<5x80xi32, #tpu.memory_space<vmem>> -> memref<1x80xi32, #tpu.memory_space<vmem>>
      %dma_start3A_1276 = tpu.memref_squeeze %dma_start3A_1275 : memref<1x80xi32, #tpu.memory_space<vmem>> -> memref<80xi32, #tpu.memory_space<vmem>>
      %dma_start3A_1277 = arith.constant 0 : i32
      %dma_start3A_1278 = arith.constant 0 : i32
      %dma_start3A_1279 = tpu.memref_slice %arg5[%dma_start3A_1277, %dma_start3A_1278] : memref<50000x32xf32, #tpu.memory_space<vmem_shared>> -> memref<50000x32xf32, #tpu.memory_space<vmem_shared>>
      tpu.enqueue_indirect_dma source(%dma_start3A_1269 : memref<80x32xf32, #tpu.memory_space<vmem>>) target(%dma_start3A_1279 : memref<50000x32xf32, #tpu.memory_space<vmem_shared>>) offsets(%dma_start3A_1276 : memref<80xi32, #tpu.memory_space<vmem>>) semaphore(%arg12 : memref<!tpu.dma_semaphore, #tpu.memory_space<semaphore_mem>>) {add = true}
      %dma_start3A_1280 = arith.constant 0 : i32
      %dma_start3A_1281 = arith.constant 1 : i32
      %dma_start3A_1282 = arith.constant 80 : i32
      %dma_start3A_1283 = arith.constant 0 : i32
      %dma_start3A_1284 = tpu.memref_slice %arg6[%dma_start3A_1282, %dma_start3A_1283] : memref<400x32xf32, #tpu.memory_space<vmem>> -> memref<80x32xf32, #tpu.memory_space<vmem>>
      %dma_start3A_1285 = arith.constant 0 : i32
      %dma_start3A_1286 = arith.constant 0 : i32
      %dma_start3A_1287 = tpu.memref_slice %arg9[%dma_start3A_1280, %dma_start3A_1285, %dma_start3A_1286] : memref<2x5x80xi32, #tpu.memory_space<vmem>> -> memref<1x5x80xi32, #tpu.memory_space<vmem>>
      %dma_start3A_1288 = tpu.memref_squeeze %dma_start3A_1287 : memref<1x5x80xi32, #tpu.memory_space<vmem>> -> memref<5x80xi32, #tpu.memory_space<vmem>>
      %dma_start3A_1289 = arith.constant 0 : i32
      %dma_start3A_1290 = tpu.memref_slice %dma_start3A_1288[%dma_start3A_1281, %dma_start3A_1289] : memref<5x80xi32, #tpu.memory_space<vmem>> -> memref<1x80xi32, #tpu.memory_space<vmem>>
      %dma_start3A_1291 = tpu.memref_squeeze %dma_start3A_1290 : memref<1x80xi32, #tpu.memory_space<vmem>> -> memref<80xi32, #tpu.memory_space<vmem>>
      %dma_start3A_1292 = arith.constant 0 : i32
      %dma_start3A_1293 = arith.constant 0 : i32
      %dma_start3A_1294 = tpu.memref_slice %arg5[%dma_start3A_1292, %dma_start3A_1293] : memref<50000x32xf32, #tpu.memory_space<vmem_shared>> -> memref<50000x32xf32, #tpu.memory_space<vmem_shared>>
      tpu.enqueue_indirect_dma source(%dma_start3A_1284 : memref<80x32xf32, #tpu.memory_space<vmem>>) target(%dma_start3A_1294 : memref<50000x32xf32, #tpu.memory_space<vmem_shared>>) offsets(%dma_start3A_1291 : memref<80xi32, #tpu.memory_space<vmem>>) semaphore(%arg12 : memref<!tpu.dma_semaphore, #tpu.memory_space<semaphore_mem>>) {add = true}
      %dma_start3A_1295 = arith.constant 0 : i32
      %dma_start3A_1296 = arith.constant 2 : i32
      %dma_start3A_1297 = arith.constant 160 : i32
      %dma_start3A_1298 = arith.constant 0 : i32
      %dma_start3A_1299 = tpu.memref_slice %arg6[%dma_start3A_1297, %dma_start3A_1298] : memref<400x32xf32, #tpu.memory_space<vmem>> -> memref<80x32xf32, #tpu.memory_space<vmem>>
      %dma_start3A_1300 = arith.constant 0 : i32
      %dma_start3A_1301 = arith.constant 0 : i32
      %dma_start3A_1302 = tpu.memref_slice %arg8[%dma_start3A_1295, %dma_start3A_1300, %dma_start3A_1301] : memref<2x5x80xi32, #tpu.memory_space<vmem>> -> memref<1x5x80xi32, #tpu.memory_space<vmem>>
      %dma_start3A_1303 = tpu.memref_squeeze %dma_start3A_1302 : memref<1x5x80xi32, #tpu.memory_space<vmem>> -> memref<5x80xi32, #tpu.memory_space<vmem>>
      %dma_start3A_1304 = arith.constant 0 : i32
      %dma_start3A_1305 = tpu.memref_slice %dma_start3A_1303[%dma_start3A_1296, %dma_start3A_1304] : memref<5x80xi32, #tpu.memory_space<vmem>> -> memref<1x80xi32, #tpu.memory_space<vmem>>
      %dma_start3A_1306 = tpu.memref_squeeze %dma_start3A_1305 : memref<1x80xi32, #tpu.memory_space<vmem>> -> memref<80xi32, #tpu.memory_space<vmem>>
      %dma_start3A_1307 = arith.constant 0 : i32
      %dma_start3A_1308 = arith.constant 0 : i32
      %dma_start3A_1309 = tpu.memref_slice %arg5[%dma_start3A_1307, %dma_start3A_1308] : memref<50000x32xf32, #tpu.memory_space<vmem_shared>> -> memref<50000x32xf32, #tpu.memory_space<vmem_shared>>
      tpu.enqueue_indirect_dma source(%dma_start3A_1299 : memref<80x32xf32, #tpu.memory_space<vmem>>) target(%dma_start3A_1309 : memref<50000x32xf32, #tpu.memory_space<vmem_shared>>) offsets(%dma_start3A_1306 : memref<80xi32, #tpu.memory_space<vmem>>) semaphore(%arg12 : memref<!tpu.dma_semaphore, #tpu.memory_space<semaphore_mem>>) {add = true}
      %dma_start3A_1310 = arith.constant 0 : i32
      %dma_start3A_1311 = arith.constant 2 : i32
      %dma_start3A_1312 = arith.constant 160 : i32
      %dma_start3A_1313 = arith.constant 0 : i32
      %dma_start3A_1314 = tpu.memref_slice %arg6[%dma_start3A_1312, %dma_start3A_1313] : memref<400x32xf32, #tpu.memory_space<vmem>> -> memref<80x32xf32, #tpu.memory_space<vmem>>
      %dma_start3A_1315 = arith.constant 0 : i32
      %dma_start3A_1316 = arith.constant 0 : i32
      %dma_start3A_1317 = tpu.memref_slice %arg9[%dma_start3A_1310, %dma_start3A_1315, %dma_start3A_1316] : memref<2x5x80xi32, #tpu.memory_space<vmem>> -> memref<1x5x80xi32, #tpu.memory_space<vmem>>
      %dma_start3A_1318 = tpu.memref_squeeze %dma_start3A_1317 : memref<1x5x80xi32, #tpu.memory_space<vmem>> -> memref<5x80xi32, #tpu.memory_space<vmem>>
      %dma_start3A_1319 = arith.constant 0 : i32
      %dma_start3A_1320 = tpu.memref_slice %dma_start3A_1318[%dma_start3A_1311, %dma_start3A_1319] : memref<5x80xi32, #tpu.memory_space<vmem>> -> memref<1x80xi32, #tpu.memory_space<vmem>>
      %dma_start3A_1321 = tpu.memref_squeeze %dma_start3A_1320 : memref<1x80xi32, #tpu.memory_space<vmem>> -> memref<80xi32, #tpu.memory_space<vmem>>
      %dma_start3A_1322 = arith.constant 0 : i32
      %dma_start3A_1323 = arith.constant 0 : i32
      %dma_start3A_1324 = tpu.memref_slice %arg5[%dma_start3A_1322, %dma_start3A_1323] : memref<50000x32xf32, #tpu.memory_space<vmem_shared>> -> memref<50000x32xf32, #tpu.memory_space<vmem_shared>>
      tpu.enqueue_indirect_dma source(%dma_start3A_1314 : memref<80x32xf32, #tpu.memory_space<vmem>>) target(%dma_start3A_1324 : memref<50000x32xf32, #tpu.memory_space<vmem_shared>>) offsets(%dma_start3A_1321 : memref<80xi32, #tpu.memory_space<vmem>>) semaphore(%arg12 : memref<!tpu.dma_semaphore, #tpu.memory_space<semaphore_mem>>) {add = true}
      %dma_start3A_1325 = arith.constant 0 : i32
      %dma_start3A_1326 = arith.constant 3 : i32
      %dma_start3A_1327 = arith.constant 240 : i32
      %dma_start3A_1328 = arith.constant 0 : i32
      %dma_start3A_1329 = tpu.memref_slice %arg6[%dma_start3A_1327, %dma_start3A_1328] : memref<400x32xf32, #tpu.memory_space<vmem>> -> memref<80x32xf32, #tpu.memory_space<vmem>>
      %dma_start3A_1330 = arith.constant 0 : i32
      %dma_start3A_1331 = arith.constant 0 : i32
      %dma_start3A_1332 = tpu.memref_slice %arg8[%dma_start3A_1325, %dma_start3A_1330, %dma_start3A_1331] : memref<2x5x80xi32, #tpu.memory_space<vmem>> -> memref<1x5x80xi32, #tpu.memory_space<vmem>>
      %dma_start3A_1333 = tpu.memref_squeeze %dma_start3A_1332 : memref<1x5x80xi32, #tpu.memory_space<vmem>> -> memref<5x80xi32, #tpu.memory_space<vmem>>
      %dma_start3A_1334 = arith.constant 0 : i32
      %dma_start3A_1335 = tpu.memref_slice %dma_start3A_1333[%dma_start3A_1326, %dma_start3A_1334] : memref<5x80xi32, #tpu.memory_space<vmem>> -> memref<1x80xi32, #tpu.memory_space<vmem>>
      %dma_start3A_1336 = tpu.memref_squeeze %dma_start3A_1335 : memref<1x80xi32, #tpu.memory_space<vmem>> -> memref<80xi32, #tpu.memory_space<vmem>>
      %dma_start3A_1337 = arith.constant 0 : i32
      %dma_start3A_1338 = arith.constant 0 : i32
      %dma_start3A_1339 = tpu.memref_slice %arg5[%dma_start3A_1337, %dma_start3A_1338] : memref<50000x32xf32, #tpu.memory_space<vmem_shared>> -> memref<50000x32xf32, #tpu.memory_space<vmem_shared>>
      tpu.enqueue_indirect_dma source(%dma_start3A_1329 : memref<80x32xf32, #tpu.memory_space<vmem>>) target(%dma_start3A_1339 : memref<50000x32xf32, #tpu.memory_space<vmem_shared>>) offsets(%dma_start3A_1336 : memref<80xi32, #tpu.memory_space<vmem>>) semaphore(%arg12 : memref<!tpu.dma_semaphore, #tpu.memory_space<semaphore_mem>>) {add = true}
      %dma_start3A_1340 = arith.constant 0 : i32
      %dma_start3A_1341 = arith.constant 3 : i32
      %dma_start3A_1342 = arith.constant 240 : i32
      %dma_start3A_1343 = arith.constant 0 : i32
      %dma_start3A_1344 = tpu.memref_slice %arg6[%dma_start3A_1342, %dma_start3A_1343] : memref<400x32xf32, #tpu.memory_space<vmem>> -> memref<80x32xf32, #tpu.memory_space<vmem>>
      %dma_start3A_1345 = arith.constant 0 : i32
      %dma_start3A_1346 = arith.constant 0 : i32
      %dma_start3A_1347 = tpu.memref_slice %arg9[%dma_start3A_1340, %dma_start3A_1345, %dma_start3A_1346] : memref<2x5x80xi32, #tpu.memory_space<vmem>> -> memref<1x5x80xi32, #tpu.memory_space<vmem>>
      %dma_start3A_1348 = tpu.memref_squeeze %dma_start3A_1347 : memref<1x5x80xi32, #tpu.memory_space<vmem>> -> memref<5x80xi32, #tpu.memory_space<vmem>>
      %dma_start3A_1349 = arith.constant 0 : i32
      %dma_start3A_1350 = tpu.memref_slice %dma_start3A_1348[%dma_start3A_1341, %dma_start3A_1349] : memref<5x80xi32, #tpu.memory_space<vmem>> -> memref<1x80xi32, #tpu.memory_space<vmem>>
      %dma_start3A_1351 = tpu.memref_squeeze %dma_start3A_1350 : memref<1x80xi32, #tpu.memory_space<vmem>> -> memref<80xi32, #tpu.memory_space<vmem>>
      %dma_start3A_1352 = arith.constant 0 : i32
      %dma_start3A_1353 = arith.constant 0 : i32
      %dma_start3A_1354 = tpu.memref_slice %arg5[%dma_start3A_1352, %dma_start3A_1353] : memref<50000x32xf32, #tpu.memory_space<vmem_shared>> -> memref<50000x32xf32, #tpu.memory_space<vmem_shared>>
      tpu.enqueue_indirect_dma source(%dma_start3A_1344 : memref<80x32xf32, #tpu.memory_space<vmem>>) target(%dma_start3A_1354 : memref<50000x32xf32, #tpu.memory_space<vmem_shared>>) offsets(%dma_start3A_1351 : memref<80xi32, #tpu.memory_space<vmem>>) semaphore(%arg12 : memref<!tpu.dma_semaphore, #tpu.memory_space<semaphore_mem>>) {add = true}
      %dma_start3A_1355 = arith.constant 0 : i32
      %dma_start3A_1356 = arith.constant 4 : i32
      %dma_start3A_1357 = arith.constant 320 : i32
      %dma_start3A_1358 = arith.constant 0 : i32
      %dma_start3A_1359 = tpu.memref_slice %arg6[%dma_start3A_1357, %dma_start3A_1358] : memref<400x32xf32, #tpu.memory_space<vmem>> -> memref<80x32xf32, #tpu.memory_space<vmem>>
      %dma_start3A_1360 = arith.constant 0 : i32
      %dma_start3A_1361 = arith.constant 0 : i32
      %dma_start3A_1362 = tpu.memref_slice %arg8[%dma_start3A_1355, %dma_start3A_1360, %dma_start3A_1361] : memref<2x5x80xi32, #tpu.memory_space<vmem>> -> memref<1x5x80xi32, #tpu.memory_space<vmem>>
      %dma_start3A_1363 = tpu.memref_squeeze %dma_start3A_1362 : memref<1x5x80xi32, #tpu.memory_space<vmem>> -> memref<5x80xi32, #tpu.memory_space<vmem>>
      %dma_start3A_1364 = arith.constant 0 : i32
      %dma_start3A_1365 = tpu.memref_slice %dma_start3A_1363[%dma_start3A_1356, %dma_start3A_1364] : memref<5x80xi32, #tpu.memory_space<vmem>> -> memref<1x80xi32, #tpu.memory_space<vmem>>
      %dma_start3A_1366 = tpu.memref_squeeze %dma_start3A_1365 : memref<1x80xi32, #tpu.memory_space<vmem>> -> memref<80xi32, #tpu.memory_space<vmem>>
      %dma_start3A_1367 = arith.constant 0 : i32
      %dma_start3A_1368 = arith.constant 0 : i32
      %dma_start3A_1369 = tpu.memref_slice %arg5[%dma_start3A_1367, %dma_start3A_1368] : memref<50000x32xf32, #tpu.memory_space<vmem_shared>> -> memref<50000x32xf32, #tpu.memory_space<vmem_shared>>
      tpu.enqueue_indirect_dma source(%dma_start3A_1359 : memref<80x32xf32, #tpu.memory_space<vmem>>) target(%dma_start3A_1369 : memref<50000x32xf32, #tpu.memory_space<vmem_shared>>) offsets(%dma_start3A_1366 : memref<80xi32, #tpu.memory_space<vmem>>) semaphore(%arg12 : memref<!tpu.dma_semaphore, #tpu.memory_space<semaphore_mem>>) {add = true}
      %dma_start3A_1370 = arith.constant 0 : i32
      %dma_start3A_1371 = arith.constant 4 : i32
      %dma_start3A_1372 = arith.constant 320 : i32
      %dma_start3A_1373 = arith.constant 0 : i32
      %dma_start3A_1374 = tpu.memref_slice %arg6[%dma_start3A_1372, %dma_start3A_1373] : memref<400x32xf32, #tpu.memory_space<vmem>> -> memref<80x32xf32, #tpu.memory_space<vmem>>
      %dma_start3A_1375 = arith.constant 0 : i32
      %dma_start3A_1376 = arith.constant 0 : i32
      %dma_start3A_1377 = tpu.memref_slice %arg9[%dma_start3A_1370, %dma_start3A_1375, %dma_start3A_1376] : memref<2x5x80xi32, #tpu.memory_space<vmem>> -> memref<1x5x80xi32, #tpu.memory_space<vmem>>
      %dma_start3A_1378 = tpu.memref_squeeze %dma_start3A_1377 : memref<1x5x80xi32, #tpu.memory_space<vmem>> -> memref<5x80xi32, #tpu.memory_space<vmem>>
      %dma_start3A_1379 = arith.constant 0 : i32
      %dma_start3A_1380 = tpu.memref_slice %dma_start3A_1378[%dma_start3A_1371, %dma_start3A_1379] : memref<5x80xi32, #tpu.memory_space<vmem>> -> memref<1x80xi32, #tpu.memory_space<vmem>>
      %dma_start3A_1381 = tpu.memref_squeeze %dma_start3A_1380 : memref<1x80xi32, #tpu.memory_space<vmem>> -> memref<80xi32, #tpu.memory_space<vmem>>
      %dma_start3A_1382 = arith.constant 0 : i32
      %dma_start3A_1383 = arith.constant 0 : i32
      %dma_start3A_1384 = tpu.memref_slice %arg5[%dma_start3A_1382, %dma_start3A_1383] : memref<50000x32xf32, #tpu.memory_space<vmem_shared>> -> memref<50000x32xf32, #tpu.memory_space<vmem_shared>>
      tpu.enqueue_indirect_dma source(%dma_start3A_1374 : memref<80x32xf32, #tpu.memory_space<vmem>>) target(%dma_start3A_1384 : memref<50000x32xf32, #tpu.memory_space<vmem_shared>>) offsets(%dma_start3A_1381 : memref<80xi32, #tpu.memory_space<vmem>>) semaphore(%arg12 : memref<!tpu.dma_semaphore, #tpu.memory_space<semaphore_mem>>) {add = true}
      %dma_wait3A_1385 = arith.constant 0 : i32
      %dma_wait3A_1386 = arith.constant 0 : i32
      %dma_wait3A_1387 = arith.constant 0 : i32
      %dma_wait3A_1388 = arith.constant 0 : i32
      %dma_wait3A_1389 = tpu.memref_slice %arg6[%dma_wait3A_1387, %dma_wait3A_1388] : memref<400x32xf32, #tpu.memory_space<vmem>> -> memref<80x32xf32, #tpu.memory_space<vmem>>
      %dma_wait3A_1390 = arith.constant 0 : i32
      %dma_wait3A_1391 = arith.constant 0 : i32
      %dma_wait3A_1392 = tpu.memref_slice %arg8[%dma_wait3A_1385, %dma_wait3A_1390, %dma_wait3A_1391] : memref<2x5x80xi32, #tpu.memory_space<vmem>> -> memref<1x5x80xi32, #tpu.memory_space<vmem>>
      %dma_wait3A_1393 = tpu.memref_squeeze %dma_wait3A_1392 : memref<1x5x80xi32, #tpu.memory_space<vmem>> -> memref<5x80xi32, #tpu.memory_space<vmem>>
      %dma_wait3A_1394 = arith.constant 0 : i32
      %dma_wait3A_1395 = tpu.memref_slice %dma_wait3A_1393[%dma_wait3A_1386, %dma_wait3A_1394] : memref<5x80xi32, #tpu.memory_space<vmem>> -> memref<1x80xi32, #tpu.memory_space<vmem>>
      %dma_wait3A_1396 = tpu.memref_squeeze %dma_wait3A_1395 : memref<1x80xi32, #tpu.memory_space<vmem>> -> memref<80xi32, #tpu.memory_space<vmem>>
      %dma_wait3A_1397 = arith.constant 0 : i32
      %dma_wait3A_1398 = arith.constant 0 : i32
      %dma_wait3A_1399 = tpu.memref_slice %arg5[%dma_wait3A_1397, %dma_wait3A_1398] : memref<50000x32xf32, #tpu.memory_space<vmem_shared>> -> memref<50000x32xf32, #tpu.memory_space<vmem_shared>>
      tpu.wait_indirect_dma semaphore(%arg12 : memref<!tpu.dma_semaphore, #tpu.memory_space<semaphore_mem>>) src(%dma_wait3A_1389 : memref<80x32xf32, #tpu.memory_space<vmem>>) dst(%dma_wait3A_1399 : memref<50000x32xf32, #tpu.memory_space<vmem_shared>>)
      %dma_wait3A_1400 = arith.constant 0 : i32
      %dma_wait3A_1401 = arith.constant 0 : i32
      %dma_wait3A_1402 = arith.constant 0 : i32
      %dma_wait3A_1403 = arith.constant 0 : i32
      %dma_wait3A_1404 = tpu.memref_slice %arg6[%dma_wait3A_1402, %dma_wait3A_1403] : memref<400x32xf32, #tpu.memory_space<vmem>> -> memref<80x32xf32, #tpu.memory_space<vmem>>
      %dma_wait3A_1405 = arith.constant 0 : i32
      %dma_wait3A_1406 = arith.constant 0 : i32
      %dma_wait3A_1407 = tpu.memref_slice %arg9[%dma_wait3A_1400, %dma_wait3A_1405, %dma_wait3A_1406] : memref<2x5x80xi32, #tpu.memory_space<vmem>> -> memref<1x5x80xi32, #tpu.memory_space<vmem>>
      %dma_wait3A_1408 = tpu.memref_squeeze %dma_wait3A_1407 : memref<1x5x80xi32, #tpu.memory_space<vmem>> -> memref<5x80xi32, #tpu.memory_space<vmem>>
      %dma_wait3A_1409 = arith.constant 0 : i32
      %dma_wait3A_1410 = tpu.memref_slice %dma_wait3A_1408[%dma_wait3A_1401, %dma_wait3A_1409] : memref<5x80xi32, #tpu.memory_space<vmem>> -> memref<1x80xi32, #tpu.memory_space<vmem>>
      %dma_wait3A_1411 = tpu.memref_squeeze %dma_wait3A_1410 : memref<1x80xi32, #tpu.memory_space<vmem>> -> memref<80xi32, #tpu.memory_space<vmem>>
      %dma_wait3A_1412 = arith.constant 0 : i32
      %dma_wait3A_1413 = arith.constant 0 : i32
      %dma_wait3A_1414 = tpu.memref_slice %arg5[%dma_wait3A_1412, %dma_wait3A_1413] : memref<50000x32xf32, #tpu.memory_space<vmem_shared>> -> memref<50000x32xf32, #tpu.memory_space<vmem_shared>>
      tpu.wait_indirect_dma semaphore(%arg12 : memref<!tpu.dma_semaphore, #tpu.memory_space<semaphore_mem>>) src(%dma_wait3A_1404 : memref<80x32xf32, #tpu.memory_space<vmem>>) dst(%dma_wait3A_1414 : memref<50000x32xf32, #tpu.memory_space<vmem_shared>>)
      %dma_wait3A_1415 = arith.constant 0 : i32
      %dma_wait3A_1416 = arith.constant 1 : i32
      %dma_wait3A_1417 = arith.constant 80 : i32
      %dma_wait3A_1418 = arith.constant 0 : i32
      %dma_wait3A_1419 = tpu.memref_slice %arg6[%dma_wait3A_1417, %dma_wait3A_1418] : memref<400x32xf32, #tpu.memory_space<vmem>> -> memref<80x32xf32, #tpu.memory_space<vmem>>
      %dma_wait3A_1420 = arith.constant 0 : i32
      %dma_wait3A_1421 = arith.constant 0 : i32
      %dma_wait3A_1422 = tpu.memref_slice %arg8[%dma_wait3A_1415, %dma_wait3A_1420, %dma_wait3A_1421] : memref<2x5x80xi32, #tpu.memory_space<vmem>> -> memref<1x5x80xi32, #tpu.memory_space<vmem>>
      %dma_wait3A_1423 = tpu.memref_squeeze %dma_wait3A_1422 : memref<1x5x80xi32, #tpu.memory_space<vmem>> -> memref<5x80xi32, #tpu.memory_space<vmem>>
      %dma_wait3A_1424 = arith.constant 0 : i32
      %dma_wait3A_1425 = tpu.memref_slice %dma_wait3A_1423[%dma_wait3A_1416, %dma_wait3A_1424] : memref<5x80xi32, #tpu.memory_space<vmem>> -> memref<1x80xi32, #tpu.memory_space<vmem>>
      %dma_wait3A_1426 = tpu.memref_squeeze %dma_wait3A_1425 : memref<1x80xi32, #tpu.memory_space<vmem>> -> memref<80xi32, #tpu.memory_space<vmem>>
      %dma_wait3A_1427 = arith.constant 0 : i32
      %dma_wait3A_1428 = arith.constant 0 : i32
      %dma_wait3A_1429 = tpu.memref_slice %arg5[%dma_wait3A_1427, %dma_wait3A_1428] : memref<50000x32xf32, #tpu.memory_space<vmem_shared>> -> memref<50000x32xf32, #tpu.memory_space<vmem_shared>>
      tpu.wait_indirect_dma semaphore(%arg12 : memref<!tpu.dma_semaphore, #tpu.memory_space<semaphore_mem>>) src(%dma_wait3A_1419 : memref<80x32xf32, #tpu.memory_space<vmem>>) dst(%dma_wait3A_1429 : memref<50000x32xf32, #tpu.memory_space<vmem_shared>>)
      %dma_wait3A_1430 = arith.constant 0 : i32
      %dma_wait3A_1431 = arith.constant 1 : i32
      %dma_wait3A_1432 = arith.constant 80 : i32
      %dma_wait3A_1433 = arith.constant 0 : i32
      %dma_wait3A_1434 = tpu.memref_slice %arg6[%dma_wait3A_1432, %dma_wait3A_1433] : memref<400x32xf32, #tpu.memory_space<vmem>> -> memref<80x32xf32, #tpu.memory_space<vmem>>
      %dma_wait3A_1435 = arith.constant 0 : i32
      %dma_wait3A_1436 = arith.constant 0 : i32
      %dma_wait3A_1437 = tpu.memref_slice %arg9[%dma_wait3A_1430, %dma_wait3A_1435, %dma_wait3A_1436] : memref<2x5x80xi32, #tpu.memory_space<vmem>> -> memref<1x5x80xi32, #tpu.memory_space<vmem>>
      %dma_wait3A_1438 = tpu.memref_squeeze %dma_wait3A_1437 : memref<1x5x80xi32, #tpu.memory_space<vmem>> -> memref<5x80xi32, #tpu.memory_space<vmem>>
      %dma_wait3A_1439 = arith.constant 0 : i32
      %dma_wait3A_1440 = tpu.memref_slice %dma_wait3A_1438[%dma_wait3A_1431, %dma_wait3A_1439] : memref<5x80xi32, #tpu.memory_space<vmem>> -> memref<1x80xi32, #tpu.memory_space<vmem>>
      %dma_wait3A_1441 = tpu.memref_squeeze %dma_wait3A_1440 : memref<1x80xi32, #tpu.memory_space<vmem>> -> memref<80xi32, #tpu.memory_space<vmem>>
      %dma_wait3A_1442 = arith.constant 0 : i32
      %dma_wait3A_1443 = arith.constant 0 : i32
      %dma_wait3A_1444 = tpu.memref_slice %arg5[%dma_wait3A_1442, %dma_wait3A_1443] : memref<50000x32xf32, #tpu.memory_space<vmem_shared>> -> memref<50000x32xf32, #tpu.memory_space<vmem_shared>>
      tpu.wait_indirect_dma semaphore(%arg12 : memref<!tpu.dma_semaphore, #tpu.memory_space<semaphore_mem>>) src(%dma_wait3A_1434 : memref<80x32xf32, #tpu.memory_space<vmem>>) dst(%dma_wait3A_1444 : memref<50000x32xf32, #tpu.memory_space<vmem_shared>>)
      %dma_wait3A_1445 = arith.constant 0 : i32
      %dma_wait3A_1446 = arith.constant 2 : i32
      %dma_wait3A_1447 = arith.constant 160 : i32
      %dma_wait3A_1448 = arith.constant 0 : i32
      %dma_wait3A_1449 = tpu.memref_slice %arg6[%dma_wait3A_1447, %dma_wait3A_1448] : memref<400x32xf32, #tpu.memory_space<vmem>> -> memref<80x32xf32, #tpu.memory_space<vmem>>
      %dma_wait3A_1450 = arith.constant 0 : i32
      %dma_wait3A_1451 = arith.constant 0 : i32
      %dma_wait3A_1452 = tpu.memref_slice %arg8[%dma_wait3A_1445, %dma_wait3A_1450, %dma_wait3A_1451] : memref<2x5x80xi32, #tpu.memory_space<vmem>> -> memref<1x5x80xi32, #tpu.memory_space<vmem>>
      %dma_wait3A_1453 = tpu.memref_squeeze %dma_wait3A_1452 : memref<1x5x80xi32, #tpu.memory_space<vmem>> -> memref<5x80xi32, #tpu.memory_space<vmem>>
      %dma_wait3A_1454 = arith.constant 0 : i32
      %dma_wait3A_1455 = tpu.memref_slice %dma_wait3A_1453[%dma_wait3A_1446, %dma_wait3A_1454] : memref<5x80xi32, #tpu.memory_space<vmem>> -> memref<1x80xi32, #tpu.memory_space<vmem>>
      %dma_wait3A_1456 = tpu.memref_squeeze %dma_wait3A_1455 : memref<1x80xi32, #tpu.memory_space<vmem>> -> memref<80xi32, #tpu.memory_space<vmem>>
      %dma_wait3A_1457 = arith.constant 0 : i32
      %dma_wait3A_1458 = arith.constant 0 : i32
      %dma_wait3A_1459 = tpu.memref_slice %arg5[%dma_wait3A_1457, %dma_wait3A_1458] : memref<50000x32xf32, #tpu.memory_space<vmem_shared>> -> memref<50000x32xf32, #tpu.memory_space<vmem_shared>>
      tpu.wait_indirect_dma semaphore(%arg12 : memref<!tpu.dma_semaphore, #tpu.memory_space<semaphore_mem>>) src(%dma_wait3A_1449 : memref<80x32xf32, #tpu.memory_space<vmem>>) dst(%dma_wait3A_1459 : memref<50000x32xf32, #tpu.memory_space<vmem_shared>>)
      %dma_wait3A_1460 = arith.constant 0 : i32
      %dma_wait3A_1461 = arith.constant 2 : i32
      %dma_wait3A_1462 = arith.constant 160 : i32
      %dma_wait3A_1463 = arith.constant 0 : i32
      %dma_wait3A_1464 = tpu.memref_slice %arg6[%dma_wait3A_1462, %dma_wait3A_1463] : memref<400x32xf32, #tpu.memory_space<vmem>> -> memref<80x32xf32, #tpu.memory_space<vmem>>
      %dma_wait3A_1465 = arith.constant 0 : i32
      %dma_wait3A_1466 = arith.constant 0 : i32
      %dma_wait3A_1467 = tpu.memref_slice %arg9[%dma_wait3A_1460, %dma_wait3A_1465, %dma_wait3A_1466] : memref<2x5x80xi32, #tpu.memory_space<vmem>> -> memref<1x5x80xi32, #tpu.memory_space<vmem>>
      %dma_wait3A_1468 = tpu.memref_squeeze %dma_wait3A_1467 : memref<1x5x80xi32, #tpu.memory_space<vmem>> -> memref<5x80xi32, #tpu.memory_space<vmem>>
      %dma_wait3A_1469 = arith.constant 0 : i32
      %dma_wait3A_1470 = tpu.memref_slice %dma_wait3A_1468[%dma_wait3A_1461, %dma_wait3A_1469] : memref<5x80xi32, #tpu.memory_space<vmem>> -> memref<1x80xi32, #tpu.memory_space<vmem>>
      %dma_wait3A_1471 = tpu.memref_squeeze %dma_wait3A_1470 : memref<1x80xi32, #tpu.memory_space<vmem>> -> memref<80xi32, #tpu.memory_space<vmem>>
      %dma_wait3A_1472 = arith.constant 0 : i32
      %dma_wait3A_1473 = arith.constant 0 : i32
      %dma_wait3A_1474 = tpu.memref_slice %arg5[%dma_wait3A_1472, %dma_wait3A_1473] : memref<50000x32xf32, #tpu.memory_space<vmem_shared>> -> memref<50000x32xf32, #tpu.memory_space<vmem_shared>>
      tpu.wait_indirect_dma semaphore(%arg12 : memref<!tpu.dma_semaphore, #tpu.memory_space<semaphore_mem>>) src(%dma_wait3A_1464 : memref<80x32xf32, #tpu.memory_space<vmem>>) dst(%dma_wait3A_1474 : memref<50000x32xf32, #tpu.memory_space<vmem_shared>>)
      %dma_wait3A_1475 = arith.constant 0 : i32
      %dma_wait3A_1476 = arith.constant 3 : i32
      %dma_wait3A_1477 = arith.constant 240 : i32
      %dma_wait3A_1478 = arith.constant 0 : i32
      %dma_wait3A_1479 = tpu.memref_slice %arg6[%dma_wait3A_1477, %dma_wait3A_1478] : memref<400x32xf32, #tpu.memory_space<vmem>> -> memref<80x32xf32, #tpu.memory_space<vmem>>
      %dma_wait3A_1480 = arith.constant 0 : i32
      %dma_wait3A_1481 = arith.constant 0 : i32
      %dma_wait3A_1482 = tpu.memref_slice %arg8[%dma_wait3A_1475, %dma_wait3A_1480, %dma_wait3A_1481] : memref<2x5x80xi32, #tpu.memory_space<vmem>> -> memref<1x5x80xi32, #tpu.memory_space<vmem>>
      %dma_wait3A_1483 = tpu.memref_squeeze %dma_wait3A_1482 : memref<1x5x80xi32, #tpu.memory_space<vmem>> -> memref<5x80xi32, #tpu.memory_space<vmem>>
      %dma_wait3A_1484 = arith.constant 0 : i32
      %dma_wait3A_1485 = tpu.memref_slice %dma_wait3A_1483[%dma_wait3A_1476, %dma_wait3A_1484] : memref<5x80xi32, #tpu.memory_space<vmem>> -> memref<1x80xi32, #tpu.memory_space<vmem>>
      %dma_wait3A_1486 = tpu.memref_squeeze %dma_wait3A_1485 : memref<1x80xi32, #tpu.memory_space<vmem>> -> memref<80xi32, #tpu.memory_space<vmem>>
      %dma_wait3A_1487 = arith.constant 0 : i32
      %dma_wait3A_1488 = arith.constant 0 : i32
      %dma_wait3A_1489 = tpu.memref_slice %arg5[%dma_wait3A_1487, %dma_wait3A_1488] : memref<50000x32xf32, #tpu.memory_space<vmem_shared>> -> memref<50000x32xf32, #tpu.memory_space<vmem_shared>>
      tpu.wait_indirect_dma semaphore(%arg12 : memref<!tpu.dma_semaphore, #tpu.memory_space<semaphore_mem>>) src(%dma_wait3A_1479 : memref<80x32xf32, #tpu.memory_space<vmem>>) dst(%dma_wait3A_1489 : memref<50000x32xf32, #tpu.memory_space<vmem_shared>>)
      %dma_wait3A_1490 = arith.constant 0 : i32
      %dma_wait3A_1491 = arith.constant 3 : i32
      %dma_wait3A_1492 = arith.constant 240 : i32
      %dma_wait3A_1493 = arith.constant 0 : i32
      %dma_wait3A_1494 = tpu.memref_slice %arg6[%dma_wait3A_1492, %dma_wait3A_1493] : memref<400x32xf32, #tpu.memory_space<vmem>> -> memref<80x32xf32, #tpu.memory_space<vmem>>
      %dma_wait3A_1495 = arith.constant 0 : i32
      %dma_wait3A_1496 = arith.constant 0 : i32
      %dma_wait3A_1497 = tpu.memref_slice %arg9[%dma_wait3A_1490, %dma_wait3A_1495, %dma_wait3A_1496] : memref<2x5x80xi32, #tpu.memory_space<vmem>> -> memref<1x5x80xi32, #tpu.memory_space<vmem>>
      %dma_wait3A_1498 = tpu.memref_squeeze %dma_wait3A_1497 : memref<1x5x80xi32, #tpu.memory_space<vmem>> -> memref<5x80xi32, #tpu.memory_space<vmem>>
      %dma_wait3A_1499 = arith.constant 0 : i32
      %dma_wait3A_1500 = tpu.memref_slice %dma_wait3A_1498[%dma_wait3A_1491, %dma_wait3A_1499] : memref<5x80xi32, #tpu.memory_space<vmem>> -> memref<1x80xi32, #tpu.memory_space<vmem>>
      %dma_wait3A_1501 = tpu.memref_squeeze %dma_wait3A_1500 : memref<1x80xi32, #tpu.memory_space<vmem>> -> memref<80xi32, #tpu.memory_space<vmem>>
      %dma_wait3A_1502 = arith.constant 0 : i32
      %dma_wait3A_1503 = arith.constant 0 : i32
      %dma_wait3A_1504 = tpu.memref_slice %arg5[%dma_wait3A_1502, %dma_wait3A_1503] : memref<50000x32xf32, #tpu.memory_space<vmem_shared>> -> memref<50000x32xf32, #tpu.memory_space<vmem_shared>>
      tpu.wait_indirect_dma semaphore(%arg12 : memref<!tpu.dma_semaphore, #tpu.memory_space<semaphore_mem>>) src(%dma_wait3A_1494 : memref<80x32xf32, #tpu.memory_space<vmem>>) dst(%dma_wait3A_1504 : memref<50000x32xf32, #tpu.memory_space<vmem_shared>>)
      %dma_wait3A_1505 = arith.constant 0 : i32
      %dma_wait3A_1506 = arith.constant 4 : i32
      %dma_wait3A_1507 = arith.constant 320 : i32
      %dma_wait3A_1508 = arith.constant 0 : i32
      %dma_wait3A_1509 = tpu.memref_slice %arg6[%dma_wait3A_1507, %dma_wait3A_1508] : memref<400x32xf32, #tpu.memory_space<vmem>> -> memref<80x32xf32, #tpu.memory_space<vmem>>
      %dma_wait3A_1510 = arith.constant 0 : i32
      %dma_wait3A_1511 = arith.constant 0 : i32
      %dma_wait3A_1512 = tpu.memref_slice %arg8[%dma_wait3A_1505, %dma_wait3A_1510, %dma_wait3A_1511] : memref<2x5x80xi32, #tpu.memory_space<vmem>> -> memref<1x5x80xi32, #tpu.memory_space<vmem>>
      %dma_wait3A_1513 = tpu.memref_squeeze %dma_wait3A_1512 : memref<1x5x80xi32, #tpu.memory_space<vmem>> -> memref<5x80xi32, #tpu.memory_space<vmem>>
      %dma_wait3A_1514 = arith.constant 0 : i32
      %dma_wait3A_1515 = tpu.memref_slice %dma_wait3A_1513[%dma_wait3A_1506, %dma_wait3A_1514] : memref<5x80xi32, #tpu.memory_space<vmem>> -> memref<1x80xi32, #tpu.memory_space<vmem>>
      %dma_wait3A_1516 = tpu.memref_squeeze %dma_wait3A_1515 : memref<1x80xi32, #tpu.memory_space<vmem>> -> memref<80xi32, #tpu.memory_space<vmem>>
      %dma_wait3A_1517 = arith.constant 0 : i32
      %dma_wait3A_1518 = arith.constant 0 : i32
      %dma_wait3A_1519 = tpu.memref_slice %arg5[%dma_wait3A_1517, %dma_wait3A_1518] : memref<50000x32xf32, #tpu.memory_space<vmem_shared>> -> memref<50000x32xf32, #tpu.memory_space<vmem_shared>>
      tpu.wait_indirect_dma semaphore(%arg12 : memref<!tpu.dma_semaphore, #tpu.memory_space<semaphore_mem>>) src(%dma_wait3A_1509 : memref<80x32xf32, #tpu.memory_space<vmem>>) dst(%dma_wait3A_1519 : memref<50000x32xf32, #tpu.memory_space<vmem_shared>>)
      %dma_wait3A_1520 = arith.constant 0 : i32
      %dma_wait3A_1521 = arith.constant 4 : i32
      %dma_wait3A_1522 = arith.constant 320 : i32
      %dma_wait3A_1523 = arith.constant 0 : i32
      %dma_wait3A_1524 = tpu.memref_slice %arg6[%dma_wait3A_1522, %dma_wait3A_1523] : memref<400x32xf32, #tpu.memory_space<vmem>> -> memref<80x32xf32, #tpu.memory_space<vmem>>
      %dma_wait3A_1525 = arith.constant 0 : i32
      %dma_wait3A_1526 = arith.constant 0 : i32
      %dma_wait3A_1527 = tpu.memref_slice %arg9[%dma_wait3A_1520, %dma_wait3A_1525, %dma_wait3A_1526] : memref<2x5x80xi32, #tpu.memory_space<vmem>> -> memref<1x5x80xi32, #tpu.memory_space<vmem>>
      %dma_wait3A_1528 = tpu.memref_squeeze %dma_wait3A_1527 : memref<1x5x80xi32, #tpu.memory_space<vmem>> -> memref<5x80xi32, #tpu.memory_space<vmem>>
      %dma_wait3A_1529 = arith.constant 0 : i32
      %dma_wait3A_1530 = tpu.memref_slice %dma_wait3A_1528[%dma_wait3A_1521, %dma_wait3A_1529] : memref<5x80xi32, #tpu.memory_space<vmem>> -> memref<1x80xi32, #tpu.memory_space<vmem>>
      %dma_wait3A_1531 = tpu.memref_squeeze %dma_wait3A_1530 : memref<1x80xi32, #tpu.memory_space<vmem>> -> memref<80xi32, #tpu.memory_space<vmem>>
      %dma_wait3A_1532 = arith.constant 0 : i32
      %dma_wait3A_1533 = arith.constant 0 : i32
      %dma_wait3A_1534 = tpu.memref_slice %arg5[%dma_wait3A_1532, %dma_wait3A_1533] : memref<50000x32xf32, #tpu.memory_space<vmem_shared>> -> memref<50000x32xf32, #tpu.memory_space<vmem_shared>>
      tpu.wait_indirect_dma semaphore(%arg12 : memref<!tpu.dma_semaphore, #tpu.memory_space<semaphore_mem>>) src(%dma_wait3A_1524 : memref<80x32xf32, #tpu.memory_space<vmem>>) dst(%dma_wait3A_1534 : memref<50000x32xf32, #tpu.memory_space<vmem_shared>>)
      %mul3A_1535 = arith.constant 2 : i32
      %mul3A_1536 = arith.muli %mul3A_1535, %scan3A_811 : i32
      %add3A_1537 = arith.constant 1 : i32
      %add3A_1538 = arith.addi %mul3A_1536, %add3A_1537 : i32
      %mul3A_1539 = arith.constant 50000 : i32
      %mul3A_1540 = arith.muli %arg1, %mul3A_1539 : i32
      %mul3A_1541 = arith.constant 400 : i32
      %mul3A_1542 = arith.muli %add3A_1538, %mul3A_1541 : i32
      %add3A_1543 = arith.addi %mul3A_1540, %mul3A_1542 : i32
      %dma_start3A_1544 = tpu.memref_slice %arg2[%add3A_1543, %add3A_1] : memref<800000x128xf32, #tpu.memory_space<hbm>> -> memref<400x32xf32, #tpu.memory_space<hbm>>
      %dma_start3A_1545 = tpu.memref_slice %arg2[%add3A_1543, %add3A_1] : memref<800000x128xf32, #tpu.memory_space<hbm>> -> memref<400x32xf32, #tpu.memory_space<hbm>>
      tpu.enqueue_dma source(%dma_start3A_1545 : memref<400x32xf32, #tpu.memory_space<hbm>>) target(%arg7 : memref<400x32xf32, #tpu.memory_space<vmem>>) target_semaphore(%arg10 : memref<!tpu.dma_semaphore, #tpu.memory_space<semaphore_mem>>)
      %add3A_1546 = arith.constant 0 : i32
      %add3A_1547 = arith.addi %add3A_1543, %add3A_1546 : i32
      %dma_start3A_1548 = arith.constant 1 : i32
      %dma_start3A_1549 = arith.constant 0 : i32
      %dma_start3A_1550 = arith.constant 0 : i32
      %dma_start3A_1551 = arith.constant 0 : i32
      %dma_start3A_1552 = tpu.memref_slice %arg8[%dma_start3A_1548, %dma_start3A_1550, %dma_start3A_1551] : memref<2x5x80xi32, #tpu.memory_space<vmem>> -> memref<1x5x80xi32, #tpu.memory_space<vmem>>
      %dma_start3A_1553 = tpu.memref_squeeze %dma_start3A_1552 : memref<1x5x80xi32, #tpu.memory_space<vmem>> -> memref<5x80xi32, #tpu.memory_space<vmem>>
      %dma_start3A_1554 = arith.constant 0 : i32
      %dma_start3A_1555 = tpu.memref_slice %dma_start3A_1553[%dma_start3A_1549, %dma_start3A_1554] : memref<5x80xi32, #tpu.memory_space<vmem>> -> memref<1x80xi32, #tpu.memory_space<vmem>>
      %dma_start3A_1556 = tpu.memref_squeeze %dma_start3A_1555 : memref<1x80xi32, #tpu.memory_space<vmem>> -> memref<80xi32, #tpu.memory_space<vmem>>
      %dma_start3A_1557 = tpu.memref_slice %arg3[%add3A_1547] : memref<1600000xi32, #tpu.memory_space<hbm>> -> memref<80xi32, #tpu.memory_space<hbm>>
      %dma_start3A_1558 = arith.constant 0 : i32
      %dma_start3A_1559 = arith.constant 0 : i32
      %dma_start3A_1560 = tpu.memref_slice %arg8[%dma_start3A_1548, %dma_start3A_1558, %dma_start3A_1559] : memref<2x5x80xi32, #tpu.memory_space<vmem>> -> memref<1x5x80xi32, #tpu.memory_space<vmem>>
      %dma_start3A_1561 = tpu.memref_squeeze %dma_start3A_1560 : memref<1x5x80xi32, #tpu.memory_space<vmem>> -> memref<5x80xi32, #tpu.memory_space<vmem>>
      %dma_start3A_1562 = arith.constant 0 : i32
      %dma_start3A_1563 = tpu.memref_slice %dma_start3A_1561[%dma_start3A_1549, %dma_start3A_1562] : memref<5x80xi32, #tpu.memory_space<vmem>> -> memref<1x80xi32, #tpu.memory_space<vmem>>
      %dma_start3A_1564 = tpu.memref_squeeze %dma_start3A_1563 : memref<1x80xi32, #tpu.memory_space<vmem>> -> memref<80xi32, #tpu.memory_space<vmem>>
      %dma_start3A_1565 = tpu.memref_slice %arg3[%add3A_1547] : memref<1600000xi32, #tpu.memory_space<hbm>> -> memref<80xi32, #tpu.memory_space<hbm>>
      tpu.enqueue_dma source(%dma_start3A_1565 : memref<80xi32, #tpu.memory_space<hbm>>) target(%dma_start3A_1564 : memref<80xi32, #tpu.memory_space<vmem>>) target_semaphore(%arg11 : memref<!tpu.dma_semaphore, #tpu.memory_space<semaphore_mem>>)
      %add3A_1566 = arith.constant 800000 : i32
      %add3A_1567 = arith.addi %add3A_1566, %add3A_1543 : i32
      %add3A_1568 = arith.constant 0 : i32
      %add3A_1569 = arith.addi %add3A_1567, %add3A_1568 : i32
      %dma_start3A_1570 = arith.constant 1 : i32
      %dma_start3A_1571 = arith.constant 0 : i32
      %dma_start3A_1572 = arith.constant 0 : i32
      %dma_start3A_1573 = arith.constant 0 : i32
      %dma_start3A_1574 = tpu.memref_slice %arg9[%dma_start3A_1570, %dma_start3A_1572, %dma_start3A_1573] : memref<2x5x80xi32, #tpu.memory_space<vmem>> -> memref<1x5x80xi32, #tpu.memory_space<vmem>>
      %dma_start3A_1575 = tpu.memref_squeeze %dma_start3A_1574 : memref<1x5x80xi32, #tpu.memory_space<vmem>> -> memref<5x80xi32, #tpu.memory_space<vmem>>
      %dma_start3A_1576 = arith.constant 0 : i32
      %dma_start3A_1577 = tpu.memref_slice %dma_start3A_1575[%dma_start3A_1571, %dma_start3A_1576] : memref<5x80xi32, #tpu.memory_space<vmem>> -> memref<1x80xi32, #tpu.memory_space<vmem>>
      %dma_start3A_1578 = tpu.memref_squeeze %dma_start3A_1577 : memref<1x80xi32, #tpu.memory_space<vmem>> -> memref<80xi32, #tpu.memory_space<vmem>>
      %dma_start3A_1579 = tpu.memref_slice %arg3[%add3A_1569] : memref<1600000xi32, #tpu.memory_space<hbm>> -> memref<80xi32, #tpu.memory_space<hbm>>
      %dma_start3A_1580 = arith.constant 0 : i32
      %dma_start3A_1581 = arith.constant 0 : i32
      %dma_start3A_1582 = tpu.memref_slice %arg9[%dma_start3A_1570, %dma_start3A_1580, %dma_start3A_1581] : memref<2x5x80xi32, #tpu.memory_space<vmem>> -> memref<1x5x80xi32, #tpu.memory_space<vmem>>
      %dma_start3A_1583 = tpu.memref_squeeze %dma_start3A_1582 : memref<1x5x80xi32, #tpu.memory_space<vmem>> -> memref<5x80xi32, #tpu.memory_space<vmem>>
      %dma_start3A_1584 = arith.constant 0 : i32
      %dma_start3A_1585 = tpu.memref_slice %dma_start3A_1583[%dma_start3A_1571, %dma_start3A_1584] : memref<5x80xi32, #tpu.memory_space<vmem>> -> memref<1x80xi32, #tpu.memory_space<vmem>>
      %dma_start3A_1586 = tpu.memref_squeeze %dma_start3A_1585 : memref<1x80xi32, #tpu.memory_space<vmem>> -> memref<80xi32, #tpu.memory_space<vmem>>
      %dma_start3A_1587 = tpu.memref_slice %arg3[%add3A_1569] : memref<1600000xi32, #tpu.memory_space<hbm>> -> memref<80xi32, #tpu.memory_space<hbm>>
      tpu.enqueue_dma source(%dma_start3A_1587 : memref<80xi32, #tpu.memory_space<hbm>>) target(%dma_start3A_1586 : memref<80xi32, #tpu.memory_space<vmem>>) target_semaphore(%arg11 : memref<!tpu.dma_semaphore, #tpu.memory_space<semaphore_mem>>)
      %add3A_1588 = arith.constant 80 : i32
      %add3A_1589 = arith.addi %add3A_1543, %add3A_1588 : i32
      %dma_start3A_1590 = arith.constant 1 : i32
      %dma_start3A_1591 = arith.constant 1 : i32
      %dma_start3A_1592 = arith.constant 0 : i32
      %dma_start3A_1593 = arith.constant 0 : i32
      %dma_start3A_1594 = tpu.memref_slice %arg8[%dma_start3A_1590, %dma_start3A_1592, %dma_start3A_1593] : memref<2x5x80xi32, #tpu.memory_space<vmem>> -> memref<1x5x80xi32, #tpu.memory_space<vmem>>
      %dma_start3A_1595 = tpu.memref_squeeze %dma_start3A_1594 : memref<1x5x80xi32, #tpu.memory_space<vmem>> -> memref<5x80xi32, #tpu.memory_space<vmem>>
      %dma_start3A_1596 = arith.constant 0 : i32
      %dma_start3A_1597 = tpu.memref_slice %dma_start3A_1595[%dma_start3A_1591, %dma_start3A_1596] : memref<5x80xi32, #tpu.memory_space<vmem>> -> memref<1x80xi32, #tpu.memory_space<vmem>>
      %dma_start3A_1598 = tpu.memref_squeeze %dma_start3A_1597 : memref<1x80xi32, #tpu.memory_space<vmem>> -> memref<80xi32, #tpu.memory_space<vmem>>
      %dma_start3A_1599 = tpu.memref_slice %arg3[%add3A_1589] : memref<1600000xi32, #tpu.memory_space<hbm>> -> memref<80xi32, #tpu.memory_space<hbm>>
      %dma_start3A_1600 = arith.constant 0 : i32
      %dma_start3A_1601 = arith.constant 0 : i32
      %dma_start3A_1602 = tpu.memref_slice %arg8[%dma_start3A_1590, %dma_start3A_1600, %dma_start3A_1601] : memref<2x5x80xi32, #tpu.memory_space<vmem>> -> memref<1x5x80xi32, #tpu.memory_space<vmem>>
      %dma_start3A_1603 = tpu.memref_squeeze %dma_start3A_1602 : memref<1x5x80xi32, #tpu.memory_space<vmem>> -> memref<5x80xi32, #tpu.memory_space<vmem>>
      %dma_start3A_1604 = arith.constant 0 : i32
      %dma_start3A_1605 = tpu.memref_slice %dma_start3A_1603[%dma_start3A_1591, %dma_start3A_1604] : memref<5x80xi32, #tpu.memory_space<vmem>> -> memref<1x80xi32, #tpu.memory_space<vmem>>
      %dma_start3A_1606 = tpu.memref_squeeze %dma_start3A_1605 : memref<1x80xi32, #tpu.memory_space<vmem>> -> memref<80xi32, #tpu.memory_space<vmem>>
      %dma_start3A_1607 = tpu.memref_slice %arg3[%add3A_1589] : memref<1600000xi32, #tpu.memory_space<hbm>> -> memref<80xi32, #tpu.memory_space<hbm>>
      tpu.enqueue_dma source(%dma_start3A_1607 : memref<80xi32, #tpu.memory_space<hbm>>) target(%dma_start3A_1606 : memref<80xi32, #tpu.memory_space<vmem>>) target_semaphore(%arg11 : memref<!tpu.dma_semaphore, #tpu.memory_space<semaphore_mem>>)
      %add3A_1608 = arith.constant 800000 : i32
      %add3A_1609 = arith.addi %add3A_1608, %add3A_1543 : i32
      %add3A_1610 = arith.constant 80 : i32
      %add3A_1611 = arith.addi %add3A_1609, %add3A_1610 : i32
      %dma_start3A_1612 = arith.constant 1 : i32
      %dma_start3A_1613 = arith.constant 1 : i32
      %dma_start3A_1614 = arith.constant 0 : i32
      %dma_start3A_1615 = arith.constant 0 : i32
      %dma_start3A_1616 = tpu.memref_slice %arg9[%dma_start3A_1612, %dma_start3A_1614, %dma_start3A_1615] : memref<2x5x80xi32, #tpu.memory_space<vmem>> -> memref<1x5x80xi32, #tpu.memory_space<vmem>>
      %dma_start3A_1617 = tpu.memref_squeeze %dma_start3A_1616 : memref<1x5x80xi32, #tpu.memory_space<vmem>> -> memref<5x80xi32, #tpu.memory_space<vmem>>
      %dma_start3A_1618 = arith.constant 0 : i32
      %dma_start3A_1619 = tpu.memref_slice %dma_start3A_1617[%dma_start3A_1613, %dma_start3A_1618] : memref<5x80xi32, #tpu.memory_space<vmem>> -> memref<1x80xi32, #tpu.memory_space<vmem>>
      %dma_start3A_1620 = tpu.memref_squeeze %dma_start3A_1619 : memref<1x80xi32, #tpu.memory_space<vmem>> -> memref<80xi32, #tpu.memory_space<vmem>>
      %dma_start3A_1621 = tpu.memref_slice %arg3[%add3A_1611] : memref<1600000xi32, #tpu.memory_space<hbm>> -> memref<80xi32, #tpu.memory_space<hbm>>
      %dma_start3A_1622 = arith.constant 0 : i32
      %dma_start3A_1623 = arith.constant 0 : i32
      %dma_start3A_1624 = tpu.memref_slice %arg9[%dma_start3A_1612, %dma_start3A_1622, %dma_start3A_1623] : memref<2x5x80xi32, #tpu.memory_space<vmem>> -> memref<1x5x80xi32, #tpu.memory_space<vmem>>
      %dma_start3A_1625 = tpu.memref_squeeze %dma_start3A_1624 : memref<1x5x80xi32, #tpu.memory_space<vmem>> -> memref<5x80xi32, #tpu.memory_space<vmem>>
      %dma_start3A_1626 = arith.constant 0 : i32
      %dma_start3A_1627 = tpu.memref_slice %dma_start3A_1625[%dma_start3A_1613, %dma_start3A_1626] : memref<5x80xi32, #tpu.memory_space<vmem>> -> memref<1x80xi32, #tpu.memory_space<vmem>>
      %dma_start3A_1628 = tpu.memref_squeeze %dma_start3A_1627 : memref<1x80xi32, #tpu.memory_space<vmem>> -> memref<80xi32, #tpu.memory_space<vmem>>
      %dma_start3A_1629 = tpu.memref_slice %arg3[%add3A_1611] : memref<1600000xi32, #tpu.memory_space<hbm>> -> memref<80xi32, #tpu.memory_space<hbm>>
      tpu.enqueue_dma source(%dma_start3A_1629 : memref<80xi32, #tpu.memory_space<hbm>>) target(%dma_start3A_1628 : memref<80xi32, #tpu.memory_space<vmem>>) target_semaphore(%arg11 : memref<!tpu.dma_semaphore, #tpu.memory_space<semaphore_mem>>)
      %add3A_1630 = arith.constant 160 : i32
      %add3A_1631 = arith.addi %add3A_1543, %add3A_1630 : i32
      %dma_start3A_1632 = arith.constant 1 : i32
      %dma_start3A_1633 = arith.constant 2 : i32
      %dma_start3A_1634 = arith.constant 0 : i32
      %dma_start3A_1635 = arith.constant 0 : i32
      %dma_start3A_1636 = tpu.memref_slice %arg8[%dma_start3A_1632, %dma_start3A_1634, %dma_start3A_1635] : memref<2x5x80xi32, #tpu.memory_space<vmem>> -> memref<1x5x80xi32, #tpu.memory_space<vmem>>
      %dma_start3A_1637 = tpu.memref_squeeze %dma_start3A_1636 : memref<1x5x80xi32, #tpu.memory_space<vmem>> -> memref<5x80xi32, #tpu.memory_space<vmem>>
      %dma_start3A_1638 = arith.constant 0 : i32
      %dma_start3A_1639 = tpu.memref_slice %dma_start3A_1637[%dma_start3A_1633, %dma_start3A_1638] : memref<5x80xi32, #tpu.memory_space<vmem>> -> memref<1x80xi32, #tpu.memory_space<vmem>>
      %dma_start3A_1640 = tpu.memref_squeeze %dma_start3A_1639 : memref<1x80xi32, #tpu.memory_space<vmem>> -> memref<80xi32, #tpu.memory_space<vmem>>
      %dma_start3A_1641 = tpu.memref_slice %arg3[%add3A_1631] : memref<1600000xi32, #tpu.memory_space<hbm>> -> memref<80xi32, #tpu.memory_space<hbm>>
      %dma_start3A_1642 = arith.constant 0 : i32
      %dma_start3A_1643 = arith.constant 0 : i32
      %dma_start3A_1644 = tpu.memref_slice %arg8[%dma_start3A_1632, %dma_start3A_1642, %dma_start3A_1643] : memref<2x5x80xi32, #tpu.memory_space<vmem>> -> memref<1x5x80xi32, #tpu.memory_space<vmem>>
      %dma_start3A_1645 = tpu.memref_squeeze %dma_start3A_1644 : memref<1x5x80xi32, #tpu.memory_space<vmem>> -> memref<5x80xi32, #tpu.memory_space<vmem>>
      %dma_start3A_1646 = arith.constant 0 : i32
      %dma_start3A_1647 = tpu.memref_slice %dma_start3A_1645[%dma_start3A_1633, %dma_start3A_1646] : memref<5x80xi32, #tpu.memory_space<vmem>> -> memref<1x80xi32, #tpu.memory_space<vmem>>
      %dma_start3A_1648 = tpu.memref_squeeze %dma_start3A_1647 : memref<1x80xi32, #tpu.memory_space<vmem>> -> memref<80xi32, #tpu.memory_space<vmem>>
      %dma_start3A_1649 = tpu.memref_slice %arg3[%add3A_1631] : memref<1600000xi32, #tpu.memory_space<hbm>> -> memref<80xi32, #tpu.memory_space<hbm>>
      tpu.enqueue_dma source(%dma_start3A_1649 : memref<80xi32, #tpu.memory_space<hbm>>) target(%dma_start3A_1648 : memref<80xi32, #tpu.memory_space<vmem>>) target_semaphore(%arg11 : memref<!tpu.dma_semaphore, #tpu.memory_space<semaphore_mem>>)
      %add3A_1650 = arith.constant 800000 : i32
      %add3A_1651 = arith.addi %add3A_1650, %add3A_1543 : i32
      %add3A_1652 = arith.constant 160 : i32
      %add3A_1653 = arith.addi %add3A_1651, %add3A_1652 : i32
      %dma_start3A_1654 = arith.constant 1 : i32
      %dma_start3A_1655 = arith.constant 2 : i32
      %dma_start3A_1656 = arith.constant 0 : i32
      %dma_start3A_1657 = arith.constant 0 : i32
      %dma_start3A_1658 = tpu.memref_slice %arg9[%dma_start3A_1654, %dma_start3A_1656, %dma_start3A_1657] : memref<2x5x80xi32, #tpu.memory_space<vmem>> -> memref<1x5x80xi32, #tpu.memory_space<vmem>>
      %dma_start3A_1659 = tpu.memref_squeeze %dma_start3A_1658 : memref<1x5x80xi32, #tpu.memory_space<vmem>> -> memref<5x80xi32, #tpu.memory_space<vmem>>
      %dma_start3A_1660 = arith.constant 0 : i32
      %dma_start3A_1661 = tpu.memref_slice %dma_start3A_1659[%dma_start3A_1655, %dma_start3A_1660] : memref<5x80xi32, #tpu.memory_space<vmem>> -> memref<1x80xi32, #tpu.memory_space<vmem>>
      %dma_start3A_1662 = tpu.memref_squeeze %dma_start3A_1661 : memref<1x80xi32, #tpu.memory_space<vmem>> -> memref<80xi32, #tpu.memory_space<vmem>>
      %dma_start3A_1663 = tpu.memref_slice %arg3[%add3A_1653] : memref<1600000xi32, #tpu.memory_space<hbm>> -> memref<80xi32, #tpu.memory_space<hbm>>
      %dma_start3A_1664 = arith.constant 0 : i32
      %dma_start3A_1665 = arith.constant 0 : i32
      %dma_start3A_1666 = tpu.memref_slice %arg9[%dma_start3A_1654, %dma_start3A_1664, %dma_start3A_1665] : memref<2x5x80xi32, #tpu.memory_space<vmem>> -> memref<1x5x80xi32, #tpu.memory_space<vmem>>
      %dma_start3A_1667 = tpu.memref_squeeze %dma_start3A_1666 : memref<1x5x80xi32, #tpu.memory_space<vmem>> -> memref<5x80xi32, #tpu.memory_space<vmem>>
      %dma_start3A_1668 = arith.constant 0 : i32
      %dma_start3A_1669 = tpu.memref_slice %dma_start3A_1667[%dma_start3A_1655, %dma_start3A_1668] : memref<5x80xi32, #tpu.memory_space<vmem>> -> memref<1x80xi32, #tpu.memory_space<vmem>>
      %dma_start3A_1670 = tpu.memref_squeeze %dma_start3A_1669 : memref<1x80xi32, #tpu.memory_space<vmem>> -> memref<80xi32, #tpu.memory_space<vmem>>
      %dma_start3A_1671 = tpu.memref_slice %arg3[%add3A_1653] : memref<1600000xi32, #tpu.memory_space<hbm>> -> memref<80xi32, #tpu.memory_space<hbm>>
      tpu.enqueue_dma source(%dma_start3A_1671 : memref<80xi32, #tpu.memory_space<hbm>>) target(%dma_start3A_1670 : memref<80xi32, #tpu.memory_space<vmem>>) target_semaphore(%arg11 : memref<!tpu.dma_semaphore, #tpu.memory_space<semaphore_mem>>)
      %add3A_1672 = arith.constant 240 : i32
      %add3A_1673 = arith.addi %add3A_1543, %add3A_1672 : i32
      %dma_start3A_1674 = arith.constant 1 : i32
      %dma_start3A_1675 = arith.constant 3 : i32
      %dma_start3A_1676 = arith.constant 0 : i32
      %dma_start3A_1677 = arith.constant 0 : i32
      %dma_start3A_1678 = tpu.memref_slice %arg8[%dma_start3A_1674, %dma_start3A_1676, %dma_start3A_1677] : memref<2x5x80xi32, #tpu.memory_space<vmem>> -> memref<1x5x80xi32, #tpu.memory_space<vmem>>
      %dma_start3A_1679 = tpu.memref_squeeze %dma_start3A_1678 : memref<1x5x80xi32, #tpu.memory_space<vmem>> -> memref<5x80xi32, #tpu.memory_space<vmem>>
      %dma_start3A_1680 = arith.constant 0 : i32
      %dma_start3A_1681 = tpu.memref_slice %dma_start3A_1679[%dma_start3A_1675, %dma_start3A_1680] : memref<5x80xi32, #tpu.memory_space<vmem>> -> memref<1x80xi32, #tpu.memory_space<vmem>>
      %dma_start3A_1682 = tpu.memref_squeeze %dma_start3A_1681 : memref<1x80xi32, #tpu.memory_space<vmem>> -> memref<80xi32, #tpu.memory_space<vmem>>
      %dma_start3A_1683 = tpu.memref_slice %arg3[%add3A_1673] : memref<1600000xi32, #tpu.memory_space<hbm>> -> memref<80xi32, #tpu.memory_space<hbm>>
      %dma_start3A_1684 = arith.constant 0 : i32
      %dma_start3A_1685 = arith.constant 0 : i32
      %dma_start3A_1686 = tpu.memref_slice %arg8[%dma_start3A_1674, %dma_start3A_1684, %dma_start3A_1685] : memref<2x5x80xi32, #tpu.memory_space<vmem>> -> memref<1x5x80xi32, #tpu.memory_space<vmem>>
      %dma_start3A_1687 = tpu.memref_squeeze %dma_start3A_1686 : memref<1x5x80xi32, #tpu.memory_space<vmem>> -> memref<5x80xi32, #tpu.memory_space<vmem>>
      %dma_start3A_1688 = arith.constant 0 : i32
      %dma_start3A_1689 = tpu.memref_slice %dma_start3A_1687[%dma_start3A_1675, %dma_start3A_1688] : memref<5x80xi32, #tpu.memory_space<vmem>> -> memref<1x80xi32, #tpu.memory_space<vmem>>
      %dma_start3A_1690 = tpu.memref_squeeze %dma_start3A_1689 : memref<1x80xi32, #tpu.memory_space<vmem>> -> memref<80xi32, #tpu.memory_space<vmem>>
      %dma_start3A_1691 = tpu.memref_slice %arg3[%add3A_1673] : memref<1600000xi32, #tpu.memory_space<hbm>> -> memref<80xi32, #tpu.memory_space<hbm>>
      tpu.enqueue_dma source(%dma_start3A_1691 : memref<80xi32, #tpu.memory_space<hbm>>) target(%dma_start3A_1690 : memref<80xi32, #tpu.memory_space<vmem>>) target_semaphore(%arg11 : memref<!tpu.dma_semaphore, #tpu.memory_space<semaphore_mem>>)
      %add3A_1692 = arith.constant 800000 : i32
      %add3A_1693 = arith.addi %add3A_1692, %add3A_1543 : i32
      %add3A_1694 = arith.constant 240 : i32
      %add3A_1695 = arith.addi %add3A_1693, %add3A_1694 : i32
      %dma_start3A_1696 = arith.constant 1 : i32
      %dma_start3A_1697 = arith.constant 3 : i32
      %dma_start3A_1698 = arith.constant 0 : i32
      %dma_start3A_1699 = arith.constant 0 : i32
      %dma_start3A_1700 = tpu.memref_slice %arg9[%dma_start3A_1696, %dma_start3A_1698, %dma_start3A_1699] : memref<2x5x80xi32, #tpu.memory_space<vmem>> -> memref<1x5x80xi32, #tpu.memory_space<vmem>>
      %dma_start3A_1701 = tpu.memref_squeeze %dma_start3A_1700 : memref<1x5x80xi32, #tpu.memory_space<vmem>> -> memref<5x80xi32, #tpu.memory_space<vmem>>
      %dma_start3A_1702 = arith.constant 0 : i32
      %dma_start3A_1703 = tpu.memref_slice %dma_start3A_1701[%dma_start3A_1697, %dma_start3A_1702] : memref<5x80xi32, #tpu.memory_space<vmem>> -> memref<1x80xi32, #tpu.memory_space<vmem>>
      %dma_start3A_1704 = tpu.memref_squeeze %dma_start3A_1703 : memref<1x80xi32, #tpu.memory_space<vmem>> -> memref<80xi32, #tpu.memory_space<vmem>>
      %dma_start3A_1705 = tpu.memref_slice %arg3[%add3A_1695] : memref<1600000xi32, #tpu.memory_space<hbm>> -> memref<80xi32, #tpu.memory_space<hbm>>
      %dma_start3A_1706 = arith.constant 0 : i32
      %dma_start3A_1707 = arith.constant 0 : i32
      %dma_start3A_1708 = tpu.memref_slice %arg9[%dma_start3A_1696, %dma_start3A_1706, %dma_start3A_1707] : memref<2x5x80xi32, #tpu.memory_space<vmem>> -> memref<1x5x80xi32, #tpu.memory_space<vmem>>
      %dma_start3A_1709 = tpu.memref_squeeze %dma_start3A_1708 : memref<1x5x80xi32, #tpu.memory_space<vmem>> -> memref<5x80xi32, #tpu.memory_space<vmem>>
      %dma_start3A_1710 = arith.constant 0 : i32
      %dma_start3A_1711 = tpu.memref_slice %dma_start3A_1709[%dma_start3A_1697, %dma_start3A_1710] : memref<5x80xi32, #tpu.memory_space<vmem>> -> memref<1x80xi32, #tpu.memory_space<vmem>>
      %dma_start3A_1712 = tpu.memref_squeeze %dma_start3A_1711 : memref<1x80xi32, #tpu.memory_space<vmem>> -> memref<80xi32, #tpu.memory_space<vmem>>
      %dma_start3A_1713 = tpu.memref_slice %arg3[%add3A_1695] : memref<1600000xi32, #tpu.memory_space<hbm>> -> memref<80xi32, #tpu.memory_space<hbm>>
      tpu.enqueue_dma source(%dma_start3A_1713 : memref<80xi32, #tpu.memory_space<hbm>>) target(%dma_start3A_1712 : memref<80xi32, #tpu.memory_space<vmem>>) target_semaphore(%arg11 : memref<!tpu.dma_semaphore, #tpu.memory_space<semaphore_mem>>)
      %add3A_1714 = arith.constant 320 : i32
      %add3A_1715 = arith.addi %add3A_1543, %add3A_1714 : i32
      %dma_start3A_1716 = arith.constant 1 : i32
      %dma_start3A_1717 = arith.constant 4 : i32
      %dma_start3A_1718 = arith.constant 0 : i32
      %dma_start3A_1719 = arith.constant 0 : i32
      %dma_start3A_1720 = tpu.memref_slice %arg8[%dma_start3A_1716, %dma_start3A_1718, %dma_start3A_1719] : memref<2x5x80xi32, #tpu.memory_space<vmem>> -> memref<1x5x80xi32, #tpu.memory_space<vmem>>
      %dma_start3A_1721 = tpu.memref_squeeze %dma_start3A_1720 : memref<1x5x80xi32, #tpu.memory_space<vmem>> -> memref<5x80xi32, #tpu.memory_space<vmem>>
      %dma_start3A_1722 = arith.constant 0 : i32
      %dma_start3A_1723 = tpu.memref_slice %dma_start3A_1721[%dma_start3A_1717, %dma_start3A_1722] : memref<5x80xi32, #tpu.memory_space<vmem>> -> memref<1x80xi32, #tpu.memory_space<vmem>>
      %dma_start3A_1724 = tpu.memref_squeeze %dma_start3A_1723 : memref<1x80xi32, #tpu.memory_space<vmem>> -> memref<80xi32, #tpu.memory_space<vmem>>
      %dma_start3A_1725 = tpu.memref_slice %arg3[%add3A_1715] : memref<1600000xi32, #tpu.memory_space<hbm>> -> memref<80xi32, #tpu.memory_space<hbm>>
      %dma_start3A_1726 = arith.constant 0 : i32
      %dma_start3A_1727 = arith.constant 0 : i32
      %dma_start3A_1728 = tpu.memref_slice %arg8[%dma_start3A_1716, %dma_start3A_1726, %dma_start3A_1727] : memref<2x5x80xi32, #tpu.memory_space<vmem>> -> memref<1x5x80xi32, #tpu.memory_space<vmem>>
      %dma_start3A_1729 = tpu.memref_squeeze %dma_start3A_1728 : memref<1x5x80xi32, #tpu.memory_space<vmem>> -> memref<5x80xi32, #tpu.memory_space<vmem>>
      %dma_start3A_1730 = arith.constant 0 : i32
      %dma_start3A_1731 = tpu.memref_slice %dma_start3A_1729[%dma_start3A_1717, %dma_start3A_1730] : memref<5x80xi32, #tpu.memory_space<vmem>> -> memref<1x80xi32, #tpu.memory_space<vmem>>
      %dma_start3A_1732 = tpu.memref_squeeze %dma_start3A_1731 : memref<1x80xi32, #tpu.memory_space<vmem>> -> memref<80xi32, #tpu.memory_space<vmem>>
      %dma_start3A_1733 = tpu.memref_slice %arg3[%add3A_1715] : memref<1600000xi32, #tpu.memory_space<hbm>> -> memref<80xi32, #tpu.memory_space<hbm>>
      tpu.enqueue_dma source(%dma_start3A_1733 : memref<80xi32, #tpu.memory_space<hbm>>) target(%dma_start3A_1732 : memref<80xi32, #tpu.memory_space<vmem>>) target_semaphore(%arg11 : memref<!tpu.dma_semaphore, #tpu.memory_space<semaphore_mem>>)
      %add3A_1734 = arith.constant 800000 : i32
      %add3A_1735 = arith.addi %add3A_1734, %add3A_1543 : i32
      %add3A_1736 = arith.constant 320 : i32
      %add3A_1737 = arith.addi %add3A_1735, %add3A_1736 : i32
      %dma_start3A_1738 = arith.constant 1 : i32
      %dma_start3A_1739 = arith.constant 4 : i32
      %dma_start3A_1740 = arith.constant 0 : i32
      %dma_start3A_1741 = arith.constant 0 : i32
      %dma_start3A_1742 = tpu.memref_slice %arg9[%dma_start3A_1738, %dma_start3A_1740, %dma_start3A_1741] : memref<2x5x80xi32, #tpu.memory_space<vmem>> -> memref<1x5x80xi32, #tpu.memory_space<vmem>>
      %dma_start3A_1743 = tpu.memref_squeeze %dma_start3A_1742 : memref<1x5x80xi32, #tpu.memory_space<vmem>> -> memref<5x80xi32, #tpu.memory_space<vmem>>
      %dma_start3A_1744 = arith.constant 0 : i32
      %dma_start3A_1745 = tpu.memref_slice %dma_start3A_1743[%dma_start3A_1739, %dma_start3A_1744] : memref<5x80xi32, #tpu.memory_space<vmem>> -> memref<1x80xi32, #tpu.memory_space<vmem>>
      %dma_start3A_1746 = tpu.memref_squeeze %dma_start3A_1745 : memref<1x80xi32, #tpu.memory_space<vmem>> -> memref<80xi32, #tpu.memory_space<vmem>>
      %dma_start3A_1747 = tpu.memref_slice %arg3[%add3A_1737] : memref<1600000xi32, #tpu.memory_space<hbm>> -> memref<80xi32, #tpu.memory_space<hbm>>
      %dma_start3A_1748 = arith.constant 0 : i32
      %dma_start3A_1749 = arith.constant 0 : i32
      %dma_start3A_1750 = tpu.memref_slice %arg9[%dma_start3A_1738, %dma_start3A_1748, %dma_start3A_1749] : memref<2x5x80xi32, #tpu.memory_space<vmem>> -> memref<1x5x80xi32, #tpu.memory_space<vmem>>
      %dma_start3A_1751 = tpu.memref_squeeze %dma_start3A_1750 : memref<1x5x80xi32, #tpu.memory_space<vmem>> -> memref<5x80xi32, #tpu.memory_space<vmem>>
      %dma_start3A_1752 = arith.constant 0 : i32
      %dma_start3A_1753 = tpu.memref_slice %dma_start3A_1751[%dma_start3A_1739, %dma_start3A_1752] : memref<5x80xi32, #tpu.memory_space<vmem>> -> memref<1x80xi32, #tpu.memory_space<vmem>>
      %dma_start3A_1754 = tpu.memref_squeeze %dma_start3A_1753 : memref<1x80xi32, #tpu.memory_space<vmem>> -> memref<80xi32, #tpu.memory_space<vmem>>
      %dma_start3A_1755 = tpu.memref_slice %arg3[%add3A_1737] : memref<1600000xi32, #tpu.memory_space<hbm>> -> memref<80xi32, #tpu.memory_space<hbm>>
      tpu.enqueue_dma source(%dma_start3A_1755 : memref<80xi32, #tpu.memory_space<hbm>>) target(%dma_start3A_1754 : memref<80xi32, #tpu.memory_space<vmem>>) target_semaphore(%arg11 : memref<!tpu.dma_semaphore, #tpu.memory_space<semaphore_mem>>)
      %add3A_1756 = arith.constant 0 : i32
      %add3A_1757 = arith.addi %add3A_1543, %add3A_1756 : i32
      %dma_wait3A_1758 = arith.constant 1 : i32
      %dma_wait3A_1759 = arith.constant 0 : i32
      %dma_wait3A_1760 = arith.constant 0 : i32
      %dma_wait3A_1761 = arith.constant 0 : i32
      %dma_wait3A_1762 = tpu.memref_slice %arg8[%dma_wait3A_1758, %dma_wait3A_1760, %dma_wait3A_1761] : memref<2x5x80xi32, #tpu.memory_space<vmem>> -> memref<1x5x80xi32, #tpu.memory_space<vmem>>
      %dma_wait3A_1763 = tpu.memref_squeeze %dma_wait3A_1762 : memref<1x5x80xi32, #tpu.memory_space<vmem>> -> memref<5x80xi32, #tpu.memory_space<vmem>>
      %dma_wait3A_1764 = arith.constant 0 : i32
      %dma_wait3A_1765 = tpu.memref_slice %dma_wait3A_1763[%dma_wait3A_1759, %dma_wait3A_1764] : memref<5x80xi32, #tpu.memory_space<vmem>> -> memref<1x80xi32, #tpu.memory_space<vmem>>
      %dma_wait3A_1766 = tpu.memref_squeeze %dma_wait3A_1765 : memref<1x80xi32, #tpu.memory_space<vmem>> -> memref<80xi32, #tpu.memory_space<vmem>>
      %dma_wait3A_1767 = tpu.memref_slice %arg3[%add3A_1757] : memref<1600000xi32, #tpu.memory_space<hbm>> -> memref<80xi32, #tpu.memory_space<hbm>>
      %dma_wait3A_1768 = arith.constant 0 : i32
      %dma_wait3A_1769 = arith.constant 0 : i32
      %dma_wait3A_1770 = tpu.memref_slice %arg8[%dma_wait3A_1758, %dma_wait3A_1768, %dma_wait3A_1769] : memref<2x5x80xi32, #tpu.memory_space<vmem>> -> memref<1x5x80xi32, #tpu.memory_space<vmem>>
      %dma_wait3A_1771 = tpu.memref_squeeze %dma_wait3A_1770 : memref<1x5x80xi32, #tpu.memory_space<vmem>> -> memref<5x80xi32, #tpu.memory_space<vmem>>
      %dma_wait3A_1772 = arith.constant 0 : i32
      %dma_wait3A_1773 = tpu.memref_slice %dma_wait3A_1771[%dma_wait3A_1759, %dma_wait3A_1772] : memref<5x80xi32, #tpu.memory_space<vmem>> -> memref<1x80xi32, #tpu.memory_space<vmem>>
      %dma_wait3A_1774 = tpu.memref_squeeze %dma_wait3A_1773 : memref<1x80xi32, #tpu.memory_space<vmem>> -> memref<80xi32, #tpu.memory_space<vmem>>
      %dma_wait3A_1775 = tpu.memref_slice %arg3[%add3A_1757] : memref<1600000xi32, #tpu.memory_space<hbm>> -> memref<80xi32, #tpu.memory_space<hbm>>
      tpu.wait_dma2 semaphore(%arg11 : memref<!tpu.dma_semaphore, #tpu.memory_space<semaphore_mem>>) src(%dma_wait3A_1775 : memref<80xi32, #tpu.memory_space<hbm>>) dst(%dma_wait3A_1774 : memref<80xi32, #tpu.memory_space<vmem>>)
      %add3A_1776 = arith.constant 0 : i32
      %add3A_1777 = arith.addi %add3A_1543, %add3A_1776 : i32
      %dma_wait3A_1778 = arith.constant 1 : i32
      %dma_wait3A_1779 = arith.constant 0 : i32
      %dma_wait3A_1780 = arith.constant 0 : i32
      %dma_wait3A_1781 = arith.constant 0 : i32
      %dma_wait3A_1782 = tpu.memref_slice %arg9[%dma_wait3A_1778, %dma_wait3A_1780, %dma_wait3A_1781] : memref<2x5x80xi32, #tpu.memory_space<vmem>> -> memref<1x5x80xi32, #tpu.memory_space<vmem>>
      %dma_wait3A_1783 = tpu.memref_squeeze %dma_wait3A_1782 : memref<1x5x80xi32, #tpu.memory_space<vmem>> -> memref<5x80xi32, #tpu.memory_space<vmem>>
      %dma_wait3A_1784 = arith.constant 0 : i32
      %dma_wait3A_1785 = tpu.memref_slice %dma_wait3A_1783[%dma_wait3A_1779, %dma_wait3A_1784] : memref<5x80xi32, #tpu.memory_space<vmem>> -> memref<1x80xi32, #tpu.memory_space<vmem>>
      %dma_wait3A_1786 = tpu.memref_squeeze %dma_wait3A_1785 : memref<1x80xi32, #tpu.memory_space<vmem>> -> memref<80xi32, #tpu.memory_space<vmem>>
      %dma_wait3A_1787 = tpu.memref_slice %arg3[%add3A_1777] : memref<1600000xi32, #tpu.memory_space<hbm>> -> memref<80xi32, #tpu.memory_space<hbm>>
      %dma_wait3A_1788 = arith.constant 0 : i32
      %dma_wait3A_1789 = arith.constant 0 : i32
      %dma_wait3A_1790 = tpu.memref_slice %arg9[%dma_wait3A_1778, %dma_wait3A_1788, %dma_wait3A_1789] : memref<2x5x80xi32, #tpu.memory_space<vmem>> -> memref<1x5x80xi32, #tpu.memory_space<vmem>>
      %dma_wait3A_1791 = tpu.memref_squeeze %dma_wait3A_1790 : memref<1x5x80xi32, #tpu.memory_space<vmem>> -> memref<5x80xi32, #tpu.memory_space<vmem>>
      %dma_wait3A_1792 = arith.constant 0 : i32
      %dma_wait3A_1793 = tpu.memref_slice %dma_wait3A_1791[%dma_wait3A_1779, %dma_wait3A_1792] : memref<5x80xi32, #tpu.memory_space<vmem>> -> memref<1x80xi32, #tpu.memory_space<vmem>>
      %dma_wait3A_1794 = tpu.memref_squeeze %dma_wait3A_1793 : memref<1x80xi32, #tpu.memory_space<vmem>> -> memref<80xi32, #tpu.memory_space<vmem>>
      %dma_wait3A_1795 = tpu.memref_slice %arg3[%add3A_1777] : memref<1600000xi32, #tpu.memory_space<hbm>> -> memref<80xi32, #tpu.memory_space<hbm>>
      tpu.wait_dma2 semaphore(%arg11 : memref<!tpu.dma_semaphore, #tpu.memory_space<semaphore_mem>>) src(%dma_wait3A_1795 : memref<80xi32, #tpu.memory_space<hbm>>) dst(%dma_wait3A_1794 : memref<80xi32, #tpu.memory_space<vmem>>)
      %add3A_1796 = arith.constant 80 : i32
      %add3A_1797 = arith.addi %add3A_1543, %add3A_1796 : i32
      %dma_wait3A_1798 = arith.constant 1 : i32
      %dma_wait3A_1799 = arith.constant 1 : i32
      %dma_wait3A_1800 = arith.constant 0 : i32
      %dma_wait3A_1801 = arith.constant 0 : i32
      %dma_wait3A_1802 = tpu.memref_slice %arg8[%dma_wait3A_1798, %dma_wait3A_1800, %dma_wait3A_1801] : memref<2x5x80xi32, #tpu.memory_space<vmem>> -> memref<1x5x80xi32, #tpu.memory_space<vmem>>
      %dma_wait3A_1803 = tpu.memref_squeeze %dma_wait3A_1802 : memref<1x5x80xi32, #tpu.memory_space<vmem>> -> memref<5x80xi32, #tpu.memory_space<vmem>>
      %dma_wait3A_1804 = arith.constant 0 : i32
      %dma_wait3A_1805 = tpu.memref_slice %dma_wait3A_1803[%dma_wait3A_1799, %dma_wait3A_1804] : memref<5x80xi32, #tpu.memory_space<vmem>> -> memref<1x80xi32, #tpu.memory_space<vmem>>
      %dma_wait3A_1806 = tpu.memref_squeeze %dma_wait3A_1805 : memref<1x80xi32, #tpu.memory_space<vmem>> -> memref<80xi32, #tpu.memory_space<vmem>>
      %dma_wait3A_1807 = tpu.memref_slice %arg3[%add3A_1797] : memref<1600000xi32, #tpu.memory_space<hbm>> -> memref<80xi32, #tpu.memory_space<hbm>>
      %dma_wait3A_1808 = arith.constant 0 : i32
      %dma_wait3A_1809 = arith.constant 0 : i32
      %dma_wait3A_1810 = tpu.memref_slice %arg8[%dma_wait3A_1798, %dma_wait3A_1808, %dma_wait3A_1809] : memref<2x5x80xi32, #tpu.memory_space<vmem>> -> memref<1x5x80xi32, #tpu.memory_space<vmem>>
      %dma_wait3A_1811 = tpu.memref_squeeze %dma_wait3A_1810 : memref<1x5x80xi32, #tpu.memory_space<vmem>> -> memref<5x80xi32, #tpu.memory_space<vmem>>
      %dma_wait3A_1812 = arith.constant 0 : i32
      %dma_wait3A_1813 = tpu.memref_slice %dma_wait3A_1811[%dma_wait3A_1799, %dma_wait3A_1812] : memref<5x80xi32, #tpu.memory_space<vmem>> -> memref<1x80xi32, #tpu.memory_space<vmem>>
      %dma_wait3A_1814 = tpu.memref_squeeze %dma_wait3A_1813 : memref<1x80xi32, #tpu.memory_space<vmem>> -> memref<80xi32, #tpu.memory_space<vmem>>
      %dma_wait3A_1815 = tpu.memref_slice %arg3[%add3A_1797] : memref<1600000xi32, #tpu.memory_space<hbm>> -> memref<80xi32, #tpu.memory_space<hbm>>
      tpu.wait_dma2 semaphore(%arg11 : memref<!tpu.dma_semaphore, #tpu.memory_space<semaphore_mem>>) src(%dma_wait3A_1815 : memref<80xi32, #tpu.memory_space<hbm>>) dst(%dma_wait3A_1814 : memref<80xi32, #tpu.memory_space<vmem>>)
      %add3A_1816 = arith.constant 80 : i32
      %add3A_1817 = arith.addi %add3A_1543, %add3A_1816 : i32
      %dma_wait3A_1818 = arith.constant 1 : i32
      %dma_wait3A_1819 = arith.constant 1 : i32
      %dma_wait3A_1820 = arith.constant 0 : i32
      %dma_wait3A_1821 = arith.constant 0 : i32
      %dma_wait3A_1822 = tpu.memref_slice %arg9[%dma_wait3A_1818, %dma_wait3A_1820, %dma_wait3A_1821] : memref<2x5x80xi32, #tpu.memory_space<vmem>> -> memref<1x5x80xi32, #tpu.memory_space<vmem>>
      %dma_wait3A_1823 = tpu.memref_squeeze %dma_wait3A_1822 : memref<1x5x80xi32, #tpu.memory_space<vmem>> -> memref<5x80xi32, #tpu.memory_space<vmem>>
      %dma_wait3A_1824 = arith.constant 0 : i32
      %dma_wait3A_1825 = tpu.memref_slice %dma_wait3A_1823[%dma_wait3A_1819, %dma_wait3A_1824] : memref<5x80xi32, #tpu.memory_space<vmem>> -> memref<1x80xi32, #tpu.memory_space<vmem>>
      %dma_wait3A_1826 = tpu.memref_squeeze %dma_wait3A_1825 : memref<1x80xi32, #tpu.memory_space<vmem>> -> memref<80xi32, #tpu.memory_space<vmem>>
      %dma_wait3A_1827 = tpu.memref_slice %arg3[%add3A_1817] : memref<1600000xi32, #tpu.memory_space<hbm>> -> memref<80xi32, #tpu.memory_space<hbm>>
      %dma_wait3A_1828 = arith.constant 0 : i32
      %dma_wait3A_1829 = arith.constant 0 : i32
      %dma_wait3A_1830 = tpu.memref_slice %arg9[%dma_wait3A_1818, %dma_wait3A_1828, %dma_wait3A_1829] : memref<2x5x80xi32, #tpu.memory_space<vmem>> -> memref<1x5x80xi32, #tpu.memory_space<vmem>>
      %dma_wait3A_1831 = tpu.memref_squeeze %dma_wait3A_1830 : memref<1x5x80xi32, #tpu.memory_space<vmem>> -> memref<5x80xi32, #tpu.memory_space<vmem>>
      %dma_wait3A_1832 = arith.constant 0 : i32
      %dma_wait3A_1833 = tpu.memref_slice %dma_wait3A_1831[%dma_wait3A_1819, %dma_wait3A_1832] : memref<5x80xi32, #tpu.memory_space<vmem>> -> memref<1x80xi32, #tpu.memory_space<vmem>>
      %dma_wait3A_1834 = tpu.memref_squeeze %dma_wait3A_1833 : memref<1x80xi32, #tpu.memory_space<vmem>> -> memref<80xi32, #tpu.memory_space<vmem>>
      %dma_wait3A_1835 = tpu.memref_slice %arg3[%add3A_1817] : memref<1600000xi32, #tpu.memory_space<hbm>> -> memref<80xi32, #tpu.memory_space<hbm>>
      tpu.wait_dma2 semaphore(%arg11 : memref<!tpu.dma_semaphore, #tpu.memory_space<semaphore_mem>>) src(%dma_wait3A_1835 : memref<80xi32, #tpu.memory_space<hbm>>) dst(%dma_wait3A_1834 : memref<80xi32, #tpu.memory_space<vmem>>)
      %add3A_1836 = arith.constant 160 : i32
      %add3A_1837 = arith.addi %add3A_1543, %add3A_1836 : i32
      %dma_wait3A_1838 = arith.constant 1 : i32
      %dma_wait3A_1839 = arith.constant 2 : i32
      %dma_wait3A_1840 = arith.constant 0 : i32
      %dma_wait3A_1841 = arith.constant 0 : i32
      %dma_wait3A_1842 = tpu.memref_slice %arg8[%dma_wait3A_1838, %dma_wait3A_1840, %dma_wait3A_1841] : memref<2x5x80xi32, #tpu.memory_space<vmem>> -> memref<1x5x80xi32, #tpu.memory_space<vmem>>
      %dma_wait3A_1843 = tpu.memref_squeeze %dma_wait3A_1842 : memref<1x5x80xi32, #tpu.memory_space<vmem>> -> memref<5x80xi32, #tpu.memory_space<vmem>>
      %dma_wait3A_1844 = arith.constant 0 : i32
      %dma_wait3A_1845 = tpu.memref_slice %dma_wait3A_1843[%dma_wait3A_1839, %dma_wait3A_1844] : memref<5x80xi32, #tpu.memory_space<vmem>> -> memref<1x80xi32, #tpu.memory_space<vmem>>
      %dma_wait3A_1846 = tpu.memref_squeeze %dma_wait3A_1845 : memref<1x80xi32, #tpu.memory_space<vmem>> -> memref<80xi32, #tpu.memory_space<vmem>>
      %dma_wait3A_1847 = tpu.memref_slice %arg3[%add3A_1837] : memref<1600000xi32, #tpu.memory_space<hbm>> -> memref<80xi32, #tpu.memory_space<hbm>>
      %dma_wait3A_1848 = arith.constant 0 : i32
      %dma_wait3A_1849 = arith.constant 0 : i32
      %dma_wait3A_1850 = tpu.memref_slice %arg8[%dma_wait3A_1838, %dma_wait3A_1848, %dma_wait3A_1849] : memref<2x5x80xi32, #tpu.memory_space<vmem>> -> memref<1x5x80xi32, #tpu.memory_space<vmem>>
      %dma_wait3A_1851 = tpu.memref_squeeze %dma_wait3A_1850 : memref<1x5x80xi32, #tpu.memory_space<vmem>> -> memref<5x80xi32, #tpu.memory_space<vmem>>
      %dma_wait3A_1852 = arith.constant 0 : i32
      %dma_wait3A_1853 = tpu.memref_slice %dma_wait3A_1851[%dma_wait3A_1839, %dma_wait3A_1852] : memref<5x80xi32, #tpu.memory_space<vmem>> -> memref<1x80xi32, #tpu.memory_space<vmem>>
      %dma_wait3A_1854 = tpu.memref_squeeze %dma_wait3A_1853 : memref<1x80xi32, #tpu.memory_space<vmem>> -> memref<80xi32, #tpu.memory_space<vmem>>
      %dma_wait3A_1855 = tpu.memref_slice %arg3[%add3A_1837] : memref<1600000xi32, #tpu.memory_space<hbm>> -> memref<80xi32, #tpu.memory_space<hbm>>
      tpu.wait_dma2 semaphore(%arg11 : memref<!tpu.dma_semaphore, #tpu.memory_space<semaphore_mem>>) src(%dma_wait3A_1855 : memref<80xi32, #tpu.memory_space<hbm>>) dst(%dma_wait3A_1854 : memref<80xi32, #tpu.memory_space<vmem>>)
      %add3A_1856 = arith.constant 160 : i32
      %add3A_1857 = arith.addi %add3A_1543, %add3A_1856 : i32
      %dma_wait3A_1858 = arith.constant 1 : i32
      %dma_wait3A_1859 = arith.constant 2 : i32
      %dma_wait3A_1860 = arith.constant 0 : i32
      %dma_wait3A_1861 = arith.constant 0 : i32
      %dma_wait3A_1862 = tpu.memref_slice %arg9[%dma_wait3A_1858, %dma_wait3A_1860, %dma_wait3A_1861] : memref<2x5x80xi32, #tpu.memory_space<vmem>> -> memref<1x5x80xi32, #tpu.memory_space<vmem>>
      %dma_wait3A_1863 = tpu.memref_squeeze %dma_wait3A_1862 : memref<1x5x80xi32, #tpu.memory_space<vmem>> -> memref<5x80xi32, #tpu.memory_space<vmem>>
      %dma_wait3A_1864 = arith.constant 0 : i32
      %dma_wait3A_1865 = tpu.memref_slice %dma_wait3A_1863[%dma_wait3A_1859, %dma_wait3A_1864] : memref<5x80xi32, #tpu.memory_space<vmem>> -> memref<1x80xi32, #tpu.memory_space<vmem>>
      %dma_wait3A_1866 = tpu.memref_squeeze %dma_wait3A_1865 : memref<1x80xi32, #tpu.memory_space<vmem>> -> memref<80xi32, #tpu.memory_space<vmem>>
      %dma_wait3A_1867 = tpu.memref_slice %arg3[%add3A_1857] : memref<1600000xi32, #tpu.memory_space<hbm>> -> memref<80xi32, #tpu.memory_space<hbm>>
      %dma_wait3A_1868 = arith.constant 0 : i32
      %dma_wait3A_1869 = arith.constant 0 : i32
      %dma_wait3A_1870 = tpu.memref_slice %arg9[%dma_wait3A_1858, %dma_wait3A_1868, %dma_wait3A_1869] : memref<2x5x80xi32, #tpu.memory_space<vmem>> -> memref<1x5x80xi32, #tpu.memory_space<vmem>>
      %dma_wait3A_1871 = tpu.memref_squeeze %dma_wait3A_1870 : memref<1x5x80xi32, #tpu.memory_space<vmem>> -> memref<5x80xi32, #tpu.memory_space<vmem>>
      %dma_wait3A_1872 = arith.constant 0 : i32
      %dma_wait3A_1873 = tpu.memref_slice %dma_wait3A_1871[%dma_wait3A_1859, %dma_wait3A_1872] : memref<5x80xi32, #tpu.memory_space<vmem>> -> memref<1x80xi32, #tpu.memory_space<vmem>>
      %dma_wait3A_1874 = tpu.memref_squeeze %dma_wait3A_1873 : memref<1x80xi32, #tpu.memory_space<vmem>> -> memref<80xi32, #tpu.memory_space<vmem>>
      %dma_wait3A_1875 = tpu.memref_slice %arg3[%add3A_1857] : memref<1600000xi32, #tpu.memory_space<hbm>> -> memref<80xi32, #tpu.memory_space<hbm>>
      tpu.wait_dma2 semaphore(%arg11 : memref<!tpu.dma_semaphore, #tpu.memory_space<semaphore_mem>>) src(%dma_wait3A_1875 : memref<80xi32, #tpu.memory_space<hbm>>) dst(%dma_wait3A_1874 : memref<80xi32, #tpu.memory_space<vmem>>)
      %add3A_1876 = arith.constant 240 : i32
      %add3A_1877 = arith.addi %add3A_1543, %add3A_1876 : i32
      %dma_wait3A_1878 = arith.constant 1 : i32
      %dma_wait3A_1879 = arith.constant 3 : i32
      %dma_wait3A_1880 = arith.constant 0 : i32
      %dma_wait3A_1881 = arith.constant 0 : i32
      %dma_wait3A_1882 = tpu.memref_slice %arg8[%dma_wait3A_1878, %dma_wait3A_1880, %dma_wait3A_1881] : memref<2x5x80xi32, #tpu.memory_space<vmem>> -> memref<1x5x80xi32, #tpu.memory_space<vmem>>
      %dma_wait3A_1883 = tpu.memref_squeeze %dma_wait3A_1882 : memref<1x5x80xi32, #tpu.memory_space<vmem>> -> memref<5x80xi32, #tpu.memory_space<vmem>>
      %dma_wait3A_1884 = arith.constant 0 : i32
      %dma_wait3A_1885 = tpu.memref_slice %dma_wait3A_1883[%dma_wait3A_1879, %dma_wait3A_1884] : memref<5x80xi32, #tpu.memory_space<vmem>> -> memref<1x80xi32, #tpu.memory_space<vmem>>
      %dma_wait3A_1886 = tpu.memref_squeeze %dma_wait3A_1885 : memref<1x80xi32, #tpu.memory_space<vmem>> -> memref<80xi32, #tpu.memory_space<vmem>>
      %dma_wait3A_1887 = tpu.memref_slice %arg3[%add3A_1877] : memref<1600000xi32, #tpu.memory_space<hbm>> -> memref<80xi32, #tpu.memory_space<hbm>>
      %dma_wait3A_1888 = arith.constant 0 : i32
      %dma_wait3A_1889 = arith.constant 0 : i32
      %dma_wait3A_1890 = tpu.memref_slice %arg8[%dma_wait3A_1878, %dma_wait3A_1888, %dma_wait3A_1889] : memref<2x5x80xi32, #tpu.memory_space<vmem>> -> memref<1x5x80xi32, #tpu.memory_space<vmem>>
      %dma_wait3A_1891 = tpu.memref_squeeze %dma_wait3A_1890 : memref<1x5x80xi32, #tpu.memory_space<vmem>> -> memref<5x80xi32, #tpu.memory_space<vmem>>
      %dma_wait3A_1892 = arith.constant 0 : i32
      %dma_wait3A_1893 = tpu.memref_slice %dma_wait3A_1891[%dma_wait3A_1879, %dma_wait3A_1892] : memref<5x80xi32, #tpu.memory_space<vmem>> -> memref<1x80xi32, #tpu.memory_space<vmem>>
      %dma_wait3A_1894 = tpu.memref_squeeze %dma_wait3A_1893 : memref<1x80xi32, #tpu.memory_space<vmem>> -> memref<80xi32, #tpu.memory_space<vmem>>
      %dma_wait3A_1895 = tpu.memref_slice %arg3[%add3A_1877] : memref<1600000xi32, #tpu.memory_space<hbm>> -> memref<80xi32, #tpu.memory_space<hbm>>
      tpu.wait_dma2 semaphore(%arg11 : memref<!tpu.dma_semaphore, #tpu.memory_space<semaphore_mem>>) src(%dma_wait3A_1895 : memref<80xi32, #tpu.memory_space<hbm>>) dst(%dma_wait3A_1894 : memref<80xi32, #tpu.memory_space<vmem>>)
      %add3A_1896 = arith.constant 240 : i32
      %add3A_1897 = arith.addi %add3A_1543, %add3A_1896 : i32
      %dma_wait3A_1898 = arith.constant 1 : i32
      %dma_wait3A_1899 = arith.constant 3 : i32
      %dma_wait3A_1900 = arith.constant 0 : i32
      %dma_wait3A_1901 = arith.constant 0 : i32
      %dma_wait3A_1902 = tpu.memref_slice %arg9[%dma_wait3A_1898, %dma_wait3A_1900, %dma_wait3A_1901] : memref<2x5x80xi32, #tpu.memory_space<vmem>> -> memref<1x5x80xi32, #tpu.memory_space<vmem>>
      %dma_wait3A_1903 = tpu.memref_squeeze %dma_wait3A_1902 : memref<1x5x80xi32, #tpu.memory_space<vmem>> -> memref<5x80xi32, #tpu.memory_space<vmem>>
      %dma_wait3A_1904 = arith.constant 0 : i32
      %dma_wait3A_1905 = tpu.memref_slice %dma_wait3A_1903[%dma_wait3A_1899, %dma_wait3A_1904] : memref<5x80xi32, #tpu.memory_space<vmem>> -> memref<1x80xi32, #tpu.memory_space<vmem>>
      %dma_wait3A_1906 = tpu.memref_squeeze %dma_wait3A_1905 : memref<1x80xi32, #tpu.memory_space<vmem>> -> memref<80xi32, #tpu.memory_space<vmem>>
      %dma_wait3A_1907 = tpu.memref_slice %arg3[%add3A_1897] : memref<1600000xi32, #tpu.memory_space<hbm>> -> memref<80xi32, #tpu.memory_space<hbm>>
      %dma_wait3A_1908 = arith.constant 0 : i32
      %dma_wait3A_1909 = arith.constant 0 : i32
      %dma_wait3A_1910 = tpu.memref_slice %arg9[%dma_wait3A_1898, %dma_wait3A_1908, %dma_wait3A_1909] : memref<2x5x80xi32, #tpu.memory_space<vmem>> -> memref<1x5x80xi32, #tpu.memory_space<vmem>>
      %dma_wait3A_1911 = tpu.memref_squeeze %dma_wait3A_1910 : memref<1x5x80xi32, #tpu.memory_space<vmem>> -> memref<5x80xi32, #tpu.memory_space<vmem>>
      %dma_wait3A_1912 = arith.constant 0 : i32
      %dma_wait3A_1913 = tpu.memref_slice %dma_wait3A_1911[%dma_wait3A_1899, %dma_wait3A_1912] : memref<5x80xi32, #tpu.memory_space<vmem>> -> memref<1x80xi32, #tpu.memory_space<vmem>>
      %dma_wait3A_1914 = tpu.memref_squeeze %dma_wait3A_1913 : memref<1x80xi32, #tpu.memory_space<vmem>> -> memref<80xi32, #tpu.memory_space<vmem>>
      %dma_wait3A_1915 = tpu.memref_slice %arg3[%add3A_1897] : memref<1600000xi32, #tpu.memory_space<hbm>> -> memref<80xi32, #tpu.memory_space<hbm>>
      tpu.wait_dma2 semaphore(%arg11 : memref<!tpu.dma_semaphore, #tpu.memory_space<semaphore_mem>>) src(%dma_wait3A_1915 : memref<80xi32, #tpu.memory_space<hbm>>) dst(%dma_wait3A_1914 : memref<80xi32, #tpu.memory_space<vmem>>)
      %add3A_1916 = arith.constant 320 : i32
      %add3A_1917 = arith.addi %add3A_1543, %add3A_1916 : i32
      %dma_wait3A_1918 = arith.constant 1 : i32
      %dma_wait3A_1919 = arith.constant 4 : i32
      %dma_wait3A_1920 = arith.constant 0 : i32
      %dma_wait3A_1921 = arith.constant 0 : i32
      %dma_wait3A_1922 = tpu.memref_slice %arg8[%dma_wait3A_1918, %dma_wait3A_1920, %dma_wait3A_1921] : memref<2x5x80xi32, #tpu.memory_space<vmem>> -> memref<1x5x80xi32, #tpu.memory_space<vmem>>
      %dma_wait3A_1923 = tpu.memref_squeeze %dma_wait3A_1922 : memref<1x5x80xi32, #tpu.memory_space<vmem>> -> memref<5x80xi32, #tpu.memory_space<vmem>>
      %dma_wait3A_1924 = arith.constant 0 : i32
      %dma_wait3A_1925 = tpu.memref_slice %dma_wait3A_1923[%dma_wait3A_1919, %dma_wait3A_1924] : memref<5x80xi32, #tpu.memory_space<vmem>> -> memref<1x80xi32, #tpu.memory_space<vmem>>
      %dma_wait3A_1926 = tpu.memref_squeeze %dma_wait3A_1925 : memref<1x80xi32, #tpu.memory_space<vmem>> -> memref<80xi32, #tpu.memory_space<vmem>>
      %dma_wait3A_1927 = tpu.memref_slice %arg3[%add3A_1917] : memref<1600000xi32, #tpu.memory_space<hbm>> -> memref<80xi32, #tpu.memory_space<hbm>>
      %dma_wait3A_1928 = arith.constant 0 : i32
      %dma_wait3A_1929 = arith.constant 0 : i32
      %dma_wait3A_1930 = tpu.memref_slice %arg8[%dma_wait3A_1918, %dma_wait3A_1928, %dma_wait3A_1929] : memref<2x5x80xi32, #tpu.memory_space<vmem>> -> memref<1x5x80xi32, #tpu.memory_space<vmem>>
      %dma_wait3A_1931 = tpu.memref_squeeze %dma_wait3A_1930 : memref<1x5x80xi32, #tpu.memory_space<vmem>> -> memref<5x80xi32, #tpu.memory_space<vmem>>
      %dma_wait3A_1932 = arith.constant 0 : i32
      %dma_wait3A_1933 = tpu.memref_slice %dma_wait3A_1931[%dma_wait3A_1919, %dma_wait3A_1932] : memref<5x80xi32, #tpu.memory_space<vmem>> -> memref<1x80xi32, #tpu.memory_space<vmem>>
      %dma_wait3A_1934 = tpu.memref_squeeze %dma_wait3A_1933 : memref<1x80xi32, #tpu.memory_space<vmem>> -> memref<80xi32, #tpu.memory_space<vmem>>
      %dma_wait3A_1935 = tpu.memref_slice %arg3[%add3A_1917] : memref<1600000xi32, #tpu.memory_space<hbm>> -> memref<80xi32, #tpu.memory_space<hbm>>
      tpu.wait_dma2 semaphore(%arg11 : memref<!tpu.dma_semaphore, #tpu.memory_space<semaphore_mem>>) src(%dma_wait3A_1935 : memref<80xi32, #tpu.memory_space<hbm>>) dst(%dma_wait3A_1934 : memref<80xi32, #tpu.memory_space<vmem>>)
      %add3A_1936 = arith.constant 320 : i32
      %add3A_1937 = arith.addi %add3A_1543, %add3A_1936 : i32
      %dma_wait3A_1938 = arith.constant 1 : i32
      %dma_wait3A_1939 = arith.constant 4 : i32
      %dma_wait3A_1940 = arith.constant 0 : i32
      %dma_wait3A_1941 = arith.constant 0 : i32
      %dma_wait3A_1942 = tpu.memref_slice %arg9[%dma_wait3A_1938, %dma_wait3A_1940, %dma_wait3A_1941] : memref<2x5x80xi32, #tpu.memory_space<vmem>> -> memref<1x5x80xi32, #tpu.memory_space<vmem>>
      %dma_wait3A_1943 = tpu.memref_squeeze %dma_wait3A_1942 : memref<1x5x80xi32, #tpu.memory_space<vmem>> -> memref<5x80xi32, #tpu.memory_space<vmem>>
      %dma_wait3A_1944 = arith.constant 0 : i32
      %dma_wait3A_1945 = tpu.memref_slice %dma_wait3A_1943[%dma_wait3A_1939, %dma_wait3A_1944] : memref<5x80xi32, #tpu.memory_space<vmem>> -> memref<1x80xi32, #tpu.memory_space<vmem>>
      %dma_wait3A_1946 = tpu.memref_squeeze %dma_wait3A_1945 : memref<1x80xi32, #tpu.memory_space<vmem>> -> memref<80xi32, #tpu.memory_space<vmem>>
      %dma_wait3A_1947 = tpu.memref_slice %arg3[%add3A_1937] : memref<1600000xi32, #tpu.memory_space<hbm>> -> memref<80xi32, #tpu.memory_space<hbm>>
      %dma_wait3A_1948 = arith.constant 0 : i32
      %dma_wait3A_1949 = arith.constant 0 : i32
      %dma_wait3A_1950 = tpu.memref_slice %arg9[%dma_wait3A_1938, %dma_wait3A_1948, %dma_wait3A_1949] : memref<2x5x80xi32, #tpu.memory_space<vmem>> -> memref<1x5x80xi32, #tpu.memory_space<vmem>>
      %dma_wait3A_1951 = tpu.memref_squeeze %dma_wait3A_1950 : memref<1x5x80xi32, #tpu.memory_space<vmem>> -> memref<5x80xi32, #tpu.memory_space<vmem>>
      %dma_wait3A_1952 = arith.constant 0 : i32
      %dma_wait3A_1953 = tpu.memref_slice %dma_wait3A_1951[%dma_wait3A_1939, %dma_wait3A_1952] : memref<5x80xi32, #tpu.memory_space<vmem>> -> memref<1x80xi32, #tpu.memory_space<vmem>>
      %dma_wait3A_1954 = tpu.memref_squeeze %dma_wait3A_1953 : memref<1x80xi32, #tpu.memory_space<vmem>> -> memref<80xi32, #tpu.memory_space<vmem>>
      %dma_wait3A_1955 = tpu.memref_slice %arg3[%add3A_1937] : memref<1600000xi32, #tpu.memory_space<hbm>> -> memref<80xi32, #tpu.memory_space<hbm>>
      tpu.wait_dma2 semaphore(%arg11 : memref<!tpu.dma_semaphore, #tpu.memory_space<semaphore_mem>>) src(%dma_wait3A_1955 : memref<80xi32, #tpu.memory_space<hbm>>) dst(%dma_wait3A_1954 : memref<80xi32, #tpu.memory_space<vmem>>)
      %dma_wait3A_1956 = tpu.memref_slice %arg2[%add3A_1543, %add3A_1] : memref<800000x128xf32, #tpu.memory_space<hbm>> -> memref<400x32xf32, #tpu.memory_space<hbm>>
      %dma_wait3A_1957 = tpu.memref_slice %arg2[%add3A_1543, %add3A_1] : memref<800000x128xf32, #tpu.memory_space<hbm>> -> memref<400x32xf32, #tpu.memory_space<hbm>>
      tpu.wait_dma2 semaphore(%arg10 : memref<!tpu.dma_semaphore, #tpu.memory_space<semaphore_mem>>) src(%dma_wait3A_1957 : memref<400x32xf32, #tpu.memory_space<hbm>>) dst(%arg7 : memref<400x32xf32, #tpu.memory_space<vmem>>)
      %dma_start3A_1958 = arith.constant 1 : i32
      %dma_start3A_1959 = arith.constant 0 : i32
      %dma_start3A_1960 = arith.constant 0 : i32
      %dma_start3A_1961 = arith.constant 0 : i32
      %dma_start3A_1962 = tpu.memref_slice %arg7[%dma_start3A_1960, %dma_start3A_1961] : memref<400x32xf32, #tpu.memory_space<vmem>> -> memref<80x32xf32, #tpu.memory_space<vmem>>
      %dma_start3A_1963 = arith.constant 0 : i32
      %dma_start3A_1964 = arith.constant 0 : i32
      %dma_start3A_1965 = tpu.memref_slice %arg8[%dma_start3A_1958, %dma_start3A_1963, %dma_start3A_1964] : memref<2x5x80xi32, #tpu.memory_space<vmem>> -> memref<1x5x80xi32, #tpu.memory_space<vmem>>
      %dma_start3A_1966 = tpu.memref_squeeze %dma_start3A_1965 : memref<1x5x80xi32, #tpu.memory_space<vmem>> -> memref<5x80xi32, #tpu.memory_space<vmem>>
      %dma_start3A_1967 = arith.constant 0 : i32
      %dma_start3A_1968 = tpu.memref_slice %dma_start3A_1966[%dma_start3A_1959, %dma_start3A_1967] : memref<5x80xi32, #tpu.memory_space<vmem>> -> memref<1x80xi32, #tpu.memory_space<vmem>>
      %dma_start3A_1969 = tpu.memref_squeeze %dma_start3A_1968 : memref<1x80xi32, #tpu.memory_space<vmem>> -> memref<80xi32, #tpu.memory_space<vmem>>
      %dma_start3A_1970 = arith.constant 0 : i32
      %dma_start3A_1971 = arith.constant 0 : i32
      %dma_start3A_1972 = tpu.memref_slice %arg5[%dma_start3A_1970, %dma_start3A_1971] : memref<50000x32xf32, #tpu.memory_space<vmem_shared>> -> memref<50000x32xf32, #tpu.memory_space<vmem_shared>>
      tpu.enqueue_indirect_dma source(%dma_start3A_1962 : memref<80x32xf32, #tpu.memory_space<vmem>>) target(%dma_start3A_1972 : memref<50000x32xf32, #tpu.memory_space<vmem_shared>>) offsets(%dma_start3A_1969 : memref<80xi32, #tpu.memory_space<vmem>>) semaphore(%arg12 : memref<!tpu.dma_semaphore, #tpu.memory_space<semaphore_mem>>) {add = true}
      %dma_start3A_1973 = arith.constant 1 : i32
      %dma_start3A_1974 = arith.constant 0 : i32
      %dma_start3A_1975 = arith.constant 0 : i32
      %dma_start3A_1976 = arith.constant 0 : i32
      %dma_start3A_1977 = tpu.memref_slice %arg7[%dma_start3A_1975, %dma_start3A_1976] : memref<400x32xf32, #tpu.memory_space<vmem>> -> memref<80x32xf32, #tpu.memory_space<vmem>>
      %dma_start3A_1978 = arith.constant 0 : i32
      %dma_start3A_1979 = arith.constant 0 : i32
      %dma_start3A_1980 = tpu.memref_slice %arg9[%dma_start3A_1973, %dma_start3A_1978, %dma_start3A_1979] : memref<2x5x80xi32, #tpu.memory_space<vmem>> -> memref<1x5x80xi32, #tpu.memory_space<vmem>>
      %dma_start3A_1981 = tpu.memref_squeeze %dma_start3A_1980 : memref<1x5x80xi32, #tpu.memory_space<vmem>> -> memref<5x80xi32, #tpu.memory_space<vmem>>
      %dma_start3A_1982 = arith.constant 0 : i32
      %dma_start3A_1983 = tpu.memref_slice %dma_start3A_1981[%dma_start3A_1974, %dma_start3A_1982] : memref<5x80xi32, #tpu.memory_space<vmem>> -> memref<1x80xi32, #tpu.memory_space<vmem>>
      %dma_start3A_1984 = tpu.memref_squeeze %dma_start3A_1983 : memref<1x80xi32, #tpu.memory_space<vmem>> -> memref<80xi32, #tpu.memory_space<vmem>>
      %dma_start3A_1985 = arith.constant 0 : i32
      %dma_start3A_1986 = arith.constant 0 : i32
      %dma_start3A_1987 = tpu.memref_slice %arg5[%dma_start3A_1985, %dma_start3A_1986] : memref<50000x32xf32, #tpu.memory_space<vmem_shared>> -> memref<50000x32xf32, #tpu.memory_space<vmem_shared>>
      tpu.enqueue_indirect_dma source(%dma_start3A_1977 : memref<80x32xf32, #tpu.memory_space<vmem>>) target(%dma_start3A_1987 : memref<50000x32xf32, #tpu.memory_space<vmem_shared>>) offsets(%dma_start3A_1984 : memref<80xi32, #tpu.memory_space<vmem>>) semaphore(%arg12 : memref<!tpu.dma_semaphore, #tpu.memory_space<semaphore_mem>>) {add = true}
      %dma_start3A_1988 = arith.constant 1 : i32
      %dma_start3A_1989 = arith.constant 1 : i32
      %dma_start3A_1990 = arith.constant 80 : i32
      %dma_start3A_1991 = arith.constant 0 : i32
      %dma_start3A_1992 = tpu.memref_slice %arg7[%dma_start3A_1990, %dma_start3A_1991] : memref<400x32xf32, #tpu.memory_space<vmem>> -> memref<80x32xf32, #tpu.memory_space<vmem>>
      %dma_start3A_1993 = arith.constant 0 : i32
      %dma_start3A_1994 = arith.constant 0 : i32
      %dma_start3A_1995 = tpu.memref_slice %arg8[%dma_start3A_1988, %dma_start3A_1993, %dma_start3A_1994] : memref<2x5x80xi32, #tpu.memory_space<vmem>> -> memref<1x5x80xi32, #tpu.memory_space<vmem>>
      %dma_start3A_1996 = tpu.memref_squeeze %dma_start3A_1995 : memref<1x5x80xi32, #tpu.memory_space<vmem>> -> memref<5x80xi32, #tpu.memory_space<vmem>>
      %dma_start3A_1997 = arith.constant 0 : i32
      %dma_start3A_1998 = tpu.memref_slice %dma_start3A_1996[%dma_start3A_1989, %dma_start3A_1997] : memref<5x80xi32, #tpu.memory_space<vmem>> -> memref<1x80xi32, #tpu.memory_space<vmem>>
      %dma_start3A_1999 = tpu.memref_squeeze %dma_start3A_1998 : memref<1x80xi32, #tpu.memory_space<vmem>> -> memref<80xi32, #tpu.memory_space<vmem>>
      %dma_start3A_2000 = arith.constant 0 : i32
      %dma_start3A_2001 = arith.constant 0 : i32
      %dma_start3A_2002 = tpu.memref_slice %arg5[%dma_start3A_2000, %dma_start3A_2001] : memref<50000x32xf32, #tpu.memory_space<vmem_shared>> -> memref<50000x32xf32, #tpu.memory_space<vmem_shared>>
      tpu.enqueue_indirect_dma source(%dma_start3A_1992 : memref<80x32xf32, #tpu.memory_space<vmem>>) target(%dma_start3A_2002 : memref<50000x32xf32, #tpu.memory_space<vmem_shared>>) offsets(%dma_start3A_1999 : memref<80xi32, #tpu.memory_space<vmem>>) semaphore(%arg12 : memref<!tpu.dma_semaphore, #tpu.memory_space<semaphore_mem>>) {add = true}
      %dma_start3A_2003 = arith.constant 1 : i32
      %dma_start3A_2004 = arith.constant 1 : i32
      %dma_start3A_2005 = arith.constant 80 : i32
      %dma_start3A_2006 = arith.constant 0 : i32
      %dma_start3A_2007 = tpu.memref_slice %arg7[%dma_start3A_2005, %dma_start3A_2006] : memref<400x32xf32, #tpu.memory_space<vmem>> -> memref<80x32xf32, #tpu.memory_space<vmem>>
      %dma_start3A_2008 = arith.constant 0 : i32
      %dma_start3A_2009 = arith.constant 0 : i32
      %dma_start3A_2010 = tpu.memref_slice %arg9[%dma_start3A_2003, %dma_start3A_2008, %dma_start3A_2009] : memref<2x5x80xi32, #tpu.memory_space<vmem>> -> memref<1x5x80xi32, #tpu.memory_space<vmem>>
      %dma_start3A_2011 = tpu.memref_squeeze %dma_start3A_2010 : memref<1x5x80xi32, #tpu.memory_space<vmem>> -> memref<5x80xi32, #tpu.memory_space<vmem>>
      %dma_start3A_2012 = arith.constant 0 : i32
      %dma_start3A_2013 = tpu.memref_slice %dma_start3A_2011[%dma_start3A_2004, %dma_start3A_2012] : memref<5x80xi32, #tpu.memory_space<vmem>> -> memref<1x80xi32, #tpu.memory_space<vmem>>
      %dma_start3A_2014 = tpu.memref_squeeze %dma_start3A_2013 : memref<1x80xi32, #tpu.memory_space<vmem>> -> memref<80xi32, #tpu.memory_space<vmem>>
      %dma_start3A_2015 = arith.constant 0 : i32
      %dma_start3A_2016 = arith.constant 0 : i32
      %dma_start3A_2017 = tpu.memref_slice %arg5[%dma_start3A_2015, %dma_start3A_2016] : memref<50000x32xf32, #tpu.memory_space<vmem_shared>> -> memref<50000x32xf32, #tpu.memory_space<vmem_shared>>
      tpu.enqueue_indirect_dma source(%dma_start3A_2007 : memref<80x32xf32, #tpu.memory_space<vmem>>) target(%dma_start3A_2017 : memref<50000x32xf32, #tpu.memory_space<vmem_shared>>) offsets(%dma_start3A_2014 : memref<80xi32, #tpu.memory_space<vmem>>) semaphore(%arg12 : memref<!tpu.dma_semaphore, #tpu.memory_space<semaphore_mem>>) {add = true}
      %dma_start3A_2018 = arith.constant 1 : i32
      %dma_start3A_2019 = arith.constant 2 : i32
      %dma_start3A_2020 = arith.constant 160 : i32
      %dma_start3A_2021 = arith.constant 0 : i32
      %dma_start3A_2022 = tpu.memref_slice %arg7[%dma_start3A_2020, %dma_start3A_2021] : memref<400x32xf32, #tpu.memory_space<vmem>> -> memref<80x32xf32, #tpu.memory_space<vmem>>
      %dma_start3A_2023 = arith.constant 0 : i32
      %dma_start3A_2024 = arith.constant 0 : i32
      %dma_start3A_2025 = tpu.memref_slice %arg8[%dma_start3A_2018, %dma_start3A_2023, %dma_start3A_2024] : memref<2x5x80xi32, #tpu.memory_space<vmem>> -> memref<1x5x80xi32, #tpu.memory_space<vmem>>
      %dma_start3A_2026 = tpu.memref_squeeze %dma_start3A_2025 : memref<1x5x80xi32, #tpu.memory_space<vmem>> -> memref<5x80xi32, #tpu.memory_space<vmem>>
      %dma_start3A_2027 = arith.constant 0 : i32
      %dma_start3A_2028 = tpu.memref_slice %dma_start3A_2026[%dma_start3A_2019, %dma_start3A_2027] : memref<5x80xi32, #tpu.memory_space<vmem>> -> memref<1x80xi32, #tpu.memory_space<vmem>>
      %dma_start3A_2029 = tpu.memref_squeeze %dma_start3A_2028 : memref<1x80xi32, #tpu.memory_space<vmem>> -> memref<80xi32, #tpu.memory_space<vmem>>
      %dma_start3A_2030 = arith.constant 0 : i32
      %dma_start3A_2031 = arith.constant 0 : i32
      %dma_start3A_2032 = tpu.memref_slice %arg5[%dma_start3A_2030, %dma_start3A_2031] : memref<50000x32xf32, #tpu.memory_space<vmem_shared>> -> memref<50000x32xf32, #tpu.memory_space<vmem_shared>>
      tpu.enqueue_indirect_dma source(%dma_start3A_2022 : memref<80x32xf32, #tpu.memory_space<vmem>>) target(%dma_start3A_2032 : memref<50000x32xf32, #tpu.memory_space<vmem_shared>>) offsets(%dma_start3A_2029 : memref<80xi32, #tpu.memory_space<vmem>>) semaphore(%arg12 : memref<!tpu.dma_semaphore, #tpu.memory_space<semaphore_mem>>) {add = true}
      %dma_start3A_2033 = arith.constant 1 : i32
      %dma_start3A_2034 = arith.constant 2 : i32
      %dma_start3A_2035 = arith.constant 160 : i32
      %dma_start3A_2036 = arith.constant 0 : i32
      %dma_start3A_2037 = tpu.memref_slice %arg7[%dma_start3A_2035, %dma_start3A_2036] : memref<400x32xf32, #tpu.memory_space<vmem>> -> memref<80x32xf32, #tpu.memory_space<vmem>>
      %dma_start3A_2038 = arith.constant 0 : i32
      %dma_start3A_2039 = arith.constant 0 : i32
      %dma_start3A_2040 = tpu.memref_slice %arg9[%dma_start3A_2033, %dma_start3A_2038, %dma_start3A_2039] : memref<2x5x80xi32, #tpu.memory_space<vmem>> -> memref<1x5x80xi32, #tpu.memory_space<vmem>>
      %dma_start3A_2041 = tpu.memref_squeeze %dma_start3A_2040 : memref<1x5x80xi32, #tpu.memory_space<vmem>> -> memref<5x80xi32, #tpu.memory_space<vmem>>
      %dma_start3A_2042 = arith.constant 0 : i32
      %dma_start3A_2043 = tpu.memref_slice %dma_start3A_2041[%dma_start3A_2034, %dma_start3A_2042] : memref<5x80xi32, #tpu.memory_space<vmem>> -> memref<1x80xi32, #tpu.memory_space<vmem>>
      %dma_start3A_2044 = tpu.memref_squeeze %dma_start3A_2043 : memref<1x80xi32, #tpu.memory_space<vmem>> -> memref<80xi32, #tpu.memory_space<vmem>>
      %dma_start3A_2045 = arith.constant 0 : i32
      %dma_start3A_2046 = arith.constant 0 : i32
      %dma_start3A_2047 = tpu.memref_slice %arg5[%dma_start3A_2045, %dma_start3A_2046] : memref<50000x32xf32, #tpu.memory_space<vmem_shared>> -> memref<50000x32xf32, #tpu.memory_space<vmem_shared>>
      tpu.enqueue_indirect_dma source(%dma_start3A_2037 : memref<80x32xf32, #tpu.memory_space<vmem>>) target(%dma_start3A_2047 : memref<50000x32xf32, #tpu.memory_space<vmem_shared>>) offsets(%dma_start3A_2044 : memref<80xi32, #tpu.memory_space<vmem>>) semaphore(%arg12 : memref<!tpu.dma_semaphore, #tpu.memory_space<semaphore_mem>>) {add = true}
      %dma_start3A_2048 = arith.constant 1 : i32
      %dma_start3A_2049 = arith.constant 3 : i32
      %dma_start3A_2050 = arith.constant 240 : i32
      %dma_start3A_2051 = arith.constant 0 : i32
      %dma_start3A_2052 = tpu.memref_slice %arg7[%dma_start3A_2050, %dma_start3A_2051] : memref<400x32xf32, #tpu.memory_space<vmem>> -> memref<80x32xf32, #tpu.memory_space<vmem>>
      %dma_start3A_2053 = arith.constant 0 : i32
      %dma_start3A_2054 = arith.constant 0 : i32
      %dma_start3A_2055 = tpu.memref_slice %arg8[%dma_start3A_2048, %dma_start3A_2053, %dma_start3A_2054] : memref<2x5x80xi32, #tpu.memory_space<vmem>> -> memref<1x5x80xi32, #tpu.memory_space<vmem>>
      %dma_start3A_2056 = tpu.memref_squeeze %dma_start3A_2055 : memref<1x5x80xi32, #tpu.memory_space<vmem>> -> memref<5x80xi32, #tpu.memory_space<vmem>>
      %dma_start3A_2057 = arith.constant 0 : i32
      %dma_start3A_2058 = tpu.memref_slice %dma_start3A_2056[%dma_start3A_2049, %dma_start3A_2057] : memref<5x80xi32, #tpu.memory_space<vmem>> -> memref<1x80xi32, #tpu.memory_space<vmem>>
      %dma_start3A_2059 = tpu.memref_squeeze %dma_start3A_2058 : memref<1x80xi32, #tpu.memory_space<vmem>> -> memref<80xi32, #tpu.memory_space<vmem>>
      %dma_start3A_2060 = arith.constant 0 : i32
      %dma_start3A_2061 = arith.constant 0 : i32
      %dma_start3A_2062 = tpu.memref_slice %arg5[%dma_start3A_2060, %dma_start3A_2061] : memref<50000x32xf32, #tpu.memory_space<vmem_shared>> -> memref<50000x32xf32, #tpu.memory_space<vmem_shared>>
      tpu.enqueue_indirect_dma source(%dma_start3A_2052 : memref<80x32xf32, #tpu.memory_space<vmem>>) target(%dma_start3A_2062 : memref<50000x32xf32, #tpu.memory_space<vmem_shared>>) offsets(%dma_start3A_2059 : memref<80xi32, #tpu.memory_space<vmem>>) semaphore(%arg12 : memref<!tpu.dma_semaphore, #tpu.memory_space<semaphore_mem>>) {add = true}
      %dma_start3A_2063 = arith.constant 1 : i32
      %dma_start3A_2064 = arith.constant 3 : i32
      %dma_start3A_2065 = arith.constant 240 : i32
      %dma_start3A_2066 = arith.constant 0 : i32
      %dma_start3A_2067 = tpu.memref_slice %arg7[%dma_start3A_2065, %dma_start3A_2066] : memref<400x32xf32, #tpu.memory_space<vmem>> -> memref<80x32xf32, #tpu.memory_space<vmem>>
      %dma_start3A_2068 = arith.constant 0 : i32
      %dma_start3A_2069 = arith.constant 0 : i32
      %dma_start3A_2070 = tpu.memref_slice %arg9[%dma_start3A_2063, %dma_start3A_2068, %dma_start3A_2069] : memref<2x5x80xi32, #tpu.memory_space<vmem>> -> memref<1x5x80xi32, #tpu.memory_space<vmem>>
      %dma_start3A_2071 = tpu.memref_squeeze %dma_start3A_2070 : memref<1x5x80xi32, #tpu.memory_space<vmem>> -> memref<5x80xi32, #tpu.memory_space<vmem>>
      %dma_start3A_2072 = arith.constant 0 : i32
      %dma_start3A_2073 = tpu.memref_slice %dma_start3A_2071[%dma_start3A_2064, %dma_start3A_2072] : memref<5x80xi32, #tpu.memory_space<vmem>> -> memref<1x80xi32, #tpu.memory_space<vmem>>
      %dma_start3A_2074 = tpu.memref_squeeze %dma_start3A_2073 : memref<1x80xi32, #tpu.memory_space<vmem>> -> memref<80xi32, #tpu.memory_space<vmem>>
      %dma_start3A_2075 = arith.constant 0 : i32
      %dma_start3A_2076 = arith.constant 0 : i32
      %dma_start3A_2077 = tpu.memref_slice %arg5[%dma_start3A_2075, %dma_start3A_2076] : memref<50000x32xf32, #tpu.memory_space<vmem_shared>> -> memref<50000x32xf32, #tpu.memory_space<vmem_shared>>
      tpu.enqueue_indirect_dma source(%dma_start3A_2067 : memref<80x32xf32, #tpu.memory_space<vmem>>) target(%dma_start3A_2077 : memref<50000x32xf32, #tpu.memory_space<vmem_shared>>) offsets(%dma_start3A_2074 : memref<80xi32, #tpu.memory_space<vmem>>) semaphore(%arg12 : memref<!tpu.dma_semaphore, #tpu.memory_space<semaphore_mem>>) {add = true}
      %dma_start3A_2078 = arith.constant 1 : i32
      %dma_start3A_2079 = arith.constant 4 : i32
      %dma_start3A_2080 = arith.constant 320 : i32
      %dma_start3A_2081 = arith.constant 0 : i32
      %dma_start3A_2082 = tpu.memref_slice %arg7[%dma_start3A_2080, %dma_start3A_2081] : memref<400x32xf32, #tpu.memory_space<vmem>> -> memref<80x32xf32, #tpu.memory_space<vmem>>
      %dma_start3A_2083 = arith.constant 0 : i32
      %dma_start3A_2084 = arith.constant 0 : i32
      %dma_start3A_2085 = tpu.memref_slice %arg8[%dma_start3A_2078, %dma_start3A_2083, %dma_start3A_2084] : memref<2x5x80xi32, #tpu.memory_space<vmem>> -> memref<1x5x80xi32, #tpu.memory_space<vmem>>
      %dma_start3A_2086 = tpu.memref_squeeze %dma_start3A_2085 : memref<1x5x80xi32, #tpu.memory_space<vmem>> -> memref<5x80xi32, #tpu.memory_space<vmem>>
      %dma_start3A_2087 = arith.constant 0 : i32
      %dma_start3A_2088 = tpu.memref_slice %dma_start3A_2086[%dma_start3A_2079, %dma_start3A_2087] : memref<5x80xi32, #tpu.memory_space<vmem>> -> memref<1x80xi32, #tpu.memory_space<vmem>>
      %dma_start3A_2089 = tpu.memref_squeeze %dma_start3A_2088 : memref<1x80xi32, #tpu.memory_space<vmem>> -> memref<80xi32, #tpu.memory_space<vmem>>
      %dma_start3A_2090 = arith.constant 0 : i32
      %dma_start3A_2091 = arith.constant 0 : i32
      %dma_start3A_2092 = tpu.memref_slice %arg5[%dma_start3A_2090, %dma_start3A_2091] : memref<50000x32xf32, #tpu.memory_space<vmem_shared>> -> memref<50000x32xf32, #tpu.memory_space<vmem_shared>>
      tpu.enqueue_indirect_dma source(%dma_start3A_2082 : memref<80x32xf32, #tpu.memory_space<vmem>>) target(%dma_start3A_2092 : memref<50000x32xf32, #tpu.memory_space<vmem_shared>>) offsets(%dma_start3A_2089 : memref<80xi32, #tpu.memory_space<vmem>>) semaphore(%arg12 : memref<!tpu.dma_semaphore, #tpu.memory_space<semaphore_mem>>) {add = true}
      %dma_start3A_2093 = arith.constant 1 : i32
      %dma_start3A_2094 = arith.constant 4 : i32
      %dma_start3A_2095 = arith.constant 320 : i32
      %dma_start3A_2096 = arith.constant 0 : i32
      %dma_start3A_2097 = tpu.memref_slice %arg7[%dma_start3A_2095, %dma_start3A_2096] : memref<400x32xf32, #tpu.memory_space<vmem>> -> memref<80x32xf32, #tpu.memory_space<vmem>>
      %dma_start3A_2098 = arith.constant 0 : i32
      %dma_start3A_2099 = arith.constant 0 : i32
      %dma_start3A_2100 = tpu.memref_slice %arg9[%dma_start3A_2093, %dma_start3A_2098, %dma_start3A_2099] : memref<2x5x80xi32, #tpu.memory_space<vmem>> -> memref<1x5x80xi32, #tpu.memory_space<vmem>>
      %dma_start3A_2101 = tpu.memref_squeeze %dma_start3A_2100 : memref<1x5x80xi32, #tpu.memory_space<vmem>> -> memref<5x80xi32, #tpu.memory_space<vmem>>
      %dma_start3A_2102 = arith.constant 0 : i32
      %dma_start3A_2103 = tpu.memref_slice %dma_start3A_2101[%dma_start3A_2094, %dma_start3A_2102] : memref<5x80xi32, #tpu.memory_space<vmem>> -> memref<1x80xi32, #tpu.memory_space<vmem>>
      %dma_start3A_2104 = tpu.memref_squeeze %dma_start3A_2103 : memref<1x80xi32, #tpu.memory_space<vmem>> -> memref<80xi32, #tpu.memory_space<vmem>>
      %dma_start3A_2105 = arith.constant 0 : i32
      %dma_start3A_2106 = arith.constant 0 : i32
      %dma_start3A_2107 = tpu.memref_slice %arg5[%dma_start3A_2105, %dma_start3A_2106] : memref<50000x32xf32, #tpu.memory_space<vmem_shared>> -> memref<50000x32xf32, #tpu.memory_space<vmem_shared>>
      tpu.enqueue_indirect_dma source(%dma_start3A_2097 : memref<80x32xf32, #tpu.memory_space<vmem>>) target(%dma_start3A_2107 : memref<50000x32xf32, #tpu.memory_space<vmem_shared>>) offsets(%dma_start3A_2104 : memref<80xi32, #tpu.memory_space<vmem>>) semaphore(%arg12 : memref<!tpu.dma_semaphore, #tpu.memory_space<semaphore_mem>>) {add = true}
      %dma_wait3A_2108 = arith.constant 1 : i32
      %dma_wait3A_2109 = arith.constant 0 : i32
      %dma_wait3A_2110 = arith.constant 0 : i32
      %dma_wait3A_2111 = arith.constant 0 : i32
      %dma_wait3A_2112 = tpu.memref_slice %arg7[%dma_wait3A_2110, %dma_wait3A_2111] : memref<400x32xf32, #tpu.memory_space<vmem>> -> memref<80x32xf32, #tpu.memory_space<vmem>>
      %dma_wait3A_2113 = arith.constant 0 : i32
      %dma_wait3A_2114 = arith.constant 0 : i32
      %dma_wait3A_2115 = tpu.memref_slice %arg8[%dma_wait3A_2108, %dma_wait3A_2113, %dma_wait3A_2114] : memref<2x5x80xi32, #tpu.memory_space<vmem>> -> memref<1x5x80xi32, #tpu.memory_space<vmem>>
      %dma_wait3A_2116 = tpu.memref_squeeze %dma_wait3A_2115 : memref<1x5x80xi32, #tpu.memory_space<vmem>> -> memref<5x80xi32, #tpu.memory_space<vmem>>
      %dma_wait3A_2117 = arith.constant 0 : i32
      %dma_wait3A_2118 = tpu.memref_slice %dma_wait3A_2116[%dma_wait3A_2109, %dma_wait3A_2117] : memref<5x80xi32, #tpu.memory_space<vmem>> -> memref<1x80xi32, #tpu.memory_space<vmem>>
      %dma_wait3A_2119 = tpu.memref_squeeze %dma_wait3A_2118 : memref<1x80xi32, #tpu.memory_space<vmem>> -> memref<80xi32, #tpu.memory_space<vmem>>
      %dma_wait3A_2120 = arith.constant 0 : i32
      %dma_wait3A_2121 = arith.constant 0 : i32
      %dma_wait3A_2122 = tpu.memref_slice %arg5[%dma_wait3A_2120, %dma_wait3A_2121] : memref<50000x32xf32, #tpu.memory_space<vmem_shared>> -> memref<50000x32xf32, #tpu.memory_space<vmem_shared>>
      tpu.wait_indirect_dma semaphore(%arg12 : memref<!tpu.dma_semaphore, #tpu.memory_space<semaphore_mem>>) src(%dma_wait3A_2112 : memref<80x32xf32, #tpu.memory_space<vmem>>) dst(%dma_wait3A_2122 : memref<50000x32xf32, #tpu.memory_space<vmem_shared>>)
      %dma_wait3A_2123 = arith.constant 1 : i32
      %dma_wait3A_2124 = arith.constant 0 : i32
      %dma_wait3A_2125 = arith.constant 0 : i32
      %dma_wait3A_2126 = arith.constant 0 : i32
      %dma_wait3A_2127 = tpu.memref_slice %arg7[%dma_wait3A_2125, %dma_wait3A_2126] : memref<400x32xf32, #tpu.memory_space<vmem>> -> memref<80x32xf32, #tpu.memory_space<vmem>>
      %dma_wait3A_2128 = arith.constant 0 : i32
      %dma_wait3A_2129 = arith.constant 0 : i32
      %dma_wait3A_2130 = tpu.memref_slice %arg9[%dma_wait3A_2123, %dma_wait3A_2128, %dma_wait3A_2129] : memref<2x5x80xi32, #tpu.memory_space<vmem>> -> memref<1x5x80xi32, #tpu.memory_space<vmem>>
      %dma_wait3A_2131 = tpu.memref_squeeze %dma_wait3A_2130 : memref<1x5x80xi32, #tpu.memory_space<vmem>> -> memref<5x80xi32, #tpu.memory_space<vmem>>
      %dma_wait3A_2132 = arith.constant 0 : i32
      %dma_wait3A_2133 = tpu.memref_slice %dma_wait3A_2131[%dma_wait3A_2124, %dma_wait3A_2132] : memref<5x80xi32, #tpu.memory_space<vmem>> -> memref<1x80xi32, #tpu.memory_space<vmem>>
      %dma_wait3A_2134 = tpu.memref_squeeze %dma_wait3A_2133 : memref<1x80xi32, #tpu.memory_space<vmem>> -> memref<80xi32, #tpu.memory_space<vmem>>
      %dma_wait3A_2135 = arith.constant 0 : i32
      %dma_wait3A_2136 = arith.constant 0 : i32
      %dma_wait3A_2137 = tpu.memref_slice %arg5[%dma_wait3A_2135, %dma_wait3A_2136] : memref<50000x32xf32, #tpu.memory_space<vmem_shared>> -> memref<50000x32xf32, #tpu.memory_space<vmem_shared>>
      tpu.wait_indirect_dma semaphore(%arg12 : memref<!tpu.dma_semaphore, #tpu.memory_space<semaphore_mem>>) src(%dma_wait3A_2127 : memref<80x32xf32, #tpu.memory_space<vmem>>) dst(%dma_wait3A_2137 : memref<50000x32xf32, #tpu.memory_space<vmem_shared>>)
      %dma_wait3A_2138 = arith.constant 1 : i32
      %dma_wait3A_2139 = arith.constant 1 : i32
      %dma_wait3A_2140 = arith.constant 80 : i32
      %dma_wait3A_2141 = arith.constant 0 : i32
      %dma_wait3A_2142 = tpu.memref_slice %arg7[%dma_wait3A_2140, %dma_wait3A_2141] : memref<400x32xf32, #tpu.memory_space<vmem>> -> memref<80x32xf32, #tpu.memory_space<vmem>>
      %dma_wait3A_2143 = arith.constant 0 : i32
      %dma_wait3A_2144 = arith.constant 0 : i32
      %dma_wait3A_2145 = tpu.memref_slice %arg8[%dma_wait3A_2138, %dma_wait3A_2143, %dma_wait3A_2144] : memref<2x5x80xi32, #tpu.memory_space<vmem>> -> memref<1x5x80xi32, #tpu.memory_space<vmem>>
      %dma_wait3A_2146 = tpu.memref_squeeze %dma_wait3A_2145 : memref<1x5x80xi32, #tpu.memory_space<vmem>> -> memref<5x80xi32, #tpu.memory_space<vmem>>
      %dma_wait3A_2147 = arith.constant 0 : i32
      %dma_wait3A_2148 = tpu.memref_slice %dma_wait3A_2146[%dma_wait3A_2139, %dma_wait3A_2147] : memref<5x80xi32, #tpu.memory_space<vmem>> -> memref<1x80xi32, #tpu.memory_space<vmem>>
      %dma_wait3A_2149 = tpu.memref_squeeze %dma_wait3A_2148 : memref<1x80xi32, #tpu.memory_space<vmem>> -> memref<80xi32, #tpu.memory_space<vmem>>
      %dma_wait3A_2150 = arith.constant 0 : i32
      %dma_wait3A_2151 = arith.constant 0 : i32
      %dma_wait3A_2152 = tpu.memref_slice %arg5[%dma_wait3A_2150, %dma_wait3A_2151] : memref<50000x32xf32, #tpu.memory_space<vmem_shared>> -> memref<50000x32xf32, #tpu.memory_space<vmem_shared>>
      tpu.wait_indirect_dma semaphore(%arg12 : memref<!tpu.dma_semaphore, #tpu.memory_space<semaphore_mem>>) src(%dma_wait3A_2142 : memref<80x32xf32, #tpu.memory_space<vmem>>) dst(%dma_wait3A_2152 : memref<50000x32xf32, #tpu.memory_space<vmem_shared>>)
      %dma_wait3A_2153 = arith.constant 1 : i32
      %dma_wait3A_2154 = arith.constant 1 : i32
      %dma_wait3A_2155 = arith.constant 80 : i32
      %dma_wait3A_2156 = arith.constant 0 : i32
      %dma_wait3A_2157 = tpu.memref_slice %arg7[%dma_wait3A_2155, %dma_wait3A_2156] : memref<400x32xf32, #tpu.memory_space<vmem>> -> memref<80x32xf32, #tpu.memory_space<vmem>>
      %dma_wait3A_2158 = arith.constant 0 : i32
      %dma_wait3A_2159 = arith.constant 0 : i32
      %dma_wait3A_2160 = tpu.memref_slice %arg9[%dma_wait3A_2153, %dma_wait3A_2158, %dma_wait3A_2159] : memref<2x5x80xi32, #tpu.memory_space<vmem>> -> memref<1x5x80xi32, #tpu.memory_space<vmem>>
      %dma_wait3A_2161 = tpu.memref_squeeze %dma_wait3A_2160 : memref<1x5x80xi32, #tpu.memory_space<vmem>> -> memref<5x80xi32, #tpu.memory_space<vmem>>
      %dma_wait3A_2162 = arith.constant 0 : i32
      %dma_wait3A_2163 = tpu.memref_slice %dma_wait3A_2161[%dma_wait3A_2154, %dma_wait3A_2162] : memref<5x80xi32, #tpu.memory_space<vmem>> -> memref<1x80xi32, #tpu.memory_space<vmem>>
      %dma_wait3A_2164 = tpu.memref_squeeze %dma_wait3A_2163 : memref<1x80xi32, #tpu.memory_space<vmem>> -> memref<80xi32, #tpu.memory_space<vmem>>
      %dma_wait3A_2165 = arith.constant 0 : i32
      %dma_wait3A_2166 = arith.constant 0 : i32
      %dma_wait3A_2167 = tpu.memref_slice %arg5[%dma_wait3A_2165, %dma_wait3A_2166] : memref<50000x32xf32, #tpu.memory_space<vmem_shared>> -> memref<50000x32xf32, #tpu.memory_space<vmem_shared>>
      tpu.wait_indirect_dma semaphore(%arg12 : memref<!tpu.dma_semaphore, #tpu.memory_space<semaphore_mem>>) src(%dma_wait3A_2157 : memref<80x32xf32, #tpu.memory_space<vmem>>) dst(%dma_wait3A_2167 : memref<50000x32xf32, #tpu.memory_space<vmem_shared>>)
      %dma_wait3A_2168 = arith.constant 1 : i32
      %dma_wait3A_2169 = arith.constant 2 : i32
      %dma_wait3A_2170 = arith.constant 160 : i32
      %dma_wait3A_2171 = arith.constant 0 : i32
      %dma_wait3A_2172 = tpu.memref_slice %arg7[%dma_wait3A_2170, %dma_wait3A_2171] : memref<400x32xf32, #tpu.memory_space<vmem>> -> memref<80x32xf32, #tpu.memory_space<vmem>>
      %dma_wait3A_2173 = arith.constant 0 : i32
      %dma_wait3A_2174 = arith.constant 0 : i32
      %dma_wait3A_2175 = tpu.memref_slice %arg8[%dma_wait3A_2168, %dma_wait3A_2173, %dma_wait3A_2174] : memref<2x5x80xi32, #tpu.memory_space<vmem>> -> memref<1x5x80xi32, #tpu.memory_space<vmem>>
      %dma_wait3A_2176 = tpu.memref_squeeze %dma_wait3A_2175 : memref<1x5x80xi32, #tpu.memory_space<vmem>> -> memref<5x80xi32, #tpu.memory_space<vmem>>
      %dma_wait3A_2177 = arith.constant 0 : i32
      %dma_wait3A_2178 = tpu.memref_slice %dma_wait3A_2176[%dma_wait3A_2169, %dma_wait3A_2177] : memref<5x80xi32, #tpu.memory_space<vmem>> -> memref<1x80xi32, #tpu.memory_space<vmem>>
      %dma_wait3A_2179 = tpu.memref_squeeze %dma_wait3A_2178 : memref<1x80xi32, #tpu.memory_space<vmem>> -> memref<80xi32, #tpu.memory_space<vmem>>
      %dma_wait3A_2180 = arith.constant 0 : i32
      %dma_wait3A_2181 = arith.constant 0 : i32
      %dma_wait3A_2182 = tpu.memref_slice %arg5[%dma_wait3A_2180, %dma_wait3A_2181] : memref<50000x32xf32, #tpu.memory_space<vmem_shared>> -> memref<50000x32xf32, #tpu.memory_space<vmem_shared>>
      tpu.wait_indirect_dma semaphore(%arg12 : memref<!tpu.dma_semaphore, #tpu.memory_space<semaphore_mem>>) src(%dma_wait3A_2172 : memref<80x32xf32, #tpu.memory_space<vmem>>) dst(%dma_wait3A_2182 : memref<50000x32xf32, #tpu.memory_space<vmem_shared>>)
      %dma_wait3A_2183 = arith.constant 1 : i32
      %dma_wait3A_2184 = arith.constant 2 : i32
      %dma_wait3A_2185 = arith.constant 160 : i32
      %dma_wait3A_2186 = arith.constant 0 : i32
      %dma_wait3A_2187 = tpu.memref_slice %arg7[%dma_wait3A_2185, %dma_wait3A_2186] : memref<400x32xf32, #tpu.memory_space<vmem>> -> memref<80x32xf32, #tpu.memory_space<vmem>>
      %dma_wait3A_2188 = arith.constant 0 : i32
      %dma_wait3A_2189 = arith.constant 0 : i32
      %dma_wait3A_2190 = tpu.memref_slice %arg9[%dma_wait3A_2183, %dma_wait3A_2188, %dma_wait3A_2189] : memref<2x5x80xi32, #tpu.memory_space<vmem>> -> memref<1x5x80xi32, #tpu.memory_space<vmem>>
      %dma_wait3A_2191 = tpu.memref_squeeze %dma_wait3A_2190 : memref<1x5x80xi32, #tpu.memory_space<vmem>> -> memref<5x80xi32, #tpu.memory_space<vmem>>
      %dma_wait3A_2192 = arith.constant 0 : i32
      %dma_wait3A_2193 = tpu.memref_slice %dma_wait3A_2191[%dma_wait3A_2184, %dma_wait3A_2192] : memref<5x80xi32, #tpu.memory_space<vmem>> -> memref<1x80xi32, #tpu.memory_space<vmem>>
      %dma_wait3A_2194 = tpu.memref_squeeze %dma_wait3A_2193 : memref<1x80xi32, #tpu.memory_space<vmem>> -> memref<80xi32, #tpu.memory_space<vmem>>
      %dma_wait3A_2195 = arith.constant 0 : i32
      %dma_wait3A_2196 = arith.constant 0 : i32
      %dma_wait3A_2197 = tpu.memref_slice %arg5[%dma_wait3A_2195, %dma_wait3A_2196] : memref<50000x32xf32, #tpu.memory_space<vmem_shared>> -> memref<50000x32xf32, #tpu.memory_space<vmem_shared>>
      tpu.wait_indirect_dma semaphore(%arg12 : memref<!tpu.dma_semaphore, #tpu.memory_space<semaphore_mem>>) src(%dma_wait3A_2187 : memref<80x32xf32, #tpu.memory_space<vmem>>) dst(%dma_wait3A_2197 : memref<50000x32xf32, #tpu.memory_space<vmem_shared>>)
      %dma_wait3A_2198 = arith.constant 1 : i32
      %dma_wait3A_2199 = arith.constant 3 : i32
      %dma_wait3A_2200 = arith.constant 240 : i32
      %dma_wait3A_2201 = arith.constant 0 : i32
      %dma_wait3A_2202 = tpu.memref_slice %arg7[%dma_wait3A_2200, %dma_wait3A_2201] : memref<400x32xf32, #tpu.memory_space<vmem>> -> memref<80x32xf32, #tpu.memory_space<vmem>>
      %dma_wait3A_2203 = arith.constant 0 : i32
      %dma_wait3A_2204 = arith.constant 0 : i32
      %dma_wait3A_2205 = tpu.memref_slice %arg8[%dma_wait3A_2198, %dma_wait3A_2203, %dma_wait3A_2204] : memref<2x5x80xi32, #tpu.memory_space<vmem>> -> memref<1x5x80xi32, #tpu.memory_space<vmem>>
      %dma_wait3A_2206 = tpu.memref_squeeze %dma_wait3A_2205 : memref<1x5x80xi32, #tpu.memory_space<vmem>> -> memref<5x80xi32, #tpu.memory_space<vmem>>
      %dma_wait3A_2207 = arith.constant 0 : i32
      %dma_wait3A_2208 = tpu.memref_slice %dma_wait3A_2206[%dma_wait3A_2199, %dma_wait3A_2207] : memref<5x80xi32, #tpu.memory_space<vmem>> -> memref<1x80xi32, #tpu.memory_space<vmem>>
      %dma_wait3A_2209 = tpu.memref_squeeze %dma_wait3A_2208 : memref<1x80xi32, #tpu.memory_space<vmem>> -> memref<80xi32, #tpu.memory_space<vmem>>
      %dma_wait3A_2210 = arith.constant 0 : i32
      %dma_wait3A_2211 = arith.constant 0 : i32
      %dma_wait3A_2212 = tpu.memref_slice %arg5[%dma_wait3A_2210, %dma_wait3A_2211] : memref<50000x32xf32, #tpu.memory_space<vmem_shared>> -> memref<50000x32xf32, #tpu.memory_space<vmem_shared>>
      tpu.wait_indirect_dma semaphore(%arg12 : memref<!tpu.dma_semaphore, #tpu.memory_space<semaphore_mem>>) src(%dma_wait3A_2202 : memref<80x32xf32, #tpu.memory_space<vmem>>) dst(%dma_wait3A_2212 : memref<50000x32xf32, #tpu.memory_space<vmem_shared>>)
      %dma_wait3A_2213 = arith.constant 1 : i32
      %dma_wait3A_2214 = arith.constant 3 : i32
      %dma_wait3A_2215 = arith.constant 240 : i32
      %dma_wait3A_2216 = arith.constant 0 : i32
      %dma_wait3A_2217 = tpu.memref_slice %arg7[%dma_wait3A_2215, %dma_wait3A_2216] : memref<400x32xf32, #tpu.memory_space<vmem>> -> memref<80x32xf32, #tpu.memory_space<vmem>>
      %dma_wait3A_2218 = arith.constant 0 : i32
      %dma_wait3A_2219 = arith.constant 0 : i32
      %dma_wait3A_2220 = tpu.memref_slice %arg9[%dma_wait3A_2213, %dma_wait3A_2218, %dma_wait3A_2219] : memref<2x5x80xi32, #tpu.memory_space<vmem>> -> memref<1x5x80xi32, #tpu.memory_space<vmem>>
      %dma_wait3A_2221 = tpu.memref_squeeze %dma_wait3A_2220 : memref<1x5x80xi32, #tpu.memory_space<vmem>> -> memref<5x80xi32, #tpu.memory_space<vmem>>
      %dma_wait3A_2222 = arith.constant 0 : i32
      %dma_wait3A_2223 = tpu.memref_slice %dma_wait3A_2221[%dma_wait3A_2214, %dma_wait3A_2222] : memref<5x80xi32, #tpu.memory_space<vmem>> -> memref<1x80xi32, #tpu.memory_space<vmem>>
      %dma_wait3A_2224 = tpu.memref_squeeze %dma_wait3A_2223 : memref<1x80xi32, #tpu.memory_space<vmem>> -> memref<80xi32, #tpu.memory_space<vmem>>
      %dma_wait3A_2225 = arith.constant 0 : i32
      %dma_wait3A_2226 = arith.constant 0 : i32
      %dma_wait3A_2227 = tpu.memref_slice %arg5[%dma_wait3A_2225, %dma_wait3A_2226] : memref<50000x32xf32, #tpu.memory_space<vmem_shared>> -> memref<50000x32xf32, #tpu.memory_space<vmem_shared>>
      tpu.wait_indirect_dma semaphore(%arg12 : memref<!tpu.dma_semaphore, #tpu.memory_space<semaphore_mem>>) src(%dma_wait3A_2217 : memref<80x32xf32, #tpu.memory_space<vmem>>) dst(%dma_wait3A_2227 : memref<50000x32xf32, #tpu.memory_space<vmem_shared>>)
      %dma_wait3A_2228 = arith.constant 1 : i32
      %dma_wait3A_2229 = arith.constant 4 : i32
      %dma_wait3A_2230 = arith.constant 320 : i32
      %dma_wait3A_2231 = arith.constant 0 : i32
      %dma_wait3A_2232 = tpu.memref_slice %arg7[%dma_wait3A_2230, %dma_wait3A_2231] : memref<400x32xf32, #tpu.memory_space<vmem>> -> memref<80x32xf32, #tpu.memory_space<vmem>>
      %dma_wait3A_2233 = arith.constant 0 : i32
      %dma_wait3A_2234 = arith.constant 0 : i32
      %dma_wait3A_2235 = tpu.memref_slice %arg8[%dma_wait3A_2228, %dma_wait3A_2233, %dma_wait3A_2234] : memref<2x5x80xi32, #tpu.memory_space<vmem>> -> memref<1x5x80xi32, #tpu.memory_space<vmem>>
      %dma_wait3A_2236 = tpu.memref_squeeze %dma_wait3A_2235 : memref<1x5x80xi32, #tpu.memory_space<vmem>> -> memref<5x80xi32, #tpu.memory_space<vmem>>
      %dma_wait3A_2237 = arith.constant 0 : i32
      %dma_wait3A_2238 = tpu.memref_slice %dma_wait3A_2236[%dma_wait3A_2229, %dma_wait3A_2237] : memref<5x80xi32, #tpu.memory_space<vmem>> -> memref<1x80xi32, #tpu.memory_space<vmem>>
      %dma_wait3A_2239 = tpu.memref_squeeze %dma_wait3A_2238 : memref<1x80xi32, #tpu.memory_space<vmem>> -> memref<80xi32, #tpu.memory_space<vmem>>
      %dma_wait3A_2240 = arith.constant 0 : i32
      %dma_wait3A_2241 = arith.constant 0 : i32
      %dma_wait3A_2242 = tpu.memref_slice %arg5[%dma_wait3A_2240, %dma_wait3A_2241] : memref<50000x32xf32, #tpu.memory_space<vmem_shared>> -> memref<50000x32xf32, #tpu.memory_space<vmem_shared>>
      tpu.wait_indirect_dma semaphore(%arg12 : memref<!tpu.dma_semaphore, #tpu.memory_space<semaphore_mem>>) src(%dma_wait3A_2232 : memref<80x32xf32, #tpu.memory_space<vmem>>) dst(%dma_wait3A_2242 : memref<50000x32xf32, #tpu.memory_space<vmem_shared>>)
      %dma_wait3A_2243 = arith.constant 1 : i32
      %dma_wait3A_2244 = arith.constant 4 : i32
      %dma_wait3A_2245 = arith.constant 320 : i32
      %dma_wait3A_2246 = arith.constant 0 : i32
      %dma_wait3A_2247 = tpu.memref_slice %arg7[%dma_wait3A_2245, %dma_wait3A_2246] : memref<400x32xf32, #tpu.memory_space<vmem>> -> memref<80x32xf32, #tpu.memory_space<vmem>>
      %dma_wait3A_2248 = arith.constant 0 : i32
      %dma_wait3A_2249 = arith.constant 0 : i32
      %dma_wait3A_2250 = tpu.memref_slice %arg9[%dma_wait3A_2243, %dma_wait3A_2248, %dma_wait3A_2249] : memref<2x5x80xi32, #tpu.memory_space<vmem>> -> memref<1x5x80xi32, #tpu.memory_space<vmem>>
      %dma_wait3A_2251 = tpu.memref_squeeze %dma_wait3A_2250 : memref<1x5x80xi32, #tpu.memory_space<vmem>> -> memref<5x80xi32, #tpu.memory_space<vmem>>
      %dma_wait3A_2252 = arith.constant 0 : i32
      %dma_wait3A_2253 = tpu.memref_slice %dma_wait3A_2251[%dma_wait3A_2244, %dma_wait3A_2252] : memref<5x80xi32, #tpu.memory_space<vmem>> -> memref<1x80xi32, #tpu.memory_space<vmem>>
      %dma_wait3A_2254 = tpu.memref_squeeze %dma_wait3A_2253 : memref<1x80xi32, #tpu.memory_space<vmem>> -> memref<80xi32, #tpu.memory_space<vmem>>
      %dma_wait3A_2255 = arith.constant 0 : i32
      %dma_wait3A_2256 = arith.constant 0 : i32
      %dma_wait3A_2257 = tpu.memref_slice %arg5[%dma_wait3A_2255, %dma_wait3A_2256] : memref<50000x32xf32, #tpu.memory_space<vmem_shared>> -> memref<50000x32xf32, #tpu.memory_space<vmem_shared>>
      tpu.wait_indirect_dma semaphore(%arg12 : memref<!tpu.dma_semaphore, #tpu.memory_space<semaphore_mem>>) src(%dma_wait3A_2247 : memref<80x32xf32, #tpu.memory_space<vmem>>) dst(%dma_wait3A_2257 : memref<50000x32xf32, #tpu.memory_space<vmem_shared>>)
    }
    %scan3A_45 = arith.constant 62 : i32
    %mul3A_46 = arith.constant 50000 : i32
    %mul3A_47 = arith.muli %arg1, %mul3A_46 : i32
    %add3A_48 = arith.constant 49600 : i32
    %add3A_49 = arith.addi %mul3A_47, %add3A_48 : i32
    %dma_start3A = tpu.memref_slice %arg2[%add3A_49, %add3A_1] : memref<800000x128xf32, #tpu.memory_space<hbm>> -> memref<400x32xf32, #tpu.memory_space<hbm>>
    %dma_start3A_50 = tpu.memref_slice %arg2[%add3A_49, %add3A_1] : memref<800000x128xf32, #tpu.memory_space<hbm>> -> memref<400x32xf32, #tpu.memory_space<hbm>>
    tpu.enqueue_dma source(%dma_start3A_50 : memref<400x32xf32, #tpu.memory_space<hbm>>) target(%arg6 : memref<400x32xf32, #tpu.memory_space<vmem>>) target_semaphore(%arg10 : memref<!tpu.dma_semaphore, #tpu.memory_space<semaphore_mem>>)
    %add3A_51 = arith.constant 0 : i32
    %add3A_52 = arith.addi %add3A_49, %add3A_51 : i32
    %dma_start3A_53 = arith.constant 0 : i32
    %dma_start3A_54 = arith.constant 0 : i32
    %dma_start3A_55 = arith.constant 0 : i32
    %dma_start3A_56 = arith.constant 0 : i32
    %dma_start3A_57 = tpu.memref_slice %arg8[%dma_start3A_53, %dma_start3A_55, %dma_start3A_56] : memref<2x5x80xi32, #tpu.memory_space<vmem>> -> memref<1x5x80xi32, #tpu.memory_space<vmem>>
    %dma_start3A_58 = tpu.memref_squeeze %dma_start3A_57 : memref<1x5x80xi32, #tpu.memory_space<vmem>> -> memref<5x80xi32, #tpu.memory_space<vmem>>
    %dma_start3A_59 = arith.constant 0 : i32
    %dma_start3A_60 = tpu.memref_slice %dma_start3A_58[%dma_start3A_54, %dma_start3A_59] : memref<5x80xi32, #tpu.memory_space<vmem>> -> memref<1x80xi32, #tpu.memory_space<vmem>>
    %dma_start3A_61 = tpu.memref_squeeze %dma_start3A_60 : memref<1x80xi32, #tpu.memory_space<vmem>> -> memref<80xi32, #tpu.memory_space<vmem>>
    %dma_start3A_62 = tpu.memref_slice %arg3[%add3A_52] : memref<1600000xi32, #tpu.memory_space<hbm>> -> memref<80xi32, #tpu.memory_space<hbm>>
    %dma_start3A_63 = arith.constant 0 : i32
    %dma_start3A_64 = arith.constant 0 : i32
    %dma_start3A_65 = tpu.memref_slice %arg8[%dma_start3A_53, %dma_start3A_63, %dma_start3A_64] : memref<2x5x80xi32, #tpu.memory_space<vmem>> -> memref<1x5x80xi32, #tpu.memory_space<vmem>>
    %dma_start3A_66 = tpu.memref_squeeze %dma_start3A_65 : memref<1x5x80xi32, #tpu.memory_space<vmem>> -> memref<5x80xi32, #tpu.memory_space<vmem>>
    %dma_start3A_67 = arith.constant 0 : i32
    %dma_start3A_68 = tpu.memref_slice %dma_start3A_66[%dma_start3A_54, %dma_start3A_67] : memref<5x80xi32, #tpu.memory_space<vmem>> -> memref<1x80xi32, #tpu.memory_space<vmem>>
    %dma_start3A_69 = tpu.memref_squeeze %dma_start3A_68 : memref<1x80xi32, #tpu.memory_space<vmem>> -> memref<80xi32, #tpu.memory_space<vmem>>
    %dma_start3A_70 = tpu.memref_slice %arg3[%add3A_52] : memref<1600000xi32, #tpu.memory_space<hbm>> -> memref<80xi32, #tpu.memory_space<hbm>>
    tpu.enqueue_dma source(%dma_start3A_70 : memref<80xi32, #tpu.memory_space<hbm>>) target(%dma_start3A_69 : memref<80xi32, #tpu.memory_space<vmem>>) target_semaphore(%arg11 : memref<!tpu.dma_semaphore, #tpu.memory_space<semaphore_mem>>)
    %add3A_71 = arith.constant 800000 : i32
    %add3A_72 = arith.addi %add3A_71, %add3A_49 : i32
    %add3A_73 = arith.constant 0 : i32
    %add3A_74 = arith.addi %add3A_72, %add3A_73 : i32
    %dma_start3A_75 = arith.constant 0 : i32
    %dma_start3A_76 = arith.constant 0 : i32
    %dma_start3A_77 = arith.constant 0 : i32
    %dma_start3A_78 = arith.constant 0 : i32
    %dma_start3A_79 = tpu.memref_slice %arg9[%dma_start3A_75, %dma_start3A_77, %dma_start3A_78] : memref<2x5x80xi32, #tpu.memory_space<vmem>> -> memref<1x5x80xi32, #tpu.memory_space<vmem>>
    %dma_start3A_80 = tpu.memref_squeeze %dma_start3A_79 : memref<1x5x80xi32, #tpu.memory_space<vmem>> -> memref<5x80xi32, #tpu.memory_space<vmem>>
    %dma_start3A_81 = arith.constant 0 : i32
    %dma_start3A_82 = tpu.memref_slice %dma_start3A_80[%dma_start3A_76, %dma_start3A_81] : memref<5x80xi32, #tpu.memory_space<vmem>> -> memref<1x80xi32, #tpu.memory_space<vmem>>
    %dma_start3A_83 = tpu.memref_squeeze %dma_start3A_82 : memref<1x80xi32, #tpu.memory_space<vmem>> -> memref<80xi32, #tpu.memory_space<vmem>>
    %dma_start3A_84 = tpu.memref_slice %arg3[%add3A_74] : memref<1600000xi32, #tpu.memory_space<hbm>> -> memref<80xi32, #tpu.memory_space<hbm>>
    %dma_start3A_85 = arith.constant 0 : i32
    %dma_start3A_86 = arith.constant 0 : i32
    %dma_start3A_87 = tpu.memref_slice %arg9[%dma_start3A_75, %dma_start3A_85, %dma_start3A_86] : memref<2x5x80xi32, #tpu.memory_space<vmem>> -> memref<1x5x80xi32, #tpu.memory_space<vmem>>
    %dma_start3A_88 = tpu.memref_squeeze %dma_start3A_87 : memref<1x5x80xi32, #tpu.memory_space<vmem>> -> memref<5x80xi32, #tpu.memory_space<vmem>>
    %dma_start3A_89 = arith.constant 0 : i32
    %dma_start3A_90 = tpu.memref_slice %dma_start3A_88[%dma_start3A_76, %dma_start3A_89] : memref<5x80xi32, #tpu.memory_space<vmem>> -> memref<1x80xi32, #tpu.memory_space<vmem>>
    %dma_start3A_91 = tpu.memref_squeeze %dma_start3A_90 : memref<1x80xi32, #tpu.memory_space<vmem>> -> memref<80xi32, #tpu.memory_space<vmem>>
    %dma_start3A_92 = tpu.memref_slice %arg3[%add3A_74] : memref<1600000xi32, #tpu.memory_space<hbm>> -> memref<80xi32, #tpu.memory_space<hbm>>
    tpu.enqueue_dma source(%dma_start3A_92 : memref<80xi32, #tpu.memory_space<hbm>>) target(%dma_start3A_91 : memref<80xi32, #tpu.memory_space<vmem>>) target_semaphore(%arg11 : memref<!tpu.dma_semaphore, #tpu.memory_space<semaphore_mem>>)
    %add3A_93 = arith.constant 80 : i32
    %add3A_94 = arith.addi %add3A_49, %add3A_93 : i32
    %dma_start3A_95 = arith.constant 0 : i32
    %dma_start3A_96 = arith.constant 1 : i32
    %dma_start3A_97 = arith.constant 0 : i32
    %dma_start3A_98 = arith.constant 0 : i32
    %dma_start3A_99 = tpu.memref_slice %arg8[%dma_start3A_95, %dma_start3A_97, %dma_start3A_98] : memref<2x5x80xi32, #tpu.memory_space<vmem>> -> memref<1x5x80xi32, #tpu.memory_space<vmem>>
    %dma_start3A_100 = tpu.memref_squeeze %dma_start3A_99 : memref<1x5x80xi32, #tpu.memory_space<vmem>> -> memref<5x80xi32, #tpu.memory_space<vmem>>
    %dma_start3A_101 = arith.constant 0 : i32
    %dma_start3A_102 = tpu.memref_slice %dma_start3A_100[%dma_start3A_96, %dma_start3A_101] : memref<5x80xi32, #tpu.memory_space<vmem>> -> memref<1x80xi32, #tpu.memory_space<vmem>>
    %dma_start3A_103 = tpu.memref_squeeze %dma_start3A_102 : memref<1x80xi32, #tpu.memory_space<vmem>> -> memref<80xi32, #tpu.memory_space<vmem>>
    %dma_start3A_104 = tpu.memref_slice %arg3[%add3A_94] : memref<1600000xi32, #tpu.memory_space<hbm>> -> memref<80xi32, #tpu.memory_space<hbm>>
    %dma_start3A_105 = arith.constant 0 : i32
    %dma_start3A_106 = arith.constant 0 : i32
    %dma_start3A_107 = tpu.memref_slice %arg8[%dma_start3A_95, %dma_start3A_105, %dma_start3A_106] : memref<2x5x80xi32, #tpu.memory_space<vmem>> -> memref<1x5x80xi32, #tpu.memory_space<vmem>>
    %dma_start3A_108 = tpu.memref_squeeze %dma_start3A_107 : memref<1x5x80xi32, #tpu.memory_space<vmem>> -> memref<5x80xi32, #tpu.memory_space<vmem>>
    %dma_start3A_109 = arith.constant 0 : i32
    %dma_start3A_110 = tpu.memref_slice %dma_start3A_108[%dma_start3A_96, %dma_start3A_109] : memref<5x80xi32, #tpu.memory_space<vmem>> -> memref<1x80xi32, #tpu.memory_space<vmem>>
    %dma_start3A_111 = tpu.memref_squeeze %dma_start3A_110 : memref<1x80xi32, #tpu.memory_space<vmem>> -> memref<80xi32, #tpu.memory_space<vmem>>
    %dma_start3A_112 = tpu.memref_slice %arg3[%add3A_94] : memref<1600000xi32, #tpu.memory_space<hbm>> -> memref<80xi32, #tpu.memory_space<hbm>>
    tpu.enqueue_dma source(%dma_start3A_112 : memref<80xi32, #tpu.memory_space<hbm>>) target(%dma_start3A_111 : memref<80xi32, #tpu.memory_space<vmem>>) target_semaphore(%arg11 : memref<!tpu.dma_semaphore, #tpu.memory_space<semaphore_mem>>)
    %add3A_113 = arith.constant 800000 : i32
    %add3A_114 = arith.addi %add3A_113, %add3A_49 : i32
    %add3A_115 = arith.constant 80 : i32
    %add3A_116 = arith.addi %add3A_114, %add3A_115 : i32
    %dma_start3A_117 = arith.constant 0 : i32
    %dma_start3A_118 = arith.constant 1 : i32
    %dma_start3A_119 = arith.constant 0 : i32
    %dma_start3A_120 = arith.constant 0 : i32
    %dma_start3A_121 = tpu.memref_slice %arg9[%dma_start3A_117, %dma_start3A_119, %dma_start3A_120] : memref<2x5x80xi32, #tpu.memory_space<vmem>> -> memref<1x5x80xi32, #tpu.memory_space<vmem>>
    %dma_start3A_122 = tpu.memref_squeeze %dma_start3A_121 : memref<1x5x80xi32, #tpu.memory_space<vmem>> -> memref<5x80xi32, #tpu.memory_space<vmem>>
    %dma_start3A_123 = arith.constant 0 : i32
    %dma_start3A_124 = tpu.memref_slice %dma_start3A_122[%dma_start3A_118, %dma_start3A_123] : memref<5x80xi32, #tpu.memory_space<vmem>> -> memref<1x80xi32, #tpu.memory_space<vmem>>
    %dma_start3A_125 = tpu.memref_squeeze %dma_start3A_124 : memref<1x80xi32, #tpu.memory_space<vmem>> -> memref<80xi32, #tpu.memory_space<vmem>>
    %dma_start3A_126 = tpu.memref_slice %arg3[%add3A_116] : memref<1600000xi32, #tpu.memory_space<hbm>> -> memref<80xi32, #tpu.memory_space<hbm>>
    %dma_start3A_127 = arith.constant 0 : i32
    %dma_start3A_128 = arith.constant 0 : i32
    %dma_start3A_129 = tpu.memref_slice %arg9[%dma_start3A_117, %dma_start3A_127, %dma_start3A_128] : memref<2x5x80xi32, #tpu.memory_space<vmem>> -> memref<1x5x80xi32, #tpu.memory_space<vmem>>
    %dma_start3A_130 = tpu.memref_squeeze %dma_start3A_129 : memref<1x5x80xi32, #tpu.memory_space<vmem>> -> memref<5x80xi32, #tpu.memory_space<vmem>>
    %dma_start3A_131 = arith.constant 0 : i32
    %dma_start3A_132 = tpu.memref_slice %dma_start3A_130[%dma_start3A_118, %dma_start3A_131] : memref<5x80xi32, #tpu.memory_space<vmem>> -> memref<1x80xi32, #tpu.memory_space<vmem>>
    %dma_start3A_133 = tpu.memref_squeeze %dma_start3A_132 : memref<1x80xi32, #tpu.memory_space<vmem>> -> memref<80xi32, #tpu.memory_space<vmem>>
    %dma_start3A_134 = tpu.memref_slice %arg3[%add3A_116] : memref<1600000xi32, #tpu.memory_space<hbm>> -> memref<80xi32, #tpu.memory_space<hbm>>
    tpu.enqueue_dma source(%dma_start3A_134 : memref<80xi32, #tpu.memory_space<hbm>>) target(%dma_start3A_133 : memref<80xi32, #tpu.memory_space<vmem>>) target_semaphore(%arg11 : memref<!tpu.dma_semaphore, #tpu.memory_space<semaphore_mem>>)
    %add3A_135 = arith.constant 160 : i32
    %add3A_136 = arith.addi %add3A_49, %add3A_135 : i32
    %dma_start3A_137 = arith.constant 0 : i32
    %dma_start3A_138 = arith.constant 2 : i32
    %dma_start3A_139 = arith.constant 0 : i32
    %dma_start3A_140 = arith.constant 0 : i32
    %dma_start3A_141 = tpu.memref_slice %arg8[%dma_start3A_137, %dma_start3A_139, %dma_start3A_140] : memref<2x5x80xi32, #tpu.memory_space<vmem>> -> memref<1x5x80xi32, #tpu.memory_space<vmem>>
    %dma_start3A_142 = tpu.memref_squeeze %dma_start3A_141 : memref<1x5x80xi32, #tpu.memory_space<vmem>> -> memref<5x80xi32, #tpu.memory_space<vmem>>
    %dma_start3A_143 = arith.constant 0 : i32
    %dma_start3A_144 = tpu.memref_slice %dma_start3A_142[%dma_start3A_138, %dma_start3A_143] : memref<5x80xi32, #tpu.memory_space<vmem>> -> memref<1x80xi32, #tpu.memory_space<vmem>>
    %dma_start3A_145 = tpu.memref_squeeze %dma_start3A_144 : memref<1x80xi32, #tpu.memory_space<vmem>> -> memref<80xi32, #tpu.memory_space<vmem>>
    %dma_start3A_146 = tpu.memref_slice %arg3[%add3A_136] : memref<1600000xi32, #tpu.memory_space<hbm>> -> memref<80xi32, #tpu.memory_space<hbm>>
    %dma_start3A_147 = arith.constant 0 : i32
    %dma_start3A_148 = arith.constant 0 : i32
    %dma_start3A_149 = tpu.memref_slice %arg8[%dma_start3A_137, %dma_start3A_147, %dma_start3A_148] : memref<2x5x80xi32, #tpu.memory_space<vmem>> -> memref<1x5x80xi32, #tpu.memory_space<vmem>>
    %dma_start3A_150 = tpu.memref_squeeze %dma_start3A_149 : memref<1x5x80xi32, #tpu.memory_space<vmem>> -> memref<5x80xi32, #tpu.memory_space<vmem>>
    %dma_start3A_151 = arith.constant 0 : i32
    %dma_start3A_152 = tpu.memref_slice %dma_start3A_150[%dma_start3A_138, %dma_start3A_151] : memref<5x80xi32, #tpu.memory_space<vmem>> -> memref<1x80xi32, #tpu.memory_space<vmem>>
    %dma_start3A_153 = tpu.memref_squeeze %dma_start3A_152 : memref<1x80xi32, #tpu.memory_space<vmem>> -> memref<80xi32, #tpu.memory_space<vmem>>
    %dma_start3A_154 = tpu.memref_slice %arg3[%add3A_136] : memref<1600000xi32, #tpu.memory_space<hbm>> -> memref<80xi32, #tpu.memory_space<hbm>>
    tpu.enqueue_dma source(%dma_start3A_154 : memref<80xi32, #tpu.memory_space<hbm>>) target(%dma_start3A_153 : memref<80xi32, #tpu.memory_space<vmem>>) target_semaphore(%arg11 : memref<!tpu.dma_semaphore, #tpu.memory_space<semaphore_mem>>)
    %add3A_155 = arith.constant 800000 : i32
    %add3A_156 = arith.addi %add3A_155, %add3A_49 : i32
    %add3A_157 = arith.constant 160 : i32
    %add3A_158 = arith.addi %add3A_156, %add3A_157 : i32
    %dma_start3A_159 = arith.constant 0 : i32
    %dma_start3A_160 = arith.constant 2 : i32
    %dma_start3A_161 = arith.constant 0 : i32
    %dma_start3A_162 = arith.constant 0 : i32
    %dma_start3A_163 = tpu.memref_slice %arg9[%dma_start3A_159, %dma_start3A_161, %dma_start3A_162] : memref<2x5x80xi32, #tpu.memory_space<vmem>> -> memref<1x5x80xi32, #tpu.memory_space<vmem>>
    %dma_start3A_164 = tpu.memref_squeeze %dma_start3A_163 : memref<1x5x80xi32, #tpu.memory_space<vmem>> -> memref<5x80xi32, #tpu.memory_space<vmem>>
    %dma_start3A_165 = arith.constant 0 : i32
    %dma_start3A_166 = tpu.memref_slice %dma_start3A_164[%dma_start3A_160, %dma_start3A_165] : memref<5x80xi32, #tpu.memory_space<vmem>> -> memref<1x80xi32, #tpu.memory_space<vmem>>
    %dma_start3A_167 = tpu.memref_squeeze %dma_start3A_166 : memref<1x80xi32, #tpu.memory_space<vmem>> -> memref<80xi32, #tpu.memory_space<vmem>>
    %dma_start3A_168 = tpu.memref_slice %arg3[%add3A_158] : memref<1600000xi32, #tpu.memory_space<hbm>> -> memref<80xi32, #tpu.memory_space<hbm>>
    %dma_start3A_169 = arith.constant 0 : i32
    %dma_start3A_170 = arith.constant 0 : i32
    %dma_start3A_171 = tpu.memref_slice %arg9[%dma_start3A_159, %dma_start3A_169, %dma_start3A_170] : memref<2x5x80xi32, #tpu.memory_space<vmem>> -> memref<1x5x80xi32, #tpu.memory_space<vmem>>
    %dma_start3A_172 = tpu.memref_squeeze %dma_start3A_171 : memref<1x5x80xi32, #tpu.memory_space<vmem>> -> memref<5x80xi32, #tpu.memory_space<vmem>>
    %dma_start3A_173 = arith.constant 0 : i32
    %dma_start3A_174 = tpu.memref_slice %dma_start3A_172[%dma_start3A_160, %dma_start3A_173] : memref<5x80xi32, #tpu.memory_space<vmem>> -> memref<1x80xi32, #tpu.memory_space<vmem>>
    %dma_start3A_175 = tpu.memref_squeeze %dma_start3A_174 : memref<1x80xi32, #tpu.memory_space<vmem>> -> memref<80xi32, #tpu.memory_space<vmem>>
    %dma_start3A_176 = tpu.memref_slice %arg3[%add3A_158] : memref<1600000xi32, #tpu.memory_space<hbm>> -> memref<80xi32, #tpu.memory_space<hbm>>
    tpu.enqueue_dma source(%dma_start3A_176 : memref<80xi32, #tpu.memory_space<hbm>>) target(%dma_start3A_175 : memref<80xi32, #tpu.memory_space<vmem>>) target_semaphore(%arg11 : memref<!tpu.dma_semaphore, #tpu.memory_space<semaphore_mem>>)
    %add3A_177 = arith.constant 240 : i32
    %add3A_178 = arith.addi %add3A_49, %add3A_177 : i32
    %dma_start3A_179 = arith.constant 0 : i32
    %dma_start3A_180 = arith.constant 3 : i32
    %dma_start3A_181 = arith.constant 0 : i32
    %dma_start3A_182 = arith.constant 0 : i32
    %dma_start3A_183 = tpu.memref_slice %arg8[%dma_start3A_179, %dma_start3A_181, %dma_start3A_182] : memref<2x5x80xi32, #tpu.memory_space<vmem>> -> memref<1x5x80xi32, #tpu.memory_space<vmem>>
    %dma_start3A_184 = tpu.memref_squeeze %dma_start3A_183 : memref<1x5x80xi32, #tpu.memory_space<vmem>> -> memref<5x80xi32, #tpu.memory_space<vmem>>
    %dma_start3A_185 = arith.constant 0 : i32
    %dma_start3A_186 = tpu.memref_slice %dma_start3A_184[%dma_start3A_180, %dma_start3A_185] : memref<5x80xi32, #tpu.memory_space<vmem>> -> memref<1x80xi32, #tpu.memory_space<vmem>>
    %dma_start3A_187 = tpu.memref_squeeze %dma_start3A_186 : memref<1x80xi32, #tpu.memory_space<vmem>> -> memref<80xi32, #tpu.memory_space<vmem>>
    %dma_start3A_188 = tpu.memref_slice %arg3[%add3A_178] : memref<1600000xi32, #tpu.memory_space<hbm>> -> memref<80xi32, #tpu.memory_space<hbm>>
    %dma_start3A_189 = arith.constant 0 : i32
    %dma_start3A_190 = arith.constant 0 : i32
    %dma_start3A_191 = tpu.memref_slice %arg8[%dma_start3A_179, %dma_start3A_189, %dma_start3A_190] : memref<2x5x80xi32, #tpu.memory_space<vmem>> -> memref<1x5x80xi32, #tpu.memory_space<vmem>>
    %dma_start3A_192 = tpu.memref_squeeze %dma_start3A_191 : memref<1x5x80xi32, #tpu.memory_space<vmem>> -> memref<5x80xi32, #tpu.memory_space<vmem>>
    %dma_start3A_193 = arith.constant 0 : i32
    %dma_start3A_194 = tpu.memref_slice %dma_start3A_192[%dma_start3A_180, %dma_start3A_193] : memref<5x80xi32, #tpu.memory_space<vmem>> -> memref<1x80xi32, #tpu.memory_space<vmem>>
    %dma_start3A_195 = tpu.memref_squeeze %dma_start3A_194 : memref<1x80xi32, #tpu.memory_space<vmem>> -> memref<80xi32, #tpu.memory_space<vmem>>
    %dma_start3A_196 = tpu.memref_slice %arg3[%add3A_178] : memref<1600000xi32, #tpu.memory_space<hbm>> -> memref<80xi32, #tpu.memory_space<hbm>>
    tpu.enqueue_dma source(%dma_start3A_196 : memref<80xi32, #tpu.memory_space<hbm>>) target(%dma_start3A_195 : memref<80xi32, #tpu.memory_space<vmem>>) target_semaphore(%arg11 : memref<!tpu.dma_semaphore, #tpu.memory_space<semaphore_mem>>)
    %add3A_197 = arith.constant 800000 : i32
    %add3A_198 = arith.addi %add3A_197, %add3A_49 : i32
    %add3A_199 = arith.constant 240 : i32
    %add3A_200 = arith.addi %add3A_198, %add3A_199 : i32
    %dma_start3A_201 = arith.constant 0 : i32
    %dma_start3A_202 = arith.constant 3 : i32
    %dma_start3A_203 = arith.constant 0 : i32
    %dma_start3A_204 = arith.constant 0 : i32
    %dma_start3A_205 = tpu.memref_slice %arg9[%dma_start3A_201, %dma_start3A_203, %dma_start3A_204] : memref<2x5x80xi32, #tpu.memory_space<vmem>> -> memref<1x5x80xi32, #tpu.memory_space<vmem>>
    %dma_start3A_206 = tpu.memref_squeeze %dma_start3A_205 : memref<1x5x80xi32, #tpu.memory_space<vmem>> -> memref<5x80xi32, #tpu.memory_space<vmem>>
    %dma_start3A_207 = arith.constant 0 : i32
    %dma_start3A_208 = tpu.memref_slice %dma_start3A_206[%dma_start3A_202, %dma_start3A_207] : memref<5x80xi32, #tpu.memory_space<vmem>> -> memref<1x80xi32, #tpu.memory_space<vmem>>
    %dma_start3A_209 = tpu.memref_squeeze %dma_start3A_208 : memref<1x80xi32, #tpu.memory_space<vmem>> -> memref<80xi32, #tpu.memory_space<vmem>>
    %dma_start3A_210 = tpu.memref_slice %arg3[%add3A_200] : memref<1600000xi32, #tpu.memory_space<hbm>> -> memref<80xi32, #tpu.memory_space<hbm>>
    %dma_start3A_211 = arith.constant 0 : i32
    %dma_start3A_212 = arith.constant 0 : i32
    %dma_start3A_213 = tpu.memref_slice %arg9[%dma_start3A_201, %dma_start3A_211, %dma_start3A_212] : memref<2x5x80xi32, #tpu.memory_space<vmem>> -> memref<1x5x80xi32, #tpu.memory_space<vmem>>
    %dma_start3A_214 = tpu.memref_squeeze %dma_start3A_213 : memref<1x5x80xi32, #tpu.memory_space<vmem>> -> memref<5x80xi32, #tpu.memory_space<vmem>>
    %dma_start3A_215 = arith.constant 0 : i32
    %dma_start3A_216 = tpu.memref_slice %dma_start3A_214[%dma_start3A_202, %dma_start3A_215] : memref<5x80xi32, #tpu.memory_space<vmem>> -> memref<1x80xi32, #tpu.memory_space<vmem>>
    %dma_start3A_217 = tpu.memref_squeeze %dma_start3A_216 : memref<1x80xi32, #tpu.memory_space<vmem>> -> memref<80xi32, #tpu.memory_space<vmem>>
    %dma_start3A_218 = tpu.memref_slice %arg3[%add3A_200] : memref<1600000xi32, #tpu.memory_space<hbm>> -> memref<80xi32, #tpu.memory_space<hbm>>
    tpu.enqueue_dma source(%dma_start3A_218 : memref<80xi32, #tpu.memory_space<hbm>>) target(%dma_start3A_217 : memref<80xi32, #tpu.memory_space<vmem>>) target_semaphore(%arg11 : memref<!tpu.dma_semaphore, #tpu.memory_space<semaphore_mem>>)
    %add3A_219 = arith.constant 320 : i32
    %add3A_220 = arith.addi %add3A_49, %add3A_219 : i32
    %dma_start3A_221 = arith.constant 0 : i32
    %dma_start3A_222 = arith.constant 4 : i32
    %dma_start3A_223 = arith.constant 0 : i32
    %dma_start3A_224 = arith.constant 0 : i32
    %dma_start3A_225 = tpu.memref_slice %arg8[%dma_start3A_221, %dma_start3A_223, %dma_start3A_224] : memref<2x5x80xi32, #tpu.memory_space<vmem>> -> memref<1x5x80xi32, #tpu.memory_space<vmem>>
    %dma_start3A_226 = tpu.memref_squeeze %dma_start3A_225 : memref<1x5x80xi32, #tpu.memory_space<vmem>> -> memref<5x80xi32, #tpu.memory_space<vmem>>
    %dma_start3A_227 = arith.constant 0 : i32
    %dma_start3A_228 = tpu.memref_slice %dma_start3A_226[%dma_start3A_222, %dma_start3A_227] : memref<5x80xi32, #tpu.memory_space<vmem>> -> memref<1x80xi32, #tpu.memory_space<vmem>>
    %dma_start3A_229 = tpu.memref_squeeze %dma_start3A_228 : memref<1x80xi32, #tpu.memory_space<vmem>> -> memref<80xi32, #tpu.memory_space<vmem>>
    %dma_start3A_230 = tpu.memref_slice %arg3[%add3A_220] : memref<1600000xi32, #tpu.memory_space<hbm>> -> memref<80xi32, #tpu.memory_space<hbm>>
    %dma_start3A_231 = arith.constant 0 : i32
    %dma_start3A_232 = arith.constant 0 : i32
    %dma_start3A_233 = tpu.memref_slice %arg8[%dma_start3A_221, %dma_start3A_231, %dma_start3A_232] : memref<2x5x80xi32, #tpu.memory_space<vmem>> -> memref<1x5x80xi32, #tpu.memory_space<vmem>>
    %dma_start3A_234 = tpu.memref_squeeze %dma_start3A_233 : memref<1x5x80xi32, #tpu.memory_space<vmem>> -> memref<5x80xi32, #tpu.memory_space<vmem>>
    %dma_start3A_235 = arith.constant 0 : i32
    %dma_start3A_236 = tpu.memref_slice %dma_start3A_234[%dma_start3A_222, %dma_start3A_235] : memref<5x80xi32, #tpu.memory_space<vmem>> -> memref<1x80xi32, #tpu.memory_space<vmem>>
    %dma_start3A_237 = tpu.memref_squeeze %dma_start3A_236 : memref<1x80xi32, #tpu.memory_space<vmem>> -> memref<80xi32, #tpu.memory_space<vmem>>
    %dma_start3A_238 = tpu.memref_slice %arg3[%add3A_220] : memref<1600000xi32, #tpu.memory_space<hbm>> -> memref<80xi32, #tpu.memory_space<hbm>>
    tpu.enqueue_dma source(%dma_start3A_238 : memref<80xi32, #tpu.memory_space<hbm>>) target(%dma_start3A_237 : memref<80xi32, #tpu.memory_space<vmem>>) target_semaphore(%arg11 : memref<!tpu.dma_semaphore, #tpu.memory_space<semaphore_mem>>)
    %add3A_239 = arith.constant 800000 : i32
    %add3A_240 = arith.addi %add3A_239, %add3A_49 : i32
    %add3A_241 = arith.constant 320 : i32
    %add3A_242 = arith.addi %add3A_240, %add3A_241 : i32
    %dma_start3A_243 = arith.constant 0 : i32
    %dma_start3A_244 = arith.constant 4 : i32
    %dma_start3A_245 = arith.constant 0 : i32
    %dma_start3A_246 = arith.constant 0 : i32
    %dma_start3A_247 = tpu.memref_slice %arg9[%dma_start3A_243, %dma_start3A_245, %dma_start3A_246] : memref<2x5x80xi32, #tpu.memory_space<vmem>> -> memref<1x5x80xi32, #tpu.memory_space<vmem>>
    %dma_start3A_248 = tpu.memref_squeeze %dma_start3A_247 : memref<1x5x80xi32, #tpu.memory_space<vmem>> -> memref<5x80xi32, #tpu.memory_space<vmem>>
    %dma_start3A_249 = arith.constant 0 : i32
    %dma_start3A_250 = tpu.memref_slice %dma_start3A_248[%dma_start3A_244, %dma_start3A_249] : memref<5x80xi32, #tpu.memory_space<vmem>> -> memref<1x80xi32, #tpu.memory_space<vmem>>
    %dma_start3A_251 = tpu.memref_squeeze %dma_start3A_250 : memref<1x80xi32, #tpu.memory_space<vmem>> -> memref<80xi32, #tpu.memory_space<vmem>>
    %dma_start3A_252 = tpu.memref_slice %arg3[%add3A_242] : memref<1600000xi32, #tpu.memory_space<hbm>> -> memref<80xi32, #tpu.memory_space<hbm>>
    %dma_start3A_253 = arith.constant 0 : i32
    %dma_start3A_254 = arith.constant 0 : i32
    %dma_start3A_255 = tpu.memref_slice %arg9[%dma_start3A_243, %dma_start3A_253, %dma_start3A_254] : memref<2x5x80xi32, #tpu.memory_space<vmem>> -> memref<1x5x80xi32, #tpu.memory_space<vmem>>
    %dma_start3A_256 = tpu.memref_squeeze %dma_start3A_255 : memref<1x5x80xi32, #tpu.memory_space<vmem>> -> memref<5x80xi32, #tpu.memory_space<vmem>>
    %dma_start3A_257 = arith.constant 0 : i32
    %dma_start3A_258 = tpu.memref_slice %dma_start3A_256[%dma_start3A_244, %dma_start3A_257] : memref<5x80xi32, #tpu.memory_space<vmem>> -> memref<1x80xi32, #tpu.memory_space<vmem>>
    %dma_start3A_259 = tpu.memref_squeeze %dma_start3A_258 : memref<1x80xi32, #tpu.memory_space<vmem>> -> memref<80xi32, #tpu.memory_space<vmem>>
    %dma_start3A_260 = tpu.memref_slice %arg3[%add3A_242] : memref<1600000xi32, #tpu.memory_space<hbm>> -> memref<80xi32, #tpu.memory_space<hbm>>
    tpu.enqueue_dma source(%dma_start3A_260 : memref<80xi32, #tpu.memory_space<hbm>>) target(%dma_start3A_259 : memref<80xi32, #tpu.memory_space<vmem>>) target_semaphore(%arg11 : memref<!tpu.dma_semaphore, #tpu.memory_space<semaphore_mem>>)
    %add3A_261 = arith.constant 0 : i32
    %add3A_262 = arith.addi %add3A_49, %add3A_261 : i32
    %dma_wait3A = arith.constant 0 : i32
    %dma_wait3A_263 = arith.constant 0 : i32
    %dma_wait3A_264 = arith.constant 0 : i32
    %dma_wait3A_265 = arith.constant 0 : i32
    %dma_wait3A_266 = tpu.memref_slice %arg8[%dma_wait3A, %dma_wait3A_264, %dma_wait3A_265] : memref<2x5x80xi32, #tpu.memory_space<vmem>> -> memref<1x5x80xi32, #tpu.memory_space<vmem>>
    %dma_wait3A_267 = tpu.memref_squeeze %dma_wait3A_266 : memref<1x5x80xi32, #tpu.memory_space<vmem>> -> memref<5x80xi32, #tpu.memory_space<vmem>>
    %dma_wait3A_268 = arith.constant 0 : i32
    %dma_wait3A_269 = tpu.memref_slice %dma_wait3A_267[%dma_wait3A_263, %dma_wait3A_268] : memref<5x80xi32, #tpu.memory_space<vmem>> -> memref<1x80xi32, #tpu.memory_space<vmem>>
    %dma_wait3A_270 = tpu.memref_squeeze %dma_wait3A_269 : memref<1x80xi32, #tpu.memory_space<vmem>> -> memref<80xi32, #tpu.memory_space<vmem>>
    %dma_wait3A_271 = tpu.memref_slice %arg3[%add3A_262] : memref<1600000xi32, #tpu.memory_space<hbm>> -> memref<80xi32, #tpu.memory_space<hbm>>
    %dma_wait3A_272 = arith.constant 0 : i32
    %dma_wait3A_273 = arith.constant 0 : i32
    %dma_wait3A_274 = tpu.memref_slice %arg8[%dma_wait3A, %dma_wait3A_272, %dma_wait3A_273] : memref<2x5x80xi32, #tpu.memory_space<vmem>> -> memref<1x5x80xi32, #tpu.memory_space<vmem>>
    %dma_wait3A_275 = tpu.memref_squeeze %dma_wait3A_274 : memref<1x5x80xi32, #tpu.memory_space<vmem>> -> memref<5x80xi32, #tpu.memory_space<vmem>>
    %dma_wait3A_276 = arith.constant 0 : i32
    %dma_wait3A_277 = tpu.memref_slice %dma_wait3A_275[%dma_wait3A_263, %dma_wait3A_276] : memref<5x80xi32, #tpu.memory_space<vmem>> -> memref<1x80xi32, #tpu.memory_space<vmem>>
    %dma_wait3A_278 = tpu.memref_squeeze %dma_wait3A_277 : memref<1x80xi32, #tpu.memory_space<vmem>> -> memref<80xi32, #tpu.memory_space<vmem>>
    %dma_wait3A_279 = tpu.memref_slice %arg3[%add3A_262] : memref<1600000xi32, #tpu.memory_space<hbm>> -> memref<80xi32, #tpu.memory_space<hbm>>
    tpu.wait_dma2 semaphore(%arg11 : memref<!tpu.dma_semaphore, #tpu.memory_space<semaphore_mem>>) src(%dma_wait3A_279 : memref<80xi32, #tpu.memory_space<hbm>>) dst(%dma_wait3A_278 : memref<80xi32, #tpu.memory_space<vmem>>)
    %add3A_280 = arith.constant 0 : i32
    %add3A_281 = arith.addi %add3A_49, %add3A_280 : i32
    %dma_wait3A_282 = arith.constant 0 : i32
    %dma_wait3A_283 = arith.constant 0 : i32
    %dma_wait3A_284 = arith.constant 0 : i32
    %dma_wait3A_285 = arith.constant 0 : i32
    %dma_wait3A_286 = tpu.memref_slice %arg9[%dma_wait3A_282, %dma_wait3A_284, %dma_wait3A_285] : memref<2x5x80xi32, #tpu.memory_space<vmem>> -> memref<1x5x80xi32, #tpu.memory_space<vmem>>
    %dma_wait3A_287 = tpu.memref_squeeze %dma_wait3A_286 : memref<1x5x80xi32, #tpu.memory_space<vmem>> -> memref<5x80xi32, #tpu.memory_space<vmem>>
    %dma_wait3A_288 = arith.constant 0 : i32
    %dma_wait3A_289 = tpu.memref_slice %dma_wait3A_287[%dma_wait3A_283, %dma_wait3A_288] : memref<5x80xi32, #tpu.memory_space<vmem>> -> memref<1x80xi32, #tpu.memory_space<vmem>>
    %dma_wait3A_290 = tpu.memref_squeeze %dma_wait3A_289 : memref<1x80xi32, #tpu.memory_space<vmem>> -> memref<80xi32, #tpu.memory_space<vmem>>
    %dma_wait3A_291 = tpu.memref_slice %arg3[%add3A_281] : memref<1600000xi32, #tpu.memory_space<hbm>> -> memref<80xi32, #tpu.memory_space<hbm>>
    %dma_wait3A_292 = arith.constant 0 : i32
    %dma_wait3A_293 = arith.constant 0 : i32
    %dma_wait3A_294 = tpu.memref_slice %arg9[%dma_wait3A_282, %dma_wait3A_292, %dma_wait3A_293] : memref<2x5x80xi32, #tpu.memory_space<vmem>> -> memref<1x5x80xi32, #tpu.memory_space<vmem>>
    %dma_wait3A_295 = tpu.memref_squeeze %dma_wait3A_294 : memref<1x5x80xi32, #tpu.memory_space<vmem>> -> memref<5x80xi32, #tpu.memory_space<vmem>>
    %dma_wait3A_296 = arith.constant 0 : i32
    %dma_wait3A_297 = tpu.memref_slice %dma_wait3A_295[%dma_wait3A_283, %dma_wait3A_296] : memref<5x80xi32, #tpu.memory_space<vmem>> -> memref<1x80xi32, #tpu.memory_space<vmem>>
    %dma_wait3A_298 = tpu.memref_squeeze %dma_wait3A_297 : memref<1x80xi32, #tpu.memory_space<vmem>> -> memref<80xi32, #tpu.memory_space<vmem>>
    %dma_wait3A_299 = tpu.memref_slice %arg3[%add3A_281] : memref<1600000xi32, #tpu.memory_space<hbm>> -> memref<80xi32, #tpu.memory_space<hbm>>
    tpu.wait_dma2 semaphore(%arg11 : memref<!tpu.dma_semaphore, #tpu.memory_space<semaphore_mem>>) src(%dma_wait3A_299 : memref<80xi32, #tpu.memory_space<hbm>>) dst(%dma_wait3A_298 : memref<80xi32, #tpu.memory_space<vmem>>)
    %add3A_300 = arith.constant 80 : i32
    %add3A_301 = arith.addi %add3A_49, %add3A_300 : i32
    %dma_wait3A_302 = arith.constant 0 : i32
    %dma_wait3A_303 = arith.constant 1 : i32
    %dma_wait3A_304 = arith.constant 0 : i32
    %dma_wait3A_305 = arith.constant 0 : i32
    %dma_wait3A_306 = tpu.memref_slice %arg8[%dma_wait3A_302, %dma_wait3A_304, %dma_wait3A_305] : memref<2x5x80xi32, #tpu.memory_space<vmem>> -> memref<1x5x80xi32, #tpu.memory_space<vmem>>
    %dma_wait3A_307 = tpu.memref_squeeze %dma_wait3A_306 : memref<1x5x80xi32, #tpu.memory_space<vmem>> -> memref<5x80xi32, #tpu.memory_space<vmem>>
    %dma_wait3A_308 = arith.constant 0 : i32
    %dma_wait3A_309 = tpu.memref_slice %dma_wait3A_307[%dma_wait3A_303, %dma_wait3A_308] : memref<5x80xi32, #tpu.memory_space<vmem>> -> memref<1x80xi32, #tpu.memory_space<vmem>>
    %dma_wait3A_310 = tpu.memref_squeeze %dma_wait3A_309 : memref<1x80xi32, #tpu.memory_space<vmem>> -> memref<80xi32, #tpu.memory_space<vmem>>
    %dma_wait3A_311 = tpu.memref_slice %arg3[%add3A_301] : memref<1600000xi32, #tpu.memory_space<hbm>> -> memref<80xi32, #tpu.memory_space<hbm>>
    %dma_wait3A_312 = arith.constant 0 : i32
    %dma_wait3A_313 = arith.constant 0 : i32
    %dma_wait3A_314 = tpu.memref_slice %arg8[%dma_wait3A_302, %dma_wait3A_312, %dma_wait3A_313] : memref<2x5x80xi32, #tpu.memory_space<vmem>> -> memref<1x5x80xi32, #tpu.memory_space<vmem>>
    %dma_wait3A_315 = tpu.memref_squeeze %dma_wait3A_314 : memref<1x5x80xi32, #tpu.memory_space<vmem>> -> memref<5x80xi32, #tpu.memory_space<vmem>>
    %dma_wait3A_316 = arith.constant 0 : i32
    %dma_wait3A_317 = tpu.memref_slice %dma_wait3A_315[%dma_wait3A_303, %dma_wait3A_316] : memref<5x80xi32, #tpu.memory_space<vmem>> -> memref<1x80xi32, #tpu.memory_space<vmem>>
    %dma_wait3A_318 = tpu.memref_squeeze %dma_wait3A_317 : memref<1x80xi32, #tpu.memory_space<vmem>> -> memref<80xi32, #tpu.memory_space<vmem>>
    %dma_wait3A_319 = tpu.memref_slice %arg3[%add3A_301] : memref<1600000xi32, #tpu.memory_space<hbm>> -> memref<80xi32, #tpu.memory_space<hbm>>
    tpu.wait_dma2 semaphore(%arg11 : memref<!tpu.dma_semaphore, #tpu.memory_space<semaphore_mem>>) src(%dma_wait3A_319 : memref<80xi32, #tpu.memory_space<hbm>>) dst(%dma_wait3A_318 : memref<80xi32, #tpu.memory_space<vmem>>)
    %add3A_320 = arith.constant 80 : i32
    %add3A_321 = arith.addi %add3A_49, %add3A_320 : i32
    %dma_wait3A_322 = arith.constant 0 : i32
    %dma_wait3A_323 = arith.constant 1 : i32
    %dma_wait3A_324 = arith.constant 0 : i32
    %dma_wait3A_325 = arith.constant 0 : i32
    %dma_wait3A_326 = tpu.memref_slice %arg9[%dma_wait3A_322, %dma_wait3A_324, %dma_wait3A_325] : memref<2x5x80xi32, #tpu.memory_space<vmem>> -> memref<1x5x80xi32, #tpu.memory_space<vmem>>
    %dma_wait3A_327 = tpu.memref_squeeze %dma_wait3A_326 : memref<1x5x80xi32, #tpu.memory_space<vmem>> -> memref<5x80xi32, #tpu.memory_space<vmem>>
    %dma_wait3A_328 = arith.constant 0 : i32
    %dma_wait3A_329 = tpu.memref_slice %dma_wait3A_327[%dma_wait3A_323, %dma_wait3A_328] : memref<5x80xi32, #tpu.memory_space<vmem>> -> memref<1x80xi32, #tpu.memory_space<vmem>>
    %dma_wait3A_330 = tpu.memref_squeeze %dma_wait3A_329 : memref<1x80xi32, #tpu.memory_space<vmem>> -> memref<80xi32, #tpu.memory_space<vmem>>
    %dma_wait3A_331 = tpu.memref_slice %arg3[%add3A_321] : memref<1600000xi32, #tpu.memory_space<hbm>> -> memref<80xi32, #tpu.memory_space<hbm>>
    %dma_wait3A_332 = arith.constant 0 : i32
    %dma_wait3A_333 = arith.constant 0 : i32
    %dma_wait3A_334 = tpu.memref_slice %arg9[%dma_wait3A_322, %dma_wait3A_332, %dma_wait3A_333] : memref<2x5x80xi32, #tpu.memory_space<vmem>> -> memref<1x5x80xi32, #tpu.memory_space<vmem>>
    %dma_wait3A_335 = tpu.memref_squeeze %dma_wait3A_334 : memref<1x5x80xi32, #tpu.memory_space<vmem>> -> memref<5x80xi32, #tpu.memory_space<vmem>>
    %dma_wait3A_336 = arith.constant 0 : i32
    %dma_wait3A_337 = tpu.memref_slice %dma_wait3A_335[%dma_wait3A_323, %dma_wait3A_336] : memref<5x80xi32, #tpu.memory_space<vmem>> -> memref<1x80xi32, #tpu.memory_space<vmem>>
    %dma_wait3A_338 = tpu.memref_squeeze %dma_wait3A_337 : memref<1x80xi32, #tpu.memory_space<vmem>> -> memref<80xi32, #tpu.memory_space<vmem>>
    %dma_wait3A_339 = tpu.memref_slice %arg3[%add3A_321] : memref<1600000xi32, #tpu.memory_space<hbm>> -> memref<80xi32, #tpu.memory_space<hbm>>
    tpu.wait_dma2 semaphore(%arg11 : memref<!tpu.dma_semaphore, #tpu.memory_space<semaphore_mem>>) src(%dma_wait3A_339 : memref<80xi32, #tpu.memory_space<hbm>>) dst(%dma_wait3A_338 : memref<80xi32, #tpu.memory_space<vmem>>)
    %add3A_340 = arith.constant 160 : i32
    %add3A_341 = arith.addi %add3A_49, %add3A_340 : i32
    %dma_wait3A_342 = arith.constant 0 : i32
    %dma_wait3A_343 = arith.constant 2 : i32
    %dma_wait3A_344 = arith.constant 0 : i32
    %dma_wait3A_345 = arith.constant 0 : i32
    %dma_wait3A_346 = tpu.memref_slice %arg8[%dma_wait3A_342, %dma_wait3A_344, %dma_wait3A_345] : memref<2x5x80xi32, #tpu.memory_space<vmem>> -> memref<1x5x80xi32, #tpu.memory_space<vmem>>
    %dma_wait3A_347 = tpu.memref_squeeze %dma_wait3A_346 : memref<1x5x80xi32, #tpu.memory_space<vmem>> -> memref<5x80xi32, #tpu.memory_space<vmem>>
    %dma_wait3A_348 = arith.constant 0 : i32
    %dma_wait3A_349 = tpu.memref_slice %dma_wait3A_347[%dma_wait3A_343, %dma_wait3A_348] : memref<5x80xi32, #tpu.memory_space<vmem>> -> memref<1x80xi32, #tpu.memory_space<vmem>>
    %dma_wait3A_350 = tpu.memref_squeeze %dma_wait3A_349 : memref<1x80xi32, #tpu.memory_space<vmem>> -> memref<80xi32, #tpu.memory_space<vmem>>
    %dma_wait3A_351 = tpu.memref_slice %arg3[%add3A_341] : memref<1600000xi32, #tpu.memory_space<hbm>> -> memref<80xi32, #tpu.memory_space<hbm>>
    %dma_wait3A_352 = arith.constant 0 : i32
    %dma_wait3A_353 = arith.constant 0 : i32
    %dma_wait3A_354 = tpu.memref_slice %arg8[%dma_wait3A_342, %dma_wait3A_352, %dma_wait3A_353] : memref<2x5x80xi32, #tpu.memory_space<vmem>> -> memref<1x5x80xi32, #tpu.memory_space<vmem>>
    %dma_wait3A_355 = tpu.memref_squeeze %dma_wait3A_354 : memref<1x5x80xi32, #tpu.memory_space<vmem>> -> memref<5x80xi32, #tpu.memory_space<vmem>>
    %dma_wait3A_356 = arith.constant 0 : i32
    %dma_wait3A_357 = tpu.memref_slice %dma_wait3A_355[%dma_wait3A_343, %dma_wait3A_356] : memref<5x80xi32, #tpu.memory_space<vmem>> -> memref<1x80xi32, #tpu.memory_space<vmem>>
    %dma_wait3A_358 = tpu.memref_squeeze %dma_wait3A_357 : memref<1x80xi32, #tpu.memory_space<vmem>> -> memref<80xi32, #tpu.memory_space<vmem>>
    %dma_wait3A_359 = tpu.memref_slice %arg3[%add3A_341] : memref<1600000xi32, #tpu.memory_space<hbm>> -> memref<80xi32, #tpu.memory_space<hbm>>
    tpu.wait_dma2 semaphore(%arg11 : memref<!tpu.dma_semaphore, #tpu.memory_space<semaphore_mem>>) src(%dma_wait3A_359 : memref<80xi32, #tpu.memory_space<hbm>>) dst(%dma_wait3A_358 : memref<80xi32, #tpu.memory_space<vmem>>)
    %add3A_360 = arith.constant 160 : i32
    %add3A_361 = arith.addi %add3A_49, %add3A_360 : i32
    %dma_wait3A_362 = arith.constant 0 : i32
    %dma_wait3A_363 = arith.constant 2 : i32
    %dma_wait3A_364 = arith.constant 0 : i32
    %dma_wait3A_365 = arith.constant 0 : i32
    %dma_wait3A_366 = tpu.memref_slice %arg9[%dma_wait3A_362, %dma_wait3A_364, %dma_wait3A_365] : memref<2x5x80xi32, #tpu.memory_space<vmem>> -> memref<1x5x80xi32, #tpu.memory_space<vmem>>
    %dma_wait3A_367 = tpu.memref_squeeze %dma_wait3A_366 : memref<1x5x80xi32, #tpu.memory_space<vmem>> -> memref<5x80xi32, #tpu.memory_space<vmem>>
    %dma_wait3A_368 = arith.constant 0 : i32
    %dma_wait3A_369 = tpu.memref_slice %dma_wait3A_367[%dma_wait3A_363, %dma_wait3A_368] : memref<5x80xi32, #tpu.memory_space<vmem>> -> memref<1x80xi32, #tpu.memory_space<vmem>>
    %dma_wait3A_370 = tpu.memref_squeeze %dma_wait3A_369 : memref<1x80xi32, #tpu.memory_space<vmem>> -> memref<80xi32, #tpu.memory_space<vmem>>
    %dma_wait3A_371 = tpu.memref_slice %arg3[%add3A_361] : memref<1600000xi32, #tpu.memory_space<hbm>> -> memref<80xi32, #tpu.memory_space<hbm>>
    %dma_wait3A_372 = arith.constant 0 : i32
    %dma_wait3A_373 = arith.constant 0 : i32
    %dma_wait3A_374 = tpu.memref_slice %arg9[%dma_wait3A_362, %dma_wait3A_372, %dma_wait3A_373] : memref<2x5x80xi32, #tpu.memory_space<vmem>> -> memref<1x5x80xi32, #tpu.memory_space<vmem>>
    %dma_wait3A_375 = tpu.memref_squeeze %dma_wait3A_374 : memref<1x5x80xi32, #tpu.memory_space<vmem>> -> memref<5x80xi32, #tpu.memory_space<vmem>>
    %dma_wait3A_376 = arith.constant 0 : i32
    %dma_wait3A_377 = tpu.memref_slice %dma_wait3A_375[%dma_wait3A_363, %dma_wait3A_376] : memref<5x80xi32, #tpu.memory_space<vmem>> -> memref<1x80xi32, #tpu.memory_space<vmem>>
    %dma_wait3A_378 = tpu.memref_squeeze %dma_wait3A_377 : memref<1x80xi32, #tpu.memory_space<vmem>> -> memref<80xi32, #tpu.memory_space<vmem>>
    %dma_wait3A_379 = tpu.memref_slice %arg3[%add3A_361] : memref<1600000xi32, #tpu.memory_space<hbm>> -> memref<80xi32, #tpu.memory_space<hbm>>
    tpu.wait_dma2 semaphore(%arg11 : memref<!tpu.dma_semaphore, #tpu.memory_space<semaphore_mem>>) src(%dma_wait3A_379 : memref<80xi32, #tpu.memory_space<hbm>>) dst(%dma_wait3A_378 : memref<80xi32, #tpu.memory_space<vmem>>)
    %add3A_380 = arith.constant 240 : i32
    %add3A_381 = arith.addi %add3A_49, %add3A_380 : i32
    %dma_wait3A_382 = arith.constant 0 : i32
    %dma_wait3A_383 = arith.constant 3 : i32
    %dma_wait3A_384 = arith.constant 0 : i32
    %dma_wait3A_385 = arith.constant 0 : i32
    %dma_wait3A_386 = tpu.memref_slice %arg8[%dma_wait3A_382, %dma_wait3A_384, %dma_wait3A_385] : memref<2x5x80xi32, #tpu.memory_space<vmem>> -> memref<1x5x80xi32, #tpu.memory_space<vmem>>
    %dma_wait3A_387 = tpu.memref_squeeze %dma_wait3A_386 : memref<1x5x80xi32, #tpu.memory_space<vmem>> -> memref<5x80xi32, #tpu.memory_space<vmem>>
    %dma_wait3A_388 = arith.constant 0 : i32
    %dma_wait3A_389 = tpu.memref_slice %dma_wait3A_387[%dma_wait3A_383, %dma_wait3A_388] : memref<5x80xi32, #tpu.memory_space<vmem>> -> memref<1x80xi32, #tpu.memory_space<vmem>>
    %dma_wait3A_390 = tpu.memref_squeeze %dma_wait3A_389 : memref<1x80xi32, #tpu.memory_space<vmem>> -> memref<80xi32, #tpu.memory_space<vmem>>
    %dma_wait3A_391 = tpu.memref_slice %arg3[%add3A_381] : memref<1600000xi32, #tpu.memory_space<hbm>> -> memref<80xi32, #tpu.memory_space<hbm>>
    %dma_wait3A_392 = arith.constant 0 : i32
    %dma_wait3A_393 = arith.constant 0 : i32
    %dma_wait3A_394 = tpu.memref_slice %arg8[%dma_wait3A_382, %dma_wait3A_392, %dma_wait3A_393] : memref<2x5x80xi32, #tpu.memory_space<vmem>> -> memref<1x5x80xi32, #tpu.memory_space<vmem>>
    %dma_wait3A_395 = tpu.memref_squeeze %dma_wait3A_394 : memref<1x5x80xi32, #tpu.memory_space<vmem>> -> memref<5x80xi32, #tpu.memory_space<vmem>>
    %dma_wait3A_396 = arith.constant 0 : i32
    %dma_wait3A_397 = tpu.memref_slice %dma_wait3A_395[%dma_wait3A_383, %dma_wait3A_396] : memref<5x80xi32, #tpu.memory_space<vmem>> -> memref<1x80xi32, #tpu.memory_space<vmem>>
    %dma_wait3A_398 = tpu.memref_squeeze %dma_wait3A_397 : memref<1x80xi32, #tpu.memory_space<vmem>> -> memref<80xi32, #tpu.memory_space<vmem>>
    %dma_wait3A_399 = tpu.memref_slice %arg3[%add3A_381] : memref<1600000xi32, #tpu.memory_space<hbm>> -> memref<80xi32, #tpu.memory_space<hbm>>
    tpu.wait_dma2 semaphore(%arg11 : memref<!tpu.dma_semaphore, #tpu.memory_space<semaphore_mem>>) src(%dma_wait3A_399 : memref<80xi32, #tpu.memory_space<hbm>>) dst(%dma_wait3A_398 : memref<80xi32, #tpu.memory_space<vmem>>)
    %add3A_400 = arith.constant 240 : i32
    %add3A_401 = arith.addi %add3A_49, %add3A_400 : i32
    %dma_wait3A_402 = arith.constant 0 : i32
    %dma_wait3A_403 = arith.constant 3 : i32
    %dma_wait3A_404 = arith.constant 0 : i32
    %dma_wait3A_405 = arith.constant 0 : i32
    %dma_wait3A_406 = tpu.memref_slice %arg9[%dma_wait3A_402, %dma_wait3A_404, %dma_wait3A_405] : memref<2x5x80xi32, #tpu.memory_space<vmem>> -> memref<1x5x80xi32, #tpu.memory_space<vmem>>
    %dma_wait3A_407 = tpu.memref_squeeze %dma_wait3A_406 : memref<1x5x80xi32, #tpu.memory_space<vmem>> -> memref<5x80xi32, #tpu.memory_space<vmem>>
    %dma_wait3A_408 = arith.constant 0 : i32
    %dma_wait3A_409 = tpu.memref_slice %dma_wait3A_407[%dma_wait3A_403, %dma_wait3A_408] : memref<5x80xi32, #tpu.memory_space<vmem>> -> memref<1x80xi32, #tpu.memory_space<vmem>>
    %dma_wait3A_410 = tpu.memref_squeeze %dma_wait3A_409 : memref<1x80xi32, #tpu.memory_space<vmem>> -> memref<80xi32, #tpu.memory_space<vmem>>
    %dma_wait3A_411 = tpu.memref_slice %arg3[%add3A_401] : memref<1600000xi32, #tpu.memory_space<hbm>> -> memref<80xi32, #tpu.memory_space<hbm>>
    %dma_wait3A_412 = arith.constant 0 : i32
    %dma_wait3A_413 = arith.constant 0 : i32
    %dma_wait3A_414 = tpu.memref_slice %arg9[%dma_wait3A_402, %dma_wait3A_412, %dma_wait3A_413] : memref<2x5x80xi32, #tpu.memory_space<vmem>> -> memref<1x5x80xi32, #tpu.memory_space<vmem>>
    %dma_wait3A_415 = tpu.memref_squeeze %dma_wait3A_414 : memref<1x5x80xi32, #tpu.memory_space<vmem>> -> memref<5x80xi32, #tpu.memory_space<vmem>>
    %dma_wait3A_416 = arith.constant 0 : i32
    %dma_wait3A_417 = tpu.memref_slice %dma_wait3A_415[%dma_wait3A_403, %dma_wait3A_416] : memref<5x80xi32, #tpu.memory_space<vmem>> -> memref<1x80xi32, #tpu.memory_space<vmem>>
    %dma_wait3A_418 = tpu.memref_squeeze %dma_wait3A_417 : memref<1x80xi32, #tpu.memory_space<vmem>> -> memref<80xi32, #tpu.memory_space<vmem>>
    %dma_wait3A_419 = tpu.memref_slice %arg3[%add3A_401] : memref<1600000xi32, #tpu.memory_space<hbm>> -> memref<80xi32, #tpu.memory_space<hbm>>
    tpu.wait_dma2 semaphore(%arg11 : memref<!tpu.dma_semaphore, #tpu.memory_space<semaphore_mem>>) src(%dma_wait3A_419 : memref<80xi32, #tpu.memory_space<hbm>>) dst(%dma_wait3A_418 : memref<80xi32, #tpu.memory_space<vmem>>)
    %add3A_420 = arith.constant 320 : i32
    %add3A_421 = arith.addi %add3A_49, %add3A_420 : i32
    %dma_wait3A_422 = arith.constant 0 : i32
    %dma_wait3A_423 = arith.constant 4 : i32
    %dma_wait3A_424 = arith.constant 0 : i32
    %dma_wait3A_425 = arith.constant 0 : i32
    %dma_wait3A_426 = tpu.memref_slice %arg8[%dma_wait3A_422, %dma_wait3A_424, %dma_wait3A_425] : memref<2x5x80xi32, #tpu.memory_space<vmem>> -> memref<1x5x80xi32, #tpu.memory_space<vmem>>
    %dma_wait3A_427 = tpu.memref_squeeze %dma_wait3A_426 : memref<1x5x80xi32, #tpu.memory_space<vmem>> -> memref<5x80xi32, #tpu.memory_space<vmem>>
    %dma_wait3A_428 = arith.constant 0 : i32
    %dma_wait3A_429 = tpu.memref_slice %dma_wait3A_427[%dma_wait3A_423, %dma_wait3A_428] : memref<5x80xi32, #tpu.memory_space<vmem>> -> memref<1x80xi32, #tpu.memory_space<vmem>>
    %dma_wait3A_430 = tpu.memref_squeeze %dma_wait3A_429 : memref<1x80xi32, #tpu.memory_space<vmem>> -> memref<80xi32, #tpu.memory_space<vmem>>
    %dma_wait3A_431 = tpu.memref_slice %arg3[%add3A_421] : memref<1600000xi32, #tpu.memory_space<hbm>> -> memref<80xi32, #tpu.memory_space<hbm>>
    %dma_wait3A_432 = arith.constant 0 : i32
    %dma_wait3A_433 = arith.constant 0 : i32
    %dma_wait3A_434 = tpu.memref_slice %arg8[%dma_wait3A_422, %dma_wait3A_432, %dma_wait3A_433] : memref<2x5x80xi32, #tpu.memory_space<vmem>> -> memref<1x5x80xi32, #tpu.memory_space<vmem>>
    %dma_wait3A_435 = tpu.memref_squeeze %dma_wait3A_434 : memref<1x5x80xi32, #tpu.memory_space<vmem>> -> memref<5x80xi32, #tpu.memory_space<vmem>>
    %dma_wait3A_436 = arith.constant 0 : i32
    %dma_wait3A_437 = tpu.memref_slice %dma_wait3A_435[%dma_wait3A_423, %dma_wait3A_436] : memref<5x80xi32, #tpu.memory_space<vmem>> -> memref<1x80xi32, #tpu.memory_space<vmem>>
    %dma_wait3A_438 = tpu.memref_squeeze %dma_wait3A_437 : memref<1x80xi32, #tpu.memory_space<vmem>> -> memref<80xi32, #tpu.memory_space<vmem>>
    %dma_wait3A_439 = tpu.memref_slice %arg3[%add3A_421] : memref<1600000xi32, #tpu.memory_space<hbm>> -> memref<80xi32, #tpu.memory_space<hbm>>
    tpu.wait_dma2 semaphore(%arg11 : memref<!tpu.dma_semaphore, #tpu.memory_space<semaphore_mem>>) src(%dma_wait3A_439 : memref<80xi32, #tpu.memory_space<hbm>>) dst(%dma_wait3A_438 : memref<80xi32, #tpu.memory_space<vmem>>)
    %add3A_440 = arith.constant 320 : i32
    %add3A_441 = arith.addi %add3A_49, %add3A_440 : i32
    %dma_wait3A_442 = arith.constant 0 : i32
    %dma_wait3A_443 = arith.constant 4 : i32
    %dma_wait3A_444 = arith.constant 0 : i32
    %dma_wait3A_445 = arith.constant 0 : i32
    %dma_wait3A_446 = tpu.memref_slice %arg9[%dma_wait3A_442, %dma_wait3A_444, %dma_wait3A_445] : memref<2x5x80xi32, #tpu.memory_space<vmem>> -> memref<1x5x80xi32, #tpu.memory_space<vmem>>
    %dma_wait3A_447 = tpu.memref_squeeze %dma_wait3A_446 : memref<1x5x80xi32, #tpu.memory_space<vmem>> -> memref<5x80xi32, #tpu.memory_space<vmem>>
    %dma_wait3A_448 = arith.constant 0 : i32
    %dma_wait3A_449 = tpu.memref_slice %dma_wait3A_447[%dma_wait3A_443, %dma_wait3A_448] : memref<5x80xi32, #tpu.memory_space<vmem>> -> memref<1x80xi32, #tpu.memory_space<vmem>>
    %dma_wait3A_450 = tpu.memref_squeeze %dma_wait3A_449 : memref<1x80xi32, #tpu.memory_space<vmem>> -> memref<80xi32, #tpu.memory_space<vmem>>
    %dma_wait3A_451 = tpu.memref_slice %arg3[%add3A_441] : memref<1600000xi32, #tpu.memory_space<hbm>> -> memref<80xi32, #tpu.memory_space<hbm>>
    %dma_wait3A_452 = arith.constant 0 : i32
    %dma_wait3A_453 = arith.constant 0 : i32
    %dma_wait3A_454 = tpu.memref_slice %arg9[%dma_wait3A_442, %dma_wait3A_452, %dma_wait3A_453] : memref<2x5x80xi32, #tpu.memory_space<vmem>> -> memref<1x5x80xi32, #tpu.memory_space<vmem>>
    %dma_wait3A_455 = tpu.memref_squeeze %dma_wait3A_454 : memref<1x5x80xi32, #tpu.memory_space<vmem>> -> memref<5x80xi32, #tpu.memory_space<vmem>>
    %dma_wait3A_456 = arith.constant 0 : i32
    %dma_wait3A_457 = tpu.memref_slice %dma_wait3A_455[%dma_wait3A_443, %dma_wait3A_456] : memref<5x80xi32, #tpu.memory_space<vmem>> -> memref<1x80xi32, #tpu.memory_space<vmem>>
    %dma_wait3A_458 = tpu.memref_squeeze %dma_wait3A_457 : memref<1x80xi32, #tpu.memory_space<vmem>> -> memref<80xi32, #tpu.memory_space<vmem>>
    %dma_wait3A_459 = tpu.memref_slice %arg3[%add3A_441] : memref<1600000xi32, #tpu.memory_space<hbm>> -> memref<80xi32, #tpu.memory_space<hbm>>
    tpu.wait_dma2 semaphore(%arg11 : memref<!tpu.dma_semaphore, #tpu.memory_space<semaphore_mem>>) src(%dma_wait3A_459 : memref<80xi32, #tpu.memory_space<hbm>>) dst(%dma_wait3A_458 : memref<80xi32, #tpu.memory_space<vmem>>)
    %dma_wait3A_460 = tpu.memref_slice %arg2[%add3A_49, %add3A_1] : memref<800000x128xf32, #tpu.memory_space<hbm>> -> memref<400x32xf32, #tpu.memory_space<hbm>>
    %dma_wait3A_461 = tpu.memref_slice %arg2[%add3A_49, %add3A_1] : memref<800000x128xf32, #tpu.memory_space<hbm>> -> memref<400x32xf32, #tpu.memory_space<hbm>>
    tpu.wait_dma2 semaphore(%arg10 : memref<!tpu.dma_semaphore, #tpu.memory_space<semaphore_mem>>) src(%dma_wait3A_461 : memref<400x32xf32, #tpu.memory_space<hbm>>) dst(%arg6 : memref<400x32xf32, #tpu.memory_space<vmem>>)
    %dma_start3A_462 = arith.constant 0 : i32
    %dma_start3A_463 = arith.constant 0 : i32
    %dma_start3A_464 = arith.constant 0 : i32
    %dma_start3A_465 = arith.constant 0 : i32
    %dma_start3A_466 = tpu.memref_slice %arg6[%dma_start3A_464, %dma_start3A_465] : memref<400x32xf32, #tpu.memory_space<vmem>> -> memref<80x32xf32, #tpu.memory_space<vmem>>
    %dma_start3A_467 = arith.constant 0 : i32
    %dma_start3A_468 = arith.constant 0 : i32
    %dma_start3A_469 = tpu.memref_slice %arg8[%dma_start3A_462, %dma_start3A_467, %dma_start3A_468] : memref<2x5x80xi32, #tpu.memory_space<vmem>> -> memref<1x5x80xi32, #tpu.memory_space<vmem>>
    %dma_start3A_470 = tpu.memref_squeeze %dma_start3A_469 : memref<1x5x80xi32, #tpu.memory_space<vmem>> -> memref<5x80xi32, #tpu.memory_space<vmem>>
    %dma_start3A_471 = arith.constant 0 : i32
    %dma_start3A_472 = tpu.memref_slice %dma_start3A_470[%dma_start3A_463, %dma_start3A_471] : memref<5x80xi32, #tpu.memory_space<vmem>> -> memref<1x80xi32, #tpu.memory_space<vmem>>
    %dma_start3A_473 = tpu.memref_squeeze %dma_start3A_472 : memref<1x80xi32, #tpu.memory_space<vmem>> -> memref<80xi32, #tpu.memory_space<vmem>>
    %dma_start3A_474 = arith.constant 0 : i32
    %dma_start3A_475 = arith.constant 0 : i32
    %dma_start3A_476 = tpu.memref_slice %arg5[%dma_start3A_474, %dma_start3A_475] : memref<50000x32xf32, #tpu.memory_space<vmem_shared>> -> memref<50000x32xf32, #tpu.memory_space<vmem_shared>>
    tpu.enqueue_indirect_dma source(%dma_start3A_466 : memref<80x32xf32, #tpu.memory_space<vmem>>) target(%dma_start3A_476 : memref<50000x32xf32, #tpu.memory_space<vmem_shared>>) offsets(%dma_start3A_473 : memref<80xi32, #tpu.memory_space<vmem>>) semaphore(%arg12 : memref<!tpu.dma_semaphore, #tpu.memory_space<semaphore_mem>>) {add = true}
    %dma_start3A_477 = arith.constant 0 : i32
    %dma_start3A_478 = arith.constant 0 : i32
    %dma_start3A_479 = arith.constant 0 : i32
    %dma_start3A_480 = arith.constant 0 : i32
    %dma_start3A_481 = tpu.memref_slice %arg6[%dma_start3A_479, %dma_start3A_480] : memref<400x32xf32, #tpu.memory_space<vmem>> -> memref<80x32xf32, #tpu.memory_space<vmem>>
    %dma_start3A_482 = arith.constant 0 : i32
    %dma_start3A_483 = arith.constant 0 : i32
    %dma_start3A_484 = tpu.memref_slice %arg9[%dma_start3A_477, %dma_start3A_482, %dma_start3A_483] : memref<2x5x80xi32, #tpu.memory_space<vmem>> -> memref<1x5x80xi32, #tpu.memory_space<vmem>>
    %dma_start3A_485 = tpu.memref_squeeze %dma_start3A_484 : memref<1x5x80xi32, #tpu.memory_space<vmem>> -> memref<5x80xi32, #tpu.memory_space<vmem>>
    %dma_start3A_486 = arith.constant 0 : i32
    %dma_start3A_487 = tpu.memref_slice %dma_start3A_485[%dma_start3A_478, %dma_start3A_486] : memref<5x80xi32, #tpu.memory_space<vmem>> -> memref<1x80xi32, #tpu.memory_space<vmem>>
    %dma_start3A_488 = tpu.memref_squeeze %dma_start3A_487 : memref<1x80xi32, #tpu.memory_space<vmem>> -> memref<80xi32, #tpu.memory_space<vmem>>
    %dma_start3A_489 = arith.constant 0 : i32
    %dma_start3A_490 = arith.constant 0 : i32
    %dma_start3A_491 = tpu.memref_slice %arg5[%dma_start3A_489, %dma_start3A_490] : memref<50000x32xf32, #tpu.memory_space<vmem_shared>> -> memref<50000x32xf32, #tpu.memory_space<vmem_shared>>
    tpu.enqueue_indirect_dma source(%dma_start3A_481 : memref<80x32xf32, #tpu.memory_space<vmem>>) target(%dma_start3A_491 : memref<50000x32xf32, #tpu.memory_space<vmem_shared>>) offsets(%dma_start3A_488 : memref<80xi32, #tpu.memory_space<vmem>>) semaphore(%arg12 : memref<!tpu.dma_semaphore, #tpu.memory_space<semaphore_mem>>) {add = true}
    %dma_start3A_492 = arith.constant 0 : i32
    %dma_start3A_493 = arith.constant 1 : i32
    %dma_start3A_494 = arith.constant 80 : i32
    %dma_start3A_495 = arith.constant 0 : i32
    %dma_start3A_496 = tpu.memref_slice %arg6[%dma_start3A_494, %dma_start3A_495] : memref<400x32xf32, #tpu.memory_space<vmem>> -> memref<80x32xf32, #tpu.memory_space<vmem>>
    %dma_start3A_497 = arith.constant 0 : i32
    %dma_start3A_498 = arith.constant 0 : i32
    %dma_start3A_499 = tpu.memref_slice %arg8[%dma_start3A_492, %dma_start3A_497, %dma_start3A_498] : memref<2x5x80xi32, #tpu.memory_space<vmem>> -> memref<1x5x80xi32, #tpu.memory_space<vmem>>
    %dma_start3A_500 = tpu.memref_squeeze %dma_start3A_499 : memref<1x5x80xi32, #tpu.memory_space<vmem>> -> memref<5x80xi32, #tpu.memory_space<vmem>>
    %dma_start3A_501 = arith.constant 0 : i32
    %dma_start3A_502 = tpu.memref_slice %dma_start3A_500[%dma_start3A_493, %dma_start3A_501] : memref<5x80xi32, #tpu.memory_space<vmem>> -> memref<1x80xi32, #tpu.memory_space<vmem>>
    %dma_start3A_503 = tpu.memref_squeeze %dma_start3A_502 : memref<1x80xi32, #tpu.memory_space<vmem>> -> memref<80xi32, #tpu.memory_space<vmem>>
    %dma_start3A_504 = arith.constant 0 : i32
    %dma_start3A_505 = arith.constant 0 : i32
    %dma_start3A_506 = tpu.memref_slice %arg5[%dma_start3A_504, %dma_start3A_505] : memref<50000x32xf32, #tpu.memory_space<vmem_shared>> -> memref<50000x32xf32, #tpu.memory_space<vmem_shared>>
    tpu.enqueue_indirect_dma source(%dma_start3A_496 : memref<80x32xf32, #tpu.memory_space<vmem>>) target(%dma_start3A_506 : memref<50000x32xf32, #tpu.memory_space<vmem_shared>>) offsets(%dma_start3A_503 : memref<80xi32, #tpu.memory_space<vmem>>) semaphore(%arg12 : memref<!tpu.dma_semaphore, #tpu.memory_space<semaphore_mem>>) {add = true}
    %dma_start3A_507 = arith.constant 0 : i32
    %dma_start3A_508 = arith.constant 1 : i32
    %dma_start3A_509 = arith.constant 80 : i32
    %dma_start3A_510 = arith.constant 0 : i32
    %dma_start3A_511 = tpu.memref_slice %arg6[%dma_start3A_509, %dma_start3A_510] : memref<400x32xf32, #tpu.memory_space<vmem>> -> memref<80x32xf32, #tpu.memory_space<vmem>>
    %dma_start3A_512 = arith.constant 0 : i32
    %dma_start3A_513 = arith.constant 0 : i32
    %dma_start3A_514 = tpu.memref_slice %arg9[%dma_start3A_507, %dma_start3A_512, %dma_start3A_513] : memref<2x5x80xi32, #tpu.memory_space<vmem>> -> memref<1x5x80xi32, #tpu.memory_space<vmem>>
    %dma_start3A_515 = tpu.memref_squeeze %dma_start3A_514 : memref<1x5x80xi32, #tpu.memory_space<vmem>> -> memref<5x80xi32, #tpu.memory_space<vmem>>
    %dma_start3A_516 = arith.constant 0 : i32
    %dma_start3A_517 = tpu.memref_slice %dma_start3A_515[%dma_start3A_508, %dma_start3A_516] : memref<5x80xi32, #tpu.memory_space<vmem>> -> memref<1x80xi32, #tpu.memory_space<vmem>>
    %dma_start3A_518 = tpu.memref_squeeze %dma_start3A_517 : memref<1x80xi32, #tpu.memory_space<vmem>> -> memref<80xi32, #tpu.memory_space<vmem>>
    %dma_start3A_519 = arith.constant 0 : i32
    %dma_start3A_520 = arith.constant 0 : i32
    %dma_start3A_521 = tpu.memref_slice %arg5[%dma_start3A_519, %dma_start3A_520] : memref<50000x32xf32, #tpu.memory_space<vmem_shared>> -> memref<50000x32xf32, #tpu.memory_space<vmem_shared>>
    tpu.enqueue_indirect_dma source(%dma_start3A_511 : memref<80x32xf32, #tpu.memory_space<vmem>>) target(%dma_start3A_521 : memref<50000x32xf32, #tpu.memory_space<vmem_shared>>) offsets(%dma_start3A_518 : memref<80xi32, #tpu.memory_space<vmem>>) semaphore(%arg12 : memref<!tpu.dma_semaphore, #tpu.memory_space<semaphore_mem>>) {add = true}
    %dma_start3A_522 = arith.constant 0 : i32
    %dma_start3A_523 = arith.constant 2 : i32
    %dma_start3A_524 = arith.constant 160 : i32
    %dma_start3A_525 = arith.constant 0 : i32
    %dma_start3A_526 = tpu.memref_slice %arg6[%dma_start3A_524, %dma_start3A_525] : memref<400x32xf32, #tpu.memory_space<vmem>> -> memref<80x32xf32, #tpu.memory_space<vmem>>
    %dma_start3A_527 = arith.constant 0 : i32
    %dma_start3A_528 = arith.constant 0 : i32
    %dma_start3A_529 = tpu.memref_slice %arg8[%dma_start3A_522, %dma_start3A_527, %dma_start3A_528] : memref<2x5x80xi32, #tpu.memory_space<vmem>> -> memref<1x5x80xi32, #tpu.memory_space<vmem>>
    %dma_start3A_530 = tpu.memref_squeeze %dma_start3A_529 : memref<1x5x80xi32, #tpu.memory_space<vmem>> -> memref<5x80xi32, #tpu.memory_space<vmem>>
    %dma_start3A_531 = arith.constant 0 : i32
    %dma_start3A_532 = tpu.memref_slice %dma_start3A_530[%dma_start3A_523, %dma_start3A_531] : memref<5x80xi32, #tpu.memory_space<vmem>> -> memref<1x80xi32, #tpu.memory_space<vmem>>
    %dma_start3A_533 = tpu.memref_squeeze %dma_start3A_532 : memref<1x80xi32, #tpu.memory_space<vmem>> -> memref<80xi32, #tpu.memory_space<vmem>>
    %dma_start3A_534 = arith.constant 0 : i32
    %dma_start3A_535 = arith.constant 0 : i32
    %dma_start3A_536 = tpu.memref_slice %arg5[%dma_start3A_534, %dma_start3A_535] : memref<50000x32xf32, #tpu.memory_space<vmem_shared>> -> memref<50000x32xf32, #tpu.memory_space<vmem_shared>>
    tpu.enqueue_indirect_dma source(%dma_start3A_526 : memref<80x32xf32, #tpu.memory_space<vmem>>) target(%dma_start3A_536 : memref<50000x32xf32, #tpu.memory_space<vmem_shared>>) offsets(%dma_start3A_533 : memref<80xi32, #tpu.memory_space<vmem>>) semaphore(%arg12 : memref<!tpu.dma_semaphore, #tpu.memory_space<semaphore_mem>>) {add = true}
    %dma_start3A_537 = arith.constant 0 : i32
    %dma_start3A_538 = arith.constant 2 : i32
    %dma_start3A_539 = arith.constant 160 : i32
    %dma_start3A_540 = arith.constant 0 : i32
    %dma_start3A_541 = tpu.memref_slice %arg6[%dma_start3A_539, %dma_start3A_540] : memref<400x32xf32, #tpu.memory_space<vmem>> -> memref<80x32xf32, #tpu.memory_space<vmem>>
    %dma_start3A_542 = arith.constant 0 : i32
    %dma_start3A_543 = arith.constant 0 : i32
    %dma_start3A_544 = tpu.memref_slice %arg9[%dma_start3A_537, %dma_start3A_542, %dma_start3A_543] : memref<2x5x80xi32, #tpu.memory_space<vmem>> -> memref<1x5x80xi32, #tpu.memory_space<vmem>>
    %dma_start3A_545 = tpu.memref_squeeze %dma_start3A_544 : memref<1x5x80xi32, #tpu.memory_space<vmem>> -> memref<5x80xi32, #tpu.memory_space<vmem>>
    %dma_start3A_546 = arith.constant 0 : i32
    %dma_start3A_547 = tpu.memref_slice %dma_start3A_545[%dma_start3A_538, %dma_start3A_546] : memref<5x80xi32, #tpu.memory_space<vmem>> -> memref<1x80xi32, #tpu.memory_space<vmem>>
    %dma_start3A_548 = tpu.memref_squeeze %dma_start3A_547 : memref<1x80xi32, #tpu.memory_space<vmem>> -> memref<80xi32, #tpu.memory_space<vmem>>
    %dma_start3A_549 = arith.constant 0 : i32
    %dma_start3A_550 = arith.constant 0 : i32
    %dma_start3A_551 = tpu.memref_slice %arg5[%dma_start3A_549, %dma_start3A_550] : memref<50000x32xf32, #tpu.memory_space<vmem_shared>> -> memref<50000x32xf32, #tpu.memory_space<vmem_shared>>
    tpu.enqueue_indirect_dma source(%dma_start3A_541 : memref<80x32xf32, #tpu.memory_space<vmem>>) target(%dma_start3A_551 : memref<50000x32xf32, #tpu.memory_space<vmem_shared>>) offsets(%dma_start3A_548 : memref<80xi32, #tpu.memory_space<vmem>>) semaphore(%arg12 : memref<!tpu.dma_semaphore, #tpu.memory_space<semaphore_mem>>) {add = true}
    %dma_start3A_552 = arith.constant 0 : i32
    %dma_start3A_553 = arith.constant 3 : i32
    %dma_start3A_554 = arith.constant 240 : i32
    %dma_start3A_555 = arith.constant 0 : i32
    %dma_start3A_556 = tpu.memref_slice %arg6[%dma_start3A_554, %dma_start3A_555] : memref<400x32xf32, #tpu.memory_space<vmem>> -> memref<80x32xf32, #tpu.memory_space<vmem>>
    %dma_start3A_557 = arith.constant 0 : i32
    %dma_start3A_558 = arith.constant 0 : i32
    %dma_start3A_559 = tpu.memref_slice %arg8[%dma_start3A_552, %dma_start3A_557, %dma_start3A_558] : memref<2x5x80xi32, #tpu.memory_space<vmem>> -> memref<1x5x80xi32, #tpu.memory_space<vmem>>
    %dma_start3A_560 = tpu.memref_squeeze %dma_start3A_559 : memref<1x5x80xi32, #tpu.memory_space<vmem>> -> memref<5x80xi32, #tpu.memory_space<vmem>>
    %dma_start3A_561 = arith.constant 0 : i32
    %dma_start3A_562 = tpu.memref_slice %dma_start3A_560[%dma_start3A_553, %dma_start3A_561] : memref<5x80xi32, #tpu.memory_space<vmem>> -> memref<1x80xi32, #tpu.memory_space<vmem>>
    %dma_start3A_563 = tpu.memref_squeeze %dma_start3A_562 : memref<1x80xi32, #tpu.memory_space<vmem>> -> memref<80xi32, #tpu.memory_space<vmem>>
    %dma_start3A_564 = arith.constant 0 : i32
    %dma_start3A_565 = arith.constant 0 : i32
    %dma_start3A_566 = tpu.memref_slice %arg5[%dma_start3A_564, %dma_start3A_565] : memref<50000x32xf32, #tpu.memory_space<vmem_shared>> -> memref<50000x32xf32, #tpu.memory_space<vmem_shared>>
    tpu.enqueue_indirect_dma source(%dma_start3A_556 : memref<80x32xf32, #tpu.memory_space<vmem>>) target(%dma_start3A_566 : memref<50000x32xf32, #tpu.memory_space<vmem_shared>>) offsets(%dma_start3A_563 : memref<80xi32, #tpu.memory_space<vmem>>) semaphore(%arg12 : memref<!tpu.dma_semaphore, #tpu.memory_space<semaphore_mem>>) {add = true}
    %dma_start3A_567 = arith.constant 0 : i32
    %dma_start3A_568 = arith.constant 3 : i32
    %dma_start3A_569 = arith.constant 240 : i32
    %dma_start3A_570 = arith.constant 0 : i32
    %dma_start3A_571 = tpu.memref_slice %arg6[%dma_start3A_569, %dma_start3A_570] : memref<400x32xf32, #tpu.memory_space<vmem>> -> memref<80x32xf32, #tpu.memory_space<vmem>>
    %dma_start3A_572 = arith.constant 0 : i32
    %dma_start3A_573 = arith.constant 0 : i32
    %dma_start3A_574 = tpu.memref_slice %arg9[%dma_start3A_567, %dma_start3A_572, %dma_start3A_573] : memref<2x5x80xi32, #tpu.memory_space<vmem>> -> memref<1x5x80xi32, #tpu.memory_space<vmem>>
    %dma_start3A_575 = tpu.memref_squeeze %dma_start3A_574 : memref<1x5x80xi32, #tpu.memory_space<vmem>> -> memref<5x80xi32, #tpu.memory_space<vmem>>
    %dma_start3A_576 = arith.constant 0 : i32
    %dma_start3A_577 = tpu.memref_slice %dma_start3A_575[%dma_start3A_568, %dma_start3A_576] : memref<5x80xi32, #tpu.memory_space<vmem>> -> memref<1x80xi32, #tpu.memory_space<vmem>>
    %dma_start3A_578 = tpu.memref_squeeze %dma_start3A_577 : memref<1x80xi32, #tpu.memory_space<vmem>> -> memref<80xi32, #tpu.memory_space<vmem>>
    %dma_start3A_579 = arith.constant 0 : i32
    %dma_start3A_580 = arith.constant 0 : i32
    %dma_start3A_581 = tpu.memref_slice %arg5[%dma_start3A_579, %dma_start3A_580] : memref<50000x32xf32, #tpu.memory_space<vmem_shared>> -> memref<50000x32xf32, #tpu.memory_space<vmem_shared>>
    tpu.enqueue_indirect_dma source(%dma_start3A_571 : memref<80x32xf32, #tpu.memory_space<vmem>>) target(%dma_start3A_581 : memref<50000x32xf32, #tpu.memory_space<vmem_shared>>) offsets(%dma_start3A_578 : memref<80xi32, #tpu.memory_space<vmem>>) semaphore(%arg12 : memref<!tpu.dma_semaphore, #tpu.memory_space<semaphore_mem>>) {add = true}
    %dma_start3A_582 = arith.constant 0 : i32
    %dma_start3A_583 = arith.constant 4 : i32
    %dma_start3A_584 = arith.constant 320 : i32
    %dma_start3A_585 = arith.constant 0 : i32
    %dma_start3A_586 = tpu.memref_slice %arg6[%dma_start3A_584, %dma_start3A_585] : memref<400x32xf32, #tpu.memory_space<vmem>> -> memref<80x32xf32, #tpu.memory_space<vmem>>
    %dma_start3A_587 = arith.constant 0 : i32
    %dma_start3A_588 = arith.constant 0 : i32
    %dma_start3A_589 = tpu.memref_slice %arg8[%dma_start3A_582, %dma_start3A_587, %dma_start3A_588] : memref<2x5x80xi32, #tpu.memory_space<vmem>> -> memref<1x5x80xi32, #tpu.memory_space<vmem>>
    %dma_start3A_590 = tpu.memref_squeeze %dma_start3A_589 : memref<1x5x80xi32, #tpu.memory_space<vmem>> -> memref<5x80xi32, #tpu.memory_space<vmem>>
    %dma_start3A_591 = arith.constant 0 : i32
    %dma_start3A_592 = tpu.memref_slice %dma_start3A_590[%dma_start3A_583, %dma_start3A_591] : memref<5x80xi32, #tpu.memory_space<vmem>> -> memref<1x80xi32, #tpu.memory_space<vmem>>
    %dma_start3A_593 = tpu.memref_squeeze %dma_start3A_592 : memref<1x80xi32, #tpu.memory_space<vmem>> -> memref<80xi32, #tpu.memory_space<vmem>>
    %dma_start3A_594 = arith.constant 0 : i32
    %dma_start3A_595 = arith.constant 0 : i32
    %dma_start3A_596 = tpu.memref_slice %arg5[%dma_start3A_594, %dma_start3A_595] : memref<50000x32xf32, #tpu.memory_space<vmem_shared>> -> memref<50000x32xf32, #tpu.memory_space<vmem_shared>>
    tpu.enqueue_indirect_dma source(%dma_start3A_586 : memref<80x32xf32, #tpu.memory_space<vmem>>) target(%dma_start3A_596 : memref<50000x32xf32, #tpu.memory_space<vmem_shared>>) offsets(%dma_start3A_593 : memref<80xi32, #tpu.memory_space<vmem>>) semaphore(%arg12 : memref<!tpu.dma_semaphore, #tpu.memory_space<semaphore_mem>>) {add = true}
    %dma_start3A_597 = arith.constant 0 : i32
    %dma_start3A_598 = arith.constant 4 : i32
    %dma_start3A_599 = arith.constant 320 : i32
    %dma_start3A_600 = arith.constant 0 : i32
    %dma_start3A_601 = tpu.memref_slice %arg6[%dma_start3A_599, %dma_start3A_600] : memref<400x32xf32, #tpu.memory_space<vmem>> -> memref<80x32xf32, #tpu.memory_space<vmem>>
    %dma_start3A_602 = arith.constant 0 : i32
    %dma_start3A_603 = arith.constant 0 : i32
    %dma_start3A_604 = tpu.memref_slice %arg9[%dma_start3A_597, %dma_start3A_602, %dma_start3A_603] : memref<2x5x80xi32, #tpu.memory_space<vmem>> -> memref<1x5x80xi32, #tpu.memory_space<vmem>>
    %dma_start3A_605 = tpu.memref_squeeze %dma_start3A_604 : memref<1x5x80xi32, #tpu.memory_space<vmem>> -> memref<5x80xi32, #tpu.memory_space<vmem>>
    %dma_start3A_606 = arith.constant 0 : i32
    %dma_start3A_607 = tpu.memref_slice %dma_start3A_605[%dma_start3A_598, %dma_start3A_606] : memref<5x80xi32, #tpu.memory_space<vmem>> -> memref<1x80xi32, #tpu.memory_space<vmem>>
    %dma_start3A_608 = tpu.memref_squeeze %dma_start3A_607 : memref<1x80xi32, #tpu.memory_space<vmem>> -> memref<80xi32, #tpu.memory_space<vmem>>
    %dma_start3A_609 = arith.constant 0 : i32
    %dma_start3A_610 = arith.constant 0 : i32
    %dma_start3A_611 = tpu.memref_slice %arg5[%dma_start3A_609, %dma_start3A_610] : memref<50000x32xf32, #tpu.memory_space<vmem_shared>> -> memref<50000x32xf32, #tpu.memory_space<vmem_shared>>
    tpu.enqueue_indirect_dma source(%dma_start3A_601 : memref<80x32xf32, #tpu.memory_space<vmem>>) target(%dma_start3A_611 : memref<50000x32xf32, #tpu.memory_space<vmem_shared>>) offsets(%dma_start3A_608 : memref<80xi32, #tpu.memory_space<vmem>>) semaphore(%arg12 : memref<!tpu.dma_semaphore, #tpu.memory_space<semaphore_mem>>) {add = true}
    %dma_wait3A_612 = arith.constant 0 : i32
    %dma_wait3A_613 = arith.constant 0 : i32
    %dma_wait3A_614 = arith.constant 0 : i32
    %dma_wait3A_615 = arith.constant 0 : i32
    %dma_wait3A_616 = tpu.memref_slice %arg6[%dma_wait3A_614, %dma_wait3A_615] : memref<400x32xf32, #tpu.memory_space<vmem>> -> memref<80x32xf32, #tpu.memory_space<vmem>>
    %dma_wait3A_617 = arith.constant 0 : i32
    %dma_wait3A_618 = arith.constant 0 : i32
    %dma_wait3A_619 = tpu.memref_slice %arg8[%dma_wait3A_612, %dma_wait3A_617, %dma_wait3A_618] : memref<2x5x80xi32, #tpu.memory_space<vmem>> -> memref<1x5x80xi32, #tpu.memory_space<vmem>>
    %dma_wait3A_620 = tpu.memref_squeeze %dma_wait3A_619 : memref<1x5x80xi32, #tpu.memory_space<vmem>> -> memref<5x80xi32, #tpu.memory_space<vmem>>
    %dma_wait3A_621 = arith.constant 0 : i32
    %dma_wait3A_622 = tpu.memref_slice %dma_wait3A_620[%dma_wait3A_613, %dma_wait3A_621] : memref<5x80xi32, #tpu.memory_space<vmem>> -> memref<1x80xi32, #tpu.memory_space<vmem>>
    %dma_wait3A_623 = tpu.memref_squeeze %dma_wait3A_622 : memref<1x80xi32, #tpu.memory_space<vmem>> -> memref<80xi32, #tpu.memory_space<vmem>>
    %dma_wait3A_624 = arith.constant 0 : i32
    %dma_wait3A_625 = arith.constant 0 : i32
    %dma_wait3A_626 = tpu.memref_slice %arg5[%dma_wait3A_624, %dma_wait3A_625] : memref<50000x32xf32, #tpu.memory_space<vmem_shared>> -> memref<50000x32xf32, #tpu.memory_space<vmem_shared>>
    tpu.wait_indirect_dma semaphore(%arg12 : memref<!tpu.dma_semaphore, #tpu.memory_space<semaphore_mem>>) src(%dma_wait3A_616 : memref<80x32xf32, #tpu.memory_space<vmem>>) dst(%dma_wait3A_626 : memref<50000x32xf32, #tpu.memory_space<vmem_shared>>)
    %dma_wait3A_627 = arith.constant 0 : i32
    %dma_wait3A_628 = arith.constant 0 : i32
    %dma_wait3A_629 = arith.constant 0 : i32
    %dma_wait3A_630 = arith.constant 0 : i32
    %dma_wait3A_631 = tpu.memref_slice %arg6[%dma_wait3A_629, %dma_wait3A_630] : memref<400x32xf32, #tpu.memory_space<vmem>> -> memref<80x32xf32, #tpu.memory_space<vmem>>
    %dma_wait3A_632 = arith.constant 0 : i32
    %dma_wait3A_633 = arith.constant 0 : i32
    %dma_wait3A_634 = tpu.memref_slice %arg9[%dma_wait3A_627, %dma_wait3A_632, %dma_wait3A_633] : memref<2x5x80xi32, #tpu.memory_space<vmem>> -> memref<1x5x80xi32, #tpu.memory_space<vmem>>
    %dma_wait3A_635 = tpu.memref_squeeze %dma_wait3A_634 : memref<1x5x80xi32, #tpu.memory_space<vmem>> -> memref<5x80xi32, #tpu.memory_space<vmem>>
    %dma_wait3A_636 = arith.constant 0 : i32
    %dma_wait3A_637 = tpu.memref_slice %dma_wait3A_635[%dma_wait3A_628, %dma_wait3A_636] : memref<5x80xi32, #tpu.memory_space<vmem>> -> memref<1x80xi32, #tpu.memory_space<vmem>>
    %dma_wait3A_638 = tpu.memref_squeeze %dma_wait3A_637 : memref<1x80xi32, #tpu.memory_space<vmem>> -> memref<80xi32, #tpu.memory_space<vmem>>
    %dma_wait3A_639 = arith.constant 0 : i32
    %dma_wait3A_640 = arith.constant 0 : i32
    %dma_wait3A_641 = tpu.memref_slice %arg5[%dma_wait3A_639, %dma_wait3A_640] : memref<50000x32xf32, #tpu.memory_space<vmem_shared>> -> memref<50000x32xf32, #tpu.memory_space<vmem_shared>>
    tpu.wait_indirect_dma semaphore(%arg12 : memref<!tpu.dma_semaphore, #tpu.memory_space<semaphore_mem>>) src(%dma_wait3A_631 : memref<80x32xf32, #tpu.memory_space<vmem>>) dst(%dma_wait3A_641 : memref<50000x32xf32, #tpu.memory_space<vmem_shared>>)
    %dma_wait3A_642 = arith.constant 0 : i32
    %dma_wait3A_643 = arith.constant 1 : i32
    %dma_wait3A_644 = arith.constant 80 : i32
    %dma_wait3A_645 = arith.constant 0 : i32
    %dma_wait3A_646 = tpu.memref_slice %arg6[%dma_wait3A_644, %dma_wait3A_645] : memref<400x32xf32, #tpu.memory_space<vmem>> -> memref<80x32xf32, #tpu.memory_space<vmem>>
    %dma_wait3A_647 = arith.constant 0 : i32
    %dma_wait3A_648 = arith.constant 0 : i32
    %dma_wait3A_649 = tpu.memref_slice %arg8[%dma_wait3A_642, %dma_wait3A_647, %dma_wait3A_648] : memref<2x5x80xi32, #tpu.memory_space<vmem>> -> memref<1x5x80xi32, #tpu.memory_space<vmem>>
    %dma_wait3A_650 = tpu.memref_squeeze %dma_wait3A_649 : memref<1x5x80xi32, #tpu.memory_space<vmem>> -> memref<5x80xi32, #tpu.memory_space<vmem>>
    %dma_wait3A_651 = arith.constant 0 : i32
    %dma_wait3A_652 = tpu.memref_slice %dma_wait3A_650[%dma_wait3A_643, %dma_wait3A_651] : memref<5x80xi32, #tpu.memory_space<vmem>> -> memref<1x80xi32, #tpu.memory_space<vmem>>
    %dma_wait3A_653 = tpu.memref_squeeze %dma_wait3A_652 : memref<1x80xi32, #tpu.memory_space<vmem>> -> memref<80xi32, #tpu.memory_space<vmem>>
    %dma_wait3A_654 = arith.constant 0 : i32
    %dma_wait3A_655 = arith.constant 0 : i32
    %dma_wait3A_656 = tpu.memref_slice %arg5[%dma_wait3A_654, %dma_wait3A_655] : memref<50000x32xf32, #tpu.memory_space<vmem_shared>> -> memref<50000x32xf32, #tpu.memory_space<vmem_shared>>
    tpu.wait_indirect_dma semaphore(%arg12 : memref<!tpu.dma_semaphore, #tpu.memory_space<semaphore_mem>>) src(%dma_wait3A_646 : memref<80x32xf32, #tpu.memory_space<vmem>>) dst(%dma_wait3A_656 : memref<50000x32xf32, #tpu.memory_space<vmem_shared>>)
    %dma_wait3A_657 = arith.constant 0 : i32
    %dma_wait3A_658 = arith.constant 1 : i32
    %dma_wait3A_659 = arith.constant 80 : i32
    %dma_wait3A_660 = arith.constant 0 : i32
    %dma_wait3A_661 = tpu.memref_slice %arg6[%dma_wait3A_659, %dma_wait3A_660] : memref<400x32xf32, #tpu.memory_space<vmem>> -> memref<80x32xf32, #tpu.memory_space<vmem>>
    %dma_wait3A_662 = arith.constant 0 : i32
    %dma_wait3A_663 = arith.constant 0 : i32
    %dma_wait3A_664 = tpu.memref_slice %arg9[%dma_wait3A_657, %dma_wait3A_662, %dma_wait3A_663] : memref<2x5x80xi32, #tpu.memory_space<vmem>> -> memref<1x5x80xi32, #tpu.memory_space<vmem>>
    %dma_wait3A_665 = tpu.memref_squeeze %dma_wait3A_664 : memref<1x5x80xi32, #tpu.memory_space<vmem>> -> memref<5x80xi32, #tpu.memory_space<vmem>>
    %dma_wait3A_666 = arith.constant 0 : i32
    %dma_wait3A_667 = tpu.memref_slice %dma_wait3A_665[%dma_wait3A_658, %dma_wait3A_666] : memref<5x80xi32, #tpu.memory_space<vmem>> -> memref<1x80xi32, #tpu.memory_space<vmem>>
    %dma_wait3A_668 = tpu.memref_squeeze %dma_wait3A_667 : memref<1x80xi32, #tpu.memory_space<vmem>> -> memref<80xi32, #tpu.memory_space<vmem>>
    %dma_wait3A_669 = arith.constant 0 : i32
    %dma_wait3A_670 = arith.constant 0 : i32
    %dma_wait3A_671 = tpu.memref_slice %arg5[%dma_wait3A_669, %dma_wait3A_670] : memref<50000x32xf32, #tpu.memory_space<vmem_shared>> -> memref<50000x32xf32, #tpu.memory_space<vmem_shared>>
    tpu.wait_indirect_dma semaphore(%arg12 : memref<!tpu.dma_semaphore, #tpu.memory_space<semaphore_mem>>) src(%dma_wait3A_661 : memref<80x32xf32, #tpu.memory_space<vmem>>) dst(%dma_wait3A_671 : memref<50000x32xf32, #tpu.memory_space<vmem_shared>>)
    %dma_wait3A_672 = arith.constant 0 : i32
    %dma_wait3A_673 = arith.constant 2 : i32
    %dma_wait3A_674 = arith.constant 160 : i32
    %dma_wait3A_675 = arith.constant 0 : i32
    %dma_wait3A_676 = tpu.memref_slice %arg6[%dma_wait3A_674, %dma_wait3A_675] : memref<400x32xf32, #tpu.memory_space<vmem>> -> memref<80x32xf32, #tpu.memory_space<vmem>>
    %dma_wait3A_677 = arith.constant 0 : i32
    %dma_wait3A_678 = arith.constant 0 : i32
    %dma_wait3A_679 = tpu.memref_slice %arg8[%dma_wait3A_672, %dma_wait3A_677, %dma_wait3A_678] : memref<2x5x80xi32, #tpu.memory_space<vmem>> -> memref<1x5x80xi32, #tpu.memory_space<vmem>>
    %dma_wait3A_680 = tpu.memref_squeeze %dma_wait3A_679 : memref<1x5x80xi32, #tpu.memory_space<vmem>> -> memref<5x80xi32, #tpu.memory_space<vmem>>
    %dma_wait3A_681 = arith.constant 0 : i32
    %dma_wait3A_682 = tpu.memref_slice %dma_wait3A_680[%dma_wait3A_673, %dma_wait3A_681] : memref<5x80xi32, #tpu.memory_space<vmem>> -> memref<1x80xi32, #tpu.memory_space<vmem>>
    %dma_wait3A_683 = tpu.memref_squeeze %dma_wait3A_682 : memref<1x80xi32, #tpu.memory_space<vmem>> -> memref<80xi32, #tpu.memory_space<vmem>>
    %dma_wait3A_684 = arith.constant 0 : i32
    %dma_wait3A_685 = arith.constant 0 : i32
    %dma_wait3A_686 = tpu.memref_slice %arg5[%dma_wait3A_684, %dma_wait3A_685] : memref<50000x32xf32, #tpu.memory_space<vmem_shared>> -> memref<50000x32xf32, #tpu.memory_space<vmem_shared>>
    tpu.wait_indirect_dma semaphore(%arg12 : memref<!tpu.dma_semaphore, #tpu.memory_space<semaphore_mem>>) src(%dma_wait3A_676 : memref<80x32xf32, #tpu.memory_space<vmem>>) dst(%dma_wait3A_686 : memref<50000x32xf32, #tpu.memory_space<vmem_shared>>)
    %dma_wait3A_687 = arith.constant 0 : i32
    %dma_wait3A_688 = arith.constant 2 : i32
    %dma_wait3A_689 = arith.constant 160 : i32
    %dma_wait3A_690 = arith.constant 0 : i32
    %dma_wait3A_691 = tpu.memref_slice %arg6[%dma_wait3A_689, %dma_wait3A_690] : memref<400x32xf32, #tpu.memory_space<vmem>> -> memref<80x32xf32, #tpu.memory_space<vmem>>
    %dma_wait3A_692 = arith.constant 0 : i32
    %dma_wait3A_693 = arith.constant 0 : i32
    %dma_wait3A_694 = tpu.memref_slice %arg9[%dma_wait3A_687, %dma_wait3A_692, %dma_wait3A_693] : memref<2x5x80xi32, #tpu.memory_space<vmem>> -> memref<1x5x80xi32, #tpu.memory_space<vmem>>
    %dma_wait3A_695 = tpu.memref_squeeze %dma_wait3A_694 : memref<1x5x80xi32, #tpu.memory_space<vmem>> -> memref<5x80xi32, #tpu.memory_space<vmem>>
    %dma_wait3A_696 = arith.constant 0 : i32
    %dma_wait3A_697 = tpu.memref_slice %dma_wait3A_695[%dma_wait3A_688, %dma_wait3A_696] : memref<5x80xi32, #tpu.memory_space<vmem>> -> memref<1x80xi32, #tpu.memory_space<vmem>>
    %dma_wait3A_698 = tpu.memref_squeeze %dma_wait3A_697 : memref<1x80xi32, #tpu.memory_space<vmem>> -> memref<80xi32, #tpu.memory_space<vmem>>
    %dma_wait3A_699 = arith.constant 0 : i32
    %dma_wait3A_700 = arith.constant 0 : i32
    %dma_wait3A_701 = tpu.memref_slice %arg5[%dma_wait3A_699, %dma_wait3A_700] : memref<50000x32xf32, #tpu.memory_space<vmem_shared>> -> memref<50000x32xf32, #tpu.memory_space<vmem_shared>>
    tpu.wait_indirect_dma semaphore(%arg12 : memref<!tpu.dma_semaphore, #tpu.memory_space<semaphore_mem>>) src(%dma_wait3A_691 : memref<80x32xf32, #tpu.memory_space<vmem>>) dst(%dma_wait3A_701 : memref<50000x32xf32, #tpu.memory_space<vmem_shared>>)
    %dma_wait3A_702 = arith.constant 0 : i32
    %dma_wait3A_703 = arith.constant 3 : i32
    %dma_wait3A_704 = arith.constant 240 : i32
    %dma_wait3A_705 = arith.constant 0 : i32
    %dma_wait3A_706 = tpu.memref_slice %arg6[%dma_wait3A_704, %dma_wait3A_705] : memref<400x32xf32, #tpu.memory_space<vmem>> -> memref<80x32xf32, #tpu.memory_space<vmem>>
    %dma_wait3A_707 = arith.constant 0 : i32
    %dma_wait3A_708 = arith.constant 0 : i32
    %dma_wait3A_709 = tpu.memref_slice %arg8[%dma_wait3A_702, %dma_wait3A_707, %dma_wait3A_708] : memref<2x5x80xi32, #tpu.memory_space<vmem>> -> memref<1x5x80xi32, #tpu.memory_space<vmem>>
    %dma_wait3A_710 = tpu.memref_squeeze %dma_wait3A_709 : memref<1x5x80xi32, #tpu.memory_space<vmem>> -> memref<5x80xi32, #tpu.memory_space<vmem>>
    %dma_wait3A_711 = arith.constant 0 : i32
    %dma_wait3A_712 = tpu.memref_slice %dma_wait3A_710[%dma_wait3A_703, %dma_wait3A_711] : memref<5x80xi32, #tpu.memory_space<vmem>> -> memref<1x80xi32, #tpu.memory_space<vmem>>
    %dma_wait3A_713 = tpu.memref_squeeze %dma_wait3A_712 : memref<1x80xi32, #tpu.memory_space<vmem>> -> memref<80xi32, #tpu.memory_space<vmem>>
    %dma_wait3A_714 = arith.constant 0 : i32
    %dma_wait3A_715 = arith.constant 0 : i32
    %dma_wait3A_716 = tpu.memref_slice %arg5[%dma_wait3A_714, %dma_wait3A_715] : memref<50000x32xf32, #tpu.memory_space<vmem_shared>> -> memref<50000x32xf32, #tpu.memory_space<vmem_shared>>
    tpu.wait_indirect_dma semaphore(%arg12 : memref<!tpu.dma_semaphore, #tpu.memory_space<semaphore_mem>>) src(%dma_wait3A_706 : memref<80x32xf32, #tpu.memory_space<vmem>>) dst(%dma_wait3A_716 : memref<50000x32xf32, #tpu.memory_space<vmem_shared>>)
    %dma_wait3A_717 = arith.constant 0 : i32
    %dma_wait3A_718 = arith.constant 3 : i32
    %dma_wait3A_719 = arith.constant 240 : i32
    %dma_wait3A_720 = arith.constant 0 : i32
    %dma_wait3A_721 = tpu.memref_slice %arg6[%dma_wait3A_719, %dma_wait3A_720] : memref<400x32xf32, #tpu.memory_space<vmem>> -> memref<80x32xf32, #tpu.memory_space<vmem>>
    %dma_wait3A_722 = arith.constant 0 : i32
    %dma_wait3A_723 = arith.constant 0 : i32
    %dma_wait3A_724 = tpu.memref_slice %arg9[%dma_wait3A_717, %dma_wait3A_722, %dma_wait3A_723] : memref<2x5x80xi32, #tpu.memory_space<vmem>> -> memref<1x5x80xi32, #tpu.memory_space<vmem>>
    %dma_wait3A_725 = tpu.memref_squeeze %dma_wait3A_724 : memref<1x5x80xi32, #tpu.memory_space<vmem>> -> memref<5x80xi32, #tpu.memory_space<vmem>>
    %dma_wait3A_726 = arith.constant 0 : i32
    %dma_wait3A_727 = tpu.memref_slice %dma_wait3A_725[%dma_wait3A_718, %dma_wait3A_726] : memref<5x80xi32, #tpu.memory_space<vmem>> -> memref<1x80xi32, #tpu.memory_space<vmem>>
    %dma_wait3A_728 = tpu.memref_squeeze %dma_wait3A_727 : memref<1x80xi32, #tpu.memory_space<vmem>> -> memref<80xi32, #tpu.memory_space<vmem>>
    %dma_wait3A_729 = arith.constant 0 : i32
    %dma_wait3A_730 = arith.constant 0 : i32
    %dma_wait3A_731 = tpu.memref_slice %arg5[%dma_wait3A_729, %dma_wait3A_730] : memref<50000x32xf32, #tpu.memory_space<vmem_shared>> -> memref<50000x32xf32, #tpu.memory_space<vmem_shared>>
    tpu.wait_indirect_dma semaphore(%arg12 : memref<!tpu.dma_semaphore, #tpu.memory_space<semaphore_mem>>) src(%dma_wait3A_721 : memref<80x32xf32, #tpu.memory_space<vmem>>) dst(%dma_wait3A_731 : memref<50000x32xf32, #tpu.memory_space<vmem_shared>>)
    %dma_wait3A_732 = arith.constant 0 : i32
    %dma_wait3A_733 = arith.constant 4 : i32
    %dma_wait3A_734 = arith.constant 320 : i32
    %dma_wait3A_735 = arith.constant 0 : i32
    %dma_wait3A_736 = tpu.memref_slice %arg6[%dma_wait3A_734, %dma_wait3A_735] : memref<400x32xf32, #tpu.memory_space<vmem>> -> memref<80x32xf32, #tpu.memory_space<vmem>>
    %dma_wait3A_737 = arith.constant 0 : i32
    %dma_wait3A_738 = arith.constant 0 : i32
    %dma_wait3A_739 = tpu.memref_slice %arg8[%dma_wait3A_732, %dma_wait3A_737, %dma_wait3A_738] : memref<2x5x80xi32, #tpu.memory_space<vmem>> -> memref<1x5x80xi32, #tpu.memory_space<vmem>>
    %dma_wait3A_740 = tpu.memref_squeeze %dma_wait3A_739 : memref<1x5x80xi32, #tpu.memory_space<vmem>> -> memref<5x80xi32, #tpu.memory_space<vmem>>
    %dma_wait3A_741 = arith.constant 0 : i32
    %dma_wait3A_742 = tpu.memref_slice %dma_wait3A_740[%dma_wait3A_733, %dma_wait3A_741] : memref<5x80xi32, #tpu.memory_space<vmem>> -> memref<1x80xi32, #tpu.memory_space<vmem>>
    %dma_wait3A_743 = tpu.memref_squeeze %dma_wait3A_742 : memref<1x80xi32, #tpu.memory_space<vmem>> -> memref<80xi32, #tpu.memory_space<vmem>>
    %dma_wait3A_744 = arith.constant 0 : i32
    %dma_wait3A_745 = arith.constant 0 : i32
    %dma_wait3A_746 = tpu.memref_slice %arg5[%dma_wait3A_744, %dma_wait3A_745] : memref<50000x32xf32, #tpu.memory_space<vmem_shared>> -> memref<50000x32xf32, #tpu.memory_space<vmem_shared>>
    tpu.wait_indirect_dma semaphore(%arg12 : memref<!tpu.dma_semaphore, #tpu.memory_space<semaphore_mem>>) src(%dma_wait3A_736 : memref<80x32xf32, #tpu.memory_space<vmem>>) dst(%dma_wait3A_746 : memref<50000x32xf32, #tpu.memory_space<vmem_shared>>)
    %dma_wait3A_747 = arith.constant 0 : i32
    %dma_wait3A_748 = arith.constant 4 : i32
    %dma_wait3A_749 = arith.constant 320 : i32
    %dma_wait3A_750 = arith.constant 0 : i32
    %dma_wait3A_751 = tpu.memref_slice %arg6[%dma_wait3A_749, %dma_wait3A_750] : memref<400x32xf32, #tpu.memory_space<vmem>> -> memref<80x32xf32, #tpu.memory_space<vmem>>
    %dma_wait3A_752 = arith.constant 0 : i32
    %dma_wait3A_753 = arith.constant 0 : i32
    %dma_wait3A_754 = tpu.memref_slice %arg9[%dma_wait3A_747, %dma_wait3A_752, %dma_wait3A_753] : memref<2x5x80xi32, #tpu.memory_space<vmem>> -> memref<1x5x80xi32, #tpu.memory_space<vmem>>
    %dma_wait3A_755 = tpu.memref_squeeze %dma_wait3A_754 : memref<1x5x80xi32, #tpu.memory_space<vmem>> -> memref<5x80xi32, #tpu.memory_space<vmem>>
    %dma_wait3A_756 = arith.constant 0 : i32
    %dma_wait3A_757 = tpu.memref_slice %dma_wait3A_755[%dma_wait3A_748, %dma_wait3A_756] : memref<5x80xi32, #tpu.memory_space<vmem>> -> memref<1x80xi32, #tpu.memory_space<vmem>>
    %dma_wait3A_758 = tpu.memref_squeeze %dma_wait3A_757 : memref<1x80xi32, #tpu.memory_space<vmem>> -> memref<80xi32, #tpu.memory_space<vmem>>
    %dma_wait3A_759 = arith.constant 0 : i32
    %dma_wait3A_760 = arith.constant 0 : i32
    %dma_wait3A_761 = tpu.memref_slice %arg5[%dma_wait3A_759, %dma_wait3A_760] : memref<50000x32xf32, #tpu.memory_space<vmem_shared>> -> memref<50000x32xf32, #tpu.memory_space<vmem_shared>>
    tpu.wait_indirect_dma semaphore(%arg12 : memref<!tpu.dma_semaphore, #tpu.memory_space<semaphore_mem>>) src(%dma_wait3A_751 : memref<80x32xf32, #tpu.memory_space<vmem>>) dst(%dma_wait3A_761 : memref<50000x32xf32, #tpu.memory_space<vmem_shared>>)
    %barrier3A_762 = arith.constant 0 : index
    tpu.barrier barrier_id(%barrier3A_762)
    %mul3A_763 = arith.constant 3125 : i32
    %mul3A_764 = arith.muli %arg1, %mul3A_763 : i32
    %add3A_765 = arith.constant 0 : i32
    %add3A_766 = arith.addi %mul3A_764, %add3A_765 : i32
    "tpu.region"() ({
      %run_scoped3A = tpu.sem_alloc : memref<!tpu.dma_semaphore, #tpu.memory_space<semaphore_mem>>
      %dma_start3A_811 = arith.constant 0 : i32
      %dma_start3A_812 = tpu.memref_slice %arg5[%add3A_766, %dma_start3A_811] : memref<50000x32xf32, #tpu.memory_space<vmem_shared>> -> memref<400x32xf32, #tpu.memory_space<vmem_shared>>
      %dma_start3A_813 = arith.constant 0 : i32
      %dma_start3A_814 = tpu.memref_slice %arg5[%add3A_766, %dma_start3A_813] : memref<50000x32xf32, #tpu.memory_space<vmem_shared>> -> memref<400x32xf32, #tpu.memory_space<vmem_shared>>
      tpu.enqueue_dma source(%dma_start3A_814 : memref<400x32xf32, #tpu.memory_space<vmem_shared>>) target(%arg6 : memref<400x32xf32, #tpu.memory_space<vmem>>) target_semaphore(%run_scoped3A : memref<!tpu.dma_semaphore, #tpu.memory_space<semaphore_mem>>)
      %dma_wait3A_815 = arith.constant 0 : i32
      %dma_wait3A_816 = tpu.memref_slice %arg5[%add3A_766, %dma_wait3A_815] : memref<50000x32xf32, #tpu.memory_space<vmem_shared>> -> memref<400x32xf32, #tpu.memory_space<vmem_shared>>
      %dma_wait3A_817 = arith.constant 0 : i32
      %dma_wait3A_818 = tpu.memref_slice %arg5[%add3A_766, %dma_wait3A_817] : memref<50000x32xf32, #tpu.memory_space<vmem_shared>> -> memref<400x32xf32, #tpu.memory_space<vmem_shared>>
      tpu.wait_dma2 semaphore(%run_scoped3A : memref<!tpu.dma_semaphore, #tpu.memory_space<semaphore_mem>>) src(%dma_wait3A_818 : memref<400x32xf32, #tpu.memory_space<vmem_shared>>) dst(%arg6 : memref<400x32xf32, #tpu.memory_space<vmem>>)
      tpu.yield
    }) : () -> ()
    %mul3A_767 = arith.constant 32 : i32
    %mul3A_768 = arith.muli %arg0, %mul3A_767 : i32
    "tpu.region"() ({
      %run_scoped3A = tpu.sem_alloc : memref<!tpu.dma_semaphore, #tpu.memory_space<semaphore_mem>>
      %dma_start3A_811 = tpu.memref_slice %arg4[%add3A_766, %mul3A_768] : memref<50000x64xf32, #tpu.memory_space<hbm>> -> memref<400x32xf32, #tpu.memory_space<hbm>>
      %dma_start3A_812 = tpu.memref_slice %arg4[%add3A_766, %mul3A_768] : memref<50000x64xf32, #tpu.memory_space<hbm>> -> memref<400x32xf32, #tpu.memory_space<hbm>>
      tpu.enqueue_dma source(%arg6 : memref<400x32xf32, #tpu.memory_space<vmem>>) target(%dma_start3A_812 : memref<400x32xf32, #tpu.memory_space<hbm>>) target_semaphore(%run_scoped3A : memref<!tpu.dma_semaphore, #tpu.memory_space<semaphore_mem>>)
      %dma_wait3A_813 = tpu.memref_slice %arg4[%add3A_766, %mul3A_768] : memref<50000x64xf32, #tpu.memory_space<hbm>> -> memref<400x32xf32, #tpu.memory_space<hbm>>
      %dma_wait3A_814 = tpu.memref_slice %arg4[%add3A_766, %mul3A_768] : memref<50000x64xf32, #tpu.memory_space<hbm>> -> memref<400x32xf32, #tpu.memory_space<hbm>>
      tpu.wait_dma2 semaphore(%run_scoped3A : memref<!tpu.dma_semaphore, #tpu.memory_space<semaphore_mem>>) src(%arg6 : memref<400x32xf32, #tpu.memory_space<vmem>>) dst(%dma_wait3A_814 : memref<400x32xf32, #tpu.memory_space<hbm>>)
      tpu.yield
    }) : () -> ()
    %mul3A_769 = arith.constant 3125 : i32
    %mul3A_770 = arith.muli %arg1, %mul3A_769 : i32
    %add3A_771 = arith.constant 400 : i32
    %add3A_772 = arith.addi %mul3A_770, %add3A_771 : i32
    "tpu.region"() ({
      %run_scoped3A = tpu.sem_alloc : memref<!tpu.dma_semaphore, #tpu.memory_space<semaphore_mem>>
      %dma_start3A_811 = arith.constant 0 : i32
      %dma_start3A_812 = tpu.memref_slice %arg5[%add3A_772, %dma_start3A_811] : memref<50000x32xf32, #tpu.memory_space<vmem_shared>> -> memref<400x32xf32, #tpu.memory_space<vmem_shared>>
      %dma_start3A_813 = arith.constant 0 : i32
      %dma_start3A_814 = tpu.memref_slice %arg5[%add3A_772, %dma_start3A_813] : memref<50000x32xf32, #tpu.memory_space<vmem_shared>> -> memref<400x32xf32, #tpu.memory_space<vmem_shared>>
      tpu.enqueue_dma source(%dma_start3A_814 : memref<400x32xf32, #tpu.memory_space<vmem_shared>>) target(%arg6 : memref<400x32xf32, #tpu.memory_space<vmem>>) target_semaphore(%run_scoped3A : memref<!tpu.dma_semaphore, #tpu.memory_space<semaphore_mem>>)
      %dma_wait3A_815 = arith.constant 0 : i32
      %dma_wait3A_816 = tpu.memref_slice %arg5[%add3A_772, %dma_wait3A_815] : memref<50000x32xf32, #tpu.memory_space<vmem_shared>> -> memref<400x32xf32, #tpu.memory_space<vmem_shared>>
      %dma_wait3A_817 = arith.constant 0 : i32
      %dma_wait3A_818 = tpu.memref_slice %arg5[%add3A_772, %dma_wait3A_817] : memref<50000x32xf32, #tpu.memory_space<vmem_shared>> -> memref<400x32xf32, #tpu.memory_space<vmem_shared>>
      tpu.wait_dma2 semaphore(%run_scoped3A : memref<!tpu.dma_semaphore, #tpu.memory_space<semaphore_mem>>) src(%dma_wait3A_818 : memref<400x32xf32, #tpu.memory_space<vmem_shared>>) dst(%arg6 : memref<400x32xf32, #tpu.memory_space<vmem>>)
      tpu.yield
    }) : () -> ()
    %mul3A_773 = arith.constant 32 : i32
    %mul3A_774 = arith.muli %arg0, %mul3A_773 : i32
    "tpu.region"() ({
      %run_scoped3A = tpu.sem_alloc : memref<!tpu.dma_semaphore, #tpu.memory_space<semaphore_mem>>
      %dma_start3A_811 = tpu.memref_slice %arg4[%add3A_772, %mul3A_774] : memref<50000x64xf32, #tpu.memory_space<hbm>> -> memref<400x32xf32, #tpu.memory_space<hbm>>
      %dma_start3A_812 = tpu.memref_slice %arg4[%add3A_772, %mul3A_774] : memref<50000x64xf32, #tpu.memory_space<hbm>> -> memref<400x32xf32, #tpu.memory_space<hbm>>
      tpu.enqueue_dma source(%arg6 : memref<400x32xf32, #tpu.memory_space<vmem>>) target(%dma_start3A_812 : memref<400x32xf32, #tpu.memory_space<hbm>>) target_semaphore(%run_scoped3A : memref<!tpu.dma_semaphore, #tpu.memory_space<semaphore_mem>>)
      %dma_wait3A_813 = tpu.memref_slice %arg4[%add3A_772, %mul3A_774] : memref<50000x64xf32, #tpu.memory_space<hbm>> -> memref<400x32xf32, #tpu.memory_space<hbm>>
      %dma_wait3A_814 = tpu.memref_slice %arg4[%add3A_772, %mul3A_774] : memref<50000x64xf32, #tpu.memory_space<hbm>> -> memref<400x32xf32, #tpu.memory_space<hbm>>
      tpu.wait_dma2 semaphore(%run_scoped3A : memref<!tpu.dma_semaphore, #tpu.memory_space<semaphore_mem>>) src(%arg6 : memref<400x32xf32, #tpu.memory_space<vmem>>) dst(%dma_wait3A_814 : memref<400x32xf32, #tpu.memory_space<hbm>>)
      tpu.yield
    }) : () -> ()
    %mul3A_775 = arith.constant 3125 : i32
    %mul3A_776 = arith.muli %arg1, %mul3A_775 : i32
    %add3A_777 = arith.constant 800 : i32
    %add3A_778 = arith.addi %mul3A_776, %add3A_777 : i32
    "tpu.region"() ({
      %run_scoped3A = tpu.sem_alloc : memref<!tpu.dma_semaphore, #tpu.memory_space<semaphore_mem>>
      %dma_start3A_811 = arith.constant 0 : i32
      %dma_start3A_812 = tpu.memref_slice %arg5[%add3A_778, %dma_start3A_811] : memref<50000x32xf32, #tpu.memory_space<vmem_shared>> -> memref<400x32xf32, #tpu.memory_space<vmem_shared>>
      %dma_start3A_813 = arith.constant 0 : i32
      %dma_start3A_814 = tpu.memref_slice %arg5[%add3A_778, %dma_start3A_813] : memref<50000x32xf32, #tpu.memory_space<vmem_shared>> -> memref<400x32xf32, #tpu.memory_space<vmem_shared>>
      tpu.enqueue_dma source(%dma_start3A_814 : memref<400x32xf32, #tpu.memory_space<vmem_shared>>) target(%arg6 : memref<400x32xf32, #tpu.memory_space<vmem>>) target_semaphore(%run_scoped3A : memref<!tpu.dma_semaphore, #tpu.memory_space<semaphore_mem>>)
      %dma_wait3A_815 = arith.constant 0 : i32
      %dma_wait3A_816 = tpu.memref_slice %arg5[%add3A_778, %dma_wait3A_815] : memref<50000x32xf32, #tpu.memory_space<vmem_shared>> -> memref<400x32xf32, #tpu.memory_space<vmem_shared>>
      %dma_wait3A_817 = arith.constant 0 : i32
      %dma_wait3A_818 = tpu.memref_slice %arg5[%add3A_778, %dma_wait3A_817] : memref<50000x32xf32, #tpu.memory_space<vmem_shared>> -> memref<400x32xf32, #tpu.memory_space<vmem_shared>>
      tpu.wait_dma2 semaphore(%run_scoped3A : memref<!tpu.dma_semaphore, #tpu.memory_space<semaphore_mem>>) src(%dma_wait3A_818 : memref<400x32xf32, #tpu.memory_space<vmem_shared>>) dst(%arg6 : memref<400x32xf32, #tpu.memory_space<vmem>>)
      tpu.yield
    }) : () -> ()
    %mul3A_779 = arith.constant 32 : i32
    %mul3A_780 = arith.muli %arg0, %mul3A_779 : i32
    "tpu.region"() ({
      %run_scoped3A = tpu.sem_alloc : memref<!tpu.dma_semaphore, #tpu.memory_space<semaphore_mem>>
      %dma_start3A_811 = tpu.memref_slice %arg4[%add3A_778, %mul3A_780] : memref<50000x64xf32, #tpu.memory_space<hbm>> -> memref<400x32xf32, #tpu.memory_space<hbm>>
      %dma_start3A_812 = tpu.memref_slice %arg4[%add3A_778, %mul3A_780] : memref<50000x64xf32, #tpu.memory_space<hbm>> -> memref<400x32xf32, #tpu.memory_space<hbm>>
      tpu.enqueue_dma source(%arg6 : memref<400x32xf32, #tpu.memory_space<vmem>>) target(%dma_start3A_812 : memref<400x32xf32, #tpu.memory_space<hbm>>) target_semaphore(%run_scoped3A : memref<!tpu.dma_semaphore, #tpu.memory_space<semaphore_mem>>)
      %dma_wait3A_813 = tpu.memref_slice %arg4[%add3A_778, %mul3A_780] : memref<50000x64xf32, #tpu.memory_space<hbm>> -> memref<400x32xf32, #tpu.memory_space<hbm>>
      %dma_wait3A_814 = tpu.memref_slice %arg4[%add3A_778, %mul3A_780] : memref<50000x64xf32, #tpu.memory_space<hbm>> -> memref<400x32xf32, #tpu.memory_space<hbm>>
      tpu.wait_dma2 semaphore(%run_scoped3A : memref<!tpu.dma_semaphore, #tpu.memory_space<semaphore_mem>>) src(%arg6 : memref<400x32xf32, #tpu.memory_space<vmem>>) dst(%dma_wait3A_814 : memref<400x32xf32, #tpu.memory_space<hbm>>)
      tpu.yield
    }) : () -> ()
    %mul3A_781 = arith.constant 3125 : i32
    %mul3A_782 = arith.muli %arg1, %mul3A_781 : i32
    %add3A_783 = arith.constant 1200 : i32
    %add3A_784 = arith.addi %mul3A_782, %add3A_783 : i32
    "tpu.region"() ({
      %run_scoped3A = tpu.sem_alloc : memref<!tpu.dma_semaphore, #tpu.memory_space<semaphore_mem>>
      %dma_start3A_811 = arith.constant 0 : i32
      %dma_start3A_812 = tpu.memref_slice %arg5[%add3A_784, %dma_start3A_811] : memref<50000x32xf32, #tpu.memory_space<vmem_shared>> -> memref<400x32xf32, #tpu.memory_space<vmem_shared>>
      %dma_start3A_813 = arith.constant 0 : i32
      %dma_start3A_814 = tpu.memref_slice %arg5[%add3A_784, %dma_start3A_813] : memref<50000x32xf32, #tpu.memory_space<vmem_shared>> -> memref<400x32xf32, #tpu.memory_space<vmem_shared>>
      tpu.enqueue_dma source(%dma_start3A_814 : memref<400x32xf32, #tpu.memory_space<vmem_shared>>) target(%arg6 : memref<400x32xf32, #tpu.memory_space<vmem>>) target_semaphore(%run_scoped3A : memref<!tpu.dma_semaphore, #tpu.memory_space<semaphore_mem>>)
      %dma_wait3A_815 = arith.constant 0 : i32
      %dma_wait3A_816 = tpu.memref_slice %arg5[%add3A_784, %dma_wait3A_815] : memref<50000x32xf32, #tpu.memory_space<vmem_shared>> -> memref<400x32xf32, #tpu.memory_space<vmem_shared>>
      %dma_wait3A_817 = arith.constant 0 : i32
      %dma_wait3A_818 = tpu.memref_slice %arg5[%add3A_784, %dma_wait3A_817] : memref<50000x32xf32, #tpu.memory_space<vmem_shared>> -> memref<400x32xf32, #tpu.memory_space<vmem_shared>>
      tpu.wait_dma2 semaphore(%run_scoped3A : memref<!tpu.dma_semaphore, #tpu.memory_space<semaphore_mem>>) src(%dma_wait3A_818 : memref<400x32xf32, #tpu.memory_space<vmem_shared>>) dst(%arg6 : memref<400x32xf32, #tpu.memory_space<vmem>>)
      tpu.yield
    }) : () -> ()
    %mul3A_785 = arith.constant 32 : i32
    %mul3A_786 = arith.muli %arg0, %mul3A_785 : i32
    "tpu.region"() ({
      %run_scoped3A = tpu.sem_alloc : memref<!tpu.dma_semaphore, #tpu.memory_space<semaphore_mem>>
      %dma_start3A_811 = tpu.memref_slice %arg4[%add3A_784, %mul3A_786] : memref<50000x64xf32, #tpu.memory_space<hbm>> -> memref<400x32xf32, #tpu.memory_space<hbm>>
      %dma_start3A_812 = tpu.memref_slice %arg4[%add3A_784, %mul3A_786] : memref<50000x64xf32, #tpu.memory_space<hbm>> -> memref<400x32xf32, #tpu.memory_space<hbm>>
      tpu.enqueue_dma source(%arg6 : memref<400x32xf32, #tpu.memory_space<vmem>>) target(%dma_start3A_812 : memref<400x32xf32, #tpu.memory_space<hbm>>) target_semaphore(%run_scoped3A : memref<!tpu.dma_semaphore, #tpu.memory_space<semaphore_mem>>)
      %dma_wait3A_813 = tpu.memref_slice %arg4[%add3A_784, %mul3A_786] : memref<50000x64xf32, #tpu.memory_space<hbm>> -> memref<400x32xf32, #tpu.memory_space<hbm>>
      %dma_wait3A_814 = tpu.memref_slice %arg4[%add3A_784, %mul3A_786] : memref<50000x64xf32, #tpu.memory_space<hbm>> -> memref<400x32xf32, #tpu.memory_space<hbm>>
      tpu.wait_dma2 semaphore(%run_scoped3A : memref<!tpu.dma_semaphore, #tpu.memory_space<semaphore_mem>>) src(%arg6 : memref<400x32xf32, #tpu.memory_space<vmem>>) dst(%dma_wait3A_814 : memref<400x32xf32, #tpu.memory_space<hbm>>)
      tpu.yield
    }) : () -> ()
    %mul3A_787 = arith.constant 3125 : i32
    %mul3A_788 = arith.muli %arg1, %mul3A_787 : i32
    %add3A_789 = arith.constant 1600 : i32
    %add3A_790 = arith.addi %mul3A_788, %add3A_789 : i32
    "tpu.region"() ({
      %run_scoped3A = tpu.sem_alloc : memref<!tpu.dma_semaphore, #tpu.memory_space<semaphore_mem>>
      %dma_start3A_811 = arith.constant 0 : i32
      %dma_start3A_812 = tpu.memref_slice %arg5[%add3A_790, %dma_start3A_811] : memref<50000x32xf32, #tpu.memory_space<vmem_shared>> -> memref<400x32xf32, #tpu.memory_space<vmem_shared>>
      %dma_start3A_813 = arith.constant 0 : i32
      %dma_start3A_814 = tpu.memref_slice %arg5[%add3A_790, %dma_start3A_813] : memref<50000x32xf32, #tpu.memory_space<vmem_shared>> -> memref<400x32xf32, #tpu.memory_space<vmem_shared>>
      tpu.enqueue_dma source(%dma_start3A_814 : memref<400x32xf32, #tpu.memory_space<vmem_shared>>) target(%arg6 : memref<400x32xf32, #tpu.memory_space<vmem>>) target_semaphore(%run_scoped3A : memref<!tpu.dma_semaphore, #tpu.memory_space<semaphore_mem>>)
      %dma_wait3A_815 = arith.constant 0 : i32
      %dma_wait3A_816 = tpu.memref_slice %arg5[%add3A_790, %dma_wait3A_815] : memref<50000x32xf32, #tpu.memory_space<vmem_shared>> -> memref<400x32xf32, #tpu.memory_space<vmem_shared>>
      %dma_wait3A_817 = arith.constant 0 : i32
      %dma_wait3A_818 = tpu.memref_slice %arg5[%add3A_790, %dma_wait3A_817] : memref<50000x32xf32, #tpu.memory_space<vmem_shared>> -> memref<400x32xf32, #tpu.memory_space<vmem_shared>>
      tpu.wait_dma2 semaphore(%run_scoped3A : memref<!tpu.dma_semaphore, #tpu.memory_space<semaphore_mem>>) src(%dma_wait3A_818 : memref<400x32xf32, #tpu.memory_space<vmem_shared>>) dst(%arg6 : memref<400x32xf32, #tpu.memory_space<vmem>>)
      tpu.yield
    }) : () -> ()
    %mul3A_791 = arith.constant 32 : i32
    %mul3A_792 = arith.muli %arg0, %mul3A_791 : i32
    "tpu.region"() ({
      %run_scoped3A = tpu.sem_alloc : memref<!tpu.dma_semaphore, #tpu.memory_space<semaphore_mem>>
      %dma_start3A_811 = tpu.memref_slice %arg4[%add3A_790, %mul3A_792] : memref<50000x64xf32, #tpu.memory_space<hbm>> -> memref<400x32xf32, #tpu.memory_space<hbm>>
      %dma_start3A_812 = tpu.memref_slice %arg4[%add3A_790, %mul3A_792] : memref<50000x64xf32, #tpu.memory_space<hbm>> -> memref<400x32xf32, #tpu.memory_space<hbm>>
      tpu.enqueue_dma source(%arg6 : memref<400x32xf32, #tpu.memory_space<vmem>>) target(%dma_start3A_812 : memref<400x32xf32, #tpu.memory_space<hbm>>) target_semaphore(%run_scoped3A : memref<!tpu.dma_semaphore, #tpu.memory_space<semaphore_mem>>)
      %dma_wait3A_813 = tpu.memref_slice %arg4[%add3A_790, %mul3A_792] : memref<50000x64xf32, #tpu.memory_space<hbm>> -> memref<400x32xf32, #tpu.memory_space<hbm>>
      %dma_wait3A_814 = tpu.memref_slice %arg4[%add3A_790, %mul3A_792] : memref<50000x64xf32, #tpu.memory_space<hbm>> -> memref<400x32xf32, #tpu.memory_space<hbm>>
      tpu.wait_dma2 semaphore(%run_scoped3A : memref<!tpu.dma_semaphore, #tpu.memory_space<semaphore_mem>>) src(%arg6 : memref<400x32xf32, #tpu.memory_space<vmem>>) dst(%dma_wait3A_814 : memref<400x32xf32, #tpu.memory_space<hbm>>)
      tpu.yield
    }) : () -> ()
    %mul3A_793 = arith.constant 3125 : i32
    %mul3A_794 = arith.muli %arg1, %mul3A_793 : i32
    %add3A_795 = arith.constant 2000 : i32
    %add3A_796 = arith.addi %mul3A_794, %add3A_795 : i32
    "tpu.region"() ({
      %run_scoped3A = tpu.sem_alloc : memref<!tpu.dma_semaphore, #tpu.memory_space<semaphore_mem>>
      %dma_start3A_811 = arith.constant 0 : i32
      %dma_start3A_812 = tpu.memref_slice %arg5[%add3A_796, %dma_start3A_811] : memref<50000x32xf32, #tpu.memory_space<vmem_shared>> -> memref<400x32xf32, #tpu.memory_space<vmem_shared>>
      %dma_start3A_813 = arith.constant 0 : i32
      %dma_start3A_814 = tpu.memref_slice %arg5[%add3A_796, %dma_start3A_813] : memref<50000x32xf32, #tpu.memory_space<vmem_shared>> -> memref<400x32xf32, #tpu.memory_space<vmem_shared>>
      tpu.enqueue_dma source(%dma_start3A_814 : memref<400x32xf32, #tpu.memory_space<vmem_shared>>) target(%arg6 : memref<400x32xf32, #tpu.memory_space<vmem>>) target_semaphore(%run_scoped3A : memref<!tpu.dma_semaphore, #tpu.memory_space<semaphore_mem>>)
      %dma_wait3A_815 = arith.constant 0 : i32
      %dma_wait3A_816 = tpu.memref_slice %arg5[%add3A_796, %dma_wait3A_815] : memref<50000x32xf32, #tpu.memory_space<vmem_shared>> -> memref<400x32xf32, #tpu.memory_space<vmem_shared>>
      %dma_wait3A_817 = arith.constant 0 : i32
      %dma_wait3A_818 = tpu.memref_slice %arg5[%add3A_796, %dma_wait3A_817] : memref<50000x32xf32, #tpu.memory_space<vmem_shared>> -> memref<400x32xf32, #tpu.memory_space<vmem_shared>>
      tpu.wait_dma2 semaphore(%run_scoped3A : memref<!tpu.dma_semaphore, #tpu.memory_space<semaphore_mem>>) src(%dma_wait3A_818 : memref<400x32xf32, #tpu.memory_space<vmem_shared>>) dst(%arg6 : memref<400x32xf32, #tpu.memory_space<vmem>>)
      tpu.yield
    }) : () -> ()
    %mul3A_797 = arith.constant 32 : i32
    %mul3A_798 = arith.muli %arg0, %mul3A_797 : i32
    "tpu.region"() ({
      %run_scoped3A = tpu.sem_alloc : memref<!tpu.dma_semaphore, #tpu.memory_space<semaphore_mem>>
      %dma_start3A_811 = tpu.memref_slice %arg4[%add3A_796, %mul3A_798] : memref<50000x64xf32, #tpu.memory_space<hbm>> -> memref<400x32xf32, #tpu.memory_space<hbm>>
      %dma_start3A_812 = tpu.memref_slice %arg4[%add3A_796, %mul3A_798] : memref<50000x64xf32, #tpu.memory_space<hbm>> -> memref<400x32xf32, #tpu.memory_space<hbm>>
      tpu.enqueue_dma source(%arg6 : memref<400x32xf32, #tpu.memory_space<vmem>>) target(%dma_start3A_812 : memref<400x32xf32, #tpu.memory_space<hbm>>) target_semaphore(%run_scoped3A : memref<!tpu.dma_semaphore, #tpu.memory_space<semaphore_mem>>)
      %dma_wait3A_813 = tpu.memref_slice %arg4[%add3A_796, %mul3A_798] : memref<50000x64xf32, #tpu.memory_space<hbm>> -> memref<400x32xf32, #tpu.memory_space<hbm>>
      %dma_wait3A_814 = tpu.memref_slice %arg4[%add3A_796, %mul3A_798] : memref<50000x64xf32, #tpu.memory_space<hbm>> -> memref<400x32xf32, #tpu.memory_space<hbm>>
      tpu.wait_dma2 semaphore(%run_scoped3A : memref<!tpu.dma_semaphore, #tpu.memory_space<semaphore_mem>>) src(%arg6 : memref<400x32xf32, #tpu.memory_space<vmem>>) dst(%dma_wait3A_814 : memref<400x32xf32, #tpu.memory_space<hbm>>)
      tpu.yield
    }) : () -> ()
    %mul3A_799 = arith.constant 3125 : i32
    %mul3A_800 = arith.muli %arg1, %mul3A_799 : i32
    %add3A_801 = arith.constant 2400 : i32
    %add3A_802 = arith.addi %mul3A_800, %add3A_801 : i32
    "tpu.region"() ({
      %run_scoped3A = tpu.sem_alloc : memref<!tpu.dma_semaphore, #tpu.memory_space<semaphore_mem>>
      %dma_start3A_811 = arith.constant 0 : i32
      %dma_start3A_812 = tpu.memref_slice %arg5[%add3A_802, %dma_start3A_811] : memref<50000x32xf32, #tpu.memory_space<vmem_shared>> -> memref<400x32xf32, #tpu.memory_space<vmem_shared>>
      %dma_start3A_813 = arith.constant 0 : i32
      %dma_start3A_814 = tpu.memref_slice %arg5[%add3A_802, %dma_start3A_813] : memref<50000x32xf32, #tpu.memory_space<vmem_shared>> -> memref<400x32xf32, #tpu.memory_space<vmem_shared>>
      tpu.enqueue_dma source(%dma_start3A_814 : memref<400x32xf32, #tpu.memory_space<vmem_shared>>) target(%arg6 : memref<400x32xf32, #tpu.memory_space<vmem>>) target_semaphore(%run_scoped3A : memref<!tpu.dma_semaphore, #tpu.memory_space<semaphore_mem>>)
      %dma_wait3A_815 = arith.constant 0 : i32
      %dma_wait3A_816 = tpu.memref_slice %arg5[%add3A_802, %dma_wait3A_815] : memref<50000x32xf32, #tpu.memory_space<vmem_shared>> -> memref<400x32xf32, #tpu.memory_space<vmem_shared>>
      %dma_wait3A_817 = arith.constant 0 : i32
      %dma_wait3A_818 = tpu.memref_slice %arg5[%add3A_802, %dma_wait3A_817] : memref<50000x32xf32, #tpu.memory_space<vmem_shared>> -> memref<400x32xf32, #tpu.memory_space<vmem_shared>>
      tpu.wait_dma2 semaphore(%run_scoped3A : memref<!tpu.dma_semaphore, #tpu.memory_space<semaphore_mem>>) src(%dma_wait3A_818 : memref<400x32xf32, #tpu.memory_space<vmem_shared>>) dst(%arg6 : memref<400x32xf32, #tpu.memory_space<vmem>>)
      tpu.yield
    }) : () -> ()
    %mul3A_803 = arith.constant 32 : i32
    %mul3A_804 = arith.muli %arg0, %mul3A_803 : i32
    "tpu.region"() ({
      %run_scoped3A = tpu.sem_alloc : memref<!tpu.dma_semaphore, #tpu.memory_space<semaphore_mem>>
      %dma_start3A_811 = tpu.memref_slice %arg4[%add3A_802, %mul3A_804] : memref<50000x64xf32, #tpu.memory_space<hbm>> -> memref<400x32xf32, #tpu.memory_space<hbm>>
      %dma_start3A_812 = tpu.memref_slice %arg4[%add3A_802, %mul3A_804] : memref<50000x64xf32, #tpu.memory_space<hbm>> -> memref<400x32xf32, #tpu.memory_space<hbm>>
      tpu.enqueue_dma source(%arg6 : memref<400x32xf32, #tpu.memory_space<vmem>>) target(%dma_start3A_812 : memref<400x32xf32, #tpu.memory_space<hbm>>) target_semaphore(%run_scoped3A : memref<!tpu.dma_semaphore, #tpu.memory_space<semaphore_mem>>)
      %dma_wait3A_813 = tpu.memref_slice %arg4[%add3A_802, %mul3A_804] : memref<50000x64xf32, #tpu.memory_space<hbm>> -> memref<400x32xf32, #tpu.memory_space<hbm>>
      %dma_wait3A_814 = tpu.memref_slice %arg4[%add3A_802, %mul3A_804] : memref<50000x64xf32, #tpu.memory_space<hbm>> -> memref<400x32xf32, #tpu.memory_space<hbm>>
      tpu.wait_dma2 semaphore(%run_scoped3A : memref<!tpu.dma_semaphore, #tpu.memory_space<semaphore_mem>>) src(%arg6 : memref<400x32xf32, #tpu.memory_space<vmem>>) dst(%dma_wait3A_814 : memref<400x32xf32, #tpu.memory_space<hbm>>)
      tpu.yield
    }) : () -> ()
    %mul3A_805 = arith.constant 3125 : i32
    %mul3A_806 = arith.muli %arg1, %mul3A_805 : i32
    %add3A_807 = arith.constant 2800 : i32
    %add3A_808 = arith.addi %mul3A_806, %add3A_807 : i32
    "tpu.region"() ({
      %run_scoped3A = tpu.sem_alloc : memref<!tpu.dma_semaphore, #tpu.memory_space<semaphore_mem>>
      %dma_start3A_811 = arith.constant 0 : i32
      %dma_start3A_812 = arith.constant 0 : i32
      %dma_start3A_813 = tpu.memref_slice %arg6[%dma_start3A_811, %dma_start3A_812] : memref<400x32xf32, #tpu.memory_space<vmem>> -> memref<325x32xf32, #tpu.memory_space<vmem>>
      %dma_start3A_814 = arith.constant 0 : i32
      %dma_start3A_815 = tpu.memref_slice %arg5[%add3A_808, %dma_start3A_814] : memref<50000x32xf32, #tpu.memory_space<vmem_shared>> -> memref<325x32xf32, #tpu.memory_space<vmem_shared>>
      %dma_start3A_816 = arith.constant 0 : i32
      %dma_start3A_817 = arith.constant 0 : i32
      %dma_start3A_818 = tpu.memref_slice %arg6[%dma_start3A_816, %dma_start3A_817] : memref<400x32xf32, #tpu.memory_space<vmem>> -> memref<325x32xf32, #tpu.memory_space<vmem>>
      %dma_start3A_819 = arith.constant 0 : i32
      %dma_start3A_820 = tpu.memref_slice %arg5[%add3A_808, %dma_start3A_819] : memref<50000x32xf32, #tpu.memory_space<vmem_shared>> -> memref<325x32xf32, #tpu.memory_space<vmem_shared>>
      tpu.enqueue_dma source(%dma_start3A_820 : memref<325x32xf32, #tpu.memory_space<vmem_shared>>) target(%dma_start3A_818 : memref<325x32xf32, #tpu.memory_space<vmem>>) target_semaphore(%run_scoped3A : memref<!tpu.dma_semaphore, #tpu.memory_space<semaphore_mem>>)
      %dma_wait3A_821 = arith.constant 0 : i32
      %dma_wait3A_822 = arith.constant 0 : i32
      %dma_wait3A_823 = tpu.memref_slice %arg6[%dma_wait3A_821, %dma_wait3A_822] : memref<400x32xf32, #tpu.memory_space<vmem>> -> memref<325x32xf32, #tpu.memory_space<vmem>>
      %dma_wait3A_824 = arith.constant 0 : i32
      %dma_wait3A_825 = tpu.memref_slice %arg5[%add3A_808, %dma_wait3A_824] : memref<50000x32xf32, #tpu.memory_space<vmem_shared>> -> memref<325x32xf32, #tpu.memory_space<vmem_shared>>
      %dma_wait3A_826 = arith.constant 0 : i32
      %dma_wait3A_827 = arith.constant 0 : i32
      %dma_wait3A_828 = tpu.memref_slice %arg6[%dma_wait3A_826, %dma_wait3A_827] : memref<400x32xf32, #tpu.memory_space<vmem>> -> memref<325x32xf32, #tpu.memory_space<vmem>>
      %dma_wait3A_829 = arith.constant 0 : i32
      %dma_wait3A_830 = tpu.memref_slice %arg5[%add3A_808, %dma_wait3A_829] : memref<50000x32xf32, #tpu.memory_space<vmem_shared>> -> memref<325x32xf32, #tpu.memory_space<vmem_shared>>
      tpu.wait_dma2 semaphore(%run_scoped3A : memref<!tpu.dma_semaphore, #tpu.memory_space<semaphore_mem>>) src(%dma_wait3A_830 : memref<325x32xf32, #tpu.memory_space<vmem_shared>>) dst(%dma_wait3A_828 : memref<325x32xf32, #tpu.memory_space<vmem>>)
      tpu.yield
    }) : () -> ()
    %mul3A_809 = arith.constant 32 : i32
    %mul3A_810 = arith.muli %arg0, %mul3A_809 : i32
    "tpu.region"() ({
      %run_scoped3A = tpu.sem_alloc : memref<!tpu.dma_semaphore, #tpu.memory_space<semaphore_mem>>
      %dma_start3A_811 = arith.constant 0 : i32
      %dma_start3A_812 = arith.constant 0 : i32
      %dma_start3A_813 = tpu.memref_slice %arg6[%dma_start3A_811, %dma_start3A_812] : memref<400x32xf32, #tpu.memory_space<vmem>> -> memref<325x32xf32, #tpu.memory_space<vmem>>
      %dma_start3A_814 = tpu.memref_slice %arg4[%add3A_808, %mul3A_810] : memref<50000x64xf32, #tpu.memory_space<hbm>> -> memref<325x32xf32, #tpu.memory_space<hbm>>
      %dma_start3A_815 = tpu.memref_slice %arg4[%add3A_808, %mul3A_810] : memref<50000x64xf32, #tpu.memory_space<hbm>> -> memref<325x32xf32, #tpu.memory_space<hbm>>
      %dma_start3A_816 = arith.constant 0 : i32
      %dma_start3A_817 = arith.constant 0 : i32
      %dma_start3A_818 = tpu.memref_slice %arg6[%dma_start3A_816, %dma_start3A_817] : memref<400x32xf32, #tpu.memory_space<vmem>> -> memref<325x32xf32, #tpu.memory_space<vmem>>
      tpu.enqueue_dma source(%dma_start3A_818 : memref<325x32xf32, #tpu.memory_space<vmem>>) target(%dma_start3A_815 : memref<325x32xf32, #tpu.memory_space<hbm>>) target_semaphore(%run_scoped3A : memref<!tpu.dma_semaphore, #tpu.memory_space<semaphore_mem>>)
      %dma_wait3A_819 = arith.constant 0 : i32
      %dma_wait3A_820 = arith.constant 0 : i32
      %dma_wait3A_821 = tpu.memref_slice %arg6[%dma_wait3A_819, %dma_wait3A_820] : memref<400x32xf32, #tpu.memory_space<vmem>> -> memref<325x32xf32, #tpu.memory_space<vmem>>
      %dma_wait3A_822 = tpu.memref_slice %arg4[%add3A_808, %mul3A_810] : memref<50000x64xf32, #tpu.memory_space<hbm>> -> memref<325x32xf32, #tpu.memory_space<hbm>>
      %dma_wait3A_823 = tpu.memref_slice %arg4[%add3A_808, %mul3A_810] : memref<50000x64xf32, #tpu.memory_space<hbm>> -> memref<325x32xf32, #tpu.memory_space<hbm>>
      %dma_wait3A_824 = arith.constant 0 : i32
      %dma_wait3A_825 = arith.constant 0 : i32
      %dma_wait3A_826 = tpu.memref_slice %arg6[%dma_wait3A_824, %dma_wait3A_825] : memref<400x32xf32, #tpu.memory_space<vmem>> -> memref<325x32xf32, #tpu.memory_space<vmem>>
      tpu.wait_dma2 semaphore(%run_scoped3A : memref<!tpu.dma_semaphore, #tpu.memory_space<semaphore_mem>>) src(%dma_wait3A_826 : memref<325x32xf32, #tpu.memory_space<vmem>>) dst(%dma_wait3A_823 : memref<325x32xf32, #tpu.memory_space<hbm>>)
      tpu.yield
    }) : () -> ()
    return
  }
}

#map = affine_map<(d0, d1) -> (0, 0)>
#map1 = affine_map<(d0, d1) -> (0)>
module attributes {stable_mosaic.version = 14 : i64} {
  func.func @_sc_gather_body(%arg0: i32, %arg1: i32, %arg2: memref<50000x64xf32, #tpu.memory_space<hbm>>, %arg3: memref<1600000xi32, #tpu.memory_space<hbm>>, %arg4: memref<800000x128xf32, #tpu.memory_space<hbm>>, %arg5: memref<1000xi32, #tpu.memory_space<vmem>>, %arg6: memref<1000xi32, #tpu.memory_space<vmem>>, %arg7: memref<1000x64xf32, #tpu.memory_space<vmem>>, %arg8: memref<1000x64xf32, #tpu.memory_space<vmem>>, %arg9: memref<!tpu.dma_semaphore, #tpu.memory_space<semaphore_mem>>, %arg10: memref<!tpu.dma_semaphore, #tpu.memory_space<semaphore_mem>>, %arg11: memref<!tpu.dma_semaphore, #tpu.memory_space<semaphore_mem>>) attributes {dimension_semantics = [#tpu.dimension_semantics<core_parallel>, #tpu.dimension_semantics<subcore_parallel>], iteration_bounds = array<i64: 2, 16>, scalar_prefetch = 0 : i64, scratch_operands = 7 : i64, tpu.core_type = #tpu.core_type<sc_vector_subcore>, window_params = [{transform_indices = #map}, {transform_indices = #map1}, {transform_indices = #map}]} {
    %mul3A = arith.constant 2 : i32
    %mul3A_0 = arith.muli %arg1, %mul3A : i32
    %add3A = arith.addi %mul3A_0, %arg0 : i32
    %mul3A_1 = arith.constant 25000 : i32
    %mul3A_2 = arith.muli %add3A, %mul3A_1 : i32
    %scan3A = arith.constant 0 : i32
    %scan3A_3 = arith.constant 0 : i32
    %scan3A_4 = arith.constant 25 : i32
    %scan3A_5 = arith.addi %scan3A_3, %scan3A_4 : i32
    %scan3A_6 = arith.constant 1 : i32
    scf.for %scan3A_15 = %scan3A_3 to %scan3A_5 step %scan3A_6  : i32 {
      %mul3A_16 = arith.constant 1000 : i32
      %mul3A_17 = arith.muli %scan3A_15, %mul3A_16 : i32
      %add3A_18 = arith.addi %mul3A_2, %mul3A_17 : i32
      %add3A_19 = arith.constant 0 : i32
      %add3A_20 = arith.addi %add3A_19, %add3A_18 : i32
      "tpu.region"() ({
        %run_scoped3A = tpu.sem_alloc : memref<!tpu.dma_semaphore, #tpu.memory_space<semaphore_mem>>
        %dma_start3A_49 = tpu.memref_slice %arg3[%add3A_20] : memref<1600000xi32, #tpu.memory_space<hbm>> -> memref<1000xi32, #tpu.memory_space<hbm>>
        %dma_start3A_50 = tpu.memref_slice %arg3[%add3A_20] : memref<1600000xi32, #tpu.memory_space<hbm>> -> memref<1000xi32, #tpu.memory_space<hbm>>
        tpu.enqueue_dma source(%dma_start3A_50 : memref<1000xi32, #tpu.memory_space<hbm>>) target(%arg5 : memref<1000xi32, #tpu.memory_space<vmem>>) target_semaphore(%run_scoped3A : memref<!tpu.dma_semaphore, #tpu.memory_space<semaphore_mem>>)
        %dma_wait3A_51 = tpu.memref_slice %arg3[%add3A_20] : memref<1600000xi32, #tpu.memory_space<hbm>> -> memref<1000xi32, #tpu.memory_space<hbm>>
        %dma_wait3A_52 = tpu.memref_slice %arg3[%add3A_20] : memref<1600000xi32, #tpu.memory_space<hbm>> -> memref<1000xi32, #tpu.memory_space<hbm>>
        tpu.wait_dma2 semaphore(%run_scoped3A : memref<!tpu.dma_semaphore, #tpu.memory_space<semaphore_mem>>) src(%dma_wait3A_52 : memref<1000xi32, #tpu.memory_space<hbm>>) dst(%arg5 : memref<1000xi32, #tpu.memory_space<vmem>>)
        tpu.yield
      }) : () -> ()
      %gt3A = arith.constant 0 : i32
      %gt3A_21 = arith.cmpi sgt, %scan3A_15, %gt3A : i32
      %convert_element_type3A = arith.extui %gt3A_21 : i1 to i32
      %cond3A = arith.constant 0 : i32
      %cond3A_22 = arith.cmpi ne, %convert_element_type3A, %cond3A : i32
      scf.if %cond3A_22 {
        %dma_wait3A_49 = arith.constant 0 : i32
        %dma_wait3A_50 = tpu.memref_slice %arg4[%mul3A_2, %dma_wait3A_49] : memref<800000x128xf32, #tpu.memory_space<hbm>> -> memref<1000x64xf32, #tpu.memory_space<hbm>>
        %dma_wait3A_51 = arith.constant 0 : i32
        %dma_wait3A_52 = tpu.memref_slice %arg4[%mul3A_2, %dma_wait3A_51] : memref<800000x128xf32, #tpu.memory_space<hbm>> -> memref<1000x64xf32, #tpu.memory_space<hbm>>
        tpu.wait_dma2 semaphore(%arg10 : memref<!tpu.dma_semaphore, #tpu.memory_space<semaphore_mem>>) src(%arg7 : memref<1000x64xf32, #tpu.memory_space<vmem>>) dst(%dma_wait3A_52 : memref<1000x64xf32, #tpu.memory_space<hbm>>)
      } else {
      }
      %dma_start3A = arith.constant 0 : i32
      %dma_start3A_23 = arith.constant 0 : i32
      %dma_start3A_24 = tpu.memref_slice %arg2[%dma_start3A, %dma_start3A_23] : memref<50000x64xf32, #tpu.memory_space<hbm>> -> memref<50000x64xf32, #tpu.memory_space<hbm>>
      tpu.enqueue_indirect_dma source(%dma_start3A_24 : memref<50000x64xf32, #tpu.memory_space<hbm>>) target(%arg7 : memref<1000x64xf32, #tpu.memory_space<vmem>>) offsets(%arg5 : memref<1000xi32, #tpu.memory_space<vmem>>) semaphore(%arg9 : memref<!tpu.dma_semaphore, #tpu.memory_space<semaphore_mem>>)
      %dma_wait3A_25 = arith.constant 0 : i32
      %dma_wait3A_26 = arith.constant 0 : i32
      %dma_wait3A_27 = tpu.memref_slice %arg2[%dma_wait3A_25, %dma_wait3A_26] : memref<50000x64xf32, #tpu.memory_space<hbm>> -> memref<50000x64xf32, #tpu.memory_space<hbm>>
      tpu.wait_indirect_dma semaphore(%arg9 : memref<!tpu.dma_semaphore, #tpu.memory_space<semaphore_mem>>) src(%dma_wait3A_27 : memref<50000x64xf32, #tpu.memory_space<hbm>>) dst(%arg7 : memref<1000x64xf32, #tpu.memory_space<vmem>>)
      %dma_start3A_28 = arith.constant 0 : i32
      %dma_start3A_29 = tpu.memref_slice %arg4[%add3A_18, %dma_start3A_28] : memref<800000x128xf32, #tpu.memory_space<hbm>> -> memref<1000x64xf32, #tpu.memory_space<hbm>>
      %dma_start3A_30 = arith.constant 0 : i32
      %dma_start3A_31 = tpu.memref_slice %arg4[%add3A_18, %dma_start3A_30] : memref<800000x128xf32, #tpu.memory_space<hbm>> -> memref<1000x64xf32, #tpu.memory_space<hbm>>
      tpu.enqueue_dma source(%arg7 : memref<1000x64xf32, #tpu.memory_space<vmem>>) target(%dma_start3A_31 : memref<1000x64xf32, #tpu.memory_space<hbm>>) target_semaphore(%arg10 : memref<!tpu.dma_semaphore, #tpu.memory_space<semaphore_mem>>)
      %add3A_32 = arith.constant 800000 : i32
      %add3A_33 = arith.addi %add3A_32, %add3A_18 : i32
      "tpu.region"() ({
        %run_scoped3A = tpu.sem_alloc : memref<!tpu.dma_semaphore, #tpu.memory_space<semaphore_mem>>
        %dma_start3A_49 = tpu.memref_slice %arg3[%add3A_33] : memref<1600000xi32, #tpu.memory_space<hbm>> -> memref<1000xi32, #tpu.memory_space<hbm>>
        %dma_start3A_50 = tpu.memref_slice %arg3[%add3A_33] : memref<1600000xi32, #tpu.memory_space<hbm>> -> memref<1000xi32, #tpu.memory_space<hbm>>
        tpu.enqueue_dma source(%dma_start3A_50 : memref<1000xi32, #tpu.memory_space<hbm>>) target(%arg6 : memref<1000xi32, #tpu.memory_space<vmem>>) target_semaphore(%run_scoped3A : memref<!tpu.dma_semaphore, #tpu.memory_space<semaphore_mem>>)
        %dma_wait3A_51 = tpu.memref_slice %arg3[%add3A_33] : memref<1600000xi32, #tpu.memory_space<hbm>> -> memref<1000xi32, #tpu.memory_space<hbm>>
        %dma_wait3A_52 = tpu.memref_slice %arg3[%add3A_33] : memref<1600000xi32, #tpu.memory_space<hbm>> -> memref<1000xi32, #tpu.memory_space<hbm>>
        tpu.wait_dma2 semaphore(%run_scoped3A : memref<!tpu.dma_semaphore, #tpu.memory_space<semaphore_mem>>) src(%dma_wait3A_52 : memref<1000xi32, #tpu.memory_space<hbm>>) dst(%arg6 : memref<1000xi32, #tpu.memory_space<vmem>>)
        tpu.yield
      }) : () -> ()
      %gt3A_34 = arith.constant 0 : i32
      %gt3A_35 = arith.cmpi sgt, %scan3A_15, %gt3A_34 : i32
      %convert_element_type3A_36 = arith.extui %gt3A_35 : i1 to i32
      %cond3A_37 = arith.constant 0 : i32
      %cond3A_38 = arith.cmpi ne, %convert_element_type3A_36, %cond3A_37 : i32
      scf.if %cond3A_38 {
        %dma_wait3A_49 = arith.constant 64 : i32
        %dma_wait3A_50 = tpu.memref_slice %arg4[%mul3A_2, %dma_wait3A_49] : memref<800000x128xf32, #tpu.memory_space<hbm>> -> memref<1000x64xf32, #tpu.memory_space<hbm>>
        %dma_wait3A_51 = arith.constant 64 : i32
        %dma_wait3A_52 = tpu.memref_slice %arg4[%mul3A_2, %dma_wait3A_51] : memref<800000x128xf32, #tpu.memory_space<hbm>> -> memref<1000x64xf32, #tpu.memory_space<hbm>>
        tpu.wait_dma2 semaphore(%arg11 : memref<!tpu.dma_semaphore, #tpu.memory_space<semaphore_mem>>) src(%arg8 : memref<1000x64xf32, #tpu.memory_space<vmem>>) dst(%dma_wait3A_52 : memref<1000x64xf32, #tpu.memory_space<hbm>>)
      } else {
      }
      %dma_start3A_39 = arith.constant 0 : i32
      %dma_start3A_40 = arith.constant 0 : i32
      %dma_start3A_41 = tpu.memref_slice %arg2[%dma_start3A_39, %dma_start3A_40] : memref<50000x64xf32, #tpu.memory_space<hbm>> -> memref<50000x64xf32, #tpu.memory_space<hbm>>
      tpu.enqueue_indirect_dma source(%dma_start3A_41 : memref<50000x64xf32, #tpu.memory_space<hbm>>) target(%arg8 : memref<1000x64xf32, #tpu.memory_space<vmem>>) offsets(%arg6 : memref<1000xi32, #tpu.memory_space<vmem>>) semaphore(%arg9 : memref<!tpu.dma_semaphore, #tpu.memory_space<semaphore_mem>>)
      %dma_wait3A_42 = arith.constant 0 : i32
      %dma_wait3A_43 = arith.constant 0 : i32
      %dma_wait3A_44 = tpu.memref_slice %arg2[%dma_wait3A_42, %dma_wait3A_43] : memref<50000x64xf32, #tpu.memory_space<hbm>> -> memref<50000x64xf32, #tpu.memory_space<hbm>>
      tpu.wait_indirect_dma semaphore(%arg9 : memref<!tpu.dma_semaphore, #tpu.memory_space<semaphore_mem>>) src(%dma_wait3A_44 : memref<50000x64xf32, #tpu.memory_space<hbm>>) dst(%arg8 : memref<1000x64xf32, #tpu.memory_space<vmem>>)
      %dma_start3A_45 = arith.constant 64 : i32
      %dma_start3A_46 = tpu.memref_slice %arg4[%add3A_18, %dma_start3A_45] : memref<800000x128xf32, #tpu.memory_space<hbm>> -> memref<1000x64xf32, #tpu.memory_space<hbm>>
      %dma_start3A_47 = arith.constant 64 : i32
      %dma_start3A_48 = tpu.memref_slice %arg4[%add3A_18, %dma_start3A_47] : memref<800000x128xf32, #tpu.memory_space<hbm>> -> memref<1000x64xf32, #tpu.memory_space<hbm>>
      tpu.enqueue_dma source(%arg8 : memref<1000x64xf32, #tpu.memory_space<vmem>>) target(%dma_start3A_48 : memref<1000x64xf32, #tpu.memory_space<hbm>>) target_semaphore(%arg11 : memref<!tpu.dma_semaphore, #tpu.memory_space<semaphore_mem>>)
    }
    %scan3A_7 = arith.constant 25 : i32
    %dma_wait3A = arith.constant 0 : i32
    %dma_wait3A_8 = tpu.memref_slice %arg4[%mul3A_2, %dma_wait3A] : memref<800000x128xf32, #tpu.memory_space<hbm>> -> memref<1000x64xf32, #tpu.memory_space<hbm>>
    %dma_wait3A_9 = arith.constant 0 : i32
    %dma_wait3A_10 = tpu.memref_slice %arg4[%mul3A_2, %dma_wait3A_9] : memref<800000x128xf32, #tpu.memory_space<hbm>> -> memref<1000x64xf32, #tpu.memory_space<hbm>>
    tpu.wait_dma2 semaphore(%arg10 : memref<!tpu.dma_semaphore, #tpu.memory_space<semaphore_mem>>) src(%arg7 : memref<1000x64xf32, #tpu.memory_space<vmem>>) dst(%dma_wait3A_10 : memref<1000x64xf32, #tpu.memory_space<hbm>>)
    %dma_wait3A_11 = arith.constant 64 : i32
    %dma_wait3A_12 = tpu.memref_slice %arg4[%mul3A_2, %dma_wait3A_11] : memref<800000x128xf32, #tpu.memory_space<hbm>> -> memref<1000x64xf32, #tpu.memory_space<hbm>>
    %dma_wait3A_13 = arith.constant 64 : i32
    %dma_wait3A_14 = tpu.memref_slice %arg4[%mul3A_2, %dma_wait3A_13] : memref<800000x128xf32, #tpu.memory_space<hbm>> -> memref<1000x64xf32, #tpu.memory_space<hbm>>
    tpu.wait_dma2 semaphore(%arg11 : memref<!tpu.dma_semaphore, #tpu.memory_space<semaphore_mem>>) src(%arg8 : memref<1000x64xf32, #tpu.memory_space<vmem>>) dst(%dma_wait3A_14 : memref<1000x64xf32, #tpu.memory_space<hbm>>)
    return
  }
}

#map = affine_map<(d0, d1) -> (0, 0)>
#map1 = affine_map<(d0, d1) -> (0)>
module attributes {stable_mosaic.version = 14 : i64} {
  func.func @_sc_gather_body(%arg0: i32, %arg1: i32, %arg2: memref<50000x64xf32, #tpu.memory_space<hbm>>, %arg3: memref<1600000xi32, #tpu.memory_space<hbm>>, %arg4: memref<800000x128xf32, #tpu.memory_space<hbm>>, %arg5: memref<1000xi32, #tpu.memory_space<vmem>>, %arg6: memref<1000xi32, #tpu.memory_space<vmem>>, %arg7: memref<1000x64xf32, #tpu.memory_space<vmem>>, %arg8: memref<1000x64xf32, #tpu.memory_space<vmem>>, %arg9: memref<!tpu.dma_semaphore, #tpu.memory_space<semaphore_mem>>, %arg10: memref<!tpu.dma_semaphore, #tpu.memory_space<semaphore_mem>>, %arg11: memref<!tpu.dma_semaphore, #tpu.memory_space<semaphore_mem>>) attributes {dimension_semantics = [#tpu.dimension_semantics<core_parallel>, #tpu.dimension_semantics<subcore_parallel>], iteration_bounds = array<i64: 2, 16>, scalar_prefetch = 0 : i64, scratch_operands = 7 : i64, tpu.core_type = #tpu.core_type<sc_vector_subcore>, window_params = [{transform_indices = #map}, {transform_indices = #map1}, {transform_indices = #map}]} {
    %mul3A = arith.constant 2 : i32
    %mul3A_0 = arith.muli %arg1, %mul3A : i32
    %add3A = arith.addi %mul3A_0, %arg0 : i32
    %mul3A_1 = arith.constant 25000 : i32
    %mul3A_2 = arith.muli %add3A, %mul3A_1 : i32
    %scan3A = arith.constant 0 : i32
    %scan3A_3 = arith.constant 0 : i32
    %scan3A_4 = arith.constant 25 : i32
    %scan3A_5 = arith.addi %scan3A_3, %scan3A_4 : i32
    %scan3A_6 = arith.constant 1 : i32
    scf.for %scan3A_15 = %scan3A_3 to %scan3A_5 step %scan3A_6  : i32 {
      %mul3A_16 = arith.constant 1000 : i32
      %mul3A_17 = arith.muli %scan3A_15, %mul3A_16 : i32
      %add3A_18 = arith.addi %mul3A_2, %mul3A_17 : i32
      %add3A_19 = arith.constant 0 : i32
      %add3A_20 = arith.addi %add3A_19, %add3A_18 : i32
      "tpu.region"() ({
        %run_scoped3A = tpu.sem_alloc : memref<!tpu.dma_semaphore, #tpu.memory_space<semaphore_mem>>
        %dma_start3A_49 = tpu.memref_slice %arg3[%add3A_20] : memref<1600000xi32, #tpu.memory_space<hbm>> -> memref<1000xi32, #tpu.memory_space<hbm>>
        %dma_start3A_50 = tpu.memref_slice %arg3[%add3A_20] : memref<1600000xi32, #tpu.memory_space<hbm>> -> memref<1000xi32, #tpu.memory_space<hbm>>
        tpu.enqueue_dma source(%dma_start3A_50 : memref<1000xi32, #tpu.memory_space<hbm>>) target(%arg5 : memref<1000xi32, #tpu.memory_space<vmem>>) target_semaphore(%run_scoped3A : memref<!tpu.dma_semaphore, #tpu.memory_space<semaphore_mem>>)
        %dma_wait3A_51 = tpu.memref_slice %arg3[%add3A_20] : memref<1600000xi32, #tpu.memory_space<hbm>> -> memref<1000xi32, #tpu.memory_space<hbm>>
        %dma_wait3A_52 = tpu.memref_slice %arg3[%add3A_20] : memref<1600000xi32, #tpu.memory_space<hbm>> -> memref<1000xi32, #tpu.memory_space<hbm>>
        tpu.wait_dma2 semaphore(%run_scoped3A : memref<!tpu.dma_semaphore, #tpu.memory_space<semaphore_mem>>) src(%dma_wait3A_52 : memref<1000xi32, #tpu.memory_space<hbm>>) dst(%arg5 : memref<1000xi32, #tpu.memory_space<vmem>>)
        tpu.yield
      }) : () -> ()
      %gt3A = arith.constant 0 : i32
      %gt3A_21 = arith.cmpi sgt, %scan3A_15, %gt3A : i32
      %convert_element_type3A = arith.extui %gt3A_21 : i1 to i32
      %cond3A = arith.constant 0 : i32
      %cond3A_22 = arith.cmpi ne, %convert_element_type3A, %cond3A : i32
      scf.if %cond3A_22 {
        %dma_wait3A_49 = arith.constant 0 : i32
        %dma_wait3A_50 = tpu.memref_slice %arg4[%mul3A_2, %dma_wait3A_49] : memref<800000x128xf32, #tpu.memory_space<hbm>> -> memref<1000x64xf32, #tpu.memory_space<hbm>>
        %dma_wait3A_51 = arith.constant 0 : i32
        %dma_wait3A_52 = tpu.memref_slice %arg4[%mul3A_2, %dma_wait3A_51] : memref<800000x128xf32, #tpu.memory_space<hbm>> -> memref<1000x64xf32, #tpu.memory_space<hbm>>
        tpu.wait_dma2 semaphore(%arg10 : memref<!tpu.dma_semaphore, #tpu.memory_space<semaphore_mem>>) src(%arg7 : memref<1000x64xf32, #tpu.memory_space<vmem>>) dst(%dma_wait3A_52 : memref<1000x64xf32, #tpu.memory_space<hbm>>)
      } else {
      }
      %dma_start3A = arith.constant 0 : i32
      %dma_start3A_23 = arith.constant 0 : i32
      %dma_start3A_24 = tpu.memref_slice %arg2[%dma_start3A, %dma_start3A_23] : memref<50000x64xf32, #tpu.memory_space<hbm>> -> memref<50000x64xf32, #tpu.memory_space<hbm>>
      tpu.enqueue_indirect_dma source(%dma_start3A_24 : memref<50000x64xf32, #tpu.memory_space<hbm>>) target(%arg7 : memref<1000x64xf32, #tpu.memory_space<vmem>>) offsets(%arg5 : memref<1000xi32, #tpu.memory_space<vmem>>) semaphore(%arg9 : memref<!tpu.dma_semaphore, #tpu.memory_space<semaphore_mem>>)
      %dma_wait3A_25 = arith.constant 0 : i32
      %dma_wait3A_26 = arith.constant 0 : i32
      %dma_wait3A_27 = tpu.memref_slice %arg2[%dma_wait3A_25, %dma_wait3A_26] : memref<50000x64xf32, #tpu.memory_space<hbm>> -> memref<50000x64xf32, #tpu.memory_space<hbm>>
      tpu.wait_indirect_dma semaphore(%arg9 : memref<!tpu.dma_semaphore, #tpu.memory_space<semaphore_mem>>) src(%dma_wait3A_27 : memref<50000x64xf32, #tpu.memory_space<hbm>>) dst(%arg7 : memref<1000x64xf32, #tpu.memory_space<vmem>>)
      %dma_start3A_28 = arith.constant 0 : i32
      %dma_start3A_29 = tpu.memref_slice %arg4[%add3A_18, %dma_start3A_28] : memref<800000x128xf32, #tpu.memory_space<hbm>> -> memref<1000x64xf32, #tpu.memory_space<hbm>>
      %dma_start3A_30 = arith.constant 0 : i32
      %dma_start3A_31 = tpu.memref_slice %arg4[%add3A_18, %dma_start3A_30] : memref<800000x128xf32, #tpu.memory_space<hbm>> -> memref<1000x64xf32, #tpu.memory_space<hbm>>
      tpu.enqueue_dma source(%arg7 : memref<1000x64xf32, #tpu.memory_space<vmem>>) target(%dma_start3A_31 : memref<1000x64xf32, #tpu.memory_space<hbm>>) target_semaphore(%arg10 : memref<!tpu.dma_semaphore, #tpu.memory_space<semaphore_mem>>)
      %add3A_32 = arith.constant 800000 : i32
      %add3A_33 = arith.addi %add3A_32, %add3A_18 : i32
      "tpu.region"() ({
        %run_scoped3A = tpu.sem_alloc : memref<!tpu.dma_semaphore, #tpu.memory_space<semaphore_mem>>
        %dma_start3A_49 = tpu.memref_slice %arg3[%add3A_33] : memref<1600000xi32, #tpu.memory_space<hbm>> -> memref<1000xi32, #tpu.memory_space<hbm>>
        %dma_start3A_50 = tpu.memref_slice %arg3[%add3A_33] : memref<1600000xi32, #tpu.memory_space<hbm>> -> memref<1000xi32, #tpu.memory_space<hbm>>
        tpu.enqueue_dma source(%dma_start3A_50 : memref<1000xi32, #tpu.memory_space<hbm>>) target(%arg6 : memref<1000xi32, #tpu.memory_space<vmem>>) target_semaphore(%run_scoped3A : memref<!tpu.dma_semaphore, #tpu.memory_space<semaphore_mem>>)
        %dma_wait3A_51 = tpu.memref_slice %arg3[%add3A_33] : memref<1600000xi32, #tpu.memory_space<hbm>> -> memref<1000xi32, #tpu.memory_space<hbm>>
        %dma_wait3A_52 = tpu.memref_slice %arg3[%add3A_33] : memref<1600000xi32, #tpu.memory_space<hbm>> -> memref<1000xi32, #tpu.memory_space<hbm>>
        tpu.wait_dma2 semaphore(%run_scoped3A : memref<!tpu.dma_semaphore, #tpu.memory_space<semaphore_mem>>) src(%dma_wait3A_52 : memref<1000xi32, #tpu.memory_space<hbm>>) dst(%arg6 : memref<1000xi32, #tpu.memory_space<vmem>>)
        tpu.yield
      }) : () -> ()
      %gt3A_34 = arith.constant 0 : i32
      %gt3A_35 = arith.cmpi sgt, %scan3A_15, %gt3A_34 : i32
      %convert_element_type3A_36 = arith.extui %gt3A_35 : i1 to i32
      %cond3A_37 = arith.constant 0 : i32
      %cond3A_38 = arith.cmpi ne, %convert_element_type3A_36, %cond3A_37 : i32
      scf.if %cond3A_38 {
        %dma_wait3A_49 = arith.constant 64 : i32
        %dma_wait3A_50 = tpu.memref_slice %arg4[%mul3A_2, %dma_wait3A_49] : memref<800000x128xf32, #tpu.memory_space<hbm>> -> memref<1000x64xf32, #tpu.memory_space<hbm>>
        %dma_wait3A_51 = arith.constant 64 : i32
        %dma_wait3A_52 = tpu.memref_slice %arg4[%mul3A_2, %dma_wait3A_51] : memref<800000x128xf32, #tpu.memory_space<hbm>> -> memref<1000x64xf32, #tpu.memory_space<hbm>>
        tpu.wait_dma2 semaphore(%arg11 : memref<!tpu.dma_semaphore, #tpu.memory_space<semaphore_mem>>) src(%arg8 : memref<1000x64xf32, #tpu.memory_space<vmem>>) dst(%dma_wait3A_52 : memref<1000x64xf32, #tpu.memory_space<hbm>>)
      } else {
      }
      %dma_start3A_39 = arith.constant 0 : i32
      %dma_start3A_40 = arith.constant 0 : i32
      %dma_start3A_41 = tpu.memref_slice %arg2[%dma_start3A_39, %dma_start3A_40] : memref<50000x64xf32, #tpu.memory_space<hbm>> -> memref<50000x64xf32, #tpu.memory_space<hbm>>
      tpu.enqueue_indirect_dma source(%dma_start3A_41 : memref<50000x64xf32, #tpu.memory_space<hbm>>) target(%arg8 : memref<1000x64xf32, #tpu.memory_space<vmem>>) offsets(%arg6 : memref<1000xi32, #tpu.memory_space<vmem>>) semaphore(%arg9 : memref<!tpu.dma_semaphore, #tpu.memory_space<semaphore_mem>>)
      %dma_wait3A_42 = arith.constant 0 : i32
      %dma_wait3A_43 = arith.constant 0 : i32
      %dma_wait3A_44 = tpu.memref_slice %arg2[%dma_wait3A_42, %dma_wait3A_43] : memref<50000x64xf32, #tpu.memory_space<hbm>> -> memref<50000x64xf32, #tpu.memory_space<hbm>>
      tpu.wait_indirect_dma semaphore(%arg9 : memref<!tpu.dma_semaphore, #tpu.memory_space<semaphore_mem>>) src(%dma_wait3A_44 : memref<50000x64xf32, #tpu.memory_space<hbm>>) dst(%arg8 : memref<1000x64xf32, #tpu.memory_space<vmem>>)
      %dma_start3A_45 = arith.constant 64 : i32
      %dma_start3A_46 = tpu.memref_slice %arg4[%add3A_18, %dma_start3A_45] : memref<800000x128xf32, #tpu.memory_space<hbm>> -> memref<1000x64xf32, #tpu.memory_space<hbm>>
      %dma_start3A_47 = arith.constant 64 : i32
      %dma_start3A_48 = tpu.memref_slice %arg4[%add3A_18, %dma_start3A_47] : memref<800000x128xf32, #tpu.memory_space<hbm>> -> memref<1000x64xf32, #tpu.memory_space<hbm>>
      tpu.enqueue_dma source(%arg8 : memref<1000x64xf32, #tpu.memory_space<vmem>>) target(%dma_start3A_48 : memref<1000x64xf32, #tpu.memory_space<hbm>>) target_semaphore(%arg11 : memref<!tpu.dma_semaphore, #tpu.memory_space<semaphore_mem>>)
    }
    %scan3A_7 = arith.constant 25 : i32
    %dma_wait3A = arith.constant 0 : i32
    %dma_wait3A_8 = tpu.memref_slice %arg4[%mul3A_2, %dma_wait3A] : memref<800000x128xf32, #tpu.memory_space<hbm>> -> memref<1000x64xf32, #tpu.memory_space<hbm>>
    %dma_wait3A_9 = arith.constant 0 : i32
    %dma_wait3A_10 = tpu.memref_slice %arg4[%mul3A_2, %dma_wait3A_9] : memref<800000x128xf32, #tpu.memory_space<hbm>> -> memref<1000x64xf32, #tpu.memory_space<hbm>>
    tpu.wait_dma2 semaphore(%arg10 : memref<!tpu.dma_semaphore, #tpu.memory_space<semaphore_mem>>) src(%arg7 : memref<1000x64xf32, #tpu.memory_space<vmem>>) dst(%dma_wait3A_10 : memref<1000x64xf32, #tpu.memory_space<hbm>>)
    %dma_wait3A_11 = arith.constant 64 : i32
    %dma_wait3A_12 = tpu.memref_slice %arg4[%mul3A_2, %dma_wait3A_11] : memref<800000x128xf32, #tpu.memory_space<hbm>> -> memref<1000x64xf32, #tpu.memory_space<hbm>>
    %dma_wait3A_13 = arith.constant 64 : i32
    %dma_wait3A_14 = tpu.memref_slice %arg4[%mul3A_2, %dma_wait3A_13] : memref<800000x128xf32, #tpu.memory_space<hbm>> -> memref<1000x64xf32, #tpu.memory_space<hbm>>
    tpu.wait_dma2 semaphore(%arg11 : memref<!tpu.dma_semaphore, #tpu.memory_space<semaphore_mem>>) src(%arg8 : memref<1000x64xf32, #tpu.memory_space<vmem>>) dst(%dma_wait3A_14 : memref<1000x64xf32, #tpu.memory_space<hbm>>)
    return
  }
}

module attributes {stable_mosaic.version = 14 : i64} {
  func.func @_tc_node_mlp(%arg0: i32, %arg1: memref<1000x7xf32, #tpu.memory_space<vmem>>, %arg2: memref<1x3x1000xf32, #tpu.memory_space<vmem>>, %arg3: memref<8x1xf32, #tpu.memory_space<vmem>>, %arg4: memref<2x16xf32, #tpu.memory_space<vmem>>, %arg5: memref<8x4xf32, #tpu.memory_space<vmem>>, %arg6: memref<29x64xf32, #tpu.memory_space<vmem>>, %arg7: memref<1x64xf32, #tpu.memory_space<vmem>>, %arg8: memref<64x64xf32, #tpu.memory_space<vmem>>, %arg9: memref<1x64xf32, #tpu.memory_space<vmem>>, %arg10: memref<1000x64xf32, #tpu.memory_space<vmem>>) attributes {dimension_semantics = [#tpu.dimension_semantics<parallel>], iteration_bounds = array<i64: 50>, scalar_prefetch = 0 : i64, scratch_operands = 0 : i64, tpu.core_type = #tpu.core_type<tc>, window_params = [{transform_indices = @transform_0, window_bounds = array<i64: 1000, 7>}, {transform_indices = @transform_1, window_bounds = array<i64: 1, 3, 1000>}, {pipeline_mode = #tpu.pipeline_mode<synchronous>, transform_indices = @transform_2, window_bounds = array<i64: 8, 1>}, {pipeline_mode = #tpu.pipeline_mode<synchronous>, transform_indices = @transform_3, window_bounds = array<i64: 2, 16>}, {pipeline_mode = #tpu.pipeline_mode<synchronous>, transform_indices = @transform_4, window_bounds = array<i64: 8, 4>}, {pipeline_mode = #tpu.pipeline_mode<synchronous>, transform_indices = @transform_5, window_bounds = array<i64: 29, 64>}, {pipeline_mode = #tpu.pipeline_mode<synchronous>, transform_indices = @transform_6, window_bounds = array<i64: 1, 64>}, {pipeline_mode = #tpu.pipeline_mode<synchronous>, transform_indices = @transform_7, window_bounds = array<i64: 64, 64>}, {pipeline_mode = #tpu.pipeline_mode<synchronous>, transform_indices = @transform_8, window_bounds = array<i64: 1, 64>}, {transform_indices = @transform_9, window_bounds = array<i64: 1000, 64>}]} {
    %get3A = arith.constant 0 : index
    %get3A_0 = arith.constant 0 : index
    %get3A_1 = vector.load %arg1[%get3A, %get3A_0] : memref<1000x7xf32, #tpu.memory_space<vmem>>, vector<1000x7xf32>
    %get3A_2 = arith.constant 0 : index
    %get3A_3 = arith.constant 0 : index
    %get3A_4 = arith.constant 0 : index
    %get3A_5 = vector.load %arg2[%get3A_2, %get3A_3, %get3A_4] : memref<1x3x1000xf32, #tpu.memory_space<vmem>>, vector<1x3x1000xf32>
    %get3A_6 = vector.shape_cast %get3A_5 : vector<1x3x1000xf32> to vector<3x1000xf32>
    %transpose3A = tpu.transpose %get3A_6, [1, 0] : vector<3x1000xf32> -> vector<1000x3xf32>
    %slice3A = vector.extract_strided_slice %transpose3A {offsets = [0, 0], sizes = [1000, 1], strides = [1, 1]} : vector<1000x3xf32> to vector<1000x1xf32>
    %slice3A_7 = vector.extract_strided_slice %transpose3A {offsets = [0, 1], sizes = [1000, 1], strides = [1, 1]} : vector<1000x3xf32> to vector<1000x1xf32>
    %slice3A_8 = vector.extract_strided_slice %transpose3A {offsets = [0, 2], sizes = [1000, 1], strides = [1, 1]} : vector<1000x3xf32> to vector<1000x1xf32>
    %get3A_9 = arith.constant 0 : index
    %get3A_10 = arith.constant 0 : index
    %get3A_11 = vector.load %arg6[%get3A_9, %get3A_10] : memref<29x64xf32, #tpu.memory_space<vmem>>, vector<29x64xf32>
    %get3A_12 = arith.constant 0 : index
    %get3A_13 = arith.constant 0 : index
    %get3A_14 = vector.load %arg3[%get3A_12, %get3A_13] : memref<8x1xf32, #tpu.memory_space<vmem>>, vector<8x1xf32>
    %iota3A = tpu.iota {dimensions = array<i32: 1>} : vector<1x2xi32>
    %convert_element_type3A = arith.sitofp %iota3A : vector<1x2xi32> to vector<1x2xf32>
    %eq3A = vector.broadcast %get3A_14 : vector<8x1xf32> to vector<8x2xf32>
    %eq3A_15 = vector.broadcast %convert_element_type3A : vector<1x2xf32> to vector<8x2xf32>
    %eq3A_16 = arith.cmpf oeq, %eq3A, %eq3A_15 : vector<8x2xf32>
    %convert_element_type3A_17 = arith.extui %eq3A_16 : vector<8x2xi1> to vector<8x2xi32>
    %convert_element_type3A_18 = arith.sitofp %convert_element_type3A_17 : vector<8x2xi32> to vector<8x2xf32>
    %get3A_19 = arith.constant 0 : index
    %get3A_20 = arith.constant 0 : index
    %get3A_21 = vector.load %arg4[%get3A_19, %get3A_20] : memref<2x16xf32, #tpu.memory_space<vmem>>, vector<2x16xf32>
    %dot_general3A = arith.constant dense<0.000000e+00> : vector<8x16xf32>
    %dot_general3A_22 = tpu.matmul %convert_element_type3A_18, %get3A_21, %dot_general3A {dimension_numbers = #tpu.dot_dimension_numbers<[1], [0], [0], [1], [0, 0, 1, 1], [], []>, transpose_lhs_hint = false} : vector<8x2xf32>, vector<2x16xf32>, vector<8x16xf32> -> vector<8x16xf32>
    %slice3A_23 = vector.extract_strided_slice %get3A_11 {offsets = [7, 0], sizes = [16, 64], strides = [1, 1]} : vector<29x64xf32> to vector<16x64xf32>
    %dot_general3A_24 = arith.constant dense<0.000000e+00> : vector<8x64xf32>
    %dot_general3A_25 = tpu.matmul %dot_general3A_22, %slice3A_23, %dot_general3A_24 {dimension_numbers = #tpu.dot_dimension_numbers<[1], [0], [0], [1], [0, 0, 1, 1], [], []>, transpose_lhs_hint = false} : vector<8x16xf32>, vector<16x64xf32>, vector<8x64xf32> -> vector<8x64xf32>
    %get3A_26 = arith.constant 0 : index
    %get3A_27 = arith.constant 0 : index
    %get3A_28 = vector.load %arg5[%get3A_26, %get3A_27] : memref<8x4xf32, #tpu.memory_space<vmem>>, vector<8x4xf32>
    %slice3A_29 = vector.extract_strided_slice %get3A_11 {offsets = [23, 0], sizes = [4, 64], strides = [1, 1]} : vector<29x64xf32> to vector<4x64xf32>
    %dot_general3A_30 = arith.constant dense<0.000000e+00> : vector<8x64xf32>
    %dot_general3A_31 = tpu.matmul %get3A_28, %slice3A_29, %dot_general3A_30 {dimension_numbers = #tpu.dot_dimension_numbers<[1], [0], [0], [1], [0, 0, 1, 1], [], []>, transpose_lhs_hint = false} : vector<8x4xf32>, vector<4x64xf32>, vector<8x64xf32> -> vector<8x64xf32>
    %add3A = arith.addf %dot_general3A_25, %dot_general3A_31 : vector<8x64xf32>
    %iota3A_32 = tpu.iota {dimensions = array<i32: 1>} : vector<1x8xi32>
    %convert_element_type3A_33 = arith.sitofp %iota3A_32 : vector<1x8xi32> to vector<1x8xf32>
    %eq3A_34 = vector.broadcast %slice3A : vector<1000x1xf32> to vector<1000x8xf32>
    %eq3A_35 = vector.broadcast %convert_element_type3A_33 : vector<1x8xf32> to vector<1000x8xf32>
    %eq3A_36 = arith.cmpf oeq, %eq3A_34, %eq3A_35 : vector<1000x8xf32>
    %convert_element_type3A_37 = arith.extui %eq3A_36 : vector<1000x8xi1> to vector<1000x8xi32>
    %convert_element_type3A_38 = arith.sitofp %convert_element_type3A_37 : vector<1000x8xi32> to vector<1000x8xf32>
    %slice3A_39 = vector.extract_strided_slice %get3A_11 {offsets = [0, 0], sizes = [7, 64], strides = [1, 1]} : vector<29x64xf32> to vector<7x64xf32>
    %dot_general3A_40 = arith.constant dense<0.000000e+00> : vector<1000x64xf32>
    %dot_general3A_41 = tpu.matmul %get3A_1, %slice3A_39, %dot_general3A_40 {dimension_numbers = #tpu.dot_dimension_numbers<[1], [0], [0], [1], [0, 0, 1, 1], [], []>, transpose_lhs_hint = false} : vector<1000x7xf32>, vector<7x64xf32>, vector<1000x64xf32> -> vector<1000x64xf32>
    %dot_general3A_42 = arith.constant dense<0.000000e+00> : vector<1000x64xf32>
    %dot_general3A_43 = tpu.matmul %convert_element_type3A_38, %add3A, %dot_general3A_42 {dimension_numbers = #tpu.dot_dimension_numbers<[1], [0], [0], [1], [0, 0, 1, 1], [], []>, transpose_lhs_hint = false} : vector<1000x8xf32>, vector<8x64xf32>, vector<1000x64xf32> -> vector<1000x64xf32>
    %add3A_44 = arith.addf %dot_general3A_41, %dot_general3A_43 : vector<1000x64xf32>
    %slice3A_45 = vector.extract_strided_slice %get3A_11 {offsets = [27, 0], sizes = [1, 64], strides = [1, 1]} : vector<29x64xf32> to vector<1x64xf32>
    %mul3A = vector.broadcast %slice3A_7 : vector<1000x1xf32> to vector<1000x64xf32>
    %mul3A_46 = vector.broadcast %slice3A_45 : vector<1x64xf32> to vector<1000x64xf32>
    %mul3A_47 = arith.mulf %mul3A, %mul3A_46 : vector<1000x64xf32>
    %add3A_48 = arith.addf %add3A_44, %mul3A_47 : vector<1000x64xf32>
    %slice3A_49 = vector.extract_strided_slice %get3A_11 {offsets = [28, 0], sizes = [1, 64], strides = [1, 1]} : vector<29x64xf32> to vector<1x64xf32>
    %mul3A_50 = vector.broadcast %slice3A_8 : vector<1000x1xf32> to vector<1000x64xf32>
    %mul3A_51 = vector.broadcast %slice3A_49 : vector<1x64xf32> to vector<1000x64xf32>
    %mul3A_52 = arith.mulf %mul3A_50, %mul3A_51 : vector<1000x64xf32>
    %add3A_53 = arith.addf %add3A_48, %mul3A_52 : vector<1000x64xf32>
    %get3A_54 = arith.constant 0 : index
    %get3A_55 = arith.constant 0 : index
    %get3A_56 = vector.load %arg7[%get3A_54, %get3A_55] : memref<1x64xf32, #tpu.memory_space<vmem>>, vector<1x64xf32>
    %add3A_57 = vector.broadcast %get3A_56 : vector<1x64xf32> to vector<1000x64xf32>
    %add3A_58 = arith.addf %add3A_53, %add3A_57 : vector<1000x64xf32>
    %max3A = arith.constant 0.000000e+00 : f32
    %max3A_59 = vector.broadcast %max3A : f32 to vector<1000x64xf32>
    %max3A_60 = arith.maximumf %add3A_58, %max3A_59 : vector<1000x64xf32>
    %get3A_61 = arith.constant 0 : index
    %get3A_62 = arith.constant 0 : index
    %get3A_63 = vector.load %arg8[%get3A_61, %get3A_62] : memref<64x64xf32, #tpu.memory_space<vmem>>, vector<64x64xf32>
    %dot_general3A_64 = arith.constant dense<0.000000e+00> : vector<1000x64xf32>
    %dot_general3A_65 = tpu.matmul %max3A_60, %get3A_63, %dot_general3A_64 {dimension_numbers = #tpu.dot_dimension_numbers<[1], [0], [0], [1], [0, 0, 1, 1], [], []>, transpose_lhs_hint = false} : vector<1000x64xf32>, vector<64x64xf32>, vector<1000x64xf32> -> vector<1000x64xf32>
    %get3A_66 = arith.constant 0 : index
    %get3A_67 = arith.constant 0 : index
    %get3A_68 = vector.load %arg9[%get3A_66, %get3A_67] : memref<1x64xf32, #tpu.memory_space<vmem>>, vector<1x64xf32>
    %add3A_69 = vector.broadcast %get3A_68 : vector<1x64xf32> to vector<1000x64xf32>
    %add3A_70 = arith.addf %dot_general3A_65, %add3A_69 : vector<1000x64xf32>
    %max3A_71 = arith.constant 0.000000e+00 : f32
    %max3A_72 = vector.broadcast %max3A_71 : f32 to vector<1000x64xf32>
    %max3A_73 = arith.maximumf %add3A_70, %max3A_72 : vector<1000x64xf32>
    %swap3A = arith.constant 0 : index
    %swap3A_74 = arith.constant 0 : index
    %swap3A_75 = vector.load %arg10[%swap3A, %swap3A_74] : memref<1000x64xf32, #tpu.memory_space<vmem>>, vector<1000x64xf32>
    tpu.vector_store %arg10[%swap3A, %swap3A_74], %max3A_73 {strides = array<i32>} : memref<1000x64xf32, #tpu.memory_space<vmem>>, vector<1000x64xf32>,
    return
  }
  func.func @transform_0(%arg0: i32) -> (i32, i32) {
    %c0_i32 = arith.constant 0 : i32
    %c0_i32_0 = arith.constant 0 : i32
    return %arg0, %c0_i32 : i32, i32
  }
  func.func @transform_1(%arg0: i32) -> (i32, i32, i32) {
    %c0_i32 = arith.constant 0 : i32
    %c0_i32_0 = arith.constant 0 : i32
    %c0_i32_1 = arith.constant 0 : i32
    return %arg0, %c0_i32, %c0_i32_0 : i32, i32, i32
  }
  func.func @transform_2(%arg0: i32) -> (i32, i32) {
    %c0_i32 = arith.constant 0 : i32
    %c0_i32_0 = arith.constant 0 : i32
    %c0_i32_1 = arith.constant 0 : i32
    return %c0_i32, %c0_i32_0 : i32, i32
  }
  func.func @transform_3(%arg0: i32) -> (i32, i32) {
    %c0_i32 = arith.constant 0 : i32
    %c0_i32_0 = arith.constant 0 : i32
    %c0_i32_1 = arith.constant 0 : i32
    return %c0_i32, %c0_i32_0 : i32, i32
  }
  func.func @transform_4(%arg0: i32) -> (i32, i32) {
    %c0_i32 = arith.constant 0 : i32
    %c0_i32_0 = arith.constant 0 : i32
    %c0_i32_1 = arith.constant 0 : i32
    return %c0_i32, %c0_i32_0 : i32, i32
  }
  func.func @transform_5(%arg0: i32) -> (i32, i32) {
    %c0_i32 = arith.constant 0 : i32
    %c0_i32_0 = arith.constant 0 : i32
    %c0_i32_1 = arith.constant 0 : i32
    return %c0_i32, %c0_i32_0 : i32, i32
  }
  func.func @transform_6(%arg0: i32) -> (i32, i32) {
    %c0_i32 = arith.constant 0 : i32
    %c0_i32_0 = arith.constant 0 : i32
    %c0_i32_1 = arith.constant 0 : i32
    return %c0_i32, %c0_i32_0 : i32, i32
  }
  func.func @transform_7(%arg0: i32) -> (i32, i32) {
    %c0_i32 = arith.constant 0 : i32
    %c0_i32_0 = arith.constant 0 : i32
    %c0_i32_1 = arith.constant 0 : i32
    return %c0_i32, %c0_i32_0 : i32, i32
  }
  func.func @transform_8(%arg0: i32) -> (i32, i32) {
    %c0_i32 = arith.constant 0 : i32
    %c0_i32_0 = arith.constant 0 : i32
    %c0_i32_1 = arith.constant 0 : i32
    return %c0_i32, %c0_i32_0 : i32, i32
  }
  func.func @transform_9(%arg0: i32) -> (i32, i32) {
    %c0_i32 = arith.constant 0 : i32
    %c0_i32_0 = arith.constant 0 : i32
    return %arg0, %c0_i32 : i32, i32
  }
}

module attributes {stable_mosaic.version = 14 : i64} {
  func.func @_tc_edge_mlp(%arg0: i32, %arg1: memref<4x3200xf32, #tpu.memory_space<vmem>>, %arg2: memref<3200x128xf32, #tpu.memory_space<vmem>>, %arg3: memref<3x3200xf32, #tpu.memory_space<vmem>>, %arg4: memref<8x1xf32, #tpu.memory_space<vmem>>, %arg5: memref<2x16xf32, #tpu.memory_space<vmem>>, %arg6: memref<8x4xf32, #tpu.memory_space<vmem>>, %arg7: memref<154x64xf32, #tpu.memory_space<vmem>>, %arg8: memref<1x64xf32, #tpu.memory_space<vmem>>, %arg9: memref<64x64xf32, #tpu.memory_space<vmem>>, %arg10: memref<1x64xf32, #tpu.memory_space<vmem>>, %arg11: memref<64x64xf32, #tpu.memory_space<vmem>>, %arg12: memref<1x64xf32, #tpu.memory_space<vmem>>, %arg13: memref<3200x128xf32, #tpu.memory_space<vmem>>) attributes {dimension_semantics = [#tpu.dimension_semantics<parallel>], iteration_bounds = array<i64: 250>, scalar_prefetch = 0 : i64, scratch_operands = 0 : i64, tpu.core_type = #tpu.core_type<tc>, window_params = [{transform_indices = @transform_0, window_bounds = array<i64: 4, 3200>}, {transform_indices = @transform_1, window_bounds = array<i64: 3200, 128>}, {transform_indices = @transform_2, window_bounds = array<i64: 3, 3200>}, {pipeline_mode = #tpu.pipeline_mode<synchronous>, transform_indices = @transform_3, window_bounds = array<i64: 8, 1>}, {pipeline_mode = #tpu.pipeline_mode<synchronous>, transform_indices = @transform_4, window_bounds = array<i64: 2, 16>}, {pipeline_mode = #tpu.pipeline_mode<synchronous>, transform_indices = @transform_5, window_bounds = array<i64: 8, 4>}, {pipeline_mode = #tpu.pipeline_mode<synchronous>, transform_indices = @transform_6, window_bounds = array<i64: 154, 64>}, {pipeline_mode = #tpu.pipeline_mode<synchronous>, transform_indices = @transform_7, window_bounds = array<i64: 1, 64>}, {pipeline_mode = #tpu.pipeline_mode<synchronous>, transform_indices = @transform_8, window_bounds = array<i64: 64, 64>}, {pipeline_mode = #tpu.pipeline_mode<synchronous>, transform_indices = @transform_9, window_bounds = array<i64: 1, 64>}, {pipeline_mode = #tpu.pipeline_mode<synchronous>, transform_indices = @transform_10, window_bounds = array<i64: 64, 64>}, {pipeline_mode = #tpu.pipeline_mode<synchronous>, transform_indices = @transform_11, window_bounds = array<i64: 1, 64>}, {transform_indices = @transform_12, window_bounds = array<i64: 3200, 128>}]} {
    %get3A = arith.constant 0 : index
    %get3A_0 = arith.constant 0 : index
    %get3A_1 = vector.load %arg2[%get3A, %get3A_0] : memref<3200x128xf32, #tpu.memory_space<vmem>>, vector<3200x128xf32>
    %get3A_2 = arith.constant 0 : index
    %get3A_3 = arith.constant 0 : index
    %get3A_4 = vector.load %arg3[%get3A_2, %get3A_3] : memref<3x3200xf32, #tpu.memory_space<vmem>>, vector<3x3200xf32>
    %get3A_5 = arith.constant 0 : index
    %get3A_6 = arith.constant 0 : index
    %get3A_7 = vector.load %arg7[%get3A_5, %get3A_6] : memref<154x64xf32, #tpu.memory_space<vmem>>, vector<154x64xf32>
    %get3A_8 = arith.constant 0 : index
    %get3A_9 = arith.constant 0 : index
    %get3A_10 = vector.load %arg4[%get3A_8, %get3A_9] : memref<8x1xf32, #tpu.memory_space<vmem>>, vector<8x1xf32>
    %iota3A = tpu.iota {dimensions = array<i32: 1>} : vector<1x2xi32>
    %convert_element_type3A = arith.sitofp %iota3A : vector<1x2xi32> to vector<1x2xf32>
    %eq3A = vector.broadcast %get3A_10 : vector<8x1xf32> to vector<8x2xf32>
    %eq3A_11 = vector.broadcast %convert_element_type3A : vector<1x2xf32> to vector<8x2xf32>
    %eq3A_12 = arith.cmpf oeq, %eq3A, %eq3A_11 : vector<8x2xf32>
    %convert_element_type3A_13 = arith.extui %eq3A_12 : vector<8x2xi1> to vector<8x2xi32>
    %convert_element_type3A_14 = arith.sitofp %convert_element_type3A_13 : vector<8x2xi32> to vector<8x2xf32>
    %get3A_15 = arith.constant 0 : index
    %get3A_16 = arith.constant 0 : index
    %get3A_17 = vector.load %arg5[%get3A_15, %get3A_16] : memref<2x16xf32, #tpu.memory_space<vmem>>, vector<2x16xf32>
    %dot_general3A = arith.constant dense<0.000000e+00> : vector<8x16xf32>
    %dot_general3A_18 = tpu.matmul %convert_element_type3A_14, %get3A_17, %dot_general3A {dimension_numbers = #tpu.dot_dimension_numbers<[1], [0], [0], [1], [0, 0, 1, 1], [], []>, transpose_lhs_hint = false} : vector<8x2xf32>, vector<2x16xf32>, vector<8x16xf32> -> vector<8x16xf32>
    %slice3A = vector.extract_strided_slice %get3A_7 {offsets = [132, 0], sizes = [16, 64], strides = [1, 1]} : vector<154x64xf32> to vector<16x64xf32>
    %dot_general3A_19 = arith.constant dense<0.000000e+00> : vector<8x64xf32>
    %dot_general3A_20 = tpu.matmul %dot_general3A_18, %slice3A, %dot_general3A_19 {dimension_numbers = #tpu.dot_dimension_numbers<[1], [0], [0], [1], [0, 0, 1, 1], [], []>, transpose_lhs_hint = false} : vector<8x16xf32>, vector<16x64xf32>, vector<8x64xf32> -> vector<8x64xf32>
    %get3A_21 = arith.constant 0 : index
    %get3A_22 = arith.constant 0 : index
    %get3A_23 = vector.load %arg6[%get3A_21, %get3A_22] : memref<8x4xf32, #tpu.memory_space<vmem>>, vector<8x4xf32>
    %slice3A_24 = vector.extract_strided_slice %get3A_7 {offsets = [148, 0], sizes = [4, 64], strides = [1, 1]} : vector<154x64xf32> to vector<4x64xf32>
    %dot_general3A_25 = arith.constant dense<0.000000e+00> : vector<8x64xf32>
    %dot_general3A_26 = tpu.matmul %get3A_23, %slice3A_24, %dot_general3A_25 {dimension_numbers = #tpu.dot_dimension_numbers<[1], [0], [0], [1], [0, 0, 1, 1], [], []>, transpose_lhs_hint = false} : vector<8x4xf32>, vector<4x64xf32>, vector<8x64xf32> -> vector<8x64xf32>
    %add3A = arith.addf %dot_general3A_20, %dot_general3A_26 : vector<8x64xf32>
    %iota3A_27 = tpu.iota {dimensions = array<i32: 0>} : vector<8x1xi32>
    %convert_element_type3A_28 = arith.sitofp %iota3A_27 : vector<8x1xi32> to vector<8x1xf32>
    %slice3A_29 = vector.extract_strided_slice %get3A_4 {offsets = [0, 0], sizes = [1, 3200], strides = [1, 1]} : vector<3x3200xf32> to vector<1x3200xf32>
    %eq3A_30 = vector.broadcast %convert_element_type3A_28 : vector<8x1xf32> to vector<8x3200xf32>
    %eq3A_31 = vector.broadcast %slice3A_29 : vector<1x3200xf32> to vector<8x3200xf32>
    %eq3A_32 = arith.cmpf oeq, %eq3A_30, %eq3A_31 : vector<8x3200xf32>
    %convert_element_type3A_33 = arith.extui %eq3A_32 : vector<8x3200xi1> to vector<8x3200xi32>
    %convert_element_type3A_34 = arith.sitofp %convert_element_type3A_33 : vector<8x3200xi32> to vector<8x3200xf32>
    %get3A_35 = arith.constant 0 : index
    %get3A_36 = arith.constant 0 : index
    %get3A_37 = vector.load %arg1[%get3A_35, %get3A_36] : memref<4x3200xf32, #tpu.memory_space<vmem>>, vector<4x3200xf32>
    %slice3A_38 = vector.extract_strided_slice %get3A_4 {offsets = [1, 0], sizes = [2, 3200], strides = [1, 1]} : vector<3x3200xf32> to vector<2x3200xf32>
    %concatenate3A = tpu.concatenate %get3A_37, %convert_element_type3A_34, %slice3A_38 in 0 : vector<4x3200xf32>, vector<8x3200xf32>, vector<2x3200xf32> -> vector<14x3200xf32>
    %slice3A_39 = vector.extract_strided_slice %get3A_7 {offsets = [0, 0], sizes = [4, 64], strides = [1, 1]} : vector<154x64xf32> to vector<4x64xf32>
    %slice3A_40 = vector.extract_strided_slice %get3A_7 {offsets = [152, 0], sizes = [2, 64], strides = [1, 1]} : vector<154x64xf32> to vector<2x64xf32>
    %concatenate3A_41 = tpu.concatenate %slice3A_39, %add3A, %slice3A_40 in 0 : vector<4x64xf32>, vector<8x64xf32>, vector<2x64xf32> -> vector<14x64xf32>
    %slice3A_42 = vector.extract_strided_slice %get3A_7 {offsets = [4, 0], sizes = [128, 64], strides = [1, 1]} : vector<154x64xf32> to vector<128x64xf32>
    %dot_general3A_43 = arith.constant dense<0.000000e+00> : vector<3200x64xf32>
    %dot_general3A_44 = tpu.matmul %get3A_1, %slice3A_42, %dot_general3A_43 {dimension_numbers = #tpu.dot_dimension_numbers<[1], [0], [0], [1], [0, 0, 1, 1], [], []>, transpose_lhs_hint = false} : vector<3200x128xf32>, vector<128x64xf32>, vector<3200x64xf32> -> vector<3200x64xf32>
    %dot_general3A_45 = arith.constant dense<0.000000e+00> : vector<3200x64xf32>
    %dot_general3A_46 = tpu.matmul %concatenate3A, %concatenate3A_41, %dot_general3A_45 {dimension_numbers = #tpu.dot_dimension_numbers<[0], [0], [1], [1], [0, 1, 1, 1], [], []>, transpose_lhs_hint = false} : vector<14x3200xf32>, vector<14x64xf32>, vector<3200x64xf32> -> vector<3200x64xf32>
    %add3A_47 = arith.addf %dot_general3A_44, %dot_general3A_46 : vector<3200x64xf32>
    %get3A_48 = arith.constant 0 : index
    %get3A_49 = arith.constant 0 : index
    %get3A_50 = vector.load %arg8[%get3A_48, %get3A_49] : memref<1x64xf32, #tpu.memory_space<vmem>>, vector<1x64xf32>
    %add3A_51 = vector.broadcast %get3A_50 : vector<1x64xf32> to vector<3200x64xf32>
    %add3A_52 = arith.addf %add3A_47, %add3A_51 : vector<3200x64xf32>
    %max3A = arith.constant 0.000000e+00 : f32
    %max3A_53 = vector.broadcast %max3A : f32 to vector<3200x64xf32>
    %max3A_54 = arith.maximumf %add3A_52, %max3A_53 : vector<3200x64xf32>
    %get3A_55 = arith.constant 0 : index
    %get3A_56 = arith.constant 0 : index
    %get3A_57 = vector.load %arg9[%get3A_55, %get3A_56] : memref<64x64xf32, #tpu.memory_space<vmem>>, vector<64x64xf32>
    %dot_general3A_58 = arith.constant dense<0.000000e+00> : vector<3200x64xf32>
    %dot_general3A_59 = tpu.matmul %max3A_54, %get3A_57, %dot_general3A_58 {dimension_numbers = #tpu.dot_dimension_numbers<[1], [0], [0], [1], [0, 0, 1, 1], [], []>, transpose_lhs_hint = false} : vector<3200x64xf32>, vector<64x64xf32>, vector<3200x64xf32> -> vector<3200x64xf32>
    %get3A_60 = arith.constant 0 : index
    %get3A_61 = arith.constant 0 : index
    %get3A_62 = vector.load %arg10[%get3A_60, %get3A_61] : memref<1x64xf32, #tpu.memory_space<vmem>>, vector<1x64xf32>
    %add3A_63 = vector.broadcast %get3A_62 : vector<1x64xf32> to vector<3200x64xf32>
    %add3A_64 = arith.addf %dot_general3A_59, %add3A_63 : vector<3200x64xf32>
    %max3A_65 = arith.constant 0.000000e+00 : f32
    %max3A_66 = vector.broadcast %max3A_65 : f32 to vector<3200x64xf32>
    %max3A_67 = arith.maximumf %add3A_64, %max3A_66 : vector<3200x64xf32>
    %slice3A_68 = vector.extract_strided_slice %get3A_4 {offsets = [2, 0], sizes = [1, 3200], strides = [1, 1]} : vector<3x3200xf32> to vector<1x3200xf32>
    %broadcast_in_dim3A = arith.constant 1.000000e+00 : f32
    %broadcast_in_dim3A_69 = vector.broadcast %broadcast_in_dim3A : f32 to vector<1x1xf32>
    %dot_general3A_70 = arith.constant dense<0.000000e+00> : vector<3200x1xf32>
    %dot_general3A_71 = tpu.matmul %slice3A_68, %broadcast_in_dim3A_69, %dot_general3A_70 {dimension_numbers = #tpu.dot_dimension_numbers<[0], [0], [1], [1], [0, 1, 1, 1], [], []>, transpose_lhs_hint = false} : vector<1x3200xf32>, vector<1x1xf32>, vector<3200x1xf32> -> vector<3200x1xf32>
    %get3A_72 = arith.constant 0 : index
    %get3A_73 = arith.constant 0 : index
    %get3A_74 = vector.load %arg11[%get3A_72, %get3A_73] : memref<64x64xf32, #tpu.memory_space<vmem>>, vector<64x64xf32>
    %dot_general3A_75 = arith.constant dense<0.000000e+00> : vector<3200x64xf32>
    %dot_general3A_76 = tpu.matmul %max3A_67, %get3A_74, %dot_general3A_75 {dimension_numbers = #tpu.dot_dimension_numbers<[1], [0], [0], [1], [0, 0, 1, 1], [], []>, transpose_lhs_hint = false} : vector<3200x64xf32>, vector<64x64xf32>, vector<3200x64xf32> -> vector<3200x64xf32>
    %get3A_77 = arith.constant 0 : index
    %get3A_78 = arith.constant 0 : index
    %get3A_79 = vector.load %arg12[%get3A_77, %get3A_78] : memref<1x64xf32, #tpu.memory_space<vmem>>, vector<1x64xf32>
    %add3A_80 = vector.broadcast %get3A_79 : vector<1x64xf32> to vector<3200x64xf32>
    %add3A_81 = arith.addf %dot_general3A_76, %add3A_80 : vector<3200x64xf32>
    %mul3A = vector.broadcast %dot_general3A_71 : vector<3200x1xf32> to vector<3200x64xf32>
    %mul3A_82 = arith.mulf %add3A_81, %mul3A : vector<3200x64xf32>
    %concatenate3A_83 = tpu.concatenate %max3A_67, %mul3A_82 in 1 : vector<3200x64xf32>, vector<3200x64xf32> -> vector<3200x128xf32>
    %swap3A = arith.constant 0 : index
    %swap3A_84 = arith.constant 0 : index
    %swap3A_85 = vector.load %arg13[%swap3A, %swap3A_84] : memref<3200x128xf32, #tpu.memory_space<vmem>>, vector<3200x128xf32>
    tpu.vector_store %arg13[%swap3A, %swap3A_84], %concatenate3A_83 {strides = array<i32>} : memref<3200x128xf32, #tpu.memory_space<vmem>>, vector<3200x128xf32>,
    return
  }
  func.func @transform_0(%arg0: i32) -> (i32, i32) {
    %c0_i32 = arith.constant 0 : i32
    %c0_i32_0 = arith.constant 0 : i32
    return %c0_i32, %arg0 : i32, i32
  }
  func.func @transform_1(%arg0: i32) -> (i32, i32) {
    %c0_i32 = arith.constant 0 : i32
    %c0_i32_0 = arith.constant 0 : i32
    return %arg0, %c0_i32 : i32, i32
  }
  func.func @transform_2(%arg0: i32) -> (i32, i32) {
    %c0_i32 = arith.constant 0 : i32
    %c0_i32_0 = arith.constant 0 : i32
    return %c0_i32, %arg0 : i32, i32
  }
  func.func @transform_3(%arg0: i32) -> (i32, i32) {
    %c0_i32 = arith.constant 0 : i32
    %c0_i32_0 = arith.constant 0 : i32
    %c0_i32_1 = arith.constant 0 : i32
    return %c0_i32, %c0_i32_0 : i32, i32
  }
  func.func @transform_4(%arg0: i32) -> (i32, i32) {
    %c0_i32 = arith.constant 0 : i32
    %c0_i32_0 = arith.constant 0 : i32
    %c0_i32_1 = arith.constant 0 : i32
    return %c0_i32, %c0_i32_0 : i32, i32
  }
  func.func @transform_5(%arg0: i32) -> (i32, i32) {
    %c0_i32 = arith.constant 0 : i32
    %c0_i32_0 = arith.constant 0 : i32
    %c0_i32_1 = arith.constant 0 : i32
    return %c0_i32, %c0_i32_0 : i32, i32
  }
  func.func @transform_6(%arg0: i32) -> (i32, i32) {
    %c0_i32 = arith.constant 0 : i32
    %c0_i32_0 = arith.constant 0 : i32
    %c0_i32_1 = arith.constant 0 : i32
    return %c0_i32, %c0_i32_0 : i32, i32
  }
  func.func @transform_7(%arg0: i32) -> (i32, i32) {
    %c0_i32 = arith.constant 0 : i32
    %c0_i32_0 = arith.constant 0 : i32
    %c0_i32_1 = arith.constant 0 : i32
    return %c0_i32, %c0_i32_0 : i32, i32
  }
  func.func @transform_8(%arg0: i32) -> (i32, i32) {
    %c0_i32 = arith.constant 0 : i32
    %c0_i32_0 = arith.constant 0 : i32
    %c0_i32_1 = arith.constant 0 : i32
    return %c0_i32, %c0_i32_0 : i32, i32
  }
  func.func @transform_9(%arg0: i32) -> (i32, i32) {
    %c0_i32 = arith.constant 0 : i32
    %c0_i32_0 = arith.constant 0 : i32
    %c0_i32_1 = arith.constant 0 : i32
    return %c0_i32, %c0_i32_0 : i32, i32
  }
  func.func @transform_10(%arg0: i32) -> (i32, i32) {
    %c0_i32 = arith.constant 0 : i32
    %c0_i32_0 = arith.constant 0 : i32
    %c0_i32_1 = arith.constant 0 : i32
    return %c0_i32, %c0_i32_0 : i32, i32
  }
  func.func @transform_11(%arg0: i32) -> (i32, i32) {
    %c0_i32 = arith.constant 0 : i32
    %c0_i32_0 = arith.constant 0 : i32
    %c0_i32_1 = arith.constant 0 : i32
    return %c0_i32, %c0_i32_0 : i32, i32
  }
  func.func @transform_12(%arg0: i32) -> (i32, i32) {
    %c0_i32 = arith.constant 0 : i32
    %c0_i32_0 = arith.constant 0 : i32
    return %arg0, %c0_i32 : i32, i32
  }
}

module attributes {stable_mosaic.version = 14 : i64} {
  func.func @_tc_node_update(%arg0: i32, %arg1: memref<1000x64xf32, #tpu.memory_space<vmem>>, %arg2: memref<1000x64xf32, #tpu.memory_space<vmem>>, %arg3: memref<1000x7xf32, #tpu.memory_space<vmem>>, %arg4: memref<1x3x1000xf32, #tpu.memory_space<vmem>>, %arg5: memref<128x64xf32, #tpu.memory_space<vmem>>, %arg6: memref<1x64xf32, #tpu.memory_space<vmem>>, %arg7: memref<64x7xf32, #tpu.memory_space<vmem>>, %arg8: memref<1x7xf32, #tpu.memory_space<vmem>>, %arg9: memref<1000x64xf32, #tpu.memory_space<vmem>>, %arg10: memref<1000x7xf32, #tpu.memory_space<vmem>>, %arg11: memref<1000x7xf32, #tpu.memory_space<vmem>>) attributes {dimension_semantics = [#tpu.dimension_semantics<parallel>], iteration_bounds = array<i64: 50>, scalar_prefetch = 0 : i64, scratch_operands = 0 : i64, tpu.core_type = #tpu.core_type<tc>, window_params = [{transform_indices = @transform_0, window_bounds = array<i64: 1000, 64>}, {transform_indices = @transform_1, window_bounds = array<i64: 1000, 64>}, {transform_indices = @transform_2, window_bounds = array<i64: 1000, 7>}, {transform_indices = @transform_3, window_bounds = array<i64: 1, 3, 1000>}, {pipeline_mode = #tpu.pipeline_mode<synchronous>, transform_indices = @transform_4, window_bounds = array<i64: 128, 64>}, {pipeline_mode = #tpu.pipeline_mode<synchronous>, transform_indices = @transform_5, window_bounds = array<i64: 1, 64>}, {pipeline_mode = #tpu.pipeline_mode<synchronous>, transform_indices = @transform_6, window_bounds = array<i64: 64, 7>}, {pipeline_mode = #tpu.pipeline_mode<synchronous>, transform_indices = @transform_7, window_bounds = array<i64: 1, 7>}, {transform_indices = @transform_8, window_bounds = array<i64: 1000, 64>}, {transform_indices = @transform_9, window_bounds = array<i64: 1000, 7>}, {transform_indices = @transform_10, window_bounds = array<i64: 1000, 7>}]} {
    %get3A = arith.constant 0 : index
    %get3A_0 = arith.constant 0 : index
    %get3A_1 = vector.load %arg1[%get3A, %get3A_0] : memref<1000x64xf32, #tpu.memory_space<vmem>>, vector<1000x64xf32>
    %get3A_2 = arith.constant 0 : index
    %get3A_3 = arith.constant 0 : index
    %get3A_4 = vector.load %arg2[%get3A_2, %get3A_3] : memref<1000x64xf32, #tpu.memory_space<vmem>>, vector<1000x64xf32>
    %get3A_5 = arith.constant 0 : index
    %get3A_6 = arith.constant 0 : index
    %get3A_7 = vector.load %arg5[%get3A_5, %get3A_6] : memref<128x64xf32, #tpu.memory_space<vmem>>, vector<128x64xf32>
    %slice3A = vector.extract_strided_slice %get3A_7 {offsets = [0, 0], sizes = [64, 64], strides = [1, 1]} : vector<128x64xf32> to vector<64x64xf32>
    %dot_general3A = arith.constant dense<0.000000e+00> : vector<1000x64xf32>
    %dot_general3A_8 = tpu.matmul %get3A_1, %slice3A, %dot_general3A {dimension_numbers = #tpu.dot_dimension_numbers<[1], [0], [0], [1], [0, 0, 1, 1], [], []>, transpose_lhs_hint = false} : vector<1000x64xf32>, vector<64x64xf32>, vector<1000x64xf32> -> vector<1000x64xf32>
    %slice3A_9 = vector.extract_strided_slice %get3A_7 {offsets = [64, 0], sizes = [64, 64], strides = [1, 1]} : vector<128x64xf32> to vector<64x64xf32>
    %dot_general3A_10 = arith.constant dense<0.000000e+00> : vector<1000x64xf32>
    %dot_general3A_11 = tpu.matmul %get3A_4, %slice3A_9, %dot_general3A_10 {dimension_numbers = #tpu.dot_dimension_numbers<[1], [0], [0], [1], [0, 0, 1, 1], [], []>, transpose_lhs_hint = false} : vector<1000x64xf32>, vector<64x64xf32>, vector<1000x64xf32> -> vector<1000x64xf32>
    %add3A = arith.addf %dot_general3A_8, %dot_general3A_11 : vector<1000x64xf32>
    %get3A_12 = arith.constant 0 : index
    %get3A_13 = arith.constant 0 : index
    %get3A_14 = vector.load %arg6[%get3A_12, %get3A_13] : memref<1x64xf32, #tpu.memory_space<vmem>>, vector<1x64xf32>
    %add3A_15 = vector.broadcast %get3A_14 : vector<1x64xf32> to vector<1000x64xf32>
    %add3A_16 = arith.addf %add3A, %add3A_15 : vector<1000x64xf32>
    %max3A = arith.constant 0.000000e+00 : f32
    %max3A_17 = vector.broadcast %max3A : f32 to vector<1000x64xf32>
    %max3A_18 = arith.maximumf %add3A_16, %max3A_17 : vector<1000x64xf32>
    %get3A_19 = arith.constant 0 : index
    %get3A_20 = arith.constant 0 : index
    %get3A_21 = vector.load %arg7[%get3A_19, %get3A_20] : memref<64x7xf32, #tpu.memory_space<vmem>>, vector<64x7xf32>
    %dot_general3A_22 = arith.constant dense<0.000000e+00> : vector<1000x7xf32>
    %dot_general3A_23 = tpu.matmul %max3A_18, %get3A_21, %dot_general3A_22 {dimension_numbers = #tpu.dot_dimension_numbers<[1], [0], [0], [1], [0, 0, 1, 1], [], []>, transpose_lhs_hint = false} : vector<1000x64xf32>, vector<64x7xf32>, vector<1000x7xf32> -> vector<1000x7xf32>
    %get3A_24 = arith.constant 0 : index
    %get3A_25 = arith.constant 0 : index
    %get3A_26 = vector.load %arg8[%get3A_24, %get3A_25] : memref<1x7xf32, #tpu.memory_space<vmem>>, vector<1x7xf32>
    %add3A_27 = vector.broadcast %get3A_26 : vector<1x7xf32> to vector<1000x7xf32>
    %add3A_28 = arith.addf %dot_general3A_23, %add3A_27 : vector<1000x7xf32>
    %get3A_29 = arith.constant 0 : index
    %get3A_30 = arith.constant 0 : index
    %get3A_31 = arith.constant 0 : index
    %get3A_32 = vector.load %arg4[%get3A_29, %get3A_30, %get3A_31] : memref<1x3x1000xf32, #tpu.memory_space<vmem>>, vector<1x3x1000xf32>
    %get3A_33 = vector.shape_cast %get3A_32 : vector<1x3x1000xf32> to vector<3x1000xf32>
    %transpose3A = tpu.transpose %get3A_33, [1, 0] : vector<3x1000xf32> -> vector<1000x3xf32>
    %slice3A_34 = vector.extract_strided_slice %transpose3A {offsets = [0, 2], sizes = [1000, 1], strides = [1, 1]} : vector<1000x3xf32> to vector<1000x1xf32>
    %get3A_35 = arith.constant 0 : index
    %get3A_36 = arith.constant 0 : index
    %get3A_37 = vector.load %arg3[%get3A_35, %get3A_36] : memref<1000x7xf32, #tpu.memory_space<vmem>>, vector<1000x7xf32>
    %mul3A = vector.broadcast %slice3A_34 : vector<1000x1xf32> to vector<1000x7xf32>
    %mul3A_38 = arith.mulf %add3A_28, %mul3A : vector<1000x7xf32>
    %swap3A = arith.constant 0 : index
    %swap3A_39 = arith.constant 0 : index
    %swap3A_40 = vector.load %arg9[%swap3A, %swap3A_39] : memref<1000x64xf32, #tpu.memory_space<vmem>>, vector<1000x64xf32>
    tpu.vector_store %arg9[%swap3A, %swap3A_39], %max3A_18 {strides = array<i32>} : memref<1000x64xf32, #tpu.memory_space<vmem>>, vector<1000x64xf32>,
    %swap3A_41 = arith.constant 0 : index
    %swap3A_42 = arith.constant 0 : index
    %swap3A_43 = vector.load %arg10[%swap3A_41, %swap3A_42] : memref<1000x7xf32, #tpu.memory_space<vmem>>, vector<1000x7xf32>
    tpu.vector_store %arg10[%swap3A_41, %swap3A_42], %mul3A_38 {strides = array<i32>} : memref<1000x7xf32, #tpu.memory_space<vmem>>, vector<1000x7xf32>,
    %gt3A = arith.constant 5.000000e-01 : f32
    %gt3A_44 = vector.broadcast %gt3A : f32 to vector<1000x1xf32>
    %gt3A_45 = arith.cmpf ogt, %slice3A_34, %gt3A_44 : vector<1000x1xf32>
    %add3A_46 = arith.addf %get3A_37, %mul3A_38 : vector<1000x7xf32>
    %broadcast_in_dim3A = vector.shape_cast %gt3A_45 : vector<1000x1xi1> to vector<1000x1xi1>
    %broadcast_in_dim3A_47 = vector.broadcast %broadcast_in_dim3A : vector<1000x1xi1> to vector<1000x7xi1>
    %select_n3A = arith.select %broadcast_in_dim3A_47, %add3A_46, %get3A_37 : vector<1000x7xi1>, vector<1000x7xf32>
    %swap3A_48 = arith.constant 0 : index
    %swap3A_49 = arith.constant 0 : index
    %swap3A_50 = vector.load %arg11[%swap3A_48, %swap3A_49] : memref<1000x7xf32, #tpu.memory_space<vmem>>, vector<1000x7xf32>
    tpu.vector_store %arg11[%swap3A_48, %swap3A_49], %select_n3A {strides = array<i32>} : memref<1000x7xf32, #tpu.memory_space<vmem>>, vector<1000x7xf32>,
    return
  }
  func.func @transform_0(%arg0: i32) -> (i32, i32) {
    %c0_i32 = arith.constant 0 : i32
    %c0_i32_0 = arith.constant 0 : i32
    return %arg0, %c0_i32 : i32, i32
  }
  func.func @transform_1(%arg0: i32) -> (i32, i32) {
    %c0_i32 = arith.constant 0 : i32
    %c0_i32_0 = arith.constant 0 : i32
    return %arg0, %c0_i32 : i32, i32
  }
  func.func @transform_2(%arg0: i32) -> (i32, i32) {
    %c0_i32 = arith.constant 0 : i32
    %c0_i32_0 = arith.constant 0 : i32
    return %arg0, %c0_i32 : i32, i32
  }
  func.func @transform_3(%arg0: i32) -> (i32, i32, i32) {
    %c0_i32 = arith.constant 0 : i32
    %c0_i32_0 = arith.constant 0 : i32
    %c0_i32_1 = arith.constant 0 : i32
    return %arg0, %c0_i32, %c0_i32_0 : i32, i32, i32
  }
  func.func @transform_4(%arg0: i32) -> (i32, i32) {
    %c0_i32 = arith.constant 0 : i32
    %c0_i32_0 = arith.constant 0 : i32
    %c0_i32_1 = arith.constant 0 : i32
    return %c0_i32, %c0_i32_0 : i32, i32
  }
  func.func @transform_5(%arg0: i32) -> (i32, i32) {
    %c0_i32 = arith.constant 0 : i32
    %c0_i32_0 = arith.constant 0 : i32
    %c0_i32_1 = arith.constant 0 : i32
    return %c0_i32, %c0_i32_0 : i32, i32
  }
  func.func @transform_6(%arg0: i32) -> (i32, i32) {
    %c0_i32 = arith.constant 0 : i32
    %c0_i32_0 = arith.constant 0 : i32
    %c0_i32_1 = arith.constant 0 : i32
    return %c0_i32, %c0_i32_0 : i32, i32
  }
  func.func @transform_7(%arg0: i32) -> (i32, i32) {
    %c0_i32 = arith.constant 0 : i32
    %c0_i32_0 = arith.constant 0 : i32
    %c0_i32_1 = arith.constant 0 : i32
    return %c0_i32, %c0_i32_0 : i32, i32
  }
  func.func @transform_8(%arg0: i32) -> (i32, i32) {
    %c0_i32 = arith.constant 0 : i32
    %c0_i32_0 = arith.constant 0 : i32
    return %arg0, %c0_i32 : i32, i32
  }
  func.func @transform_9(%arg0: i32) -> (i32, i32) {
    %c0_i32 = arith.constant 0 : i32
    %c0_i32_0 = arith.constant 0 : i32
    return %arg0, %c0_i32 : i32, i32
  }
  func.func @transform_10(%arg0: i32) -> (i32, i32) {
    %c0_i32 = arith.constant 0 : i32
    %c0_i32_0 = arith.constant 0 : i32
    return %arg0, %c0_i32 : i32, i32
  }
}

module attributes {stable_mosaic.version = 14 : i64} {
  func.func @_tc_edge_delta(%arg0: i32, %arg1: memref<3200x128xf32, #tpu.memory_space<vmem>>, %arg2: memref<3200x128xf32, #tpu.memory_space<vmem>>, %arg3: memref<4x3200xf32, #tpu.memory_space<vmem>>, %arg4: memref<3x3200xf32, #tpu.memory_space<vmem>>, %arg5: memref<192x64xf32, #tpu.memory_space<vmem>>, %arg6: memref<1x64xf32, #tpu.memory_space<vmem>>, %arg7: memref<64x4xf32, #tpu.memory_space<vmem>>, %arg8: memref<1x4xf32, #tpu.memory_space<vmem>>, %arg9: memref<128x64xf32, #tpu.memory_space<vmem>>, %arg10: memref<8x3200xf32, #tpu.memory_space<vmem>>) attributes {dimension_semantics = [#tpu.dimension_semantics<parallel>], iteration_bounds = array<i64: 250>, scalar_prefetch = 0 : i64, scratch_operands = 0 : i64, tpu.core_type = #tpu.core_type<tc>, window_params = [{transform_indices = @transform_0, window_bounds = array<i64: 3200, 128>}, {transform_indices = @transform_1, window_bounds = array<i64: 3200, 128>}, {transform_indices = @transform_2, window_bounds = array<i64: 4, 3200>}, {transform_indices = @transform_3, window_bounds = array<i64: 3, 3200>}, {pipeline_mode = #tpu.pipeline_mode<synchronous>, transform_indices = @transform_4, window_bounds = array<i64: 192, 64>}, {pipeline_mode = #tpu.pipeline_mode<synchronous>, transform_indices = @transform_5, window_bounds = array<i64: 1, 64>}, {pipeline_mode = #tpu.pipeline_mode<synchronous>, transform_indices = @transform_6, window_bounds = array<i64: 64, 4>}, {pipeline_mode = #tpu.pipeline_mode<synchronous>, transform_indices = @transform_7, window_bounds = array<i64: 1, 4>}, {pipeline_mode = #tpu.pipeline_mode<synchronous>, transform_indices = @transform_8, window_bounds = array<i64: 128, 64>}, {transform_indices = @transform_9, window_bounds = array<i64: 8, 3200>}]} {
    %get3A = arith.constant 0 : index
    %get3A_0 = arith.constant 0 : index
    %get3A_1 = vector.load %arg5[%get3A, %get3A_0] : memref<192x64xf32, #tpu.memory_space<vmem>>, vector<192x64xf32>
    %get3A_2 = arith.constant 0 : index
    %get3A_3 = arith.constant 0 : index
    %get3A_4 = vector.load %arg1[%get3A_2, %get3A_3] : memref<3200x128xf32, #tpu.memory_space<vmem>>, vector<3200x128xf32>
    %get3A_5 = arith.constant 0 : index
    %get3A_6 = arith.constant 0 : index
    %get3A_7 = vector.load %arg9[%get3A_5, %get3A_6] : memref<128x64xf32, #tpu.memory_space<vmem>>, vector<128x64xf32>
    %dot_general3A = arith.constant dense<0.000000e+00> : vector<3200x64xf32>
    %dot_general3A_8 = tpu.matmul %get3A_4, %get3A_7, %dot_general3A {dimension_numbers = #tpu.dot_dimension_numbers<[1], [0], [0], [1], [0, 0, 1, 1], [], []>, transpose_lhs_hint = false} : vector<3200x128xf32>, vector<128x64xf32>, vector<3200x64xf32> -> vector<3200x64xf32>
    %get3A_9 = arith.constant 0 : index
    %get3A_10 = arith.constant 0 : index
    %get3A_11 = vector.load %arg2[%get3A_9, %get3A_10] : memref<3200x128xf32, #tpu.memory_space<vmem>>, vector<3200x128xf32>
    %slice3A = vector.extract_strided_slice %get3A_1 {offsets = [64, 0], sizes = [128, 64], strides = [1, 1]} : vector<192x64xf32> to vector<128x64xf32>
    %dot_general3A_12 = arith.constant dense<0.000000e+00> : vector<3200x64xf32>
    %dot_general3A_13 = tpu.matmul %get3A_11, %slice3A, %dot_general3A_12 {dimension_numbers = #tpu.dot_dimension_numbers<[1], [0], [0], [1], [0, 0, 1, 1], [], []>, transpose_lhs_hint = false} : vector<3200x128xf32>, vector<128x64xf32>, vector<3200x64xf32> -> vector<3200x64xf32>
    %add3A = arith.addf %dot_general3A_8, %dot_general3A_13 : vector<3200x64xf32>
    %get3A_14 = arith.constant 0 : index
    %get3A_15 = arith.constant 0 : index
    %get3A_16 = vector.load %arg6[%get3A_14, %get3A_15] : memref<1x64xf32, #tpu.memory_space<vmem>>, vector<1x64xf32>
    %add3A_17 = vector.broadcast %get3A_16 : vector<1x64xf32> to vector<3200x64xf32>
    %add3A_18 = arith.addf %add3A, %add3A_17 : vector<3200x64xf32>
    %max3A = arith.constant 0.000000e+00 : f32
    %max3A_19 = vector.broadcast %max3A : f32 to vector<3200x64xf32>
    %max3A_20 = arith.maximumf %add3A_18, %max3A_19 : vector<3200x64xf32>
    %get3A_21 = arith.constant 0 : index
    %get3A_22 = arith.constant 0 : index
    %get3A_23 = vector.load %arg7[%get3A_21, %get3A_22] : memref<64x4xf32, #tpu.memory_space<vmem>>, vector<64x4xf32>
    %dot_general3A_24 = arith.constant dense<0.000000e+00> : vector<3200x4xf32>
    %dot_general3A_25 = tpu.matmul %max3A_20, %get3A_23, %dot_general3A_24 {dimension_numbers = #tpu.dot_dimension_numbers<[1], [0], [0], [1], [0, 0, 1, 1], [], []>, transpose_lhs_hint = false} : vector<3200x64xf32>, vector<64x4xf32>, vector<3200x4xf32> -> vector<3200x4xf32>
    %get3A_26 = arith.constant 0 : index
    %get3A_27 = arith.constant 0 : index
    %get3A_28 = vector.load %arg8[%get3A_26, %get3A_27] : memref<1x4xf32, #tpu.memory_space<vmem>>, vector<1x4xf32>
    %add3A_29 = vector.broadcast %get3A_28 : vector<1x4xf32> to vector<3200x4xf32>
    %add3A_30 = arith.addf %dot_general3A_25, %add3A_29 : vector<3200x4xf32>
    %get3A_31 = arith.constant 0 : index
    %get3A_32 = arith.constant 0 : index
    %get3A_33 = vector.load %arg4[%get3A_31, %get3A_32] : memref<3x3200xf32, #tpu.memory_space<vmem>>, vector<3x3200xf32>
    %slice3A_34 = vector.extract_strided_slice %get3A_33 {offsets = [2, 0], sizes = [1, 3200], strides = [1, 1]} : vector<3x3200xf32> to vector<1x3200xf32>
    %broadcast_in_dim3A = arith.constant 1.000000e+00 : f32
    %broadcast_in_dim3A_35 = vector.broadcast %broadcast_in_dim3A : f32 to vector<1x1xf32>
    %dot_general3A_36 = arith.constant dense<0.000000e+00> : vector<3200x1xf32>
    %dot_general3A_37 = tpu.matmul %slice3A_34, %broadcast_in_dim3A_35, %dot_general3A_36 {dimension_numbers = #tpu.dot_dimension_numbers<[0], [0], [1], [1], [0, 1, 1, 1], [], []>, transpose_lhs_hint = false} : vector<1x3200xf32>, vector<1x1xf32>, vector<3200x1xf32> -> vector<3200x1xf32>
    %get3A_38 = arith.constant 0 : index
    %get3A_39 = arith.constant 0 : index
    %get3A_40 = vector.load %arg3[%get3A_38, %get3A_39] : memref<4x3200xf32, #tpu.memory_space<vmem>>, vector<4x3200xf32>
    %iota3A = tpu.iota {dimensions = array<i32: 0>} : vector<4x4xi32>
    %iota3A_41 = tpu.iota {dimensions = array<i32: 1>} : vector<4x4xi32>
    %add3A_42 = arith.constant 0 : i32
    %add3A_43 = vector.broadcast %add3A_42 : i32 to vector<4x4xi32>
    %add3A_44 = arith.addi %iota3A, %add3A_43 : vector<4x4xi32>
    %eq3A = arith.cmpi eq, %add3A_44, %iota3A_41 : vector<4x4xi32>
    %convert_element_type3A = arith.extui %eq3A : vector<4x4xi1> to vector<4x4xi32>
    %convert_element_type3A_45 = arith.sitofp %convert_element_type3A : vector<4x4xi32> to vector<4x4xf32>
    %dot_general3A_46 = arith.constant dense<0.000000e+00> : vector<3200x4xf32>
    %dot_general3A_47 = tpu.matmul %get3A_40, %convert_element_type3A_45, %dot_general3A_46 {dimension_numbers = #tpu.dot_dimension_numbers<[0], [0], [1], [1], [0, 1, 1, 1], [], []>, transpose_lhs_hint = false} : vector<4x3200xf32>, vector<4x4xf32>, vector<3200x4xf32> -> vector<3200x4xf32>
    %mul3A = vector.broadcast %dot_general3A_37 : vector<3200x1xf32> to vector<3200x4xf32>
    %mul3A_48 = arith.mulf %add3A_30, %mul3A : vector<3200x4xf32>
    %gt3A = arith.constant 5.000000e-01 : f32
    %gt3A_49 = vector.broadcast %gt3A : f32 to vector<3200x1xf32>
    %gt3A_50 = arith.cmpf ogt, %dot_general3A_37, %gt3A_49 : vector<3200x1xf32>
    %add3A_51 = arith.addf %dot_general3A_47, %mul3A_48 : vector<3200x4xf32>
    %broadcast_in_dim3A_52 = vector.shape_cast %gt3A_50 : vector<3200x1xi1> to vector<3200x1xi1>
    %broadcast_in_dim3A_53 = vector.broadcast %broadcast_in_dim3A_52 : vector<3200x1xi1> to vector<3200x4xi1>
    %select_n3A = arith.select %broadcast_in_dim3A_53, %add3A_51, %dot_general3A_47 : vector<3200x4xi1>, vector<3200x4xf32>
    %transpose3A = tpu.transpose %mul3A_48, [1, 0] : vector<3200x4xf32> -> vector<4x3200xf32>
    %transpose3A_54 = tpu.transpose %select_n3A, [1, 0] : vector<3200x4xf32> -> vector<4x3200xf32>
    %concatenate3A = tpu.concatenate %transpose3A, %transpose3A_54 in 0 : vector<4x3200xf32>, vector<4x3200xf32> -> vector<8x3200xf32>
    %swap3A = arith.constant 0 : index
    %swap3A_55 = arith.constant 0 : index
    %swap3A_56 = vector.load %arg10[%swap3A, %swap3A_55] : memref<8x3200xf32, #tpu.memory_space<vmem>>, vector<8x3200xf32>
    tpu.vector_store %arg10[%swap3A, %swap3A_55], %concatenate3A {strides = array<i32>} : memref<8x3200xf32, #tpu.memory_space<vmem>>, vector<8x3200xf32>,
    return
  }
  func.func @transform_0(%arg0: i32) -> (i32, i32) {
    %c0_i32 = arith.constant 0 : i32
    %c0_i32_0 = arith.constant 0 : i32
    return %arg0, %c0_i32 : i32, i32
  }
  func.func @transform_1(%arg0: i32) -> (i32, i32) {
    %c0_i32 = arith.constant 0 : i32
    %c0_i32_0 = arith.constant 0 : i32
    return %arg0, %c0_i32 : i32, i32
  }
  func.func @transform_2(%arg0: i32) -> (i32, i32) {
    %c0_i32 = arith.constant 0 : i32
    %c0_i32_0 = arith.constant 0 : i32
    return %c0_i32, %arg0 : i32, i32
  }
  func.func @transform_3(%arg0: i32) -> (i32, i32) {
    %c0_i32 = arith.constant 0 : i32
    %c0_i32_0 = arith.constant 0 : i32
    return %c0_i32, %arg0 : i32, i32
  }
  func.func @transform_4(%arg0: i32) -> (i32, i32) {
    %c0_i32 = arith.constant 0 : i32
    %c0_i32_0 = arith.constant 0 : i32
    %c0_i32_1 = arith.constant 0 : i32
    return %c0_i32, %c0_i32_0 : i32, i32
  }
  func.func @transform_5(%arg0: i32) -> (i32, i32) {
    %c0_i32 = arith.constant 0 : i32
    %c0_i32_0 = arith.constant 0 : i32
    %c0_i32_1 = arith.constant 0 : i32
    return %c0_i32, %c0_i32_0 : i32, i32
  }
  func.func @transform_6(%arg0: i32) -> (i32, i32) {
    %c0_i32 = arith.constant 0 : i32
    %c0_i32_0 = arith.constant 0 : i32
    %c0_i32_1 = arith.constant 0 : i32
    return %c0_i32, %c0_i32_0 : i32, i32
  }
  func.func @transform_7(%arg0: i32) -> (i32, i32) {
    %c0_i32 = arith.constant 0 : i32
    %c0_i32_0 = arith.constant 0 : i32
    %c0_i32_1 = arith.constant 0 : i32
    return %c0_i32, %c0_i32_0 : i32, i32
  }
  func.func @transform_8(%arg0: i32) -> (i32, i32) {
    %c0_i32 = arith.constant 0 : i32
    %c0_i32_0 = arith.constant 0 : i32
    %c0_i32_1 = arith.constant 0 : i32
    return %c0_i32, %c0_i32_0 : i32, i32
  }
  func.func @transform_9(%arg0: i32) -> (i32, i32) {
    %c0_i32 = arith.constant 0 : i32
    %c0_i32_0 = arith.constant 0 : i32
    return %c0_i32, %arg0 : i32, i32
  }
}

</mosaic_0001>

<sc_bundles>
// kernel: kernel.12.cloned.1.call-start
scs
__scs_entry_jumppad:
0x0: {  	(pc) =	sbr.rel $0x88, $3  }
0x1: {  	(tag) =	ssettag $0x0;
	lr =	simm.s32 $0x1  }
0x2: {  	[smem:$0x3F83] =	sst lr;
	_ =	strace $0xD0000000  }
0x3: {  	_ = 	snop  }
0x4: {  	_ = 	snop  }
0x5: {  	_ = 	snop  }
0x6: {  	_ = 	snop  }
0x7: {  	_ = 	snop  }
__scs_overlays_trampoline_lowered:
0x8: {  	[smem:$0x3F92] =	sst s0  }
0x9: {  	[smem:$0x3F93] =	sst s1  }
0xa: {  	[smem:$0x3F94] =	sst s2  }
0xb: {  	[smem:$0x3F95] =	sst s3  }
0xc: {  	[smem:$0x3F96] =	sst s4  }
0xd: {  	[smem:$0x3F97] =	sst s5  }
0xe: {  	[smem:$0x3F98] =	sst s6  }
0xf: {  	[smem:$0x3F99] =	sst s7  }
0x10: {  	[smem:$0x3F9A] =	sst s8  }
0x11: {  	[smem:$0x3F9B] =	sst s9;
	s0 =	simm.s32 @!p0 $0x0  }
0x12: {  	s1 =	sld [smem:$0x3F81];
	s0 =	simm.s32 @p0 $0x1  }
0x13: {  	[smem:$0x3F9C] =	sst s0;
	s0 =	simm.s32 @!p1 $0x0  }
0x14: {  	s2 =	sld [smem:$0x3F80];
	s0 =	simm.s32 @p1 $0x1  }
0x15: {  	[smem:$0x3F9D] =	sst s0;
	s0 =	simm.s32 @!p2 $0x0  }
0x16: {  	s3 =	sld [smem:$0x3FDB];
	s0 =	simm.s32 @p2 $0x1  }
0x17: {  	s4 =	simm.s32 $0x1BF5;
	[smem:$0x3F9F] =	sst s0  }
0x18: {  	s0 =	sld [smem:$0x3F82];
	_ =	swait.ge [sflag:s4], $0x0  }
0x19: {  	s7 =	sld [smem:$0x3F83]  }
0x1a: {  	s8 =	sadd.s32 $0xFFFFE003, lr  }
0x1b: {  	s9 =	sadd.s32 $0xFFFFFEF7, lr;
	s5 =	simm.s32 $0xFFFFFFFF;
	p2 =	slt.u32 s8, $0xFFFFF086  }
0x1c: {  	p1 =	slt.u32 s9, $0xF7A;
	s5 =	simm.s32 @!p2 $0x0  }
0x1d: {  	s5 =	simm.s32 @p1 $0x1;
	p0 =	seq.s32 s7, s2  }
0x1e: {  	s7 =	smul.u32 @!p0 $0xF7A, s2;
	p2 =	seq.s32 @!p0 s5, $0x0  }
0x1f: {  	s9 =	smul.u32 $0xF7A, s1;
	s8 =	simm.s32 @!p0 $0x1BF5;
	p2 =	por !p2, p0  }
0x20: {  	[sflag:s8] =	ssyncset.s32 @!p0 $0xFFFFF086;
	s6 =	sadd.s32 @!p0 s3, s7;
	s7 =	simm.s32 @!p0 $0x108  }
0x21: {  	s3 =	sadd.s32 s3, s9;
	s6 =	sadd.s32 @!p0 $0x88, s6;
	s7 =	simm.s32 @p2 $0x1082  }
0x22: {  	[simem:s7], [sflag:s8] =	dma.local @!p0 [hbm:s6], $0xF7A  }
0x23: {  	s9 =	sor.u32 $0xD0000000, s2;
	s6 =	simm.s32 $0x108;
	_ =	swait.ge @!p0 [sflag:s8], $0x0  }
0x24: {  	s3 =	sadd.s32 $0x88, s3;
	s6 =	simm.s32 @!p1 $0x1082;
	[sflag:s4] =	ssyncset.s32 $0xFFFFF086  }
0x25: {  	[simem:s6], [sflag:s4] =	dma.local [hbm:s3], $0xF7A  }
0x26: {  	[smem:$0x3F83] =	sst s1;
	(tag) =	ssettag s2;
	_ =	strace s9  }
0x27: {  	s1 =	sld [smem:$0x3F93]  }
0x28: {  	s2 =	sld [smem:$0x3F94]  }
0x29: {  	s4 =	sld [smem:$0x3F96]  }
0x2a: {  	p0 =	seq.s32 s5, $0x0;
	s5 =	sld [smem:$0x3F97]  }
0x2b: {  	s6 =	sld [smem:$0x3F98]  }
0x2c: {  	s7 =	sld [smem:$0x3F99]  }
0x2d: {  	s3 =	simm.s32 $0x108;
	s8 =	sld [smem:$0x3F9A]  }
0x2e: {  	s3 =	simm.s32 @!p0 $0x1082;
	s9 =	sld [smem:$0x3F9B]  }
0x2f: {  	lr =	sadd.s32 s0, s3;
	s0 =	sld [smem:$0x3F92]  }
0x30: {  	s3 =	sld [smem:$0x3F95]  }
0x31: {  	[smem:$0x3F9E] =	sst s10  }
0x32: {  	s10 =	sld [smem:$0x3F9C];
	_ =	sdelay $0x3  }
0x33: {  	p0 =	seq.s32 s10, $0x1;
	s10 =	sld [smem:$0x3F9E];
	_ =	sdelay $0x3  }
0x34: {  	[smem:$0x3F9E] =	sst s10  }
0x35: {  	s10 =	sld [smem:$0x3F9D];
	_ =	sdelay $0x3  }
0x36: {  	p1 =	seq.s32 s10, $0x1;
	s10 =	sld [smem:$0x3F9E];
	_ =	sdelay $0x3  }
0x37: {  	[smem:$0x3F9E] =	sst s10  }
0x38: {  	s10 =	sld [smem:$0x3F9F]  }
0x39: {  	_ = 	snop;
	(pc) =	sbr.ind lr, $3  }
0x3a: {  	_ = 	snop  }
0x3b: {  	_ = 	snop  }
0x3c: {  	p2 =	seq.s32 s10, $0x1;
	s10 =	sld [smem:$0x3F9E]  }
0x3d: {  	_ =	shalt  }
0x3e: {  	_ =	shalt  }
0x3f: {  	_ =	shalt  }
0x40: {  	_ =	shalt  }
0x41: {  	_ =	shalt  }
0x42: {  	_ =	shalt  }
0x43: {  	_ =	shalt  }
0x44: {  	_ =	shalt  }
0x45: {  	_ =	shalt  }
0x46: {  	_ =	shalt  }
0x47: {  	_ =	shalt  }
0x48: {  	_ =	shalt  }
0x49: {  	_ =	shalt  }
0x4a: {  	_ =	shalt  }
0x4b: {  	_ =	shalt  }
0x4c: {  	_ =	shalt  }
0x4d: {  	_ =	shalt  }
0x4e: {  	_ =	shalt  }
0x4f: {  	_ =	shalt  }
0x50: {  	_ =	shalt  }
0x51: {  	_ =	shalt  }
0x52: {  	_ =	shalt  }
0x53: {  	_ =	shalt  }
0x54: {  	_ =	shalt  }
0x55: {  	_ =	shalt  }
0x56: {  	_ =	shalt  }
0x57: {  	_ =	shalt  }
0x58: {  	_ =	shalt  }
0x59: {  	_ =	shalt  }
0x5a: {  	_ =	shalt  }
0x5b: {  	_ =	shalt  }
0x5c: {  	_ =	shalt  }
0x5d: {  	_ =	shalt  }
0x5e: {  	_ =	shalt  }
0x5f: {  	_ =	shalt  }
0x60: {  	_ =	shalt  }
0x61: {  	_ =	shalt  }
0x62: {  	_ =	shalt  }
0x63: {  	_ =	shalt  }
0x64: {  	_ =	shalt  }
0x65: {  	_ =	shalt  }
0x66: {  	_ =	shalt  }
0x67: {  	_ =	shalt  }
0x68: {  	_ =	shalt  }
0x69: {  	_ =	shalt  }
0x6a: {  	_ =	shalt  }
0x6b: {  	_ =	shalt  }
0x6c: {  	_ =	shalt  }
0x6d: {  	_ =	shalt  }
0x6e: {  	_ =	shalt  }
0x6f: {  	_ =	shalt  }
0x70: {  	_ =	shalt  }
0x71: {  	_ =	shalt  }
0x72: {  	_ =	shalt  }
0x73: {  	_ =	shalt  }
0x74: {  	_ =	shalt  }
0x75: {  	_ =	shalt  }
0x76: {  	_ =	shalt  }
0x77: {  	_ =	shalt  }
0x78: {  	_ =	shalt  }
0x79: {  	_ =	shalt  }
0x7a: {  	_ =	shalt  }
0x7b: {  	_ =	shalt  }
0x7c: {  	_ =	shalt  }
0x7d: {  	_ =	shalt  }
0x7e: {  	_ =	shalt  }
0x7f: {  	_ =	shalt  }
0x80: {  	_ =	shalt  }
0x81: {  	_ =	shalt  }
0x82: {  	_ =	shalt  }
0x83: {  	_ =	shalt  }
0x84: {  	_ =	shalt  }
0x85: {  	_ =	shalt  }
0x86: {  	_ =	shalt  }
0x87: {  	_ =	shalt  }
.Lfunc_end0:
.L_simem_size_0:
called_computation.1_lowered:
.L_overlay_start_0:
0x88: {  	s2 =	sld [smem:$0x3FD9]  }
0x89: {  	s3 =	sld [smem:$0x3FFE];
	_ =	sdelay $0x1  }
0x8a: {  	s1 =	srdreg.scid  }
0x8b: {  	s0 =	sand.u32 $0x1, s1  }
0x8c: {  	s14 =	sshll.u32 s0, $0xA;
	s2 =	sadd.s32 s3, s2  }
0x8d: {  	s2 =	sadd.s32 s2, s14  }
0x8e: {  	[smem:$0x3FAA] =	sst s2  }
0x8f: {  	_ = 	snop  }
0x90: {  	s2 =	sld [smem:$0x3FD0];
	_ =	sdelay $0x2  }
0x91: {  	s15 =	simm.s32 $0xA;
	s4 =	simm.s32 $0x10  }
0x92: {  	[smem:s4], [sflag:s15] =	dma.local [hbm:s2], $0x1  }
0x93: {  	_ =	swait.eq [sflag:s15], $0x1  }
0x94: {  	[sflag:s15] =	ssyncset.done $0x0  }
0x95: {  	[sflag:s15] =	ssyncadd.s32 $0xFFFFFFFF  }
0x96: {  	s16 =	sld [smem:$0x11];
	(tm) =	ssettm $0x1  }
0x97: {  	s17 =	sld [smem:$0x3FFB];
	_ =	sdelay $0x3  }
0x98: {  	_ =	strace s17  }
0x99: {  	s3 =	sld [smem:$0x3FFC];
	_ =	sdelay $0x3  }
0x9a: {  	_ =	strace s3  }
0x9b: {  	s3 =	sld [smem:$0x3FFD];
	_ =	sdelay $0x3  }
0x9c: {  	_ =	strace s3  }
0x9d: {  	_ =	strace $0x8FFFFFFF  }
0x9e: {  	s18 =	sld [smem:$0x3FDB];
	_ =	sdelay $0x1  }
0x9f: {  	s19 =	simm.s32 $_scs_section_size  }
0xa0: {  	s5 =	simm.s32 $_size__tile_overlayer_lowered;
	s6 =	simm.s32 $_tile_overlayer_lowered  }
0xa1: {  	s22 =	simm.s32 $0x1BFF;
	s21 =	sshll.u32 s6, $0x1;
	s3 =	sadd.s32 s19, s18  }
0xa2: {  	s7 =	simm.s32 $0x0;
	s20 =	sshll.u32 s5, $0x1;
	s5 =	sadd.s32 s21, s3  }
0xa3: {  	[timem:s7], [sflag:s22] =	dma.local [hbm:s5], s20  }
0xa4: {  	_ =	swait.ge [sflag:s22], s20  }
0xa5: {  	s4 =	ssub.s32 $0x0, s20;
	[sflag:s22] =	ssyncset.done $0x0  }
0xa6: {  	[sflag:s22] =	ssyncadd.s32 s4;
	_ =	sdelay $0x1  }
0xa7: {  	s23 =	simm.s32 $0x1B8B  }
0xa8: {  	_ =	swait.ge [sflag:s23], $0x1  }
0xa9: {  	[sflag:s23] =	ssyncset.done $0x0  }
0xaa: {  	s25 =	simm.s32 $0x1B8E;
	s24 =	sld [smem:$0x3FFE];
	[sflag:s23] =	ssyncadd.s32 $0xFFFFFFFF  }
0xab: {  	s26 =	simm.s32 $execute0_lowered;
	[smem:$0x3FD2] =	sst s25  }
0xac: {  	s5 =	sshll.u32 s26, $0x1;
	_ =	strace $0x80000049;
	[dreg:$0x1] =	wrdreg $0xFFFFFFFF  }
0xad: {  	s28 =	simm.s32 $_size_execute0_lowered;
	s3 =	sadd.s32 s3, s5;
	[dreg:$0x0] =	wrdreg $0x0  }
0xae: {  	s5 =	sshll.u32 s28, $0x1;
	[dreg:$0x2] =	wrdreg s3  }
0xaf: {  	[dreg:$0x3] =	wrdreg s5  }
0xb0: {  	[dreg:$0x4] =	wrdreg $0xC0  }
0xb1: {  	_ =	task [dreg:s7], $0x5FFFF  }
0xb2: {  	[dreg:$0x1] =	wrdreg $0xFFFFFFFF  }
0xb3: {  	[dreg:$0x0] =	wrdreg $0x60  }
0xb4: {  	[dreg:$0x2] =	wrdreg s24  }
0xb5: {  	[dreg:$0x3] =	wrdreg s16  }
0xb6: {  	[dreg:$0x4] =	wrdreg $0x0  }
0xb7: {  	[dreg:$0x5] =	wrdreg $0x9  }
0xb8: {  	_ =	task.clear_ibuf [dreg:s7], $0x6FFFF;
	_ =	strace $0x90000049  }
0xb9: {  	s29 =	simm.s32 $0x9;
	_ =	strace $0x8000004B  }
0xba: {  	_ =	swait.ge [sflag:s29], $0x1  }
0xbb: {  	[sflag:s29] =	ssyncadd.s32 $0xFFFFFFFF  }
0xbc: {  	_ =	strace $0x9000004B  }
0xbd: {  	_ =	sfence  }
0xbe: {  	s30 =	sld [smem:$0x0];
	_ =	sdelay $0x2  }
0xbf: {  	s31 =	sshll.u32 s1, $0xD;
	s1 =	sshrl.u32 s1, $0x2  }
0xc0: {  	s3 =	sand.u32 $0x4000, s31;
	s1 =	sadd.s32 s1, s30  }
0xc1: {  	s0 =	sor.u32 s3, s0;
	s1 =	sshll.u32 s1, $0x11  }
0xc2: {  	s0 =	sor.u32 s1, s0  }
0xc3: {  	s0 =	sadd.s32 $0x8F2B, s0  }
0xc4: {  	[sflag:s0] =	ssyncadd.remote.s32 $0x1  }
0xc5: {  	_ =	sfence.sel $0xFFFF  }
0xc6: {  	[dreg:$0x0] =	wrdreg $0xFFFFFFFF;
	(pc) =	sbr.abs _section_cstart, $3  }
0xc7: {  	[dreg:$0x1] =	wrdreg $0xFFFFFFFF  }
0xc8: {  	_ =	task.clear_ibuf [dreg:s7], $0x2FFFF;
	_ =	strace $0x9FFFFFFF  }
0xc9: {  	(tm) =	ssettm $0x7FFFFFFF  }
tec
execute0_lowered:
.L_overlay_start_1:
0x0: {  	(tag) =	ssettag $0x1  }
0x1: {  	s0 =	srdreg.scid;
	s10 =	rddreg [dreg:$0x0]  }
0x2: {  	s19 =	stileid.u32;
	s12 =	rddreg [dreg:$0x1]  }
0x3: {  	s1 =	rddreg [dreg:$0x2];
	s11 =	smul.u32 $0xC350, s19  }
0x4: {  	s2 =	sand.u32 $0x1, s0;
	s5 =	smul.u32 $0xC35, s19;
	s13 =	sadd.s32 $0x18EC00, s10  }
0x5: {  	s16 =	smul.u32 $0x30D40, s19;
	s10 =	sadd.s32 $0xDF4A00, s10;
	s0 =	ssub.s32 $0x2, s2  }
0x6: {  	s14 =	sshll.u32 s2, $0x5;
	s3 =	sshrl.u32 s0, $0x1;
	s15 =	sadd.s32 $0xC1C0, s11  }
0x7: {  	s9 =	sadd.s32 $0x190, s5;
	s8 =	sadd.s32 $0x320, s5;
	s6 =	sadd.s32 $0x4B0, s5  }
0x8: {  	s7 =	sadd.s32 $0x640, s5;
	s4 =	sadd.s32 $0x960, s5;
	s11 =	sshrl.u32 s11, $0x3  }
0x9: {  	s16 =	sor.u32 s14, s16;
	s0 =	ssub.s32 s0, s3;
	s3 =	sadd.s32 $0x7D0, s5  }
0xa: {  	s26 =	sshrl.u32 s15, $0x3;
	s5 =	sadd.s32 $0xAF0, s5;
	s17 =	sshll.u32 s9, $0x6  }
0xb: {  	s20 =	sshll.u32 s8, $0x6;
	s22 =	sshll.u32 s6, $0x6;
	s15 =	sshll.u32 s15, $0x7  }
0xc: {  	s8 =	sshll.u32 s8, $0x5;
	s2 =	sadd.s32 s13, s26;
	s21 =	sor.u32 s14, s20  }
0xd: {  	s26 =	sshll.u32 s3, $0x6;
	s15 =	sor.u32 s15, s14;
	[dreg:$0x5] =	wrdreg s2  }
0xe: {  	s2 =	sadd.s32 s13, s11;
	s11 =	sshrl.u32 s16, $0x3;
	s16 =	sor.u32 s14, s17  }
0xf: {  	s17 =	sshll.u32 s7, $0x6;
	s11 =	sadd.s32 s12, s11;
	s18 =	sshrl.u32 s16, $0x3  }
0x10: {  	s16 =	sor.u32 s14, s22;
	[dreg:$0x6] =	wrdreg s11;
	s11 =	sadd.s32 s12, s18  }
0x11: {  	s24 =	sor.u32 s14, s17;
	[dreg:$0x7] =	wrdreg s11;
	s11 =	sshrl.u32 s21, $0x3  }
0x12: {  	s17 =	sshll.u32 s4, $0x6;
	s23 =	sshrl.u32 s16, $0x3;
	s11 =	sadd.s32 s12, s11  }
0x13: {  	s25 =	sshrl.u32 s24, $0x3;
	[dreg:$0x8] =	wrdreg s11;
	s11 =	sadd.s32 s12, s23  }
0x14: {  	s16 =	sor.u32 s14, s26;
	[dreg:$0x9] =	wrdreg s11;
	s11 =	sadd.s32 s12, s25  }
0x15: {  	s18 =	sshll.u32 s5, $0x6;
	s24 =	sor.u32 $0x40, s15;
	[dreg:$0xa] =	wrdreg s11  }
0x16: {  	s11 =	sshrl.u32 s16, $0x3;
	s16 =	sor.u32 s14, s17;
	s17 =	sor.u32 s14, s18  }
0x17: {  	s18 =	smul.u32 $0x186A, s19;
	s16 =	sshrl.u32 s16, $0x3;
	s11 =	sadd.s32 s12, s11  }
0x18: {  	s21 =	sshrl.u32 s17, $0x3;
	[dreg:$0xb] =	wrdreg s11;
	s20 =	sadd.s32 s12, s16  }
0x19: {  	s23 =	smul.u32 $0x61A800, s19;
	s11 =	sadd.s32 s12, s21;
	[dreg:$0xc] =	wrdreg s20  }
0x1a: {  	s22 =	sadd.s32 s18, s13;
	s12 =	simm.s32 $0x0;
	[dreg:$0xd] =	wrdreg s11  }
0x1b: {  	s13 =	sor.u32 s14, s23;
	s14 =	sshrl.u32 s24, $0x3;
	[smem:$0x7FF] =	sst s12  }
0x1c: {  	s14 =	sadd.s32 s10, s14;
	_ =	strace $0x8000004A;
	[dreg:$0x4] =	wrdreg s22  }
0x1d: {  	s6 =	sshll.u32 s6, $0x5;
	s8 =	sadd.s32 s8, s1;
	[dreg:$0xe] =	wrdreg s14  }
0x1e: {  	s6 =	sadd.s32 s6, s1;
	s7 =	sshll.u32 s7, $0x5;
	[dreg:$0x13] =	wrdreg s8  }
0x1f: {  	s3 =	sshll.u32 s3, $0x5;
	s15 =	sadd.s32 s7, s1;
	[dreg:$0x14] =	wrdreg s6  }
0x20: {  	s3 =	sadd.s32 s3, s1;
	s17 =	sshll.u32 s5, $0x5;
	[dreg:$0x15] =	wrdreg s15  }
0x21: {  	s18 =	sadd.s32 s17, s1;
	[dreg:$0x16] =	wrdreg s3  }
0x22: {  	s26 =	smul.u32 $0x61A80, s19;
	s19 =	sadd.s32 $0x19ED8, s2;
	[dreg:$0x18] =	wrdreg s18  }
0x23: {  	s20 =	sadd.s32 $0x1842, s2;
	[dreg:$0x19] =	wrdreg s19  }
0x24: {  	s30 =	simm.s32 $0x2;
	s21 =	sadd.s32 $0x19EE2, s2;
	[dreg:$0x1a] =	wrdreg s20  }
0x25: {  	s31 =	simm.s32 $0x1;
	s23 =	sadd.s32 $0x19EEC, s2;
	[dreg:$0x1b] =	wrdreg s21  }
0x26: {  	s9 =	sshll.u32 s9, $0x5;
	s24 =	sadd.s32 $0x1856, s2;
	[dreg:$0x1d] =	wrdreg s23  }
0x27: {  	s29 =	sadd.s32 s9, s1;
	s0 =	smax.u32 s0, $0x1;
	[dreg:$0x1e] =	wrdreg s24  }
0x28: {  	s16 =	sshll.u32 s4, $0x5;
	s4 =	simm.s32 $0x0;
	[smem:$0x7FD] =	sst s0  }
0x29: {  	s25 =	sadd.s32 $0xC840, s13;
	s3 =	sadd.s32 s16, s1;
	[dreg:$0x12] =	wrdreg s29  }
0x2a: {  	s13 =	sor.u32 $0x40, s13;
	s22 =	sadd.s32 $0x184C, s2;
	[dreg:$0x17] =	wrdreg s3  }
0x2b: {  	s11 =	sshrl.u32 s25, $0x3;
	s25 =	sadd.s32 $0x19EF6, s2;
	[dreg:$0x1c] =	wrdreg s22  }
0x2c: {  	s14 =	sshrl.u32 s26, $0x2;
	s26 =	sadd.s32 $0x1860, s2;
	[dreg:$0x1f] =	wrdreg s25  }
0x2d: {  	s13 =	sshrl.u32 s13, $0x3;
	s2 =	sadd.s32 $0x19F00, s2;
	[smem:$0x7FB] =	sst s26  }
0x2e: {  	s8 =	simm.s32 $0x50;
	s11 =	sadd.s32 s11, s10;
	[smem:$0x7FC] =	sst s2  }
0x2f: {  	s18 =	simm.s32 $0x3;
	s10 =	sadd.s32 s13, s10;
	[dreg:$0xf] =	wrdreg s11  }
0x30: {  	s28 =	sadd.s32 s14, s1;
	s2 =	simm.s32 $0x4;
	[dreg:$0x10] =	wrdreg s10  }
0x31: {  	v0 =	vimm.f32 $0.0e+00;
	s14 =	simm.s32 $0x1B8A0;
	s10 =	simm.s32 $0x186A0;
	[dreg:$0x11] =	wrdreg s28  }
.LBB2_1:
0x32: {  	[smem:$0x7FA] =	sst s4;
	s24 =	simm.s32 $0x80;
	s25 =	simm.s32 $0x0  }
.LBB2_2:
0x33: {  	p0 =	sne.s32 s24, $0xC780;
	[tilespmem:s25+$0x186A0] =	vst v0;
	s26 =	smov.u32 s24;
	s24 =	sadd.s32 $0x80, s24  }
.Ltmp0:
0x34: {  	[tilespmem:s25+$0x186B0] =	vst v0;
	(pc) =	sbr.rel @p0 .LBB2_2-.Ltmp0, $2  }
0x35: {  	_ =	sdelay $0x2  }
0x36: {  	s25 =	sshra.s32 s26, $0x2  }
0x37: {  	[tilespmem:s25+$0x186A0] =	vst v0  }
0x38: {  	[tilespmem:s25+$0x186B0] =	vst v0  }
0x39: {  	[spmem:s28] =	stream.linear.scatter [tilespmem:s10], [sflag:$0x4], $0x3200, $0x38;
	[tilespmem:$0x1F0E0] =	vst v63  }
0x3a: {  	_ =	swait.ge [sflag:s2], $0x3200  }
0x3b: {  	[sflag:s2] =	ssyncset.done $0x0  }
0x3c: {  	[sflag:s2] =	ssyncadd.s32 $0xFFFFCE00  }
0x3d: {  	[spmem:s29] =	stream.linear.scatter [tilespmem:s10], [sflag:$0x4], $0x3200, $0x38;
	[tilespmem:$0x1F0E0] =	vst v63  }
0x3e: {  	_ =	swait.ge [sflag:s2], $0x3200  }
0x3f: {  	[sflag:s2] =	ssyncset.done $0x0  }
0x40: {  	s0 =	rddreg [dreg:$0x13];
	[sflag:s2] =	ssyncadd.s32 $0xFFFFCE00  }
0x41: {  	[spmem:s0] =	stream.linear.scatter [tilespmem:s10], [sflag:$0x4], $0x3200, $0x38;
	[tilespmem:$0x1F0E0] =	vst v63  }
0x42: {  	_ =	swait.ge [sflag:s2], $0x3200  }
0x43: {  	[sflag:s2] =	ssyncset.done $0x0  }
0x44: {  	s21 =	rddreg [dreg:$0x14];
	[sflag:s2] =	ssyncadd.s32 $0xFFFFCE00  }
0x45: {  	[spmem:s21] =	stream.linear.scatter [tilespmem:s10], [sflag:$0x4], $0x3200, $0x38;
	[tilespmem:$0x1F0E0] =	vst v63  }
0x46: {  	_ =	swait.ge [sflag:s2], $0x3200  }
0x47: {  	[sflag:s2] =	ssyncset.done $0x0  }
0x48: {  	s22 =	rddreg [dreg:$0x15];
	[sflag:s2] =	ssyncadd.s32 $0xFFFFCE00  }
0x49: {  	[spmem:s22] =	stream.linear.scatter [tilespmem:s10], [sflag:$0x4], $0x3200, $0x38;
	[tilespmem:$0x1F0E0] =	vst v63  }
0x4a: {  	_ =	swait.ge [sflag:s2], $0x3200  }
0x4b: {  	[sflag:s2] =	ssyncset.done $0x0  }
0x4c: {  	s23 =	rddreg [dreg:$0x16];
	[sflag:s2] =	ssyncadd.s32 $0xFFFFCE00  }
0x4d: {  	[spmem:s23] =	stream.linear.scatter [tilespmem:s10], [sflag:$0x4], $0x3200, $0x38;
	[tilespmem:$0x1F0E0] =	vst v63  }
0x4e: {  	_ =	swait.ge [sflag:s2], $0x3200  }
0x4f: {  	[sflag:s2] =	ssyncset.done $0x0  }
0x50: {  	s24 =	rddreg [dreg:$0x17];
	[sflag:s2] =	ssyncadd.s32 $0xFFFFCE00  }
0x51: {  	[spmem:s24] =	stream.linear.scatter [tilespmem:s10], [sflag:$0x4], $0x3200, $0x38;
	[tilespmem:$0x1F0E0] =	vst v63  }
0x52: {  	_ =	swait.ge [sflag:s2], $0x3200  }
0x53: {  	[sflag:s2] =	ssyncset.done $0x0  }
0x54: {  	s25 =	rddreg [dreg:$0x18];
	[sflag:s2] =	ssyncadd.s32 $0xFFFFCE00  }
0x55: {  	[spmem:s25] =	stream.linear.scatter [tilespmem:s10], [sflag:$0x4], $0x28A0, $0x38;
	[tilespmem:$0x1F0E0] =	vst v63  }
0x56: {  	_ =	swait.ge [sflag:s2], $0x28A0  }
0x57: {  	[sflag:s2] =	ssyncset.done $0x0  }
0x58: {  	[sflag:s2] =	ssyncadd.s32 $0xFFFFD760  }
0x59: {  	[bflag:$0x0] =	sbarrier.arrive $0xFFFF  }
0x5a: {  	s24 =	rddreg [dreg:$0x4]  }
0x5b: {  	s16 =	simm.s32 $0x80;
	s2 =	simm.s32 $0x20;
	s28 =	rddreg [dreg:$0x10]  }
0x5c: {  	[tilespmem:s10], [sflag:$0x1] =	stream.strided.gather [hbm4b:s28+s2], $0x3200, s16, s2, $0x38;
	[tilespmem:$0x1F0E0] =	vst v63  }
0x5d: {  	s26 =	simm.s32 $0x1EAA0;
	s24 =	sadd.s32 $0x0, s24  }
0x5e: {  	[tilespmem:s26], [sflag:$0x2] =	stream.linear.gather [hbm4b:s24+s12], $0x50, $0x38;
	[tilespmem:$0x1F0E0] =	vst v63  }
0x5f: {  	s4 =	simm.s32 $0x1EDC0;
	s9 =	sadd.s32 $0x186A0, s24  }
0x60: {  	[tilespmem:s4], [sflag:$0x2] =	stream.linear.gather [hbm4b:s9+s12], $0x50, $0x38;
	[tilespmem:$0x1F0E0] =	vst v63  }
0x61: {  	s3 =	simm.s32 $0x1EAF0;
	s11 =	sadd.s32 $0xA, s24  }
0x62: {  	[tilespmem:s3], [sflag:$0x2] =	stream.linear.gather [hbm4b:s11+s12], $0x50, $0x38;
	[tilespmem:$0x1F0E0] =	vst v63  }
0x63: {  	s5 =	simm.s32 $0x1EE10;
	s13 =	sadd.s32 $0x186AA, s24  }
0x64: {  	[tilespmem:s5], [sflag:$0x2] =	stream.linear.gather [hbm4b:s13+s12], $0x50, $0x38;
	[tilespmem:$0x1F0E0] =	vst v63  }
0x65: {  	s6 =	simm.s32 $0x1EB40;
	s15 =	sadd.s32 $0x14, s24  }
0x66: {  	[tilespmem:s6], [sflag:$0x2] =	stream.linear.gather [hbm4b:s15+s12], $0x50, $0x38;
	[tilespmem:$0x1F0E0] =	vst v63  }
0x67: {  	s7 =	simm.s32 $0x1EE60;
	s17 =	sadd.s32 $0x186B4, s24  }
0x68: {  	[tilespmem:s7], [sflag:$0x2] =	stream.linear.gather [hbm4b:s17+s12], $0x50, $0x38;
	[tilespmem:$0x1F0E0] =	vst v63  }
0x69: {  	s19 =	sadd.s32 $0x1E, s24;
	s9 =	simm.s32 $0x1EB90  }
0x6a: {  	[tilespmem:s9], [sflag:$0x2] =	stream.linear.gather [hbm4b:s19+s12], $0x50, $0x38;
	[tilespmem:$0x1F0E0] =	vst v63  }
0x6b: {  	s20 =	sadd.s32 $0x186BE, s24;
	s11 =	simm.s32 $0x1EEB0  }
0x6c: {  	[tilespmem:s11], [sflag:$0x2] =	stream.linear.gather [hbm4b:s20+s12], $0x50, $0x38;
	[tilespmem:$0x1F0E0] =	vst v63  }
0x6d: {  	s21 =	sadd.s32 $0x28, s24;
	s13 =	simm.s32 $0x1EBE0  }
0x6e: {  	[tilespmem:s13], [sflag:$0x2] =	stream.linear.gather [hbm4b:s21+s12], $0x50, $0x38;
	[tilespmem:$0x1F0E0] =	vst v63  }
0x6f: {  	s22 =	sadd.s32 $0x186C8, s24;
	s15 =	simm.s32 $0x1EF00  }
0x70: {  	[tilespmem:s15], [sflag:$0x2] =	stream.linear.gather [hbm4b:s22+s12], $0x50, $0x38;
	[tilespmem:$0x1F0E0] =	vst v63  }
0x71: {  	_ =	swait.ge [sflag:s30], $0x50  }
0x72: {  	[sflag:s30] =	ssyncset.done $0x0  }
0x73: {  	[sflag:s30] =	ssyncadd.s32 $0xFFFFFFB0  }
0x74: {  	_ =	swait.ge [sflag:s30], $0x50  }
0x75: {  	[sflag:s30] =	ssyncset.done $0x0  }
0x76: {  	[sflag:s30] =	ssyncadd.s32 $0xFFFFFFB0  }
0x77: {  	_ =	swait.ge [sflag:s30], $0x50  }
0x78: {  	[sflag:s30] =	ssyncset.done $0x0  }
0x79: {  	[sflag:s30] =	ssyncadd.s32 $0xFFFFFFB0  }
0x7a: {  	_ =	swait.ge [sflag:s30], $0x50  }
0x7b: {  	[sflag:s30] =	ssyncset.done $0x0  }
0x7c: {  	[sflag:s30] =	ssyncadd.s32 $0xFFFFFFB0  }
0x7d: {  	_ =	swait.ge [sflag:s30], $0x50  }
0x7e: {  	[sflag:s30] =	ssyncset.done $0x0  }
0x7f: {  	[sflag:s30] =	ssyncadd.s32 $0xFFFFFFB0  }
0x80: {  	_ =	swait.ge [sflag:s30], $0x50  }
0x81: {  	[sflag:s30] =	ssyncset.done $0x0  }
0x82: {  	[sflag:s30] =	ssyncadd.s32 $0xFFFFFFB0  }
0x83: {  	_ =	swait.ge [sflag:s30], $0x50  }
0x84: {  	[sflag:s30] =	ssyncset.done $0x0  }
0x85: {  	[sflag:s30] =	ssyncadd.s32 $0xFFFFFFB0  }
0x86: {  	_ =	swait.ge [sflag:s30], $0x50  }
0x87: {  	[sflag:s30] =	ssyncset.done $0x0  }
0x88: {  	[sflag:s30] =	ssyncadd.s32 $0xFFFFFFB0  }
0x89: {  	_ =	swait.ge [sflag:s30], $0x50  }
0x8a: {  	[sflag:s30] =	ssyncset.done $0x0  }
0x8b: {  	[sflag:s30] =	ssyncadd.s32 $0xFFFFFFB0  }
0x8c: {  	_ =	swait.ge [sflag:s30], $0x50  }
0x8d: {  	[sflag:s30] =	ssyncset.done $0x0  }
0x8e: {  	[sflag:s30] =	ssyncadd.s32 $0xFFFFFFB0  }
0x8f: {  	_ =	swait.ge [sflag:s31], $0x3200  }
0x90: {  	[sflag:s31] =	ssyncset.done $0x0  }
0x91: {  	[sflag:s31] =	ssyncadd.s32 $0xFFFFCE00  }
0x92: {  	[spmem:s1] =	stream.indirect.scatter.add.f32 [tilespmem:s10], [sflag:$0x3], $0x20, s26, s8, $0xb8;
	[tilespmem:$0x1F0E0] =	vst v63  }
0x93: {  	_ = 	snop  }
0x94: {  	[spmem:s1] =	stream.indirect.scatter.add.f32 [tilespmem:s10], [sflag:$0x3], $0x20, s4, s8, $0xb8;
	[tilespmem:$0x1F0E0] =	vst v63  }
0x95: {  	s23 =	simm.s32 $0x190A0  }
0x96: {  	[spmem:s1] =	stream.indirect.scatter.add.f32 [tilespmem:s23], [sflag:$0x3], $0x20, s3, s8, $0xb8;
	[tilespmem:$0x1F0E0] =	vst v63  }
0x97: {  	_ = 	snop  }
0x98: {  	[spmem:s1] =	stream.indirect.scatter.add.f32 [tilespmem:s23], [sflag:$0x3], $0x20, s5, s8, $0xb8;
	[tilespmem:$0x1F0E0] =	vst v63  }
0x99: {  	s25 =	simm.s32 $0x19AA0  }
0x9a: {  	[spmem:s1] =	stream.indirect.scatter.add.f32 [tilespmem:s25], [sflag:$0x3], $0x20, s6, s8, $0xb8;
	[tilespmem:$0x1F0E0] =	vst v63  }
0x9b: {  	_ = 	snop  }
0x9c: {  	[spmem:s1] =	stream.indirect.scatter.add.f32 [tilespmem:s25], [sflag:$0x3], $0x20, s7, s8, $0xb8;
	[tilespmem:$0x1F0E0] =	vst v63  }
0x9d: {  	s26 =	simm.s32 $0x1A4A0  }
0x9e: {  	[spmem:s1] =	stream.indirect.scatter.add.f32 [tilespmem:s26], [sflag:$0x3], $0x20, s9, s8, $0xb8;
	[tilespmem:$0x1F0E0] =	vst v63  }
0x9f: {  	_ = 	snop  }
0xa0: {  	[spmem:s1] =	stream.indirect.scatter.add.f32 [tilespmem:s26], [sflag:$0x3], $0x20, s11, s8, $0xb8;
	[tilespmem:$0x1F0E0] =	vst v63  }
0xa1: {  	s3 =	simm.s32 $0x1AEA0  }
0xa2: {  	[spmem:s1] =	stream.indirect.scatter.add.f32 [tilespmem:s3], [sflag:$0x3], $0x20, s13, s8, $0xb8;
	[tilespmem:$0x1F0E0] =	vst v63  }
0xa3: {  	_ = 	snop  }
0xa4: {  	[spmem:s1] =	stream.indirect.scatter.add.f32 [tilespmem:s3], [sflag:$0x3], $0x20, s15, s8, $0xb8;
	[tilespmem:$0x1F0E0] =	vst v63  }
0xa5: {  	_ =	swait.ge [sflag:s18], $0xA00  }
0xa6: {  	[sflag:s18] =	ssyncset.done $0x0  }
0xa7: {  	[sflag:s18] =	ssyncadd.s32 $0xFFFFF600  }
0xa8: {  	_ =	swait.ge [sflag:s18], $0xA00  }
0xa9: {  	[sflag:s18] =	ssyncset.done $0x0  }
0xaa: {  	[sflag:s18] =	ssyncadd.s32 $0xFFFFF600  }
0xab: {  	_ =	swait.ge [sflag:s18], $0xA00  }
0xac: {  	[sflag:s18] =	ssyncset.done $0x0  }
0xad: {  	[sflag:s18] =	ssyncadd.s32 $0xFFFFF600  }
0xae: {  	_ =	swait.ge [sflag:s18], $0xA00  }
0xaf: {  	[sflag:s18] =	ssyncset.done $0x0  }
0xb0: {  	[sflag:s18] =	ssyncadd.s32 $0xFFFFF600  }
0xb1: {  	_ =	swait.ge [sflag:s18], $0xA00  }
0xb2: {  	[sflag:s18] =	ssyncset.done $0x0  }
0xb3: {  	[sflag:s18] =	ssyncadd.s32 $0xFFFFF600  }
0xb4: {  	_ =	swait.ge [sflag:s18], $0xA00  }
0xb5: {  	[sflag:s18] =	ssyncset.done $0x0  }
0xb6: {  	[sflag:s18] =	ssyncadd.s32 $0xFFFFF600  }
0xb7: {  	_ =	swait.ge [sflag:s18], $0xA00  }
0xb8: {  	[sflag:s18] =	ssyncset.done $0x0  }
0xb9: {  	[sflag:s18] =	ssyncadd.s32 $0xFFFFF600  }
0xba: {  	_ =	swait.ge [sflag:s18], $0xA00  }
0xbb: {  	[sflag:s18] =	ssyncset.done $0x0  }
0xbc: {  	[sflag:s18] =	ssyncadd.s32 $0xFFFFF600  }
0xbd: {  	_ =	swait.ge [sflag:s18], $0xA00  }
0xbe: {  	[sflag:s18] =	ssyncset.done $0x0  }
0xbf: {  	[sflag:s18] =	ssyncadd.s32 $0xFFFFF600  }
0xc0: {  	_ =	swait.ge [sflag:s18], $0xA00  }
0xc1: {  	[sflag:s18] =	ssyncset.done $0x0  }
0xc2: {  	s0 =	rddreg [dreg:$0xf];
	[sflag:s18] =	ssyncadd.s32 $0xFFFFF600  }
0xc3: {  	[tilespmem:s14], [sflag:$0x1] =	stream.strided.gather [hbm4b:s0+s2], $0x3200, s16, s2, $0x38;
	[tilespmem:$0x1F0E0] =	vst v63  }
0xc4: {  	s4 =	sadd.s32 $0x32, s24;
	s5 =	simm.s32 $0x1EC30  }
0xc5: {  	[tilespmem:s5], [sflag:$0x2] =	stream.linear.gather [hbm4b:s4+s12], $0x50, $0x38;
	[tilespmem:$0x1F0E0] =	vst v63  }
0xc6: {  	s6 =	sadd.s32 $0x186D2, s24;
	s7 =	simm.s32 $0x1EF50  }
0xc7: {  	[tilespmem:s7], [sflag:$0x2] =	stream.linear.gather [hbm4b:s6+s12], $0x50, $0x38;
	[tilespmem:$0x1F0E0] =	vst v63  }
0xc8: {  	s9 =	sadd.s32 $0x3C, s24;
	s11 =	simm.s32 $0x1EC80  }
0xc9: {  	[tilespmem:s11], [sflag:$0x2] =	stream.linear.gather [hbm4b:s9+s12], $0x50, $0x38;
	[tilespmem:$0x1F0E0] =	vst v63  }
0xca: {  	s15 =	sadd.s32 $0x186DC, s24;
	s16 =	simm.s32 $0x1EFA0  }
0xcb: {  	[tilespmem:s16], [sflag:$0x2] =	stream.linear.gather [hbm4b:s15+s12], $0x50, $0x38;
	[tilespmem:$0x1F0E0] =	vst v63  }
0xcc: {  	s13 =	sadd.s32 $0x46, s24;
	s15 =	simm.s32 $0x1ECD0  }
0xcd: {  	[tilespmem:s15], [sflag:$0x2] =	stream.linear.gather [hbm4b:s13+s12], $0x50, $0x38;
	[tilespmem:$0x1F0E0] =	vst v63  }
0xce: {  	s20 =	sadd.s32 $0x186E6, s24;
	s21 =	simm.s32 $0x1EFF0  }
0xcf: {  	[tilespmem:s21], [sflag:$0x2] =	stream.linear.gather [hbm4b:s20+s12], $0x50, $0x38;
	[tilespmem:$0x1F0E0] =	vst v63  }
0xd0: {  	s17 =	simm.s32 $0x1ED20;
	s22 =	sadd.s32 $0x50, s24  }
0xd1: {  	[tilespmem:s17], [sflag:$0x2] =	stream.linear.gather [hbm4b:s22+s12], $0x50, $0x38;
	[tilespmem:$0x1F0E0] =	vst v63  }
0xd2: {  	s19 =	simm.s32 $0x1F040;
	s23 =	sadd.s32 $0x186F0, s24  }
0xd3: {  	[tilespmem:s19], [sflag:$0x2] =	stream.linear.gather [hbm4b:s23+s12], $0x50, $0x38;
	[tilespmem:$0x1F0E0] =	vst v63  }
0xd4: {  	s26 =	sadd.s32 $0x5A, s24;
	s4 =	simm.s32 $0x1ED70  }
0xd5: {  	[tilespmem:s4], [sflag:$0x2] =	stream.linear.gather [hbm4b:s26+s12], $0x50, $0x38;
	[tilespmem:$0x1F0E0] =	vst v63  }
0xd6: {  	s24 =	sadd.s32 $0x186FA, s24;
	s6 =	simm.s32 $0x1F090  }
0xd7: {  	[tilespmem:s6], [sflag:$0x2] =	stream.linear.gather [hbm4b:s24+s12], $0x50, $0x38;
	[tilespmem:$0x1F0E0] =	vst v63  }
0xd8: {  	_ =	swait.ge [sflag:s30], $0x50  }
0xd9: {  	[sflag:s30] =	ssyncset.done $0x0  }
0xda: {  	[sflag:s30] =	ssyncadd.s32 $0xFFFFFFB0  }
0xdb: {  	_ =	swait.ge [sflag:s30], $0x50  }
0xdc: {  	[sflag:s30] =	ssyncset.done $0x0  }
0xdd: {  	[sflag:s30] =	ssyncadd.s32 $0xFFFFFFB0  }
0xde: {  	_ =	swait.ge [sflag:s30], $0x50  }
0xdf: {  	[sflag:s30] =	ssyncset.done $0x0  }
0xe0: {  	[sflag:s30] =	ssyncadd.s32 $0xFFFFFFB0  }
0xe1: {  	_ =	swait.ge [sflag:s30], $0x50  }
0xe2: {  	[sflag:s30] =	ssyncset.done $0x0  }
0xe3: {  	[sflag:s30] =	ssyncadd.s32 $0xFFFFFFB0  }
0xe4: {  	_ =	swait.ge [sflag:s30], $0x50  }
0xe5: {  	[sflag:s30] =	ssyncset.done $0x0  }
0xe6: {  	[sflag:s30] =	ssyncadd.s32 $0xFFFFFFB0  }
0xe7: {  	_ =	swait.ge [sflag:s30], $0x50  }
0xe8: {  	[sflag:s30] =	ssyncset.done $0x0  }
0xe9: {  	[sflag:s30] =	ssyncadd.s32 $0xFFFFFFB0  }
0xea: {  	_ =	swait.ge [sflag:s30], $0x50  }
0xeb: {  	[sflag:s30] =	ssyncset.done $0x0  }
0xec: {  	[sflag:s30] =	ssyncadd.s32 $0xFFFFFFB0  }
0xed: {  	_ =	swait.ge [sflag:s30], $0x50  }
0xee: {  	[sflag:s30] =	ssyncset.done $0x0  }
0xef: {  	[sflag:s30] =	ssyncadd.s32 $0xFFFFFFB0  }
0xf0: {  	_ =	swait.ge [sflag:s30], $0x50  }
0xf1: {  	[sflag:s30] =	ssyncset.done $0x0  }
0xf2: {  	[sflag:s30] =	ssyncadd.s32 $0xFFFFFFB0  }
0xf3: {  	_ =	swait.ge [sflag:s30], $0x50  }
0xf4: {  	[sflag:s30] =	ssyncset.done $0x0  }
0xf5: {  	[sflag:s30] =	ssyncadd.s32 $0xFFFFFFB0  }
0xf6: {  	_ =	swait.ge [sflag:s31], $0x3200  }
0xf7: {  	[sflag:s31] =	ssyncset.done $0x0  }
0xf8: {  	[sflag:s31] =	ssyncadd.s32 $0xFFFFCE00  }
0xf9: {  	[spmem:s1] =	stream.indirect.scatter.add.f32 [tilespmem:s14], [sflag:$0x3], $0x20, s5, s8, $0xb8;
	[tilespmem:$0x1F0E0] =	vst v63  }
0xfa: {  	_ = 	snop  }
0xfb: {  	[spmem:s1] =	stream.indirect.scatter.add.f32 [tilespmem:s14], [sflag:$0x3], $0x20, s7, s8, $0xb8;
	[tilespmem:$0x1F0E0] =	vst v63  }
0xfc: {  	s7 =	simm.s32 $0x1C2A0  }
0xfd: {  	[spmem:s1] =	stream.indirect.scatter.add.f32 [tilespmem:s7], [sflag:$0x3], $0x20, s11, s8, $0xb8;
	[tilespmem:$0x1F0E0] =	vst v63  }
0xfe: {  	_ = 	snop  }
0xff: {  	[spmem:s1] =	stream.indirect.scatter.add.f32 [tilespmem:s7], [sflag:$0x3], $0x20, s16, s8, $0xb8;
	[tilespmem:$0x1F0E0] =	vst v63  }
0x100: {  	s16 =	simm.s32 $0x1CCA0  }
0x101: {  	[spmem:s1] =	stream.indirect.scatter.add.f32 [tilespmem:s16], [sflag:$0x3], $0x20, s15, s8, $0xb8;
	[tilespmem:$0x1F0E0] =	vst v63  }
0x102: {  	_ = 	snop  }
0x103: {  	[spmem:s1] =	stream.indirect.scatter.add.f32 [tilespmem:s16], [sflag:$0x3], $0x20, s21, s8, $0xb8;
	[tilespmem:$0x1F0E0] =	vst v63  }
0x104: {  	s5 =	simm.s32 $0x1D6A0  }
0x105: {  	[spmem:s1] =	stream.indirect.scatter.add.f32 [tilespmem:s5], [sflag:$0x3], $0x20, s17, s8, $0xb8;
	[tilespmem:$0x1F0E0] =	vst v63  }
0x106: {  	_ = 	snop  }
0x107: {  	[spmem:s1] =	stream.indirect.scatter.add.f32 [tilespmem:s5], [sflag:$0x3], $0x20, s19, s8, $0xb8;
	[tilespmem:$0x1F0E0] =	vst v63  }
0x108: {  	s9 =	simm.s32 $0x1E0A0  }
0x109: {  	[spmem:s1] =	stream.indirect.scatter.add.f32 [tilespmem:s9], [sflag:$0x3], $0x20, s4, s8, $0xb8;
	[tilespmem:$0x1F0E0] =	vst v63  }
0x10a: {  	_ = 	snop  }
0x10b: {  	[spmem:s1] =	stream.indirect.scatter.add.f32 [tilespmem:s9], [sflag:$0x3], $0x20, s6, s8, $0xb8;
	[tilespmem:$0x1F0E0] =	vst v63  }
0x10c: {  	_ =	swait.ge [sflag:s18], $0xA00  }
0x10d: {  	[sflag:s18] =	ssyncset.done $0x0  }
0x10e: {  	[sflag:s18] =	ssyncadd.s32 $0xFFFFF600  }
0x10f: {  	_ =	swait.ge [sflag:s18], $0xA00  }
0x110: {  	[sflag:s18] =	ssyncset.done $0x0  }
0x111: {  	[sflag:s18] =	ssyncadd.s32 $0xFFFFF600  }
0x112: {  	_ =	swait.ge [sflag:s18], $0xA00  }
0x113: {  	[sflag:s18] =	ssyncset.done $0x0  }
0x114: {  	[sflag:s18] =	ssyncadd.s32 $0xFFFFF600  }
0x115: {  	_ =	swait.ge [sflag:s18], $0xA00  }
0x116: {  	[sflag:s18] =	ssyncset.done $0x0  }
0x117: {  	[sflag:s18] =	ssyncadd.s32 $0xFFFFF600  }
0x118: {  	_ =	swait.ge [sflag:s18], $0xA00  }
0x119: {  	[sflag:s18] =	ssyncset.done $0x0  }
0x11a: {  	[sflag:s18] =	ssyncadd.s32 $0xFFFFF600  }
0x11b: {  	_ =	swait.ge [sflag:s18], $0xA00  }
0x11c: {  	[sflag:s18] =	ssyncset.done $0x0  }
0x11d: {  	[sflag:s18] =	ssyncadd.s32 $0xFFFFF600  }
0x11e: {  	_ =	swait.ge [sflag:s18], $0xA00  }
0x11f: {  	[sflag:s18] =	ssyncset.done $0x0  }
0x120: {  	[sflag:s18] =	ssyncadd.s32 $0xFFFFF600  }
0x121: {  	_ =	swait.ge [sflag:s18], $0xA00  }
0x122: {  	[sflag:s18] =	ssyncset.done $0x0  }
0x123: {  	[sflag:s18] =	ssyncadd.s32 $0xFFFFF600  }
0x124: {  	_ =	swait.ge [sflag:s18], $0xA00  }
0x125: {  	[sflag:s18] =	ssyncset.done $0x0  }
0x126: {  	[sflag:s18] =	ssyncadd.s32 $0xFFFFF600  }
0x127: {  	s25 =	simm.s32 $0x64;
	s26 =	simm.s32 $0xC8;
	_ =	swait.ge [sflag:s18], $0xA00  }
0x128: {  	s24 =	smov.u32 s0;
	s29 =	rddreg [dreg:$0x4];
	[sflag:s18] =	ssyncset.done $0x0  }
.LBB2_4:
0x129: {  	[sflag:s18] =	ssyncadd.s32 $0xFFFFF600;
	s28 =	sadd.s32 $0x3200, s28;
	s23 =	simm.s32 $0x80  }
0x12a: {  	[tilespmem:s10], [sflag:$0x1] =	stream.strided.gather [hbm4b:s28+s2], $0x3200, s23, s2, $0x38;
	[tilespmem:$0x1F0E0] =	vst v63  }
0x12b: {  	s29 =	sadd.s32 s25, s29;
	s10 =	simm.s32 $0x1EAA0  }
0x12c: {  	[tilespmem:s10], [sflag:$0x2] =	stream.linear.gather [hbm4b:s29+s12], $0x50, $0x38;
	[tilespmem:$0x1F0E0] =	vst v63  }
0x12d: {  	s11 =	simm.s32 $0x1EDC0;
	s17 =	sadd.s32 $0x186A0, s29  }
0x12e: {  	[tilespmem:s11], [sflag:$0x2] =	stream.linear.gather [hbm4b:s17+s12], $0x50, $0x38;
	[tilespmem:$0x1F0E0] =	vst v63  }
0x12f: {  	s3 =	simm.s32 $0x1EAF0;
	s19 =	sadd.s32 $0xA, s29  }
0x130: {  	[tilespmem:s3], [sflag:$0x2] =	stream.linear.gather [hbm4b:s19+s12], $0x50, $0x38;
	[tilespmem:$0x1F0E0] =	vst v63  }
0x131: {  	s13 =	simm.s32 $0x1EE10;
	s20 =	sadd.s32 $0x186AA, s29  }
0x132: {  	[tilespmem:s13], [sflag:$0x2] =	stream.linear.gather [hbm4b:s20+s12], $0x50, $0x38;
	[tilespmem:$0x1F0E0] =	vst v63  }
0x133: {  	s21 =	sadd.s32 $0x14, s29;
	s17 =	simm.s32 $0x1EB40  }
0x134: {  	[tilespmem:s17], [sflag:$0x2] =	stream.linear.gather [hbm4b:s21+s12], $0x50, $0x38;
	[tilespmem:$0x1F0E0] =	vst v63  }
0x135: {  	s22 =	sadd.s32 $0x186B4, s29;
	s19 =	simm.s32 $0x1EE60  }
0x136: {  	[tilespmem:s19], [sflag:$0x2] =	stream.linear.gather [hbm4b:s22+s12], $0x50, $0x38;
	[tilespmem:$0x1F0E0] =	vst v63  }
0x137: {  	s15 =	sadd.s32 $0x1E, s29;
	s20 =	simm.s32 $0x1EB90  }
0x138: {  	[tilespmem:s20], [sflag:$0x2] =	stream.linear.gather [hbm4b:s15+s12], $0x50, $0x38;
	[tilespmem:$0x1F0E0] =	vst v63  }
0x139: {  	s21 =	sadd.s32 $0x186BE, s29;
	s15 =	simm.s32 $0x1EEB0  }
0x13a: {  	[tilespmem:s15], [sflag:$0x2] =	stream.linear.gather [hbm4b:s21+s12], $0x50, $0x38;
	[tilespmem:$0x1F0E0] =	vst v63  }
0x13b: {  	s0 =	smov.u32 s26;
	s22 =	sadd.s32 $0x28, s29;
	s21 =	simm.s32 $0x1EBE0  }
0x13c: {  	[tilespmem:s21], [sflag:$0x2] =	stream.linear.gather [hbm4b:s22+s12], $0x50, $0x38;
	[tilespmem:$0x1F0E0] =	vst v63  }
0x13d: {  	s25 =	smov.u32 s0;
	s0 =	sadd.s32 $0x186C8, s29;
	s22 =	simm.s32 $0x1EF00  }
0x13e: {  	[tilespmem:s22], [sflag:$0x2] =	stream.linear.gather [hbm4b:s0+s12], $0x50, $0x38;
	[tilespmem:$0x1F0E0] =	vst v63  }
0x13f: {  	_ =	swait.ge [sflag:s30], $0x50  }
0x140: {  	[sflag:s30] =	ssyncset.done $0x0  }
0x141: {  	[sflag:s30] =	ssyncadd.s32 $0xFFFFFFB0  }
0x142: {  	_ =	swait.ge [sflag:s30], $0x50  }
0x143: {  	[sflag:s30] =	ssyncset.done $0x0  }
0x144: {  	[sflag:s30] =	ssyncadd.s32 $0xFFFFFFB0  }
0x145: {  	_ =	swait.ge [sflag:s30], $0x50  }
0x146: {  	[sflag:s30] =	ssyncset.done $0x0  }
0x147: {  	[sflag:s30] =	ssyncadd.s32 $0xFFFFFFB0  }
0x148: {  	_ =	swait.ge [sflag:s30], $0x50  }
0x149: {  	[sflag:s30] =	ssyncset.done $0x0  }
0x14a: {  	[sflag:s30] =	ssyncadd.s32 $0xFFFFFFB0  }
0x14b: {  	_ =	swait.ge [sflag:s30], $0x50  }
0x14c: {  	[sflag:s30] =	ssyncset.done $0x0  }
0x14d: {  	[sflag:s30] =	ssyncadd.s32 $0xFFFFFFB0  }
0x14e: {  	_ =	swait.ge [sflag:s30], $0x50  }
0x14f: {  	[sflag:s30] =	ssyncset.done $0x0  }
0x150: {  	[sflag:s30] =	ssyncadd.s32 $0xFFFFFFB0  }
0x151: {  	_ =	swait.ge [sflag:s30], $0x50  }
0x152: {  	[sflag:s30] =	ssyncset.done $0x0  }
0x153: {  	[sflag:s30] =	ssyncadd.s32 $0xFFFFFFB0  }
0x154: {  	_ =	swait.ge [sflag:s30], $0x50  }
0x155: {  	[sflag:s30] =	ssyncset.done $0x0  }
0x156: {  	[sflag:s30] =	ssyncadd.s32 $0xFFFFFFB0  }
0x157: {  	_ =	swait.ge [sflag:s30], $0x50  }
0x158: {  	[sflag:s30] =	ssyncset.done $0x0  }
0x159: {  	[sflag:s30] =	ssyncadd.s32 $0xFFFFFFB0  }
0x15a: {  	_ =	swait.ge [sflag:s30], $0x50  }
0x15b: {  	[sflag:s30] =	ssyncset.done $0x0  }
0x15c: {  	[sflag:s30] =	ssyncadd.s32 $0xFFFFFFB0  }
0x15d: {  	_ =	swait.ge [sflag:s31], $0x3200  }
0x15e: {  	[sflag:s31] =	ssyncset.done $0x0  }
0x15f: {  	s14 =	simm.s32 $0x186A0;
	[sflag:s31] =	ssyncadd.s32 $0xFFFFCE00  }
0x160: {  	[spmem:s1] =	stream.indirect.scatter.add.f32 [tilespmem:s14], [sflag:$0x3], $0x20, s10, s8, $0xb8;
	[tilespmem:$0x1F0E0] =	vst v63  }
0x161: {  	s10 =	simm.s32 $0x186A0  }
0x162: {  	[spmem:s1] =	stream.indirect.scatter.add.f32 [tilespmem:s10], [sflag:$0x3], $0x20, s11, s8, $0xb8;
	[tilespmem:$0x1F0E0] =	vst v63  }
0x163: {  	s11 =	simm.s32 $0x190A0  }
0x164: {  	[spmem:s1] =	stream.indirect.scatter.add.f32 [tilespmem:s11], [sflag:$0x3], $0x20, s3, s8, $0xb8;
	[tilespmem:$0x1F0E0] =	vst v63  }
0x165: {  	_ = 	snop  }
0x166: {  	[spmem:s1] =	stream.indirect.scatter.add.f32 [tilespmem:s11], [sflag:$0x3], $0x20, s13, s8, $0xb8;
	[tilespmem:$0x1F0E0] =	vst v63  }
0x167: {  	s13 =	simm.s32 $0x19AA0  }
0x168: {  	[spmem:s1] =	stream.indirect.scatter.add.f32 [tilespmem:s13], [sflag:$0x3], $0x20, s17, s8, $0xb8;
	[tilespmem:$0x1F0E0] =	vst v63  }
0x169: {  	_ = 	snop  }
0x16a: {  	[spmem:s1] =	stream.indirect.scatter.add.f32 [tilespmem:s13], [sflag:$0x3], $0x20, s19, s8, $0xb8;
	[tilespmem:$0x1F0E0] =	vst v63  }
0x16b: {  	s3 =	simm.s32 $0x1A4A0  }
0x16c: {  	[spmem:s1] =	stream.indirect.scatter.add.f32 [tilespmem:s3], [sflag:$0x3], $0x20, s20, s8, $0xb8;
	[tilespmem:$0x1F0E0] =	vst v63  }
0x16d: {  	_ = 	snop  }
0x16e: {  	[spmem:s1] =	stream.indirect.scatter.add.f32 [tilespmem:s3], [sflag:$0x3], $0x20, s15, s8, $0xb8;
	[tilespmem:$0x1F0E0] =	vst v63  }
0x16f: {  	s11 =	simm.s32 $0x1AEA0  }
0x170: {  	[spmem:s1] =	stream.indirect.scatter.add.f32 [tilespmem:s11], [sflag:$0x3], $0x20, s21, s8, $0xb8;
	[tilespmem:$0x1F0E0] =	vst v63  }
0x171: {  	_ = 	snop  }
0x172: {  	[spmem:s1] =	stream.indirect.scatter.add.f32 [tilespmem:s11], [sflag:$0x3], $0x20, s22, s8, $0xb8;
	[tilespmem:$0x1F0E0] =	vst v63  }
0x173: {  	_ =	swait.ge [sflag:s18], $0xA00  }
0x174: {  	[sflag:s18] =	ssyncset.done $0x0  }
0x175: {  	[sflag:s18] =	ssyncadd.s32 $0xFFFFF600  }
0x176: {  	_ =	swait.ge [sflag:s18], $0xA00  }
0x177: {  	[sflag:s18] =	ssyncset.done $0x0  }
0x178: {  	[sflag:s18] =	ssyncadd.s32 $0xFFFFF600  }
0x179: {  	_ =	swait.ge [sflag:s18], $0xA00  }
0x17a: {  	[sflag:s18] =	ssyncset.done $0x0  }
0x17b: {  	[sflag:s18] =	ssyncadd.s32 $0xFFFFF600  }
0x17c: {  	_ =	swait.ge [sflag:s18], $0xA00  }
0x17d: {  	[sflag:s18] =	ssyncset.done $0x0  }
0x17e: {  	[sflag:s18] =	ssyncadd.s32 $0xFFFFF600  }
0x17f: {  	_ =	swait.ge [sflag:s18], $0xA00  }
0x180: {  	[sflag:s18] =	ssyncset.done $0x0  }
0x181: {  	[sflag:s18] =	ssyncadd.s32 $0xFFFFF600  }
0x182: {  	_ =	swait.ge [sflag:s18], $0xA00  }
0x183: {  	[sflag:s18] =	ssyncset.done $0x0  }
0x184: {  	[sflag:s18] =	ssyncadd.s32 $0xFFFFF600  }
0x185: {  	_ =	swait.ge [sflag:s18], $0xA00  }
0x186: {  	[sflag:s18] =	ssyncset.done $0x0  }
0x187: {  	[sflag:s18] =	ssyncadd.s32 $0xFFFFF600  }
0x188: {  	_ =	swait.ge [sflag:s18], $0xA00  }
0x189: {  	[sflag:s18] =	ssyncset.done $0x0  }
0x18a: {  	[sflag:s18] =	ssyncadd.s32 $0xFFFFF600  }
0x18b: {  	_ =	swait.ge [sflag:s18], $0xA00  }
0x18c: {  	[sflag:s18] =	ssyncset.done $0x0  }
0x18d: {  	[sflag:s18] =	ssyncadd.s32 $0xFFFFF600  }
0x18e: {  	_ =	swait.ge [sflag:s18], $0xA00  }
0x18f: {  	s24 =	sadd.s32 $0x3200, s24;
	[sflag:s18] =	ssyncset.done $0x0  }
0x190: {  	s2 =	simm.s32 $0x20;
	s14 =	simm.s32 $0x1B8A0;
	[sflag:s18] =	ssyncadd.s32 $0xFFFFF600  }
0x191: {  	[tilespmem:s14], [sflag:$0x1] =	stream.strided.gather [hbm4b:s24+s2], $0x3200, s23, s2, $0x38;
	[tilespmem:$0x1F0E0] =	vst v63  }
0x192: {  	s13 =	sadd.s32 $0x32, s29;
	s3 =	simm.s32 $0x1EC30  }
0x193: {  	[tilespmem:s3], [sflag:$0x2] =	stream.linear.gather [hbm4b:s13+s12], $0x50, $0x38;
	[tilespmem:$0x1F0E0] =	vst v63  }
0x194: {  	s15 =	sadd.s32 $0x186D2, s29;
	s11 =	simm.s32 $0x1EF50  }
0x195: {  	[tilespmem:s11], [sflag:$0x2] =	stream.linear.gather [hbm4b:s15+s12], $0x50, $0x38;
	[tilespmem:$0x1F0E0] =	vst v63  }
0x196: {  	s17 =	sadd.s32 $0x3C, s29;
	s13 =	simm.s32 $0x1EC80  }
0x197: {  	[tilespmem:s13], [sflag:$0x2] =	stream.linear.gather [hbm4b:s17+s12], $0x50, $0x38;
	[tilespmem:$0x1F0E0] =	vst v63  }
0x198: {  	s19 =	sadd.s32 $0x186DC, s29;
	s15 =	simm.s32 $0x1EFA0  }
0x199: {  	[tilespmem:s15], [sflag:$0x2] =	stream.linear.gather [hbm4b:s19+s12], $0x50, $0x38;
	[tilespmem:$0x1F0E0] =	vst v63  }
0x19a: {  	s20 =	sadd.s32 $0x46, s29;
	s17 =	simm.s32 $0x1ECD0  }
0x19b: {  	[tilespmem:s17], [sflag:$0x2] =	stream.linear.gather [hbm4b:s20+s12], $0x50, $0x38;
	[tilespmem:$0x1F0E0] =	vst v63  }
0x19c: {  	s21 =	sadd.s32 $0x186E6, s29;
	s19 =	simm.s32 $0x1EFF0  }
0x19d: {  	[tilespmem:s19], [sflag:$0x2] =	stream.linear.gather [hbm4b:s21+s12], $0x50, $0x38;
	[tilespmem:$0x1F0E0] =	vst v63  }
0x19e: {  	s22 =	sadd.s32 $0x50, s29;
	s20 =	simm.s32 $0x1ED20  }
0x19f: {  	[tilespmem:s20], [sflag:$0x2] =	stream.linear.gather [hbm4b:s22+s12], $0x50, $0x38;
	[tilespmem:$0x1F0E0] =	vst v63  }
0x1a0: {  	s23 =	sadd.s32 $0x186F0, s29;
	s21 =	simm.s32 $0x1F040  }
0x1a1: {  	[tilespmem:s21], [sflag:$0x2] =	stream.linear.gather [hbm4b:s23+s12], $0x50, $0x38;
	[tilespmem:$0x1F0E0] =	vst v63  }
0x1a2: {  	s22 =	sadd.s32 $0x5A, s29  }
0x1a3: {  	[tilespmem:s4], [sflag:$0x2] =	stream.linear.gather [hbm4b:s22+s12], $0x50, $0x38;
	[tilespmem:$0x1F0E0] =	vst v63  }
0x1a4: {  	s23 =	sadd.s32 $0x186FA, s29  }
0x1a5: {  	[tilespmem:s6], [sflag:$0x2] =	stream.linear.gather [hbm4b:s23+s12], $0x50, $0x38;
	[tilespmem:$0x1F0E0] =	vst v63  }
0x1a6: {  	_ =	swait.ge [sflag:s30], $0x50  }
0x1a7: {  	[sflag:s30] =	ssyncset.done $0x0  }
0x1a8: {  	[sflag:s30] =	ssyncadd.s32 $0xFFFFFFB0  }
0x1a9: {  	_ =	swait.ge [sflag:s30], $0x50  }
0x1aa: {  	[sflag:s30] =	ssyncset.done $0x0  }
0x1ab: {  	[sflag:s30] =	ssyncadd.s32 $0xFFFFFFB0  }
0x1ac: {  	_ =	swait.ge [sflag:s30], $0x50  }
0x1ad: {  	[sflag:s30] =	ssyncset.done $0x0  }
0x1ae: {  	[sflag:s30] =	ssyncadd.s32 $0xFFFFFFB0  }
0x1af: {  	_ =	swait.ge [sflag:s30], $0x50  }
0x1b0: {  	[sflag:s30] =	ssyncset.done $0x0  }
0x1b1: {  	[sflag:s30] =	ssyncadd.s32 $0xFFFFFFB0  }
0x1b2: {  	_ =	swait.ge [sflag:s30], $0x50  }
0x1b3: {  	[sflag:s30] =	ssyncset.done $0x0  }
0x1b4: {  	[sflag:s30] =	ssyncadd.s32 $0xFFFFFFB0  }
0x1b5: {  	_ =	swait.ge [sflag:s30], $0x50  }
0x1b6: {  	[sflag:s30] =	ssyncset.done $0x0  }
0x1b7: {  	[sflag:s30] =	ssyncadd.s32 $0xFFFFFFB0  }
0x1b8: {  	_ =	swait.ge [sflag:s30], $0x50  }
0x1b9: {  	[sflag:s30] =	ssyncset.done $0x0  }
0x1ba: {  	[sflag:s30] =	ssyncadd.s32 $0xFFFFFFB0  }
0x1bb: {  	_ =	swait.ge [sflag:s30], $0x50  }
0x1bc: {  	[sflag:s30] =	ssyncset.done $0x0  }
0x1bd: {  	[sflag:s30] =	ssyncadd.s32 $0xFFFFFFB0  }
0x1be: {  	_ =	swait.ge [sflag:s30], $0x50  }
0x1bf: {  	[sflag:s30] =	ssyncset.done $0x0  }
0x1c0: {  	[sflag:s30] =	ssyncadd.s32 $0xFFFFFFB0  }
0x1c1: {  	_ =	swait.ge [sflag:s30], $0x50  }
0x1c2: {  	[sflag:s30] =	ssyncset.done $0x0  }
0x1c3: {  	[sflag:s30] =	ssyncadd.s32 $0xFFFFFFB0  }
0x1c4: {  	_ =	swait.ge [sflag:s31], $0x3200  }
0x1c5: {  	[sflag:s31] =	ssyncset.done $0x0  }
0x1c6: {  	[sflag:s31] =	ssyncadd.s32 $0xFFFFCE00  }
0x1c7: {  	[spmem:s1] =	stream.indirect.scatter.add.f32 [tilespmem:s14], [sflag:$0x3], $0x20, s3, s8, $0xb8;
	[tilespmem:$0x1F0E0] =	vst v63  }
0x1c8: {  	_ = 	snop  }
0x1c9: {  	[spmem:s1] =	stream.indirect.scatter.add.f32 [tilespmem:s14], [sflag:$0x3], $0x20, s11, s8, $0xb8;
	[tilespmem:$0x1F0E0] =	vst v63  }
0x1ca: {  	_ = 	snop  }
0x1cb: {  	[spmem:s1] =	stream.indirect.scatter.add.f32 [tilespmem:s7], [sflag:$0x3], $0x20, s13, s8, $0xb8;
	[tilespmem:$0x1F0E0] =	vst v63  }
0x1cc: {  	_ = 	snop  }
0x1cd: {  	[spmem:s1] =	stream.indirect.scatter.add.f32 [tilespmem:s7], [sflag:$0x3], $0x20, s15, s8, $0xb8;
	[tilespmem:$0x1F0E0] =	vst v63  }
0x1ce: {  	_ = 	snop  }
0x1cf: {  	[spmem:s1] =	stream.indirect.scatter.add.f32 [tilespmem:s16], [sflag:$0x3], $0x20, s17, s8, $0xb8;
	[tilespmem:$0x1F0E0] =	vst v63  }
0x1d0: {  	_ = 	snop  }
0x1d1: {  	[spmem:s1] =	stream.indirect.scatter.add.f32 [tilespmem:s16], [sflag:$0x3], $0x20, s19, s8, $0xb8;
	[tilespmem:$0x1F0E0] =	vst v63  }
0x1d2: {  	_ = 	snop  }
0x1d3: {  	[spmem:s1] =	stream.indirect.scatter.add.f32 [tilespmem:s5], [sflag:$0x3], $0x20, s20, s8, $0xb8;
	[tilespmem:$0x1F0E0] =	vst v63  }
0x1d4: {  	_ = 	snop  }
0x1d5: {  	[spmem:s1] =	stream.indirect.scatter.add.f32 [tilespmem:s5], [sflag:$0x3], $0x20, s21, s8, $0xb8;
	[tilespmem:$0x1F0E0] =	vst v63  }
0x1d6: {  	_ = 	snop  }
0x1d7: {  	[spmem:s1] =	stream.indirect.scatter.add.f32 [tilespmem:s9], [sflag:$0x3], $0x20, s4, s8, $0xb8;
	[tilespmem:$0x1F0E0] =	vst v63  }
0x1d8: {  	_ = 	snop  }
0x1d9: {  	[spmem:s1] =	stream.indirect.scatter.add.f32 [tilespmem:s9], [sflag:$0x3], $0x20, s6, s8, $0xb8;
	[tilespmem:$0x1F0E0] =	vst v63  }
0x1da: {  	_ =	swait.ge [sflag:s18], $0xA00  }
0x1db: {  	[sflag:s18] =	ssyncset.done $0x0  }
0x1dc: {  	[sflag:s18] =	ssyncadd.s32 $0xFFFFF600  }
0x1dd: {  	_ =	swait.ge [sflag:s18], $0xA00  }
0x1de: {  	[sflag:s18] =	ssyncset.done $0x0  }
0x1df: {  	[sflag:s18] =	ssyncadd.s32 $0xFFFFF600  }
0x1e0: {  	_ =	swait.ge [sflag:s18], $0xA00  }
0x1e1: {  	[sflag:s18] =	ssyncset.done $0x0  }
0x1e2: {  	[sflag:s18] =	ssyncadd.s32 $0xFFFFF600  }
0x1e3: {  	_ =	swait.ge [sflag:s18], $0xA00  }
0x1e4: {  	[sflag:s18] =	ssyncset.done $0x0  }
0x1e5: {  	[sflag:s18] =	ssyncadd.s32 $0xFFFFF600  }
0x1e6: {  	_ =	swait.ge [sflag:s18], $0xA00  }
0x1e7: {  	[sflag:s18] =	ssyncset.done $0x0  }
0x1e8: {  	[sflag:s18] =	ssyncadd.s32 $0xFFFFF600  }
0x1e9: {  	_ =	swait.ge [sflag:s18], $0xA00  }
0x1ea: {  	[sflag:s18] =	ssyncset.done $0x0  }
0x1eb: {  	[sflag:s18] =	ssyncadd.s32 $0xFFFFF600  }
0x1ec: {  	_ =	swait.ge [sflag:s18], $0xA00  }
0x1ed: {  	[sflag:s18] =	ssyncset.done $0x0  }
0x1ee: {  	[sflag:s18] =	ssyncadd.s32 $0xFFFFF600  }
0x1ef: {  	_ =	swait.ge [sflag:s18], $0xA00  }
0x1f0: {  	[sflag:s18] =	ssyncset.done $0x0  }
0x1f1: {  	p0 =	sne.s32 s26, $0x17D4;
	[sflag:s18] =	ssyncadd.s32 $0xFFFFF600  }
.Ltmp1:
0x1f2: {  	_ =	swait.ge [sflag:s18], $0xA00;
	(pc) =	sbr.rel @p0 .LBB2_4-.Ltmp1, $4  }
0x1f3: {  	[sflag:s18] =	ssyncset.done $0x0  }
0x1f4: {  	[sflag:s18] =	ssyncadd.s32 $0xFFFFF600  }
0x1f5: {  	_ =	swait.ge [sflag:s18], $0xA00  }
0x1f6: {  	s26 =	sadd.s32 $0x64, s26;
	s29 =	rddreg [dreg:$0x4];
	[sflag:s18] =	ssyncset.done $0x0  }
0x1f7: {  	[sflag:s18] =	ssyncadd.s32 $0xFFFFF600;
	s0 =	sadd.s32 $0x3200, s28;
	s3 =	simm.s32 $0x80  }
0x1f8: {  	[tilespmem:s10], [sflag:$0x1] =	stream.strided.gather [hbm4b:s0+s2], $0x3200, s3, s2, $0x38;
	[tilespmem:$0x1F0E0] =	vst v63  }
0x1f9: {  	s25 =	sadd.s32 s25, s29;
	s11 =	simm.s32 $0x1EAA0  }
0x1fa: {  	[tilespmem:s11], [sflag:$0x2] =	stream.linear.gather [hbm4b:s25+s12], $0x50, $0x38;
	[tilespmem:$0x1F0E0] =	vst v63  }
0x1fb: {  	s15 =	simm.s32 $0x1EDC0;
	s13 =	sadd.s32 $0x186A0, s25  }
0x1fc: {  	[tilespmem:s15], [sflag:$0x2] =	stream.linear.gather [hbm4b:s13+s12], $0x50, $0x38;
	[tilespmem:$0x1F0E0] =	vst v63  }
0x1fd: {  	s19 =	simm.s32 $0x1EAF0;
	s17 =	sadd.s32 $0xA, s25  }
0x1fe: {  	[tilespmem:s19], [sflag:$0x2] =	stream.linear.gather [hbm4b:s17+s12], $0x50, $0x38;
	[tilespmem:$0x1F0E0] =	vst v63  }
0x1ff: {  	s21 =	simm.s32 $0x1EE10;
	s20 =	sadd.s32 $0x186AA, s25  }
0x200: {  	[tilespmem:s21], [sflag:$0x2] =	stream.linear.gather [hbm4b:s20+s12], $0x50, $0x38;
	[tilespmem:$0x1F0E0] =	vst v63  }
0x201: {  	s26 =	simm.s32 $0x1EB40;
	s23 =	sadd.s32 $0x14, s25  }
0x202: {  	[tilespmem:s26], [sflag:$0x2] =	stream.linear.gather [hbm4b:s23+s12], $0x50, $0x38;
	[tilespmem:$0x1F0E0] =	vst v63  }
0x203: {  	s3 =	sadd.s32 $0x186B4, s25;
	s19 =	simm.s32 $0x1EE60  }
0x204: {  	[tilespmem:s19], [sflag:$0x2] =	stream.linear.gather [hbm4b:s3+s12], $0x50, $0x38;
	[tilespmem:$0x1F0E0] =	vst v63  }
0x205: {  	s20 =	sadd.s32 $0x1E, s25;
	s21 =	simm.s32 $0x1EB90  }
0x206: {  	[tilespmem:s21], [sflag:$0x2] =	stream.linear.gather [hbm4b:s20+s12], $0x50, $0x38;
	[tilespmem:$0x1F0E0] =	vst v63  }
0x207: {  	s23 =	sadd.s32 $0x186BE, s25;
	s26 =	simm.s32 $0x1EEB0  }
0x208: {  	[tilespmem:s26], [sflag:$0x2] =	stream.linear.gather [hbm4b:s23+s12], $0x50, $0x38;
	[tilespmem:$0x1F0E0] =	vst v63  }
0x209: {  	s28 =	simm.s32 $0x1EBE0;
	s20 =	sadd.s32 $0x28, s25  }
0x20a: {  	[tilespmem:s28], [sflag:$0x2] =	stream.linear.gather [hbm4b:s20+s12], $0x50, $0x38;
	[tilespmem:$0x1F0E0] =	vst v63  }
0x20b: {  	s23 =	sadd.s32 $0x186C8, s25;
	s26 =	simm.s32 $0x1EF00  }
0x20c: {  	[tilespmem:s26], [sflag:$0x2] =	stream.linear.gather [hbm4b:s23+s12], $0x50, $0x38;
	[tilespmem:$0x1F0E0] =	vst v63  }
0x20d: {  	_ =	swait.ge [sflag:s30], $0x50  }
0x20e: {  	[sflag:s30] =	ssyncset.done $0x0  }
0x20f: {  	[sflag:s30] =	ssyncadd.s32 $0xFFFFFFB0  }
0x210: {  	_ =	swait.ge [sflag:s30], $0x50  }
0x211: {  	[sflag:s30] =	ssyncset.done $0x0  }
0x212: {  	[sflag:s30] =	ssyncadd.s32 $0xFFFFFFB0  }
0x213: {  	_ =	swait.ge [sflag:s30], $0x50  }
0x214: {  	[sflag:s30] =	ssyncset.done $0x0  }
0x215: {  	[sflag:s30] =	ssyncadd.s32 $0xFFFFFFB0  }
0x216: {  	_ =	swait.ge [sflag:s30], $0x50  }
0x217: {  	[sflag:s30] =	ssyncset.done $0x0  }
0x218: {  	[sflag:s30] =	ssyncadd.s32 $0xFFFFFFB0  }
0x219: {  	_ =	swait.ge [sflag:s30], $0x50  }
0x21a: {  	[sflag:s30] =	ssyncset.done $0x0  }
0x21b: {  	[sflag:s30] =	ssyncadd.s32 $0xFFFFFFB0  }
0x21c: {  	_ =	swait.ge [sflag:s30], $0x50  }
0x21d: {  	[sflag:s30] =	ssyncset.done $0x0  }
0x21e: {  	[sflag:s30] =	ssyncadd.s32 $0xFFFFFFB0  }
0x21f: {  	_ =	swait.ge [sflag:s30], $0x50  }
0x220: {  	[sflag:s30] =	ssyncset.done $0x0  }
0x221: {  	[sflag:s30] =	ssyncadd.s32 $0xFFFFFFB0  }
0x222: {  	_ =	swait.ge [sflag:s30], $0x50  }
0x223: {  	[sflag:s30] =	ssyncset.done $0x0  }
0x224: {  	[sflag:s30] =	ssyncadd.s32 $0xFFFFFFB0  }
0x225: {  	_ =	swait.ge [sflag:s30], $0x50  }
0x226: {  	[sflag:s30] =	ssyncset.done $0x0  }
0x227: {  	[sflag:s30] =	ssyncadd.s32 $0xFFFFFFB0  }
0x228: {  	_ =	swait.ge [sflag:s30], $0x50  }
0x229: {  	[sflag:s30] =	ssyncset.done $0x0  }
0x22a: {  	[sflag:s30] =	ssyncadd.s32 $0xFFFFFFB0  }
0x22b: {  	_ =	swait.ge [sflag:s31], $0x3200  }
0x22c: {  	[sflag:s31] =	ssyncset.done $0x0  }
0x22d: {  	s22 =	simm.s32 $0x186A0;
	s10 =	simm.s32 $0x1EAA0;
	[sflag:s31] =	ssyncadd.s32 $0xFFFFCE00  }
0x22e: {  	[spmem:s1] =	stream.indirect.scatter.add.f32 [tilespmem:s22], [sflag:$0x3], $0x20, s10, s8, $0xb8;
	[tilespmem:$0x1F0E0] =	vst v63  }
0x22f: {  	s11 =	simm.s32 $0x1EDC0  }
0x230: {  	[spmem:s1] =	stream.indirect.scatter.add.f32 [tilespmem:s22], [sflag:$0x3], $0x20, s11, s8, $0xb8;
	[tilespmem:$0x1F0E0] =	vst v63  }
0x231: {  	s13 =	simm.s32 $0x1EAF0;
	s23 =	simm.s32 $0x190A0  }
0x232: {  	[spmem:s1] =	stream.indirect.scatter.add.f32 [tilespmem:s23], [sflag:$0x3], $0x20, s13, s8, $0xb8;
	[tilespmem:$0x1F0E0] =	vst v63  }
0x233: {  	s15 =	simm.s32 $0x1EE10  }
0x234: {  	[spmem:s1] =	stream.indirect.scatter.add.f32 [tilespmem:s23], [sflag:$0x3], $0x20, s15, s8, $0xb8;
	[tilespmem:$0x1F0E0] =	vst v63  }
0x235: {  	s29 =	simm.s32 $0x19AA0;
	s17 =	simm.s32 $0x1EB40  }
0x236: {  	[spmem:s1] =	stream.indirect.scatter.add.f32 [tilespmem:s29], [sflag:$0x3], $0x20, s17, s8, $0xb8;
	[tilespmem:$0x1F0E0] =	vst v63  }
0x237: {  	s19 =	simm.s32 $0x1EE60  }
0x238: {  	[spmem:s1] =	stream.indirect.scatter.add.f32 [tilespmem:s29], [sflag:$0x3], $0x20, s19, s8, $0xb8;
	[tilespmem:$0x1F0E0] =	vst v63  }
0x239: {  	s21 =	simm.s32 $0x1EB90;
	s20 =	simm.s32 $0x1A4A0  }
0x23a: {  	[spmem:s1] =	stream.indirect.scatter.add.f32 [tilespmem:s20], [sflag:$0x3], $0x20, s21, s8, $0xb8;
	[tilespmem:$0x1F0E0] =	vst v63  }
0x23b: {  	s3 =	simm.s32 $0x1EEB0  }
0x23c: {  	[spmem:s1] =	stream.indirect.scatter.add.f32 [tilespmem:s20], [sflag:$0x3], $0x20, s3, s8, $0xb8;
	[tilespmem:$0x1F0E0] =	vst v63  }
0x23d: {  	s21 =	simm.s32 $0x1AEA0  }
0x23e: {  	[spmem:s1] =	stream.indirect.scatter.add.f32 [tilespmem:s21], [sflag:$0x3], $0x20, s28, s8, $0xb8;
	[tilespmem:$0x1F0E0] =	vst v63  }
0x23f: {  	_ = 	snop  }
0x240: {  	[spmem:s1] =	stream.indirect.scatter.add.f32 [tilespmem:s21], [sflag:$0x3], $0x20, s26, s8, $0xb8;
	[tilespmem:$0x1F0E0] =	vst v63  }
0x241: {  	_ =	swait.ge [sflag:s18], $0xA00  }
0x242: {  	[sflag:s18] =	ssyncset.done $0x0  }
0x243: {  	[sflag:s18] =	ssyncadd.s32 $0xFFFFF600  }
0x244: {  	_ =	swait.ge [sflag:s18], $0xA00  }
0x245: {  	[sflag:s18] =	ssyncset.done $0x0  }
0x246: {  	[sflag:s18] =	ssyncadd.s32 $0xFFFFF600  }
0x247: {  	_ =	swait.ge [sflag:s18], $0xA00  }
0x248: {  	[sflag:s18] =	ssyncset.done $0x0  }
0x249: {  	[sflag:s18] =	ssyncadd.s32 $0xFFFFF600  }
0x24a: {  	_ =	swait.ge [sflag:s18], $0xA00  }
0x24b: {  	[sflag:s18] =	ssyncset.done $0x0  }
0x24c: {  	[sflag:s18] =	ssyncadd.s32 $0xFFFFF600  }
0x24d: {  	_ =	swait.ge [sflag:s18], $0xA00  }
0x24e: {  	[sflag:s18] =	ssyncset.done $0x0  }
0x24f: {  	[sflag:s18] =	ssyncadd.s32 $0xFFFFF600  }
0x250: {  	_ =	swait.ge [sflag:s18], $0xA00  }
0x251: {  	[sflag:s18] =	ssyncset.done $0x0  }
0x252: {  	[sflag:s18] =	ssyncadd.s32 $0xFFFFF600  }
0x253: {  	_ =	swait.ge [sflag:s18], $0xA00  }
0x254: {  	[sflag:s18] =	ssyncset.done $0x0  }
0x255: {  	[sflag:s18] =	ssyncadd.s32 $0xFFFFF600  }
0x256: {  	_ =	swait.ge [sflag:s18], $0xA00  }
0x257: {  	[sflag:s18] =	ssyncset.done $0x0  }
0x258: {  	[sflag:s18] =	ssyncadd.s32 $0xFFFFF600  }
0x259: {  	_ =	swait.ge [sflag:s18], $0xA00  }
0x25a: {  	[sflag:s18] =	ssyncset.done $0x0  }
0x25b: {  	[sflag:s18] =	ssyncadd.s32 $0xFFFFF600  }
0x25c: {  	_ =	swait.ge [sflag:s18], $0xA00  }
0x25d: {  	[sflag:s18] =	ssyncset.done $0x0  }
0x25e: {  	s19 =	sadd.s32 $0x3200, s24;
	s24 =	simm.s32 $0x80;
	[sflag:s18] =	ssyncadd.s32 $0xFFFFF600  }
0x25f: {  	[tilespmem:s14], [sflag:$0x1] =	stream.strided.gather [hbm4b:s19+s2], $0x3200, s24, s2, $0x38;
	[tilespmem:$0x1F0E0] =	vst v63  }
0x260: {  	s3 =	sadd.s32 $0x32, s25;
	s24 =	simm.s32 $0x1EC30  }
0x261: {  	[tilespmem:s24], [sflag:$0x2] =	stream.linear.gather [hbm4b:s3+s12], $0x50, $0x38;
	[tilespmem:$0x1F0E0] =	vst v63  }
0x262: {  	s10 =	sadd.s32 $0x186D2, s25;
	s19 =	simm.s32 $0x1EF50  }
0x263: {  	[tilespmem:s19], [sflag:$0x2] =	stream.linear.gather [hbm4b:s10+s12], $0x50, $0x38;
	[tilespmem:$0x1F0E0] =	vst v63  }
0x264: {  	s11 =	sadd.s32 $0x3C, s25;
	s17 =	simm.s32 $0x1EC80  }
0x265: {  	[tilespmem:s17], [sflag:$0x2] =	stream.linear.gather [hbm4b:s11+s12], $0x50, $0x38;
	[tilespmem:$0x1F0E0] =	vst v63  }
0x266: {  	s13 =	sadd.s32 $0x186DC, s25;
	s15 =	simm.s32 $0x1EFA0  }
0x267: {  	[tilespmem:s15], [sflag:$0x2] =	stream.linear.gather [hbm4b:s13+s12], $0x50, $0x38;
	[tilespmem:$0x1F0E0] =	vst v63  }
0x268: {  	s3 =	sadd.s32 $0x46, s25;
	s13 =	simm.s32 $0x1ECD0  }
0x269: {  	[tilespmem:s13], [sflag:$0x2] =	stream.linear.gather [hbm4b:s3+s12], $0x50, $0x38;
	[tilespmem:$0x1F0E0] =	vst v63  }
0x26a: {  	s10 =	sadd.s32 $0x186E6, s25;
	s11 =	simm.s32 $0x1EFF0  }
0x26b: {  	[tilespmem:s11], [sflag:$0x2] =	stream.linear.gather [hbm4b:s10+s12], $0x50, $0x38;
	[tilespmem:$0x1F0E0] =	vst v63  }
0x26c: {  	s3 =	sadd.s32 $0x50, s25;
	s10 =	simm.s32 $0x1ED20  }
0x26d: {  	[tilespmem:s10], [sflag:$0x2] =	stream.linear.gather [hbm4b:s3+s12], $0x50, $0x38;
	[tilespmem:$0x1F0E0] =	vst v63  }
0x26e: {  	s0 =	sadd.s32 $0x186F0, s25;
	s3 =	simm.s32 $0x1F040  }
0x26f: {  	[tilespmem:s3], [sflag:$0x2] =	stream.linear.gather [hbm4b:s0+s12], $0x50, $0x38;
	[tilespmem:$0x1F0E0] =	vst v63  }
0x270: {  	s0 =	sadd.s32 $0x5A, s25  }
0x271: {  	[tilespmem:s4], [sflag:$0x2] =	stream.linear.gather [hbm4b:s0+s12], $0x50, $0x38;
	[tilespmem:$0x1F0E0] =	vst v63  }
0x272: {  	s25 =	sadd.s32 $0x186FA, s25  }
0x273: {  	[tilespmem:s6], [sflag:$0x2] =	stream.linear.gather [hbm4b:s25+s12], $0x50, $0x38;
	[tilespmem:$0x1F0E0] =	vst v63  }
0x274: {  	_ =	swait.ge [sflag:s30], $0x50  }
0x275: {  	[sflag:s30] =	ssyncset.done $0x0  }
0x276: {  	[sflag:s30] =	ssyncadd.s32 $0xFFFFFFB0  }
0x277: {  	_ =	swait.ge [sflag:s30], $0x50  }
0x278: {  	[sflag:s30] =	ssyncset.done $0x0  }
0x279: {  	[sflag:s30] =	ssyncadd.s32 $0xFFFFFFB0  }
0x27a: {  	_ =	swait.ge [sflag:s30], $0x50  }
0x27b: {  	[sflag:s30] =	ssyncset.done $0x0  }
0x27c: {  	[sflag:s30] =	ssyncadd.s32 $0xFFFFFFB0  }
0x27d: {  	_ =	swait.ge [sflag:s30], $0x50  }
0x27e: {  	[sflag:s30] =	ssyncset.done $0x0  }
0x27f: {  	[sflag:s30] =	ssyncadd.s32 $0xFFFFFFB0  }
0x280: {  	_ =	swait.ge [sflag:s30], $0x50  }
0x281: {  	[sflag:s30] =	ssyncset.done $0x0  }
0x282: {  	[sflag:s30] =	ssyncadd.s32 $0xFFFFFFB0  }
0x283: {  	_ =	swait.ge [sflag:s30], $0x50  }
0x284: {  	[sflag:s30] =	ssyncset.done $0x0  }
0x285: {  	[sflag:s30] =	ssyncadd.s32 $0xFFFFFFB0  }
0x286: {  	_ =	swait.ge [sflag:s30], $0x50  }
0x287: {  	[sflag:s30] =	ssyncset.done $0x0  }
0x288: {  	[sflag:s30] =	ssyncadd.s32 $0xFFFFFFB0  }
0x289: {  	_ =	swait.ge [sflag:s30], $0x50  }
0x28a: {  	[sflag:s30] =	ssyncset.done $0x0  }
0x28b: {  	[sflag:s30] =	ssyncadd.s32 $0xFFFFFFB0  }
0x28c: {  	_ =	swait.ge [sflag:s30], $0x50  }
0x28d: {  	[sflag:s30] =	ssyncset.done $0x0  }
0x28e: {  	[sflag:s30] =	ssyncadd.s32 $0xFFFFFFB0  }
0x28f: {  	_ =	swait.ge [sflag:s30], $0x50  }
0x290: {  	[sflag:s30] =	ssyncset.done $0x0  }
0x291: {  	[sflag:s30] =	ssyncadd.s32 $0xFFFFFFB0  }
0x292: {  	_ =	swait.ge [sflag:s31], $0x3200  }
0x293: {  	[sflag:s31] =	ssyncset.done $0x0  }
0x294: {  	[sflag:s31] =	ssyncadd.s32 $0xFFFFCE00  }
0x295: {  	[spmem:s1] =	stream.indirect.scatter.add.f32 [tilespmem:s14], [sflag:$0x3], $0x20, s24, s8, $0xb8;
	[tilespmem:$0x1F0E0] =	vst v63  }
0x296: {  	_ = 	snop  }
0x297: {  	[spmem:s1] =	stream.indirect.scatter.add.f32 [tilespmem:s14], [sflag:$0x3], $0x20, s19, s8, $0xb8;
	[tilespmem:$0x1F0E0] =	vst v63  }
0x298: {  	_ = 	snop  }
0x299: {  	[spmem:s1] =	stream.indirect.scatter.add.f32 [tilespmem:s7], [sflag:$0x3], $0x20, s17, s8, $0xb8;
	[tilespmem:$0x1F0E0] =	vst v63  }
0x29a: {  	_ = 	snop  }
0x29b: {  	[spmem:s1] =	stream.indirect.scatter.add.f32 [tilespmem:s7], [sflag:$0x3], $0x20, s15, s8, $0xb8;
	[tilespmem:$0x1F0E0] =	vst v63  }
0x29c: {  	_ = 	snop  }
0x29d: {  	[spmem:s1] =	stream.indirect.scatter.add.f32 [tilespmem:s16], [sflag:$0x3], $0x20, s13, s8, $0xb8;
	[tilespmem:$0x1F0E0] =	vst v63  }
0x29e: {  	_ = 	snop  }
0x29f: {  	[spmem:s1] =	stream.indirect.scatter.add.f32 [tilespmem:s16], [sflag:$0x3], $0x20, s11, s8, $0xb8;
	[tilespmem:$0x1F0E0] =	vst v63  }
0x2a0: {  	_ = 	snop  }
0x2a1: {  	[spmem:s1] =	stream.indirect.scatter.add.f32 [tilespmem:s5], [sflag:$0x3], $0x20, s10, s8, $0xb8;
	[tilespmem:$0x1F0E0] =	vst v63  }
0x2a2: {  	_ = 	snop  }
0x2a3: {  	[spmem:s1] =	stream.indirect.scatter.add.f32 [tilespmem:s5], [sflag:$0x3], $0x20, s3, s8, $0xb8;
	[tilespmem:$0x1F0E0] =	vst v63  }
0x2a4: {  	_ = 	snop  }
0x2a5: {  	[spmem:s1] =	stream.indirect.scatter.add.f32 [tilespmem:s9], [sflag:$0x3], $0x20, s4, s8, $0xb8;
	[tilespmem:$0x1F0E0] =	vst v63  }
0x2a6: {  	_ = 	snop  }
0x2a7: {  	[spmem:s1] =	stream.indirect.scatter.add.f32 [tilespmem:s9], [sflag:$0x3], $0x20, s6, s8, $0xb8;
	[tilespmem:$0x1F0E0] =	vst v63  }
0x2a8: {  	_ =	swait.ge [sflag:s18], $0xA00  }
0x2a9: {  	[sflag:s18] =	ssyncset.done $0x0  }
0x2aa: {  	[sflag:s18] =	ssyncadd.s32 $0xFFFFF600  }
0x2ab: {  	_ =	swait.ge [sflag:s18], $0xA00  }
0x2ac: {  	[sflag:s18] =	ssyncset.done $0x0  }
0x2ad: {  	[sflag:s18] =	ssyncadd.s32 $0xFFFFF600  }
0x2ae: {  	_ =	swait.ge [sflag:s18], $0xA00  }
0x2af: {  	[sflag:s18] =	ssyncset.done $0x0  }
0x2b0: {  	[sflag:s18] =	ssyncadd.s32 $0xFFFFF600  }
0x2b1: {  	_ =	swait.ge [sflag:s18], $0xA00  }
0x2b2: {  	[sflag:s18] =	ssyncset.done $0x0  }
0x2b3: {  	[sflag:s18] =	ssyncadd.s32 $0xFFFFF600  }
0x2b4: {  	_ =	swait.ge [sflag:s18], $0xA00  }
0x2b5: {  	[sflag:s18] =	ssyncset.done $0x0  }
0x2b6: {  	[sflag:s18] =	ssyncadd.s32 $0xFFFFF600  }
0x2b7: {  	_ =	swait.ge [sflag:s18], $0xA00  }
0x2b8: {  	[sflag:s18] =	ssyncset.done $0x0  }
0x2b9: {  	[sflag:s18] =	ssyncadd.s32 $0xFFFFF600  }
0x2ba: {  	_ =	swait.ge [sflag:s18], $0xA00  }
0x2bb: {  	[sflag:s18] =	ssyncset.done $0x0  }
0x2bc: {  	[sflag:s18] =	ssyncadd.s32 $0xFFFFF600  }
0x2bd: {  	_ =	swait.ge [sflag:s18], $0xA00  }
0x2be: {  	[sflag:s18] =	ssyncset.done $0x0  }
0x2bf: {  	[sflag:s18] =	ssyncadd.s32 $0xFFFFF600  }
0x2c0: {  	_ =	swait.ge [sflag:s18], $0xA00  }
0x2c1: {  	[sflag:s18] =	ssyncset.done $0x0  }
0x2c2: {  	[sflag:s18] =	ssyncadd.s32 $0xFFFFF600  }
0x2c3: {  	_ =	swait.ge [sflag:s18], $0xA00  }
0x2c4: {  	[sflag:s18] =	ssyncset.done $0x0;
	s24 =	rddreg [dreg:$0xe]  }
0x2c5: {  	s25 =	simm.s32 $0x80;
	s9 =	rddreg [dreg:$0x19];
	[sflag:s18] =	ssyncadd.s32 $0xFFFFF600  }
0x2c6: {  	[tilespmem:s22], [sflag:$0x1] =	stream.strided.gather [hbm4b:s24+s2], $0x3200, s25, s2, $0x38;
	[tilespmem:$0x1F0E0] =	vst v63  }
0x2c7: {  	s3 =	simm.s32 $0x1EAA0;
	s2 =	rddreg [dreg:$0x5]  }
0x2c8: {  	[tilespmem:s3], [sflag:$0x2] =	stream.linear.gather [hbm4b:s2+s12], $0x50, $0x38;
	[tilespmem:$0x1F0E0] =	vst v63  }
0x2c9: {  	s10 =	simm.s32 $0x1EDC0;
	s5 =	rddreg [dreg:$0x1b]  }
0x2ca: {  	[tilespmem:s10], [sflag:$0x2] =	stream.linear.gather [hbm4b:s9+s12], $0x50, $0x38;
	[tilespmem:$0x1F0E0] =	vst v63  }
0x2cb: {  	s4 =	simm.s32 $0x1EAF0;
	s25 =	rddreg [dreg:$0x1a]  }
0x2cc: {  	[tilespmem:s4], [sflag:$0x2] =	stream.linear.gather [hbm4b:s25+s12], $0x50, $0x38;
	[tilespmem:$0x1F0E0] =	vst v63  }
0x2cd: {  	s6 =	simm.s32 $0x1EE10;
	s7 =	rddreg [dreg:$0x1c]  }
0x2ce: {  	[tilespmem:s6], [sflag:$0x2] =	stream.linear.gather [hbm4b:s5+s12], $0x50, $0x38;
	[tilespmem:$0x1F0E0] =	vst v63  }
0x2cf: {  	s11 =	rddreg [dreg:$0x1d];
	s9 =	simm.s32 $0x1EB40  }
0x2d0: {  	[tilespmem:s9], [sflag:$0x2] =	stream.linear.gather [hbm4b:s7+s12], $0x50, $0x38;
	[tilespmem:$0x1F0E0] =	vst v63  }
0x2d1: {  	s13 =	simm.s32 $0x1EE60;
	s15 =	rddreg [dreg:$0x1e]  }
0x2d2: {  	[tilespmem:s13], [sflag:$0x2] =	stream.linear.gather [hbm4b:s11+s12], $0x50, $0x38;
	[tilespmem:$0x1F0E0] =	vst v63  }
0x2d3: {  	s16 =	simm.s32 $0x1EB90;
	s17 =	rddreg [dreg:$0x1f]  }
0x2d4: {  	[tilespmem:s16], [sflag:$0x2] =	stream.linear.gather [hbm4b:s15+s12], $0x50, $0x38;
	[tilespmem:$0x1F0E0] =	vst v63  }
0x2d5: {  	s19 =	simm.s32 $0x1EEB0;
	s24 =	sld [smem:$0x7FB]  }
0x2d6: {  	[tilespmem:s19], [sflag:$0x2] =	stream.linear.gather [hbm4b:s17+s12], $0x50, $0x38;
	[tilespmem:$0x1F0E0] =	vst v63  }
0x2d7: {  	s25 =	sld [smem:$0x7FC]  }
0x2d8: {  	[tilespmem:s28], [sflag:$0x2] =	stream.linear.gather [hbm4b:s24+s12], $0x50, $0x38;
	[tilespmem:$0x1F0E0] =	vst v63  }
0x2d9: {  	_ = 	snop  }
0x2da: {  	[tilespmem:s26], [sflag:$0x2] =	stream.linear.gather [hbm4b:s25+s12], $0x50, $0x38;
	[tilespmem:$0x1F0E0] =	vst v63  }
0x2db: {  	_ =	swait.ge [sflag:s30], $0x50  }
0x2dc: {  	[sflag:s30] =	ssyncset.done $0x0  }
0x2dd: {  	[sflag:s30] =	ssyncadd.s32 $0xFFFFFFB0  }
0x2de: {  	_ =	swait.ge [sflag:s30], $0x50  }
0x2df: {  	[sflag:s30] =	ssyncset.done $0x0  }
0x2e0: {  	[sflag:s30] =	ssyncadd.s32 $0xFFFFFFB0  }
0x2e1: {  	_ =	swait.ge [sflag:s30], $0x50  }
0x2e2: {  	[sflag:s30] =	ssyncset.done $0x0  }
0x2e3: {  	[sflag:s30] =	ssyncadd.s32 $0xFFFFFFB0  }
0x2e4: {  	_ =	swait.ge [sflag:s30], $0x50  }
0x2e5: {  	[sflag:s30] =	ssyncset.done $0x0  }
0x2e6: {  	[sflag:s30] =	ssyncadd.s32 $0xFFFFFFB0  }
0x2e7: {  	_ =	swait.ge [sflag:s30], $0x50  }
0x2e8: {  	[sflag:s30] =	ssyncset.done $0x0  }
0x2e9: {  	[sflag:s30] =	ssyncadd.s32 $0xFFFFFFB0  }
0x2ea: {  	_ =	swait.ge [sflag:s30], $0x50  }
0x2eb: {  	[sflag:s30] =	ssyncset.done $0x0  }
0x2ec: {  	[sflag:s30] =	ssyncadd.s32 $0xFFFFFFB0  }
0x2ed: {  	_ =	swait.ge [sflag:s30], $0x50  }
0x2ee: {  	[sflag:s30] =	ssyncset.done $0x0  }
0x2ef: {  	[sflag:s30] =	ssyncadd.s32 $0xFFFFFFB0  }
0x2f0: {  	_ =	swait.ge [sflag:s30], $0x50  }
0x2f1: {  	[sflag:s30] =	ssyncset.done $0x0  }
0x2f2: {  	[sflag:s30] =	ssyncadd.s32 $0xFFFFFFB0  }
0x2f3: {  	_ =	swait.ge [sflag:s30], $0x50  }
0x2f4: {  	[sflag:s30] =	ssyncset.done $0x0  }
0x2f5: {  	[sflag:s30] =	ssyncadd.s32 $0xFFFFFFB0  }
0x2f6: {  	_ =	swait.ge [sflag:s30], $0x50  }
0x2f7: {  	[sflag:s30] =	ssyncset.done $0x0  }
0x2f8: {  	[sflag:s30] =	ssyncadd.s32 $0xFFFFFFB0  }
0x2f9: {  	_ =	swait.ge [sflag:s31], $0x3200  }
0x2fa: {  	[sflag:s31] =	ssyncset.done $0x0  }
0x2fb: {  	[sflag:s31] =	ssyncadd.s32 $0xFFFFCE00  }
0x2fc: {  	[spmem:s1] =	stream.indirect.scatter.add.f32 [tilespmem:s22], [sflag:$0x3], $0x20, s3, s8, $0xb8;
	[tilespmem:$0x1F0E0] =	vst v63  }
0x2fd: {  	_ = 	snop  }
0x2fe: {  	[spmem:s1] =	stream.indirect.scatter.add.f32 [tilespmem:s22], [sflag:$0x3], $0x20, s10, s8, $0xb8;
	[tilespmem:$0x1F0E0] =	vst v63  }
0x2ff: {  	_ = 	snop  }
0x300: {  	[spmem:s1] =	stream.indirect.scatter.add.f32 [tilespmem:s23], [sflag:$0x3], $0x20, s4, s8, $0xb8;
	[tilespmem:$0x1F0E0] =	vst v63  }
0x301: {  	_ = 	snop  }
0x302: {  	[spmem:s1] =	stream.indirect.scatter.add.f32 [tilespmem:s23], [sflag:$0x3], $0x20, s6, s8, $0xb8;
	[tilespmem:$0x1F0E0] =	vst v63  }
0x303: {  	_ = 	snop  }
0x304: {  	[spmem:s1] =	stream.indirect.scatter.add.f32 [tilespmem:s29], [sflag:$0x3], $0x20, s9, s8, $0xb8;
	[tilespmem:$0x1F0E0] =	vst v63  }
0x305: {  	_ = 	snop  }
0x306: {  	[spmem:s1] =	stream.indirect.scatter.add.f32 [tilespmem:s29], [sflag:$0x3], $0x20, s13, s8, $0xb8;
	[tilespmem:$0x1F0E0] =	vst v63  }
0x307: {  	_ = 	snop  }
0x308: {  	[spmem:s1] =	stream.indirect.scatter.add.f32 [tilespmem:s20], [sflag:$0x3], $0x20, s16, s8, $0xb8;
	[tilespmem:$0x1F0E0] =	vst v63  }
0x309: {  	_ = 	snop  }
0x30a: {  	[spmem:s1] =	stream.indirect.scatter.add.f32 [tilespmem:s20], [sflag:$0x3], $0x20, s19, s8, $0xb8;
	[tilespmem:$0x1F0E0] =	vst v63  }
0x30b: {  	_ = 	snop  }
0x30c: {  	[spmem:s1] =	stream.indirect.scatter.add.f32 [tilespmem:s21], [sflag:$0x3], $0x20, s28, s8, $0xb8;
	[tilespmem:$0x1F0E0] =	vst v63  }
0x30d: {  	_ = 	snop  }
0x30e: {  	[spmem:s1] =	stream.indirect.scatter.add.f32 [tilespmem:s21], [sflag:$0x3], $0x20, s26, s8, $0xb8;
	[tilespmem:$0x1F0E0] =	vst v63  }
0x30f: {  	_ =	swait.ge [sflag:s18], $0xA00  }
0x310: {  	[sflag:s18] =	ssyncset.done $0x0  }
0x311: {  	[sflag:s18] =	ssyncadd.s32 $0xFFFFF600  }
0x312: {  	_ =	swait.ge [sflag:s18], $0xA00  }
0x313: {  	[sflag:s18] =	ssyncset.done $0x0  }
0x314: {  	[sflag:s18] =	ssyncadd.s32 $0xFFFFF600  }
0x315: {  	_ =	swait.ge [sflag:s18], $0xA00  }
0x316: {  	[sflag:s18] =	ssyncset.done $0x0  }
0x317: {  	[sflag:s18] =	ssyncadd.s32 $0xFFFFF600  }
0x318: {  	_ =	swait.ge [sflag:s18], $0xA00  }
0x319: {  	[sflag:s18] =	ssyncset.done $0x0  }
0x31a: {  	[sflag:s18] =	ssyncadd.s32 $0xFFFFF600  }
0x31b: {  	_ =	swait.ge [sflag:s18], $0xA00  }
0x31c: {  	[sflag:s18] =	ssyncset.done $0x0  }
0x31d: {  	[sflag:s18] =	ssyncadd.s32 $0xFFFFF600  }
0x31e: {  	_ =	swait.ge [sflag:s18], $0xA00  }
0x31f: {  	[sflag:s18] =	ssyncset.done $0x0  }
0x320: {  	[sflag:s18] =	ssyncadd.s32 $0xFFFFF600  }
0x321: {  	_ =	swait.ge [sflag:s18], $0xA00  }
0x322: {  	[sflag:s18] =	ssyncset.done $0x0  }
0x323: {  	[sflag:s18] =	ssyncadd.s32 $0xFFFFF600  }
0x324: {  	_ =	swait.ge [sflag:s18], $0xA00  }
0x325: {  	[sflag:s18] =	ssyncset.done $0x0  }
0x326: {  	[sflag:s18] =	ssyncadd.s32 $0xFFFFF600  }
0x327: {  	_ =	swait.ge [sflag:s18], $0xA00  }
0x328: {  	[sflag:s18] =	ssyncset.done $0x0  }
0x329: {  	[sflag:s18] =	ssyncadd.s32 $0xFFFFF600  }
0x32a: {  	_ =	swait.ge [sflag:s18], $0xA00  }
0x32b: {  	[sflag:s18] =	ssyncset.done $0x0  }
0x32c: {  	[sflag:s18] =	ssyncadd.s32 $0xFFFFF600  }
0x32d: {  	[bflag:$0x0] =	sbarrier.arrive $0xFFFF  }
0x32e: {  	s2 =	simm.s32 $0x4;
	s10 =	simm.s32 $0x186A0;
	s28 =	rddreg [dreg:$0x11]  }
0x32f: {  	[tilespmem:s10], [sflag:$0x4] =	stream.linear.gather [spmem:s28], $0x3200, $0x38;
	[tilespmem:$0x1F0E0] =	vst v63  }
0x330: {  	_ =	swait.ge [sflag:s2], $0x3200  }
0x331: {  	s5 =	simm.s32 $0x40;
	[sflag:s2] =	ssyncset.done $0x0  }
0x332: {  	s3 =	simm.s32 $0x20;
	s4 =	rddreg [dreg:$0x6];
	[sflag:s2] =	ssyncadd.s32 $0xFFFFCE00  }
0x333: {  	[hbm4b:s4+s3] =	stream.strided.scatter [tilespmem:s10], [sflag:$0x4], $0x3200, s5, s3, $0x38;
	[tilespmem:$0x1F0E0] =	vst v63  }
0x334: {  	_ =	swait.ge [sflag:s2], $0x3200  }
0x335: {  	[sflag:s2] =	ssyncset.done $0x0  }
0x336: {  	s29 =	rddreg [dreg:$0x12];
	[sflag:s2] =	ssyncadd.s32 $0xFFFFCE00  }
0x337: {  	[tilespmem:s10], [sflag:$0x4] =	stream.linear.gather [spmem:s29], $0x3200, $0x38;
	[tilespmem:$0x1F0E0] =	vst v63  }
0x338: {  	_ =	swait.ge [sflag:s2], $0x3200  }
0x339: {  	[sflag:s2] =	ssyncset.done $0x0  }
0x33a: {  	s6 =	rddreg [dreg:$0x7];
	[sflag:s2] =	ssyncadd.s32 $0xFFFFCE00  }
0x33b: {  	[hbm4b:s6+s3] =	stream.strided.scatter [tilespmem:s10], [sflag:$0x4], $0x3200, s5, s3, $0x38;
	[tilespmem:$0x1F0E0] =	vst v63  }
0x33c: {  	_ =	swait.ge [sflag:s2], $0x3200  }
0x33d: {  	[sflag:s2] =	ssyncset.done $0x0  }
0x33e: {  	s7 =	rddreg [dreg:$0x13];
	[sflag:s2] =	ssyncadd.s32 $0xFFFFCE00  }
0x33f: {  	[tilespmem:s10], [sflag:$0x4] =	stream.linear.gather [spmem:s7], $0x3200, $0x38;
	[tilespmem:$0x1F0E0] =	vst v63  }
0x340: {  	_ =	swait.ge [sflag:s2], $0x3200  }
0x341: {  	[sflag:s2] =	ssyncset.done $0x0  }
0x342: {  	s9 =	rddreg [dreg:$0x8];
	[sflag:s2] =	ssyncadd.s32 $0xFFFFCE00  }
0x343: {  	[hbm4b:s9+s3] =	stream.strided.scatter [tilespmem:s10], [sflag:$0x4], $0x3200, s5, s3, $0x38;
	[tilespmem:$0x1F0E0] =	vst v63  }
0x344: {  	_ =	swait.ge [sflag:s2], $0x3200  }
0x345: {  	[sflag:s2] =	ssyncset.done $0x0  }
0x346: {  	s11 =	rddreg [dreg:$0x14];
	[sflag:s2] =	ssyncadd.s32 $0xFFFFCE00  }
0x347: {  	[tilespmem:s10], [sflag:$0x4] =	stream.linear.gather [spmem:s11], $0x3200, $0x38;
	[tilespmem:$0x1F0E0] =	vst v63  }
0x348: {  	_ =	swait.ge [sflag:s2], $0x3200  }
0x349: {  	[sflag:s2] =	ssyncset.done $0x0  }
0x34a: {  	s13 =	rddreg [dreg:$0x9];
	[sflag:s2] =	ssyncadd.s32 $0xFFFFCE00  }
0x34b: {  	[hbm4b:s13+s3] =	stream.strided.scatter [tilespmem:s10], [sflag:$0x4], $0x3200, s5, s3, $0x38;
	[tilespmem:$0x1F0E0] =	vst v63  }
0x34c: {  	_ =	swait.ge [sflag:s2], $0x3200  }
0x34d: {  	[sflag:s2] =	ssyncset.done $0x0  }
0x34e: {  	s15 =	rddreg [dreg:$0x15];
	[sflag:s2] =	ssyncadd.s32 $0xFFFFCE00  }
0x34f: {  	[tilespmem:s10], [sflag:$0x4] =	stream.linear.gather [spmem:s15], $0x3200, $0x38;
	[tilespmem:$0x1F0E0] =	vst v63  }
0x350: {  	_ =	swait.ge [sflag:s2], $0x3200  }
0x351: {  	[sflag:s2] =	ssyncset.done $0x0  }
0x352: {  	s16 =	rddreg [dreg:$0xa];
	[sflag:s2] =	ssyncadd.s32 $0xFFFFCE00  }
0x353: {  	[hbm4b:s16+s3] =	stream.strided.scatter [tilespmem:s10], [sflag:$0x4], $0x3200, s5, s3, $0x38;
	[tilespmem:$0x1F0E0] =	vst v63  }
0x354: {  	_ =	swait.ge [sflag:s2], $0x3200  }
0x355: {  	[sflag:s2] =	ssyncset.done $0x0  }
0x356: {  	s17 =	rddreg [dreg:$0x16];
	[sflag:s2] =	ssyncadd.s32 $0xFFFFCE00  }
0x357: {  	[tilespmem:s10], [sflag:$0x4] =	stream.linear.gather [spmem:s17], $0x3200, $0x38;
	[tilespmem:$0x1F0E0] =	vst v63  }
0x358: {  	_ =	swait.ge [sflag:s2], $0x3200  }
0x359: {  	[sflag:s2] =	ssyncset.done $0x0  }
0x35a: {  	s19 =	rddreg [dreg:$0xb];
	[sflag:s2] =	ssyncadd.s32 $0xFFFFCE00  }
0x35b: {  	[hbm4b:s19+s3] =	stream.strided.scatter [tilespmem:s10], [sflag:$0x4], $0x3200, s5, s3, $0x38;
	[tilespmem:$0x1F0E0] =	vst v63  }
0x35c: {  	_ =	swait.ge [sflag:s2], $0x3200  }
0x35d: {  	[sflag:s2] =	ssyncset.done $0x0  }
0x35e: {  	s20 =	rddreg [dreg:$0x17];
	[sflag:s2] =	ssyncadd.s32 $0xFFFFCE00  }
0x35f: {  	[tilespmem:s10], [sflag:$0x4] =	stream.linear.gather [spmem:s20], $0x3200, $0x38;
	[tilespmem:$0x1F0E0] =	vst v63  }
0x360: {  	_ =	swait.ge [sflag:s2], $0x3200  }
0x361: {  	[sflag:s2] =	ssyncset.done $0x0  }
0x362: {  	s21 =	rddreg [dreg:$0xc];
	[sflag:s2] =	ssyncadd.s32 $0xFFFFCE00  }
0x363: {  	[hbm4b:s21+s3] =	stream.strided.scatter [tilespmem:s10], [sflag:$0x4], $0x3200, s5, s3, $0x38;
	[tilespmem:$0x1F0E0] =	vst v63  }
0x364: {  	_ =	swait.ge [sflag:s2], $0x3200  }
0x365: {  	[sflag:s2] =	ssyncset.done $0x0  }
0x366: {  	s22 =	rddreg [dreg:$0x18];
	[sflag:s2] =	ssyncadd.s32 $0xFFFFCE00  }
0x367: {  	[tilespmem:s10], [sflag:$0x4] =	stream.linear.gather [spmem:s22], $0x28A0, $0x38;
	[tilespmem:$0x1F0E0] =	vst v63  }
0x368: {  	_ =	swait.ge [sflag:s2], $0x28A0  }
0x369: {  	[sflag:s2] =	ssyncset.done $0x0  }
0x36a: {  	s23 =	rddreg [dreg:$0xd];
	[sflag:s2] =	ssyncadd.s32 $0xFFFFD760  }
0x36b: {  	[hbm4b:s23+s3] =	stream.strided.scatter [tilespmem:s10], [sflag:$0x4], $0x28A0, s5, s3, $0x38;
	[tilespmem:$0x1F0E0] =	vst v63  }
0x36c: {  	_ =	swait.ge [sflag:s2], $0x28A0  }
0x36d: {  	s25 =	sld [smem:$0x7FA]  }
0x36e: {  	s26 =	sld [smem:$0x7FD];
	_ =	sdelay $0x1  }
0x36f: {  	s4 =	sadd.s32 $0x1, s25  }
0x370: {  	p0 =	sne.s32 s4, s26  }
.Ltmp2:
0x371: {  	_ = 	snop;
	(pc) =	sbr.rel @p0 .LBB2_1-.Ltmp2, $3  }
0x372: {  	_ =	sdelay $0x1  }
0x373: {  	[sflag:s2] =	ssyncset.done $0x0  }
0x374: {  	[sflag:s2] =	ssyncadd.s32 $0xFFFFD760  }
0x375: {  	_ =	sfence.sel $0x180000  }
0x376: {  	[bflag:$0x0] =	sbarrier.arrive $0xFFFF  }
0x377: {  	_ =	strace $0x9000004A  }
0x378: {  	s0 =	stileid.u32;
	[bflag:$0x2] =	sbarrier.arrive $0xFFFF  }
0x379: {  	p0 =	sne.s32 s0, $0x0;
	s0 =	rddreg [dreg:$0x3]  }
0x37a: {  	s0 =	sadd.s32 @!p0 $0x100000, s0  }
0x37b: {  	[sflag:s0] =	ssyncadd.tile.s32 @!p0 $0x1;
	_ =	shalt  }
.Lfunc_end2:
_tile_overlayer_lowered:
.L_overlay_start_2:
0x37c: {  	(tag) =	ssettag $0x2  }
0x37d: {  	s0 =	rddreg [dreg:$0x0];
	s2 =	stileid.u32  }
0x37e: {  	s1 =	rddreg [dreg:$0x1];
	p0 =	sne.s32 s2, $0x0  }
0x37f: {  	s3 =	rddreg [dreg:$0x2];
	[bflag:$0x3] =	sbarrier.arrive $0xFFFF;
	s2 =	simm.s32 @!p0 $0x1C04  }
0x380: {  	[timem:s3], [sflag:s2] =	dma.local @!p0 [hbm:s0], s1  }
0x381: {  	s0 =	simm.s32 @!p0 $0x4  }
0x382: {  	_ =	swait.ge @!p0 [sflag:s0], s1  }
0x383: {  	s1 =	ssub.s32 @!p0 $0x0, s1;
	[sflag:s0] =	ssyncset.done @!p0 $0x0  }
0x384: {  	[sflag:s0] =	ssyncadd.s32 @!p0 s1  }
0x385: {  	[bflag:$0x3] =	sbarrier.arrive $0xFFFF  }
0x386: {  	_ =	shalt  }

// kernel: kernel.15.cloned.1.call-start
scs
__scs_entry_jumppad:
0x0: {  	(pc) =	sbr.rel $0x88, $3  }
0x1: {  	(tag) =	ssettag $0x0;
	lr =	simm.s32 $0x1  }
0x2: {  	[smem:$0x3F83] =	sst lr;
	_ =	strace $0xD0000000  }
0x3: {  	_ = 	snop  }
0x4: {  	_ = 	snop  }
0x5: {  	_ = 	snop  }
0x6: {  	_ = 	snop  }
0x7: {  	_ = 	snop  }
__scs_overlays_trampoline_lowered:
0x8: {  	[smem:$0x3F92] =	sst s0  }
0x9: {  	[smem:$0x3F93] =	sst s1  }
0xa: {  	[smem:$0x3F94] =	sst s2  }
0xb: {  	[smem:$0x3F95] =	sst s3  }
0xc: {  	[smem:$0x3F96] =	sst s4  }
0xd: {  	[smem:$0x3F97] =	sst s5  }
0xe: {  	[smem:$0x3F98] =	sst s6  }
0xf: {  	[smem:$0x3F99] =	sst s7  }
0x10: {  	[smem:$0x3F9A] =	sst s8  }
0x11: {  	[smem:$0x3F9B] =	sst s9;
	s0 =	simm.s32 @!p0 $0x0  }
0x12: {  	s1 =	sld [smem:$0x3F81];
	s0 =	simm.s32 @p0 $0x1  }
0x13: {  	[smem:$0x3F9C] =	sst s0;
	s0 =	simm.s32 @!p1 $0x0  }
0x14: {  	s2 =	sld [smem:$0x3F80];
	s0 =	simm.s32 @p1 $0x1  }
0x15: {  	[smem:$0x3F9D] =	sst s0;
	s0 =	simm.s32 @!p2 $0x0  }
0x16: {  	s3 =	sld [smem:$0x3FDB];
	s0 =	simm.s32 @p2 $0x1  }
0x17: {  	s4 =	simm.s32 $0x1BF5;
	[smem:$0x3F9F] =	sst s0  }
0x18: {  	s0 =	sld [smem:$0x3F82];
	_ =	swait.ge [sflag:s4], $0x0  }
0x19: {  	s7 =	sld [smem:$0x3F83]  }
0x1a: {  	s8 =	sadd.s32 $0xFFFFE003, lr  }
0x1b: {  	s9 =	sadd.s32 $0xFFFFFEF7, lr;
	s5 =	simm.s32 $0xFFFFFFFF;
	p2 =	slt.u32 s8, $0xFFFFF086  }
0x1c: {  	p1 =	slt.u32 s9, $0xF7A;
	s5 =	simm.s32 @!p2 $0x0  }
0x1d: {  	s5 =	simm.s32 @p1 $0x1;
	p0 =	seq.s32 s7, s2  }
0x1e: {  	s7 =	smul.u32 @!p0 $0xF7A, s2;
	p2 =	seq.s32 @!p0 s5, $0x0  }
0x1f: {  	s9 =	smul.u32 $0xF7A, s1;
	s8 =	simm.s32 @!p0 $0x1BF5;
	p2 =	por !p2, p0  }
0x20: {  	[sflag:s8] =	ssyncset.s32 @!p0 $0xFFFFF086;
	s6 =	sadd.s32 @!p0 s3, s7;
	s7 =	simm.s32 @!p0 $0x108  }
0x21: {  	s3 =	sadd.s32 s3, s9;
	s6 =	sadd.s32 @!p0 $0x88, s6;
	s7 =	simm.s32 @p2 $0x1082  }
0x22: {  	[simem:s7], [sflag:s8] =	dma.local @!p0 [hbm:s6], $0xF7A  }
0x23: {  	s9 =	sor.u32 $0xD0000000, s2;
	s6 =	simm.s32 $0x108;
	_ =	swait.ge @!p0 [sflag:s8], $0x0  }
0x24: {  	s3 =	sadd.s32 $0x88, s3;
	s6 =	simm.s32 @!p1 $0x1082;
	[sflag:s4] =	ssyncset.s32 $0xFFFFF086  }
0x25: {  	[simem:s6], [sflag:s4] =	dma.local [hbm:s3], $0xF7A  }
0x26: {  	[smem:$0x3F83] =	sst s1;
	(tag) =	ssettag s2;
	_ =	strace s9  }
0x27: {  	s1 =	sld [smem:$0x3F93]  }
0x28: {  	s2 =	sld [smem:$0x3F94]  }
0x29: {  	s4 =	sld [smem:$0x3F96]  }
0x2a: {  	p0 =	seq.s32 s5, $0x0;
	s5 =	sld [smem:$0x3F97]  }
0x2b: {  	s6 =	sld [smem:$0x3F98]  }
0x2c: {  	s7 =	sld [smem:$0x3F99]  }
0x2d: {  	s3 =	simm.s32 $0x108;
	s8 =	sld [smem:$0x3F9A]  }
0x2e: {  	s3 =	simm.s32 @!p0 $0x1082;
	s9 =	sld [smem:$0x3F9B]  }
0x2f: {  	lr =	sadd.s32 s0, s3;
	s0 =	sld [smem:$0x3F92]  }
0x30: {  	s3 =	sld [smem:$0x3F95]  }
0x31: {  	[smem:$0x3F9E] =	sst s10  }
0x32: {  	s10 =	sld [smem:$0x3F9C];
	_ =	sdelay $0x3  }
0x33: {  	p0 =	seq.s32 s10, $0x1;
	s10 =	sld [smem:$0x3F9E];
	_ =	sdelay $0x3  }
0x34: {  	[smem:$0x3F9E] =	sst s10  }
0x35: {  	s10 =	sld [smem:$0x3F9D];
	_ =	sdelay $0x3  }
0x36: {  	p1 =	seq.s32 s10, $0x1;
	s10 =	sld [smem:$0x3F9E];
	_ =	sdelay $0x3  }
0x37: {  	[smem:$0x3F9E] =	sst s10  }
0x38: {  	s10 =	sld [smem:$0x3F9F]  }
0x39: {  	_ = 	snop;
	(pc) =	sbr.ind lr, $3  }
0x3a: {  	_ = 	snop  }
0x3b: {  	_ = 	snop  }
0x3c: {  	p2 =	seq.s32 s10, $0x1;
	s10 =	sld [smem:$0x3F9E]  }
0x3d: {  	_ =	shalt  }
0x3e: {  	_ =	shalt  }
0x3f: {  	_ =	shalt  }
0x40: {  	_ =	shalt  }
0x41: {  	_ =	shalt  }
0x42: {  	_ =	shalt  }
0x43: {  	_ =	shalt  }
0x44: {  	_ =	shalt  }
0x45: {  	_ =	shalt  }
0x46: {  	_ =	shalt  }
0x47: {  	_ =	shalt  }
0x48: {  	_ =	shalt  }
0x49: {  	_ =	shalt  }
0x4a: {  	_ =	shalt  }
0x4b: {  	_ =	shalt  }
0x4c: {  	_ =	shalt  }
0x4d: {  	_ =	shalt  }
0x4e: {  	_ =	shalt  }
0x4f: {  	_ =	shalt  }
0x50: {  	_ =	shalt  }
0x51: {  	_ =	shalt  }
0x52: {  	_ =	shalt  }
0x53: {  	_ =	shalt  }
0x54: {  	_ =	shalt  }
0x55: {  	_ =	shalt  }
0x56: {  	_ =	shalt  }
0x57: {  	_ =	shalt  }
0x58: {  	_ =	shalt  }
0x59: {  	_ =	shalt  }
0x5a: {  	_ =	shalt  }
0x5b: {  	_ =	shalt  }
0x5c: {  	_ =	shalt  }
0x5d: {  	_ =	shalt  }
0x5e: {  	_ =	shalt  }
0x5f: {  	_ =	shalt  }
0x60: {  	_ =	shalt  }
0x61: {  	_ =	shalt  }
0x62: {  	_ =	shalt  }
0x63: {  	_ =	shalt  }
0x64: {  	_ =	shalt  }
0x65: {  	_ =	shalt  }
0x66: {  	_ =	shalt  }
0x67: {  	_ =	shalt  }
0x68: {  	_ =	shalt  }
0x69: {  	_ =	shalt  }
0x6a: {  	_ =	shalt  }
0x6b: {  	_ =	shalt  }
0x6c: {  	_ =	shalt  }
0x6d: {  	_ =	shalt  }
0x6e: {  	_ =	shalt  }
0x6f: {  	_ =	shalt  }
0x70: {  	_ =	shalt  }
0x71: {  	_ =	shalt  }
0x72: {  	_ =	shalt  }
0x73: {  	_ =	shalt  }
0x74: {  	_ =	shalt  }
0x75: {  	_ =	shalt  }
0x76: {  	_ =	shalt  }
0x77: {  	_ =	shalt  }
0x78: {  	_ =	shalt  }
0x79: {  	_ =	shalt  }
0x7a: {  	_ =	shalt  }
0x7b: {  	_ =	shalt  }
0x7c: {  	_ =	shalt  }
0x7d: {  	_ =	shalt  }
0x7e: {  	_ =	shalt  }
0x7f: {  	_ =	shalt  }
0x80: {  	_ =	shalt  }
0x81: {  	_ =	shalt  }
0x82: {  	_ =	shalt  }
0x83: {  	_ =	shalt  }
0x84: {  	_ =	shalt  }
0x85: {  	_ =	shalt  }
0x86: {  	_ =	shalt  }
0x87: {  	_ =	shalt  }
.Lfunc_end0:
.L_simem_size_0:
called_computation.2_lowered:
.L_overlay_start_0:
0x88: {  	s2 =	sld [smem:$0x3FD9]  }
0x89: {  	s3 =	sld [smem:$0x3FFE];
	_ =	sdelay $0x1  }
0x8a: {  	s1 =	srdreg.scid  }
0x8b: {  	s0 =	sand.u32 $0x1, s1  }
0x8c: {  	s14 =	sshll.u32 s0, $0xA;
	s2 =	sadd.s32 s3, s2  }
0x8d: {  	s2 =	sadd.s32 s2, s14  }
0x8e: {  	[smem:$0x3FAA] =	sst s2  }
0x8f: {  	_ = 	snop  }
0x90: {  	s2 =	sld [smem:$0x3FD0];
	_ =	sdelay $0x2  }
0x91: {  	s15 =	simm.s32 $0xA;
	s4 =	simm.s32 $0x10  }
0x92: {  	[smem:s4], [sflag:s15] =	dma.local [hbm:s2], $0x1  }
0x93: {  	_ =	swait.eq [sflag:s15], $0x1  }
0x94: {  	[sflag:s15] =	ssyncset.done $0x0  }
0x95: {  	[sflag:s15] =	ssyncadd.s32 $0xFFFFFFFF  }
0x96: {  	s16 =	sld [smem:$0x11];
	(tm) =	ssettm $0x1  }
0x97: {  	s17 =	sld [smem:$0x3FFB];
	_ =	sdelay $0x3  }
0x98: {  	_ =	strace s17  }
0x99: {  	s3 =	sld [smem:$0x3FFC];
	_ =	sdelay $0x3  }
0x9a: {  	_ =	strace s3  }
0x9b: {  	s3 =	sld [smem:$0x3FFD];
	_ =	sdelay $0x3  }
0x9c: {  	_ =	strace s3  }
0x9d: {  	_ =	strace $0x8FFFFFFF  }
0x9e: {  	s18 =	sld [smem:$0x3FDB];
	_ =	sdelay $0x1  }
0x9f: {  	s19 =	simm.s32 $_scs_section_size  }
0xa0: {  	s5 =	simm.s32 $_size__tile_overlayer_lowered;
	s6 =	simm.s32 $_tile_overlayer_lowered  }
0xa1: {  	s22 =	simm.s32 $0x1BFF;
	s21 =	sshll.u32 s6, $0x1;
	s3 =	sadd.s32 s19, s18  }
0xa2: {  	s7 =	simm.s32 $0x0;
	s20 =	sshll.u32 s5, $0x1;
	s5 =	sadd.s32 s21, s3  }
0xa3: {  	[timem:s7], [sflag:s22] =	dma.local [hbm:s5], s20  }
0xa4: {  	_ =	swait.ge [sflag:s22], s20  }
0xa5: {  	s4 =	ssub.s32 $0x0, s20;
	[sflag:s22] =	ssyncset.done $0x0  }
0xa6: {  	[sflag:s22] =	ssyncadd.s32 s4;
	_ =	sdelay $0x1  }
0xa7: {  	s23 =	simm.s32 $0x1B8B  }
0xa8: {  	_ =	swait.ge [sflag:s23], $0x1  }
0xa9: {  	[sflag:s23] =	ssyncset.done $0x0  }
0xaa: {  	s25 =	simm.s32 $0x1B8E;
	s24 =	sld [smem:$0x3FFE];
	[sflag:s23] =	ssyncadd.s32 $0xFFFFFFFF  }
0xab: {  	s26 =	simm.s32 $execute0_lowered;
	[smem:$0x3FD2] =	sst s25  }
0xac: {  	s5 =	sshll.u32 s26, $0x1;
	_ =	strace $0x8000004C;
	[dreg:$0x1] =	wrdreg $0xFFFFFFFF  }
0xad: {  	s28 =	simm.s32 $_size_execute0_lowered;
	s3 =	sadd.s32 s3, s5;
	[dreg:$0x0] =	wrdreg $0x0  }
0xae: {  	s5 =	sshll.u32 s28, $0x1;
	[dreg:$0x2] =	wrdreg s3  }
0xaf: {  	[dreg:$0x3] =	wrdreg s5  }
0xb0: {  	[dreg:$0x4] =	wrdreg $0xC0  }
0xb1: {  	_ =	task [dreg:s7], $0x5FFFF  }
0xb2: {  	[dreg:$0x1] =	wrdreg $0xFFFFFFFF  }
0xb3: {  	[dreg:$0x0] =	wrdreg $0x60  }
0xb4: {  	[dreg:$0x2] =	wrdreg s16  }
0xb5: {  	[dreg:$0x3] =	wrdreg s24  }
0xb6: {  	[dreg:$0x4] =	wrdreg $0x9  }
0xb7: {  	_ =	task.clear_ibuf [dreg:s7], $0x5FFFF;
	_ =	strace $0x9000004C  }
0xb8: {  	s29 =	simm.s32 $0x9;
	_ =	strace $0x8000004E  }
0xb9: {  	_ =	swait.ge [sflag:s29], $0x1  }
0xba: {  	[sflag:s29] =	ssyncadd.s32 $0xFFFFFFFF  }
0xbb: {  	_ =	strace $0x9000004E  }
0xbc: {  	_ =	sfence  }
0xbd: {  	s30 =	sld [smem:$0x0];
	_ =	sdelay $0x2  }
0xbe: {  	s31 =	sshll.u32 s1, $0xD;
	s1 =	sshrl.u32 s1, $0x2  }
0xbf: {  	s3 =	sand.u32 $0x4000, s31;
	s1 =	sadd.s32 s1, s30  }
0xc0: {  	s0 =	sor.u32 s3, s0;
	s1 =	sshll.u32 s1, $0x11  }
0xc1: {  	s0 =	sor.u32 s1, s0  }
0xc2: {  	s0 =	sadd.s32 $0x8F2B, s0  }
0xc3: {  	[sflag:s0] =	ssyncadd.remote.s32 $0x1  }
0xc4: {  	_ =	sfence.sel $0xFFFF  }
0xc5: {  	[dreg:$0x0] =	wrdreg $0xFFFFFFFF;
	(pc) =	sbr.abs _section_cstart, $3  }
0xc6: {  	[dreg:$0x1] =	wrdreg $0xFFFFFFFF  }
0xc7: {  	_ =	task.clear_ibuf [dreg:s7], $0x2FFFF;
	_ =	strace $0x9FFFFFFF  }
0xc8: {  	(tm) =	ssettm $0x7FFFFFFF  }
0xc9: {  	_ =	shalt  }
tec
execute0_lowered:
.L_overlay_start_1:
0x0: {  	(tag) =	ssettag $0x1  }
0x1: {  	s2 =	rddreg [dreg:$0x0];
	s1 =	srdreg.scid  }
0x2: {  	s0 =	stileid.u32;
	s5 =	rddreg [dreg:$0x1]  }
0x3: {  	s3 =	simm.s32 $0x0;
	s14 =	simm.s32 $0x3E8;
	s15 =	simm.s32 $0x7D0  }
0x4: {  	s16 =	simm.s32 $0x1;
	s17 =	simm.s32 $0x40;
	s18 =	simm.s32 $0x80  }
0x5: {  	s19 =	simm.s32 $0x101D0;
	s20 =	simm.s32 $0x2;
	s10 =	smul.u32 $0xC3500, s0  }
0x6: {  	s21 =	simm.s32 $0x3;
	s7 =	sand.u32 $0x1, s1;
	s12 =	smul.u32 $0xC350, s0  }
0x7: {  	s22 =	simm.s32 $0x0;
	s4 =	sshll.u32 s0, $0x1;
	s30 =	smul.u32 $0x61A8, s7  }
0x8: {  	s1 =	rddreg [dreg:$0x2];
	s4 =	sor.u32 s7, s4;
	s13 =	smul.u32 $0x61A80, s7  }
0x9: {  	[smem:$0x7FF] =	sst s3;
	s11 =	sadd.s32 $0x1A29A00, s5;
	s6 =	smul.u32 $0x61A8, s4  }
0xa: {  	_ =	strace $0x8000004D;
	s9 =	ssub.s32 $0x2, s7;
	s8 =	smul.u32 $0x61A80, s4  }
0xb: {  	s4 =	sadd.s32 $0x18EC00, s5;
	s29 =	sshrl.u32 s9, $0x1;
	s10 =	sadd.s32 s10, s11  }
0xc: {  	s5 =	ssub.s32 s9, s29;
	s31 =	sadd.s32 s30, s12;
	s10 =	sadd.s32 s13, s10  }
0xd: {  	s13 =	simm.s32 $0x4;
	s6 =	sshrl.u32 s6, $0x3;
	s5 =	smax.u32 s5, $0x1  }
0xe: {  	s7 =	sadd.s32 s11, s8;
	s12 =	sadd.s32 $0xC38E8, s31;
	s10 =	sadd.s32 $0x3E88, s10  }
0xf: {  	s11 =	sadd.s32 $0x3E8, s31;
	s6 =	sadd.s32 s4, s6;
	s12 =	sshrl.u32 s12, $0x3  }
0x10: {  	s9 =	sadd.s32 $0x8, s7;
	s8 =	sadd.s32 $0x186A0, s6;
	s12 =	sadd.s32 s12, s4  }
.LBB2_1:
0x11: {  	[tilespmem:s3], [sflag:$0x4] =	stream.linear.gather [hbm4b:s6+s3], $0x3E8, $0x38;
	[tilespmem:$0x1FBD0] =	vst v63  }
0x12: {  	_ =	swait.ge [sflag:s13], $0x3E8  }
0x13: {  	[sflag:s13] =	ssyncset.done $0x0  }
0x14: {  	[sflag:s13] =	ssyncadd.s32 $0xFFFFFC18  }
0x15: {  	[tilespmem:s15], [sflag:$0x1] =	stream.indirect.gather [hbm4b:s2+s14], $0x40, s3, s14, $0xb8;
	[tilespmem:$0x1FBD0] =	vst v63  }
0x16: {  	_ =	swait.ge [sflag:s16], $0xFA00  }
0x17: {  	[sflag:s16] =	ssyncset.done $0x0  }
0x18: {  	[sflag:s16] =	ssyncadd.s32 $0xFFFF0600  }
0x19: {  	[hbm4b:s7+s17] =	stream.strided.scatter [tilespmem:s15], [sflag:$0x2], $0xFA00, s18, s17, $0x38;
	[tilespmem:$0x1FBD0] =	vst v63  }
0x1a: {  	_ = 	snop  }
0x1b: {  	[tilespmem:s14], [sflag:$0x4] =	stream.linear.gather [hbm4b:s8+s3], $0x3E8, $0x38;
	[tilespmem:$0x1FBD0] =	vst v63  }
0x1c: {  	_ =	swait.ge [sflag:s13], $0x3E8  }
0x1d: {  	[sflag:s13] =	ssyncset.done $0x0  }
0x1e: {  	[sflag:s13] =	ssyncadd.s32 $0xFFFFFC18  }
0x1f: {  	[tilespmem:s19], [sflag:$0x1] =	stream.indirect.gather [hbm4b:s2+s14], $0x40, s14, s14, $0xb8;
	[tilespmem:$0x1FBD0] =	vst v63  }
0x20: {  	_ =	swait.ge [sflag:s16], $0xFA00  }
0x21: {  	[sflag:s16] =	ssyncset.done $0x0  }
0x22: {  	s23 =	sshrl.u32 s11, $0x3;
	[sflag:s16] =	ssyncadd.s32 $0xFFFF0600  }
0x23: {  	[hbm4b:s9+s17] =	stream.strided.scatter [tilespmem:s19], [sflag:$0x3], $0xFA00, s18, s17, $0x38;
	[tilespmem:$0x1FBD0] =	vst v63  }
0x24: {  	s23 =	sadd.s32 s4, s23  }
0x25: {  	[tilespmem:s3], [sflag:$0x4] =	stream.linear.gather [hbm4b:s23+s3], $0x3E8, $0x38;
	[tilespmem:$0x1FBD0] =	vst v63  }
0x26: {  	_ =	swait.ge [sflag:s13], $0x3E8  }
0x27: {  	[sflag:s13] =	ssyncset.done $0x0  }
0x28: {  	[sflag:s13] =	ssyncadd.s32 $0xFFFFFC18  }
0x29: {  	_ =	swait.ge [sflag:s20], $0xFA00  }
0x2a: {  	[sflag:s20] =	ssyncset.done $0x0  }
0x2b: {  	[sflag:s20] =	ssyncadd.s32 $0xFFFF0600  }
0x2c: {  	[tilespmem:s15], [sflag:$0x1] =	stream.indirect.gather [hbm4b:s2+s14], $0x40, s3, s14, $0xb8;
	[tilespmem:$0x1FBD0] =	vst v63  }
0x2d: {  	_ =	swait.ge [sflag:s16], $0xFA00  }
0x2e: {  	[sflag:s16] =	ssyncset.done $0x0  }
0x2f: {  	s26 =	sadd.s32 $0xFFFFFFF8, s10;
	[sflag:s16] =	ssyncadd.s32 $0xFFFF0600  }
0x30: {  	[hbm4b:s26+s17] =	stream.strided.scatter [tilespmem:s15], [sflag:$0x2], $0xFA00, s18, s17, $0x38;
	[tilespmem:$0x1FBD0] =	vst v63  }
0x31: {  	s30 =	sadd.s32 $0x0, s12  }
0x32: {  	[tilespmem:s14], [sflag:$0x4] =	stream.linear.gather [hbm4b:s30+s3], $0x3E8, $0x38;
	[tilespmem:$0x1FBD0] =	vst v63  }
0x33: {  	_ =	swait.ge [sflag:s13], $0x3E8  }
0x34: {  	[sflag:s13] =	ssyncset.done $0x0  }
0x35: {  	[sflag:s13] =	ssyncadd.s32 $0xFFFFFC18  }
0x36: {  	_ =	swait.ge [sflag:s21], $0xFA00  }
0x37: {  	[sflag:s21] =	ssyncset.done $0x0  }
0x38: {  	s24 =	simm.s32 $0x7D;
	[sflag:s21] =	ssyncadd.s32 $0xFFFF0600  }
0x39: {  	[tilespmem:s19], [sflag:$0x1] =	stream.indirect.gather [hbm4b:s2+s14], $0x40, s14, s14, $0xb8;
	[tilespmem:$0x1FBD0] =	vst v63  }
0x3a: {  	s31 =	sadd.s32 $0x3E8, s11;
	s29 =	smov.u32 s10;
	_ =	swait.ge [sflag:s16], $0xFA00  }
0x3b: {  	s25 =	sshrl.u32 s31, $0x3;
	s28 =	sadd.s32 $0x3E8, s31;
	[sflag:s16] =	ssyncset.done $0x0  }
0x3c: {  	s23 =	sadd.s32 $0x3E80, s10;
	s26 =	simm.s32 $0xFA;
	[sflag:s16] =	ssyncadd.s32 $0xFFFF0600  }
.LBB2_2:
0x3d: {  	[hbm4b:s29+s17] =	stream.strided.scatter [tilespmem:s19], [sflag:$0x3], $0xFA00, s18, s17, $0x38;
	[tilespmem:$0x1FBD0] =	vst v63  }
0x3e: {  	p0 =	sne.s32 s26, $0xB3B;
	s29 =	sadd.s32 s4, s25;
	s25 =	sshrl.u32 s28, $0x3  }
0x3f: {  	[tilespmem:s3], [sflag:$0x4] =	stream.linear.gather [hbm4b:s29+s3], $0x3E8, $0x38;
	[tilespmem:$0x1FBD0] =	vst v63  }
0x40: {  	s30 =	smov.u32 s26;
	s26 =	sadd.s32 $0x7D, s26;
	_ =	swait.ge [sflag:s13], $0x3E8  }
0x41: {  	s29 =	smov.u32 s23;
	[sflag:s13] =	ssyncset.done $0x0  }
0x42: {  	[sflag:s13] =	ssyncadd.s32 $0xFFFFFC18  }
0x43: {  	_ =	swait.ge [sflag:s20], $0xFA00  }
0x44: {  	[sflag:s20] =	ssyncset.done $0x0  }
0x45: {  	[sflag:s20] =	ssyncadd.s32 $0xFFFF0600  }
0x46: {  	[tilespmem:s15], [sflag:$0x1] =	stream.indirect.gather [hbm4b:s2+s14], $0x40, s3, s14, $0xb8;
	[tilespmem:$0x1FBD0] =	vst v63  }
0x47: {  	_ =	swait.ge [sflag:s16], $0xFA00  }
0x48: {  	[sflag:s16] =	ssyncset.done $0x0  }
0x49: {  	s31 =	sadd.s32 $0xFFFFFFF8, s23;
	[sflag:s16] =	ssyncadd.s32 $0xFFFF0600  }
0x4a: {  	[hbm4b:s31+s17] =	stream.strided.scatter [tilespmem:s15], [sflag:$0x2], $0xFA00, s18, s17, $0x38;
	[tilespmem:$0x1FBD0] =	vst v63  }
0x4b: {  	s31 =	sadd.s32 s24, s12;
	s24 =	smov.u32 s30  }
0x4c: {  	[tilespmem:s14], [sflag:$0x4] =	stream.linear.gather [hbm4b:s31+s3], $0x3E8, $0x38;
	[tilespmem:$0x1FBD0] =	vst v63  }
0x4d: {  	_ =	swait.ge [sflag:s13], $0x3E8  }
0x4e: {  	[sflag:s13] =	ssyncset.done $0x0  }
0x4f: {  	[sflag:s13] =	ssyncadd.s32 $0xFFFFFC18  }
0x50: {  	_ =	swait.ge [sflag:s21], $0xFA00  }
0x51: {  	[sflag:s21] =	ssyncset.done $0x0  }
.Ltmp0:
0x52: {  	[sflag:s21] =	ssyncadd.s32 $0xFFFF0600;
	(pc) =	sbr.rel @p0 .LBB2_2-.Ltmp0, $4  }
0x53: {  	[tilespmem:s19], [sflag:$0x1] =	stream.indirect.gather [hbm4b:s2+s14], $0x40, s14, s14, $0xb8;
	[tilespmem:$0x1FBD0] =	vst v63  }
0x54: {  	_ =	swait.ge [sflag:s16], $0xFA00  }
0x55: {  	[sflag:s16] =	ssyncset.done $0x0  }
0x56: {  	s28 =	sadd.s32 $0x3E8, s28;
	s23 =	sadd.s32 $0x3E80, s23;
	[sflag:s16] =	ssyncadd.s32 $0xFFFF0600  }
0x57: {  	[hbm4b:s29+s17] =	stream.strided.scatter [tilespmem:s19], [sflag:$0x3], $0xFA00, s18, s17, $0x38;
	[tilespmem:$0x1FBD0] =	vst v63  }
0x58: {  	s25 =	sadd.s32 s4, s25  }
0x59: {  	[tilespmem:s3], [sflag:$0x4] =	stream.linear.gather [hbm4b:s25+s3], $0x3E8, $0x38;
	[tilespmem:$0x1FBD0] =	vst v63  }
0x5a: {  	_ =	swait.ge [sflag:s13], $0x3E8  }
0x5b: {  	[sflag:s13] =	ssyncset.done $0x0  }
0x5c: {  	[sflag:s13] =	ssyncadd.s32 $0xFFFFFC18  }
0x5d: {  	_ =	swait.ge [sflag:s20], $0xFA00  }
0x5e: {  	[sflag:s20] =	ssyncset.done $0x0  }
0x5f: {  	[sflag:s20] =	ssyncadd.s32 $0xFFFF0600  }
0x60: {  	[tilespmem:s15], [sflag:$0x1] =	stream.indirect.gather [hbm4b:s2+s14], $0x40, s3, s14, $0xb8;
	[tilespmem:$0x1FBD0] =	vst v63  }
0x61: {  	_ =	swait.ge [sflag:s16], $0xFA00  }
0x62: {  	[sflag:s16] =	ssyncset.done $0x0  }
0x63: {  	s31 =	sadd.s32 $0xFFFFFFF8, s23;
	[sflag:s16] =	ssyncadd.s32 $0xFFFF0600  }
0x64: {  	[hbm4b:s31+s17] =	stream.strided.scatter [tilespmem:s15], [sflag:$0x2], $0xFA00, s18, s17, $0x38;
	[tilespmem:$0x1FBD0] =	vst v63  }
0x65: {  	s24 =	sadd.s32 s24, s12  }
0x66: {  	[tilespmem:s14], [sflag:$0x4] =	stream.linear.gather [hbm4b:s24+s3], $0x3E8, $0x38;
	[tilespmem:$0x1FBD0] =	vst v63  }
0x67: {  	_ =	swait.ge [sflag:s13], $0x3E8  }
0x68: {  	[sflag:s13] =	ssyncset.done $0x0  }
0x69: {  	[sflag:s13] =	ssyncadd.s32 $0xFFFFFC18  }
0x6a: {  	_ =	swait.ge [sflag:s21], $0xFA00  }
0x6b: {  	[sflag:s21] =	ssyncset.done $0x0  }
0x6c: {  	[sflag:s21] =	ssyncadd.s32 $0xFFFF0600  }
0x6d: {  	[tilespmem:s19], [sflag:$0x1] =	stream.indirect.gather [hbm4b:s2+s14], $0x40, s14, s14, $0xb8;
	[tilespmem:$0x1FBD0] =	vst v63  }
0x6e: {  	_ =	swait.ge [sflag:s16], $0xFA00  }
0x6f: {  	[sflag:s16] =	ssyncset.done $0x0  }
0x70: {  	s22 =	sadd.s32 $0x1, s22;
	[sflag:s16] =	ssyncadd.s32 $0xFFFF0600  }
0x71: {  	[hbm4b:s23+s17] =	stream.strided.scatter [tilespmem:s19], [sflag:$0x3], $0xFA00, s18, s17, $0x38;
	[tilespmem:$0x1FBD0] =	vst v63  }
0x72: {  	p0 =	sne.s32 s22, s5;
	_ =	swait.ge [sflag:s20], $0xFA00  }
.Ltmp1:
0x73: {  	[sflag:s20] =	ssyncset.done $0x0;
	(pc) =	sbr.rel @p0 .LBB2_1-.Ltmp1, $4  }
0x74: {  	[sflag:s20] =	ssyncadd.s32 $0xFFFF0600  }
0x75: {  	_ =	swait.ge [sflag:s21], $0xFA00  }
0x76: {  	[sflag:s21] =	ssyncset.done $0x0  }
0x77: {  	[sflag:s21] =	ssyncadd.s32 $0xFFFF0600  }
0x78: {  	_ =	sfence.sel $0x180000  }
0x79: {  	[bflag:$0x0] =	sbarrier.arrive $0xFFFF  }
0x7a: {  	p0 =	sne.s32 s0, $0x0;
	_ =	strace $0x9000004D  }
0x7b: {  	s0 =	sadd.s32 @!p0 $0x100000, s1;
	[bflag:$0x2] =	sbarrier.arrive $0xFFFF  }
0x7c: {  	[sflag:s0] =	ssyncadd.tile.s32 @!p0 $0x1;
	_ =	shalt  }
.Lfunc_end2:
_tile_overlayer_lowered:
.L_overlay_start_2:
0x7d: {  	(tag) =	ssettag $0x2  }
0x7e: {  	s0 =	rddreg [dreg:$0x0];
	s2 =	stileid.u32  }
0x7f: {  	s1 =	rddreg [dreg:$0x1];
	p0 =	sne.s32 s2, $0x0  }
0x80: {  	s3 =	rddreg [dreg:$0x2];
	[bflag:$0x3] =	sbarrier.arrive $0xFFFF;
	s2 =	simm.s32 @!p0 $0x1C04  }
0x81: {  	[timem:s3], [sflag:s2] =	dma.local @!p0 [hbm:s0], s1  }
0x82: {  	s0 =	simm.s32 @!p0 $0x4  }
0x83: {  	_ =	swait.ge @!p0 [sflag:s0], s1  }
0x84: {  	s1 =	ssub.s32 @!p0 $0x0, s1;
	[sflag:s0] =	ssyncset.done @!p0 $0x0  }
0x85: {  	[sflag:s0] =	ssyncadd.s32 @!p0 s1  }
0x86: {  	[bflag:$0x3] =	sbarrier.arrive $0xFFFF  }
0x87: {  	_ =	shalt  }

// kernel: kernel.9.cloned.1.call-start
scs
__scs_entry_jumppad:
0x0: {  	(pc) =	sbr.rel $0x88, $3  }
0x1: {  	(tag) =	ssettag $0x0;
	lr =	simm.s32 $0x1  }
0x2: {  	[smem:$0x3F83] =	sst lr;
	_ =	strace $0xD0000000  }
0x3: {  	_ = 	snop  }
0x4: {  	_ = 	snop  }
0x5: {  	_ = 	snop  }
0x6: {  	_ = 	snop  }
0x7: {  	_ = 	snop  }
__scs_overlays_trampoline_lowered:
0x8: {  	[smem:$0x3F92] =	sst s0  }
0x9: {  	[smem:$0x3F93] =	sst s1  }
0xa: {  	[smem:$0x3F94] =	sst s2  }
0xb: {  	[smem:$0x3F95] =	sst s3  }
0xc: {  	[smem:$0x3F96] =	sst s4  }
0xd: {  	[smem:$0x3F97] =	sst s5  }
0xe: {  	[smem:$0x3F98] =	sst s6  }
0xf: {  	[smem:$0x3F99] =	sst s7  }
0x10: {  	[smem:$0x3F9A] =	sst s8  }
0x11: {  	[smem:$0x3F9B] =	sst s9;
	s0 =	simm.s32 @!p0 $0x0  }
0x12: {  	s1 =	sld [smem:$0x3F81];
	s0 =	simm.s32 @p0 $0x1  }
0x13: {  	[smem:$0x3F9C] =	sst s0;
	s0 =	simm.s32 @!p1 $0x0  }
0x14: {  	s2 =	sld [smem:$0x3F80];
	s0 =	simm.s32 @p1 $0x1  }
0x15: {  	[smem:$0x3F9D] =	sst s0;
	s0 =	simm.s32 @!p2 $0x0  }
0x16: {  	s3 =	sld [smem:$0x3FDB];
	s0 =	simm.s32 @p2 $0x1  }
0x17: {  	s4 =	simm.s32 $0x1BF5;
	[smem:$0x3F9F] =	sst s0  }
0x18: {  	s0 =	sld [smem:$0x3F82];
	_ =	swait.ge [sflag:s4], $0x0  }
0x19: {  	s7 =	sld [smem:$0x3F83]  }
0x1a: {  	s8 =	sadd.s32 $0xFFFFE003, lr  }
0x1b: {  	s9 =	sadd.s32 $0xFFFFFEF7, lr;
	s5 =	simm.s32 $0xFFFFFFFF;
	p2 =	slt.u32 s8, $0xFFFFF086  }
0x1c: {  	p1 =	slt.u32 s9, $0xF7A;
	s5 =	simm.s32 @!p2 $0x0  }
0x1d: {  	s5 =	simm.s32 @p1 $0x1;
	p0 =	seq.s32 s7, s2  }
0x1e: {  	s7 =	smul.u32 @!p0 $0xF7A, s2;
	p2 =	seq.s32 @!p0 s5, $0x0  }
0x1f: {  	s9 =	smul.u32 $0xF7A, s1;
	s8 =	simm.s32 @!p0 $0x1BF5;
	p2 =	por !p2, p0  }
0x20: {  	[sflag:s8] =	ssyncset.s32 @!p0 $0xFFFFF086;
	s6 =	sadd.s32 @!p0 s3, s7;
	s7 =	simm.s32 @!p0 $0x108  }
0x21: {  	s3 =	sadd.s32 s3, s9;
	s6 =	sadd.s32 @!p0 $0x88, s6;
	s7 =	simm.s32 @p2 $0x1082  }
0x22: {  	[simem:s7], [sflag:s8] =	dma.local @!p0 [hbm:s6], $0xF7A  }
0x23: {  	s9 =	sor.u32 $0xD0000000, s2;
	s6 =	simm.s32 $0x108;
	_ =	swait.ge @!p0 [sflag:s8], $0x0  }
0x24: {  	s3 =	sadd.s32 $0x88, s3;
	s6 =	simm.s32 @!p1 $0x1082;
	[sflag:s4] =	ssyncset.s32 $0xFFFFF086  }
0x25: {  	[simem:s6], [sflag:s4] =	dma.local [hbm:s3], $0xF7A  }
0x26: {  	[smem:$0x3F83] =	sst s1;
	(tag) =	ssettag s2;
	_ =	strace s9  }
0x27: {  	s1 =	sld [smem:$0x3F93]  }
0x28: {  	s2 =	sld [smem:$0x3F94]  }
0x29: {  	s4 =	sld [smem:$0x3F96]  }
0x2a: {  	p0 =	seq.s32 s5, $0x0;
	s5 =	sld [smem:$0x3F97]  }
0x2b: {  	s6 =	sld [smem:$0x3F98]  }
0x2c: {  	s7 =	sld [smem:$0x3F99]  }
0x2d: {  	s3 =	simm.s32 $0x108;
	s8 =	sld [smem:$0x3F9A]  }
0x2e: {  	s3 =	simm.s32 @!p0 $0x1082;
	s9 =	sld [smem:$0x3F9B]  }
0x2f: {  	lr =	sadd.s32 s0, s3;
	s0 =	sld [smem:$0x3F92]  }
0x30: {  	s3 =	sld [smem:$0x3F95]  }
0x31: {  	[smem:$0x3F9E] =	sst s10  }
0x32: {  	s10 =	sld [smem:$0x3F9C];
	_ =	sdelay $0x3  }
0x33: {  	p0 =	seq.s32 s10, $0x1;
	s10 =	sld [smem:$0x3F9E];
	_ =	sdelay $0x3  }
0x34: {  	[smem:$0x3F9E] =	sst s10  }
0x35: {  	s10 =	sld [smem:$0x3F9D];
	_ =	sdelay $0x3  }
0x36: {  	p1 =	seq.s32 s10, $0x1;
	s10 =	sld [smem:$0x3F9E];
	_ =	sdelay $0x3  }
0x37: {  	[smem:$0x3F9E] =	sst s10  }
0x38: {  	s10 =	sld [smem:$0x3F9F]  }
0x39: {  	_ = 	snop;
	(pc) =	sbr.ind lr, $3  }
0x3a: {  	_ = 	snop  }
0x3b: {  	_ = 	snop  }
0x3c: {  	p2 =	seq.s32 s10, $0x1;
	s10 =	sld [smem:$0x3F9E]  }
0x3d: {  	_ =	shalt  }
0x3e: {  	_ =	shalt  }
0x3f: {  	_ =	shalt  }
0x40: {  	_ =	shalt  }
0x41: {  	_ =	shalt  }
0x42: {  	_ =	shalt  }
0x43: {  	_ =	shalt  }
0x44: {  	_ =	shalt  }
0x45: {  	_ =	shalt  }
0x46: {  	_ =	shalt  }
0x47: {  	_ =	shalt  }
0x48: {  	_ =	shalt  }
0x49: {  	_ =	shalt  }
0x4a: {  	_ =	shalt  }
0x4b: {  	_ =	shalt  }
0x4c: {  	_ =	shalt  }
0x4d: {  	_ =	shalt  }
0x4e: {  	_ =	shalt  }
0x4f: {  	_ =	shalt  }
0x50: {  	_ =	shalt  }
0x51: {  	_ =	shalt  }
0x52: {  	_ =	shalt  }
0x53: {  	_ =	shalt  }
0x54: {  	_ =	shalt  }
0x55: {  	_ =	shalt  }
0x56: {  	_ =	shalt  }
0x57: {  	_ =	shalt  }
0x58: {  	_ =	shalt  }
0x59: {  	_ =	shalt  }
0x5a: {  	_ =	shalt  }
0x5b: {  	_ =	shalt  }
0x5c: {  	_ =	shalt  }
0x5d: {  	_ =	shalt  }
0x5e: {  	_ =	shalt  }
0x5f: {  	_ =	shalt  }
0x60: {  	_ =	shalt  }
0x61: {  	_ =	shalt  }
0x62: {  	_ =	shalt  }
0x63: {  	_ =	shalt  }
0x64: {  	_ =	shalt  }
0x65: {  	_ =	shalt  }
0x66: {  	_ =	shalt  }
0x67: {  	_ =	shalt  }
0x68: {  	_ =	shalt  }
0x69: {  	_ =	shalt  }
0x6a: {  	_ =	shalt  }
0x6b: {  	_ =	shalt  }
0x6c: {  	_ =	shalt  }
0x6d: {  	_ =	shalt  }
0x6e: {  	_ =	shalt  }
0x6f: {  	_ =	shalt  }
0x70: {  	_ =	shalt  }
0x71: {  	_ =	shalt  }
0x72: {  	_ =	shalt  }
0x73: {  	_ =	shalt  }
0x74: {  	_ =	shalt  }
0x75: {  	_ =	shalt  }
0x76: {  	_ =	shalt  }
0x77: {  	_ =	shalt  }
0x78: {  	_ =	shalt  }
0x79: {  	_ =	shalt  }
0x7a: {  	_ =	shalt  }
0x7b: {  	_ =	shalt  }
0x7c: {  	_ =	shalt  }
0x7d: {  	_ =	shalt  }
0x7e: {  	_ =	shalt  }
0x7f: {  	_ =	shalt  }
0x80: {  	_ =	shalt  }
0x81: {  	_ =	shalt  }
0x82: {  	_ =	shalt  }
0x83: {  	_ =	shalt  }
0x84: {  	_ =	shalt  }
0x85: {  	_ =	shalt  }
0x86: {  	_ =	shalt  }
0x87: {  	_ =	shalt  }
.Lfunc_end0:
.L_simem_size_0:
called_computation_lowered:
.L_overlay_start_0:
0x88: {  	s2 =	sld [smem:$0x3FD9]  }
0x89: {  	s3 =	sld [smem:$0x3FFE];
	_ =	sdelay $0x1  }
0x8a: {  	s1 =	srdreg.scid  }
0x8b: {  	s0 =	sand.u32 $0x1, s1  }
0x8c: {  	s14 =	sshll.u32 s0, $0xA;
	s2 =	sadd.s32 s3, s2  }
0x8d: {  	s2 =	sadd.s32 s2, s14  }
0x8e: {  	[smem:$0x3FAA] =	sst s2  }
0x8f: {  	_ = 	snop  }
0x90: {  	s2 =	sld [smem:$0x3FD0];
	_ =	sdelay $0x2  }
0x91: {  	s15 =	simm.s32 $0xA;
	s4 =	simm.s32 $0x10  }
0x92: {  	[smem:s4], [sflag:s15] =	dma.local [hbm:s2], $0x1  }
0x93: {  	_ =	swait.eq [sflag:s15], $0x1  }
0x94: {  	[sflag:s15] =	ssyncset.done $0x0  }
0x95: {  	[sflag:s15] =	ssyncadd.s32 $0xFFFFFFFF  }
0x96: {  	s16 =	sld [smem:$0x11];
	(tm) =	ssettm $0x1  }
0x97: {  	s17 =	sld [smem:$0x3FFB];
	_ =	sdelay $0x3  }
0x98: {  	_ =	strace s17  }
0x99: {  	s3 =	sld [smem:$0x3FFC];
	_ =	sdelay $0x3  }
0x9a: {  	_ =	strace s3  }
0x9b: {  	s3 =	sld [smem:$0x3FFD];
	_ =	sdelay $0x3  }
0x9c: {  	_ =	strace s3  }
0x9d: {  	_ =	strace $0x8FFFFFFF  }
0x9e: {  	s18 =	sld [smem:$0x3FDB];
	_ =	sdelay $0x1  }
0x9f: {  	s19 =	simm.s32 $_scs_section_size  }
0xa0: {  	s5 =	simm.s32 $_size__tile_overlayer_lowered;
	s6 =	simm.s32 $_tile_overlayer_lowered  }
0xa1: {  	s22 =	simm.s32 $0x1BFF;
	s21 =	sshll.u32 s6, $0x1;
	s3 =	sadd.s32 s19, s18  }
0xa2: {  	s7 =	simm.s32 $0x0;
	s20 =	sshll.u32 s5, $0x1;
	s5 =	sadd.s32 s21, s3  }
0xa3: {  	[timem:s7], [sflag:s22] =	dma.local [hbm:s5], s20  }
0xa4: {  	_ =	swait.ge [sflag:s22], s20  }
0xa5: {  	s4 =	ssub.s32 $0x0, s20;
	[sflag:s22] =	ssyncset.done $0x0  }
0xa6: {  	[sflag:s22] =	ssyncadd.s32 s4;
	_ =	sdelay $0x1  }
0xa7: {  	s23 =	simm.s32 $0x1B8B  }
0xa8: {  	_ =	swait.ge [sflag:s23], $0x1  }
0xa9: {  	[sflag:s23] =	ssyncset.done $0x0  }
0xaa: {  	s25 =	simm.s32 $0x1B8E;
	s24 =	sld [smem:$0x3FFE];
	[sflag:s23] =	ssyncadd.s32 $0xFFFFFFFF  }
0xab: {  	s26 =	simm.s32 $execute0_lowered;
	[smem:$0x3FD2] =	sst s25  }
0xac: {  	s5 =	sshll.u32 s26, $0x1;
	_ =	strace $0x80000046;
	[dreg:$0x1] =	wrdreg $0xFFFFFFFF  }
0xad: {  	s28 =	simm.s32 $_size_execute0_lowered;
	s3 =	sadd.s32 s3, s5;
	[dreg:$0x0] =	wrdreg $0x0  }
0xae: {  	s5 =	sshll.u32 s28, $0x1;
	[dreg:$0x2] =	wrdreg s3  }
0xaf: {  	[dreg:$0x3] =	wrdreg s5  }
0xb0: {  	[dreg:$0x4] =	wrdreg $0xC0  }
0xb1: {  	_ =	task [dreg:s7], $0x5FFFF  }
0xb2: {  	[dreg:$0x1] =	wrdreg $0xFFFFFFFF  }
0xb3: {  	[dreg:$0x0] =	wrdreg $0x60  }
0xb4: {  	[dreg:$0x2] =	wrdreg s16  }
0xb5: {  	[dreg:$0x3] =	wrdreg s24  }
0xb6: {  	[dreg:$0x4] =	wrdreg $0x9  }
0xb7: {  	_ =	task.clear_ibuf [dreg:s7], $0x5FFFF;
	_ =	strace $0x90000046  }
0xb8: {  	s29 =	simm.s32 $0x9;
	_ =	strace $0x80000048  }
0xb9: {  	_ =	swait.ge [sflag:s29], $0x1  }
0xba: {  	[sflag:s29] =	ssyncadd.s32 $0xFFFFFFFF  }
0xbb: {  	_ =	strace $0x90000048  }
0xbc: {  	_ =	sfence  }
0xbd: {  	s30 =	sld [smem:$0x0];
	_ =	sdelay $0x2  }
0xbe: {  	s31 =	sshll.u32 s1, $0xD;
	s1 =	sshrl.u32 s1, $0x2  }
0xbf: {  	s3 =	sand.u32 $0x4000, s31;
	s1 =	sadd.s32 s1, s30  }
0xc0: {  	s0 =	sor.u32 s3, s0;
	s1 =	sshll.u32 s1, $0x11  }
0xc1: {  	s0 =	sor.u32 s1, s0  }
0xc2: {  	s0 =	sadd.s32 $0x8F2B, s0  }
0xc3: {  	[sflag:s0] =	ssyncadd.remote.s32 $0x1  }
0xc4: {  	_ =	sfence.sel $0xFFFF  }
0xc5: {  	[dreg:$0x0] =	wrdreg $0xFFFFFFFF;
	(pc) =	sbr.abs _section_cstart, $3  }
0xc6: {  	[dreg:$0x1] =	wrdreg $0xFFFFFFFF  }
0xc7: {  	_ =	task.clear_ibuf [dreg:s7], $0x2FFFF;
	_ =	strace $0x9FFFFFFF  }
0xc8: {  	(tm) =	ssettm $0x7FFFFFFF  }
0xc9: {  	_ =	shalt  }
tec
execute0_lowered:
.L_overlay_start_1:
0x0: {  	(tag) =	ssettag $0x1  }
0x1: {  	s2 =	rddreg [dreg:$0x0];
	s1 =	srdreg.scid  }
0x2: {  	s0 =	stileid.u32;
	s5 =	rddreg [dreg:$0x1]  }
0x3: {  	s3 =	simm.s32 $0x0;
	s14 =	simm.s32 $0x3E8;
	s15 =	simm.s32 $0x7D0  }
0x4: {  	s16 =	simm.s32 $0x1;
	s17 =	simm.s32 $0x40;
	s18 =	simm.s32 $0x80  }
0x5: {  	s19 =	simm.s32 $0x101D0;
	s20 =	simm.s32 $0x2;
	s10 =	smul.u32 $0xC3500, s0  }
0x6: {  	s21 =	simm.s32 $0x3;
	s7 =	sand.u32 $0x1, s1;
	s12 =	smul.u32 $0xC350, s0  }
0x7: {  	s22 =	simm.s32 $0x0;
	s4 =	sshll.u32 s0, $0x1;
	s30 =	smul.u32 $0x61A8, s7  }
0x8: {  	s1 =	rddreg [dreg:$0x2];
	s4 =	sor.u32 s7, s4;
	s13 =	smul.u32 $0x61A80, s7  }
0x9: {  	[smem:$0x7FF] =	sst s3;
	s11 =	sadd.s32 $0x1BFA00, s5;
	s6 =	smul.u32 $0x61A8, s4  }
0xa: {  	_ =	strace $0x80000047;
	s9 =	ssub.s32 $0x2, s7;
	s8 =	smul.u32 $0x61A80, s4  }
0xb: {  	s4 =	sadd.s32 $0x18EC00, s5;
	s29 =	sshrl.u32 s9, $0x1;
	s10 =	sadd.s32 s10, s11  }
0xc: {  	s5 =	ssub.s32 s9, s29;
	s31 =	sadd.s32 s30, s12;
	s10 =	sadd.s32 s13, s10  }
0xd: {  	s13 =	simm.s32 $0x4;
	s6 =	sshrl.u32 s6, $0x3;
	s5 =	smax.u32 s5, $0x1  }
0xe: {  	s7 =	sadd.s32 s11, s8;
	s12 =	sadd.s32 $0xC38E8, s31;
	s10 =	sadd.s32 $0x3E88, s10  }
0xf: {  	s11 =	sadd.s32 $0x3E8, s31;
	s6 =	sadd.s32 s4, s6;
	s12 =	sshrl.u32 s12, $0x3  }
0x10: {  	s9 =	sadd.s32 $0x8, s7;
	s8 =	sadd.s32 $0x186A0, s6;
	s12 =	sadd.s32 s12, s4  }
.LBB2_1:
0x11: {  	[tilespmem:s3], [sflag:$0x4] =	stream.linear.gather [hbm4b:s6+s3], $0x3E8, $0x38;
	[tilespmem:$0x1FBD0] =	vst v63  }
0x12: {  	_ =	swait.ge [sflag:s13], $0x3E8  }
0x13: {  	[sflag:s13] =	ssyncset.done $0x0  }
0x14: {  	[sflag:s13] =	ssyncadd.s32 $0xFFFFFC18  }
0x15: {  	[tilespmem:s15], [sflag:$0x1] =	stream.indirect.gather [hbm4b:s2+s14], $0x40, s3, s14, $0xb8;
	[tilespmem:$0x1FBD0] =	vst v63  }
0x16: {  	_ =	swait.ge [sflag:s16], $0xFA00  }
0x17: {  	[sflag:s16] =	ssyncset.done $0x0  }
0x18: {  	[sflag:s16] =	ssyncadd.s32 $0xFFFF0600  }
0x19: {  	[hbm4b:s7+s17] =	stream.strided.scatter [tilespmem:s15], [sflag:$0x2], $0xFA00, s18, s17, $0x38;
	[tilespmem:$0x1FBD0] =	vst v63  }
0x1a: {  	_ = 	snop  }
0x1b: {  	[tilespmem:s14], [sflag:$0x4] =	stream.linear.gather [hbm4b:s8+s3], $0x3E8, $0x38;
	[tilespmem:$0x1FBD0] =	vst v63  }
0x1c: {  	_ =	swait.ge [sflag:s13], $0x3E8  }
0x1d: {  	[sflag:s13] =	ssyncset.done $0x0  }
0x1e: {  	[sflag:s13] =	ssyncadd.s32 $0xFFFFFC18  }
0x1f: {  	[tilespmem:s19], [sflag:$0x1] =	stream.indirect.gather [hbm4b:s2+s14], $0x40, s14, s14, $0xb8;
	[tilespmem:$0x1FBD0] =	vst v63  }
0x20: {  	_ =	swait.ge [sflag:s16], $0xFA00  }
0x21: {  	[sflag:s16] =	ssyncset.done $0x0  }
0x22: {  	s23 =	sshrl.u32 s11, $0x3;
	[sflag:s16] =	ssyncadd.s32 $0xFFFF0600  }
0x23: {  	[hbm4b:s9+s17] =	stream.strided.scatter [tilespmem:s19], [sflag:$0x3], $0xFA00, s18, s17, $0x38;
	[tilespmem:$0x1FBD0] =	vst v63  }
0x24: {  	s23 =	sadd.s32 s4, s23  }
0x25: {  	[tilespmem:s3], [sflag:$0x4] =	stream.linear.gather [hbm4b:s23+s3], $0x3E8, $0x38;
	[tilespmem:$0x1FBD0] =	vst v63  }
0x26: {  	_ =	swait.ge [sflag:s13], $0x3E8  }
0x27: {  	[sflag:s13] =	ssyncset.done $0x0  }
0x28: {  	[sflag:s13] =	ssyncadd.s32 $0xFFFFFC18  }
0x29: {  	_ =	swait.ge [sflag:s20], $0xFA00  }
0x2a: {  	[sflag:s20] =	ssyncset.done $0x0  }
0x2b: {  	[sflag:s20] =	ssyncadd.s32 $0xFFFF0600  }
0x2c: {  	[tilespmem:s15], [sflag:$0x1] =	stream.indirect.gather [hbm4b:s2+s14], $0x40, s3, s14, $0xb8;
	[tilespmem:$0x1FBD0] =	vst v63  }
0x2d: {  	_ =	swait.ge [sflag:s16], $0xFA00  }
0x2e: {  	[sflag:s16] =	ssyncset.done $0x0  }
0x2f: {  	s26 =	sadd.s32 $0xFFFFFFF8, s10;
	[sflag:s16] =	ssyncadd.s32 $0xFFFF0600  }
0x30: {  	[hbm4b:s26+s17] =	stream.strided.scatter [tilespmem:s15], [sflag:$0x2], $0xFA00, s18, s17, $0x38;
	[tilespmem:$0x1FBD0] =	vst v63  }
0x31: {  	s30 =	sadd.s32 $0x0, s12  }
0x32: {  	[tilespmem:s14], [sflag:$0x4] =	stream.linear.gather [hbm4b:s30+s3], $0x3E8, $0x38;
	[tilespmem:$0x1FBD0] =	vst v63  }
0x33: {  	_ =	swait.ge [sflag:s13], $0x3E8  }
0x34: {  	[sflag:s13] =	ssyncset.done $0x0  }
0x35: {  	[sflag:s13] =	ssyncadd.s32 $0xFFFFFC18  }
0x36: {  	_ =	swait.ge [sflag:s21], $0xFA00  }
0x37: {  	[sflag:s21] =	ssyncset.done $0x0  }
0x38: {  	s24 =	simm.s32 $0x7D;
	[sflag:s21] =	ssyncadd.s32 $0xFFFF0600  }
0x39: {  	[tilespmem:s19], [sflag:$0x1] =	stream.indirect.gather [hbm4b:s2+s14], $0x40, s14, s14, $0xb8;
	[tilespmem:$0x1FBD0] =	vst v63  }
0x3a: {  	s31 =	sadd.s32 $0x3E8, s11;
	s29 =	smov.u32 s10;
	_ =	swait.ge [sflag:s16], $0xFA00  }
0x3b: {  	s25 =	sshrl.u32 s31, $0x3;
	s28 =	sadd.s32 $0x3E8, s31;
	[sflag:s16] =	ssyncset.done $0x0  }
0x3c: {  	s23 =	sadd.s32 $0x3E80, s10;
	s26 =	simm.s32 $0xFA;
	[sflag:s16] =	ssyncadd.s32 $0xFFFF0600  }
.LBB2_2:
0x3d: {  	[hbm4b:s29+s17] =	stream.strided.scatter [tilespmem:s19], [sflag:$0x3], $0xFA00, s18, s17, $0x38;
	[tilespmem:$0x1FBD0] =	vst v63  }
0x3e: {  	p0 =	sne.s32 s26, $0xB3B;
	s29 =	sadd.s32 s4, s25;
	s25 =	sshrl.u32 s28, $0x3  }
0x3f: {  	[tilespmem:s3], [sflag:$0x4] =	stream.linear.gather [hbm4b:s29+s3], $0x3E8, $0x38;
	[tilespmem:$0x1FBD0] =	vst v63  }
0x40: {  	s30 =	smov.u32 s26;
	s26 =	sadd.s32 $0x7D, s26;
	_ =	swait.ge [sflag:s13], $0x3E8  }
0x41: {  	s29 =	smov.u32 s23;
	[sflag:s13] =	ssyncset.done $0x0  }
0x42: {  	[sflag:s13] =	ssyncadd.s32 $0xFFFFFC18  }
0x43: {  	_ =	swait.ge [sflag:s20], $0xFA00  }
0x44: {  	[sflag:s20] =	ssyncset.done $0x0  }
0x45: {  	[sflag:s20] =	ssyncadd.s32 $0xFFFF0600  }
0x46: {  	[tilespmem:s15], [sflag:$0x1] =	stream.indirect.gather [hbm4b:s2+s14], $0x40, s3, s14, $0xb8;
	[tilespmem:$0x1FBD0] =	vst v63  }
0x47: {  	_ =	swait.ge [sflag:s16], $0xFA00  }
0x48: {  	[sflag:s16] =	ssyncset.done $0x0  }
0x49: {  	s31 =	sadd.s32 $0xFFFFFFF8, s23;
	[sflag:s16] =	ssyncadd.s32 $0xFFFF0600  }
0x4a: {  	[hbm4b:s31+s17] =	stream.strided.scatter [tilespmem:s15], [sflag:$0x2], $0xFA00, s18, s17, $0x38;
	[tilespmem:$0x1FBD0] =	vst v63  }
0x4b: {  	s31 =	sadd.s32 s24, s12;
	s24 =	smov.u32 s30  }
0x4c: {  	[tilespmem:s14], [sflag:$0x4] =	stream.linear.gather [hbm4b:s31+s3], $0x3E8, $0x38;
	[tilespmem:$0x1FBD0] =	vst v63  }
0x4d: {  	_ =	swait.ge [sflag:s13], $0x3E8  }
0x4e: {  	[sflag:s13] =	ssyncset.done $0x0  }
0x4f: {  	[sflag:s13] =	ssyncadd.s32 $0xFFFFFC18  }
0x50: {  	_ =	swait.ge [sflag:s21], $0xFA00  }
0x51: {  	[sflag:s21] =	ssyncset.done $0x0  }
.Ltmp0:
0x52: {  	[sflag:s21] =	ssyncadd.s32 $0xFFFF0600;
	(pc) =	sbr.rel @p0 .LBB2_2-.Ltmp0, $4  }
0x53: {  	[tilespmem:s19], [sflag:$0x1] =	stream.indirect.gather [hbm4b:s2+s14], $0x40, s14, s14, $0xb8;
	[tilespmem:$0x1FBD0] =	vst v63  }
0x54: {  	_ =	swait.ge [sflag:s16], $0xFA00  }
0x55: {  	[sflag:s16] =	ssyncset.done $0x0  }
0x56: {  	s28 =	sadd.s32 $0x3E8, s28;
	s23 =	sadd.s32 $0x3E80, s23;
	[sflag:s16] =	ssyncadd.s32 $0xFFFF0600  }
0x57: {  	[hbm4b:s29+s17] =	stream.strided.scatter [tilespmem:s19], [sflag:$0x3], $0xFA00, s18, s17, $0x38;
	[tilespmem:$0x1FBD0] =	vst v63  }
0x58: {  	s25 =	sadd.s32 s4, s25  }
0x59: {  	[tilespmem:s3], [sflag:$0x4] =	stream.linear.gather [hbm4b:s25+s3], $0x3E8, $0x38;
	[tilespmem:$0x1FBD0] =	vst v63  }
0x5a: {  	_ =	swait.ge [sflag:s13], $0x3E8  }
0x5b: {  	[sflag:s13] =	ssyncset.done $0x0  }
0x5c: {  	[sflag:s13] =	ssyncadd.s32 $0xFFFFFC18  }
0x5d: {  	_ =	swait.ge [sflag:s20], $0xFA00  }
0x5e: {  	[sflag:s20] =	ssyncset.done $0x0  }
0x5f: {  	[sflag:s20] =	ssyncadd.s32 $0xFFFF0600  }
0x60: {  	[tilespmem:s15], [sflag:$0x1] =	stream.indirect.gather [hbm4b:s2+s14], $0x40, s3, s14, $0xb8;
	[tilespmem:$0x1FBD0] =	vst v63  }
0x61: {  	_ =	swait.ge [sflag:s16], $0xFA00  }
0x62: {  	[sflag:s16] =	ssyncset.done $0x0  }
0x63: {  	s31 =	sadd.s32 $0xFFFFFFF8, s23;
	[sflag:s16] =	ssyncadd.s32 $0xFFFF0600  }
0x64: {  	[hbm4b:s31+s17] =	stream.strided.scatter [tilespmem:s15], [sflag:$0x2], $0xFA00, s18, s17, $0x38;
	[tilespmem:$0x1FBD0] =	vst v63  }
0x65: {  	s24 =	sadd.s32 s24, s12  }
0x66: {  	[tilespmem:s14], [sflag:$0x4] =	stream.linear.gather [hbm4b:s24+s3], $0x3E8, $0x38;
	[tilespmem:$0x1FBD0] =	vst v63  }
0x67: {  	_ =	swait.ge [sflag:s13], $0x3E8  }
0x68: {  	[sflag:s13] =	ssyncset.done $0x0  }
0x69: {  	[sflag:s13] =	ssyncadd.s32 $0xFFFFFC18  }
0x6a: {  	_ =	swait.ge [sflag:s21], $0xFA00  }
0x6b: {  	[sflag:s21] =	ssyncset.done $0x0  }
0x6c: {  	[sflag:s21] =	ssyncadd.s32 $0xFFFF0600  }
0x6d: {  	[tilespmem:s19], [sflag:$0x1] =	stream.indirect.gather [hbm4b:s2+s14], $0x40, s14, s14, $0xb8;
	[tilespmem:$0x1FBD0] =	vst v63  }
0x6e: {  	_ =	swait.ge [sflag:s16], $0xFA00  }
0x6f: {  	[sflag:s16] =	ssyncset.done $0x0  }
0x70: {  	s22 =	sadd.s32 $0x1, s22;
	[sflag:s16] =	ssyncadd.s32 $0xFFFF0600  }
0x71: {  	[hbm4b:s23+s17] =	stream.strided.scatter [tilespmem:s19], [sflag:$0x3], $0xFA00, s18, s17, $0x38;
	[tilespmem:$0x1FBD0] =	vst v63  }
0x72: {  	p0 =	sne.s32 s22, s5;
	_ =	swait.ge [sflag:s20], $0xFA00  }
.Ltmp1:
0x73: {  	[sflag:s20] =	ssyncset.done $0x0;
	(pc) =	sbr.rel @p0 .LBB2_1-.Ltmp1, $4  }
0x74: {  	[sflag:s20] =	ssyncadd.s32 $0xFFFF0600  }
0x75: {  	_ =	swait.ge [sflag:s21], $0xFA00  }
0x76: {  	[sflag:s21] =	ssyncset.done $0x0  }
0x77: {  	[sflag:s21] =	ssyncadd.s32 $0xFFFF0600  }
0x78: {  	_ =	sfence.sel $0x180000  }
0x79: {  	[bflag:$0x0] =	sbarrier.arrive $0xFFFF  }
0x7a: {  	p0 =	sne.s32 s0, $0x0;
	_ =	strace $0x90000047  }
0x7b: {  	s0 =	sadd.s32 @!p0 $0x100000, s1;
	[bflag:$0x2] =	sbarrier.arrive $0xFFFF  }
0x7c: {  	[sflag:s0] =	ssyncadd.tile.s32 @!p0 $0x1;
	_ =	shalt  }
.Lfunc_end2:
_tile_overlayer_lowered:
.L_overlay_start_2:
0x7d: {  	(tag) =	ssettag $0x2  }
0x7e: {  	s0 =	rddreg [dreg:$0x0];
	s2 =	stileid.u32  }
0x7f: {  	s1 =	rddreg [dreg:$0x1];
	p0 =	sne.s32 s2, $0x0  }
0x80: {  	s3 =	rddreg [dreg:$0x2];
	[bflag:$0x3] =	sbarrier.arrive $0xFFFF;
	s2 =	simm.s32 @!p0 $0x1C04  }
0x81: {  	[timem:s3], [sflag:s2] =	dma.local @!p0 [hbm:s0], s1  }
0x82: {  	s0 =	simm.s32 @!p0 $0x4  }
0x83: {  	_ =	swait.ge @!p0 [sflag:s0], s1  }
0x84: {  	s1 =	ssub.s32 @!p0 $0x0, s1;
	[sflag:s0] =	ssyncset.done @!p0 $0x0  }
0x85: {  	[sflag:s0] =	ssyncadd.s32 @!p0 s1  }
0x86: {  	[bflag:$0x3] =	sbarrier.arrive $0xFFFF  }
0x87: {  	_ =	shalt  }

</sc_bundles>
